<compile_context>
chip_gen: v7x
topology: tpu7x:2x2x1
jax: 0.10.2.dev20260603
libtpu: 0.0.44.dev20260713+nightly
codegen_flags: <defaults>
</compile_context>

<pallas_src>
import functools

import jax
import jax.numpy as jnp
from jax import lax
from jax.experimental import pallas as pl
from jax.experimental.pallas import tpu as pltpu
from jax.experimental.pallas import tpu_sc as plsc

_N, _D, _H, _C, _E = 10000, 128, 128, 40, 320000

_K = 128
_KE = 96
_NC, _NS = 2, 16
_NW = _NC * _NS
_NBLK_E = -(-_E // (_NW * _KE))
_NBLK_E += _NBLK_E % 2
_PER_W = _NBLK_E * _KE
_E_PAD = _PER_W * _NW
_NP = (-(-(_N + 1) // _K)) * _K
_NBLK_N = _NP // _K
_RT = 640
_RP = _RT * _NS
_L = 16

_NBLK0_S = 168
_NBLK0_N = 164


@functools.cache
def _mesh():
    return plsc.VectorSubcoreMesh(
        core_axis_name="c", subcore_axis_name="s",
        num_cores=_NC, num_subcores=_NS)


def _fill_2d(ref, nrows, ncols, val):
    def body(i, carry):
        for j in range(ncols // _L):
            ref[i, pl.ds(j * _L, _L)] = jnp.full((_L,), val, jnp.float32)
        return carry
    lax.fori_loop(0, nrows, body, 0)


def _fill_1d(ref, n, val):
    def body(i, carry):
        ref[pl.ds(i * _L, _L)] = jnp.full((_L,), val, jnp.float32)
        return carry
    lax.fori_loop(0, n // _L, body, 0)


def _deg_call(ei):
    @functools.partial(
        pl.kernel,
        out_type=jax.ShapeDtypeStruct((_NW, _NP), jnp.float32),
        mesh=_mesh(),
        compiler_params=pltpu.CompilerParams(needs_layout_passes=False),
        scratch_types=[
            pltpu.VMEM((_KE,), jnp.int32),
            pltpu.VMEM((_KE,), jnp.int32),
            pltpu.VMEM((_NP,), jnp.float32),
            pltpu.SemaphoreType.DMA,
            pltpu.SemaphoreType.DMA,
        ],
    )
    def deg_k(ei_hbm, out_hbm, didx0, didx1, degv, semi0, semi1):
        c = lax.axis_index("c")
        s = lax.axis_index("s")
        w = c * _NS + s
        didx = [didx0, didx1]
        semi = [semi0, semi1]
        _fill_1d(degv, _NP, 0.0)
        wbase = w * _NBLK_E
        ones = jnp.ones((_L,), jnp.float32)

        def start(j, blk):
            pltpu.async_copy(ei_hbm.at[wbase + blk, 1], didx[j], semi[j])

        def waiti(j):
            pltpu.make_async_copy(ei_hbm.at[wbase, 1], didx[j], semi[j]).wait()

        def scatter(j):
            for i in range(_KE // _L):
                idx = didx[j][pl.ds(i * _L, _L)]
                plsc.addupdate_scatter(degv, [idx], ones)

        start(0, 0)
        start(1, 1)

        def body(g, carry):
            b0 = 2 * g
            waiti(0)
            scatter(0)
            start(0, b0 + 2)
            waiti(1)
            scatter(1)
            start(1, b0 + 3)
            return carry

        lax.fori_loop(0, _NBLK_E // 2 - 1, body, 0)
        waiti(0)
        scatter(0)
        waiti(1)
        scatter(1)
        pltpu.sync_copy(degv, out_hbm.at[w])

    return deg_k(ei)


def _make_prop(with_scalar):
    out_type = jax.ShapeDtypeStruct((_NC, _RP, _D), jnp.float32)
    if with_scalar:
        out_type = (out_type, jax.ShapeDtypeStruct((_NW, _NP), jnp.float32))
    scratch = [
        pltpu.VMEM((2, _KE), jnp.int32),
        pltpu.VMEM((2, _KE), jnp.int32),
        pltpu.VMEM((2, _KE), jnp.int32),
        pltpu.VMEM((2, _KE), jnp.int32),
        pltpu.VMEM((_KE, _D), jnp.float32),
        pltpu.VMEM((_KE, _D), jnp.float32),
        pltpu.VMEM_SHARED((_RP, _D), jnp.float32),
        pltpu.SemaphoreType.DMA,
        pltpu.SemaphoreType.DMA,
        pltpu.SemaphoreType.DMA,
        pltpu.SemaphoreType.DMA,
        pltpu.SemaphoreType.DMA,
        pltpu.SemaphoreType.DMA,
        pltpu.SemaphoreType.DMA,
        pltpu.SemaphoreType.DMA,
    ]
    if with_scalar:
        scratch += [pltpu.VMEM((_NP,), jnp.float32),
                    pltpu.VMEM((_NP,), jnp.float32)]

    def prop_body(q_hbm, ei_hbm, agg_hbm, s_hbm, slots, rows, acc,
                  semi, semg, sems, disv=None, sv=None, dis_hbm=None):
        c = lax.axis_index("c")
        s = lax.axis_index("s")
        w = c * _NS + s
        _fill_2d(rows[0], _KE, _D, 0.0)
        for j in range(_RT // _KE + 1):
            r0 = j * _KE
            nr = min(_KE, _RT - r0)
            if nr > 0:
                pltpu.sync_copy(rows[0].at[pl.ds(0, nr)],
                                acc.at[pl.ds(s * _RT + r0, nr)])
        if with_scalar:
            _fill_1d(sv, _NP, 0.0)
            pltpu.sync_copy(dis_hbm, disv)
        plsc.subcore_barrier()
        nblk0 = _NBLK0_S if with_scalar else _NBLK0_N
        wbase = s * (2 * _NBLK_E) + c * nblk0
        nblk = jnp.where(c == 0, nblk0, 2 * _NBLK_E - nblk0)
        last = wbase + nblk - 1

        def ei_start(k, blk):
            pltpu.async_copy(ei_hbm.at[jnp.minimum(wbase + blk, last)],
                             slots[k], semi[k])

        def ei_wait(k):
            pltpu.make_async_copy(ei_hbm.at[wbase], slots[k],
                                  semi[k]).wait()

        def gath_start(j, k):
            pltpu.async_copy(q_hbm.at[slots[k].at[0]], rows[j], semg[j])

        def waitg(j, k):
            pltpu.make_async_copy(q_hbm.at[slots[k].at[0]], rows[j],
                                  semg[j]).wait()

        def starts(j, k):
            pltpu.async_copy(rows[j], acc.at[slots[k].at[1]], sems[j],
                             add=True)

        def waits(j, k):
            pltpu.make_async_copy(rows[j], acc.at[slots[k].at[1]],
                                  sems[j]).wait()

        def scalars(k):
            for i in range(_KE // _L):
                di = slots[k][1, pl.ds(i * _L, _L)]
                si = slots[k][0, pl.ds(i * _L, _L)]
                vals = plsc.load_gather(disv, [di])
                plsc.addupdate_scatter(sv, [si], vals)

        for k in range(4):
            ei_start(k, k)
        ei_wait(0)
        gath_start(0, 0)
        ei_wait(1)
        gath_start(1, 1)

        def body(g, carry):
            b = 4 * g
            waitg(0, 0)
            starts(0, 0)
            if with_scalar:
                scalars(0)
            waitg(1, 1)
            starts(1, 1)
            if with_scalar:
                scalars(1)
            waits(0, 0)
            ei_wait(2)
            gath_start(0, 2)
            ei_start(0, b + 4)
            waits(1, 1)
            ei_wait(3)
            gath_start(1, 3)
            ei_start(1, b + 5)
            waitg(0, 2)
            starts(0, 2)
            if with_scalar:
                scalars(2)
            waitg(1, 3)
            starts(1, 3)
            if with_scalar:
                scalars(3)
            waits(0, 2)
            ei_wait(0)
            gath_start(0, 0)
            ei_start(2, b + 6)
            waits(1, 3)
            ei_wait(1)
            gath_start(1, 1)
            ei_start(3, b + 7)
            return carry

        lax.fori_loop(0, nblk // 4, body, 0)
        waitg(0, 0)
        waitg(1, 1)
        ei_wait(2)
        ei_wait(3)
        plsc.subcore_barrier()
        pltpu.sync_copy(acc.at[pl.ds(s * _RT, _RT)],
                        agg_hbm.at[c, pl.ds(s * _RT, _RT)])
        if with_scalar:
            pltpu.sync_copy(sv, s_hbm.at[w])

    if with_scalar:
        def prop_k(q_hbm, dis_hbm, ei_hbm, agg_hbm, s_hbm,
                   sl0, sl1, sl2, sl3, rows_0, rows_1, acc,
                   semi0, semi1, semi2, semi3, semg0, semg1, sems0, sems1,
                   disv, sv):
            prop_body(q_hbm, ei_hbm, agg_hbm, s_hbm,
                      [sl0, sl1, sl2, sl3], [rows_0, rows_1], acc,
                      [semi0, semi1, semi2, semi3], [semg0, semg1],
                      [sems0, sems1], disv=disv, sv=sv, dis_hbm=dis_hbm)
    else:
        def prop_k(q_hbm, ei_hbm, agg_hbm,
                   sl0, sl1, sl2, sl3, rows_0, rows_1, acc,
                   semi0, semi1, semi2, semi3, semg0, semg1, sems0, sems1):
            prop_body(q_hbm, ei_hbm, agg_hbm, None,
                      [sl0, sl1, sl2, sl3], [rows_0, rows_1], acc,
                      [semi0, semi1, semi2, semi3], [semg0, semg1],
                      [sems0, sems1])

    return functools.partial(
        pl.kernel,
        out_type=out_type,
        mesh=_mesh(),
        compiler_params=pltpu.CompilerParams(needs_layout_passes=False),
        scratch_types=scratch,
    )(prop_k)


def _prop_scalar_call(q0, dis1, ei):
    return _make_prop(True)(q0, dis1, ei)


def _prop_call(q1, ei):
    return _make_prop(False)(q1, ei)


def _tc1_call(degp, x):
    def body(degp_ref, x_ref, q0_ref, dis16_ref):
        b = pl.program_id(0)
        deg = jnp.sum(degp_ref[...], axis=0)[:, None] + 1.0
        r16 = lax.broadcasted_iota(jnp.int32, (_K, 16), 0) + b * _K
        dis16 = jnp.where(r16 < _N,
                          lax.rsqrt(jnp.broadcast_to(deg, (_K, 16))), 0.0)
        dis16_ref[...] = dis16
        rD = lax.broadcasted_iota(jnp.int32, (_K, _D), 0) + b * _K
        q0_ref[...] = jnp.where(rD < _N, dis16[:, :1] * x_ref[...], 0.0)

    return pl.pallas_call(
        body,
        grid=(_NBLK_N,),
        in_specs=[pl.BlockSpec((_NW, _K), lambda b: (0, b)),
                  pl.BlockSpec((_K, _D), lambda b: (b, 0))],
        out_specs=[pl.BlockSpec((_K, _D), lambda b: (b, 0)),
                   pl.BlockSpec((_K, 16), lambda b: (b, 0))],
        out_shape=[jax.ShapeDtypeStruct((_NP, _D), jnp.float32),
                   jax.ShapeDtypeStruct((_NP, 16), jnp.float32)],
    )(degp, x)


def _tc2_call(aggp, q0, dis16, sp, W0, b0):
    def body(aggp_ref, q0_ref, dis16_ref, sp_ref, W0_ref, b0_ref,
             q1_ref, c16_ref):
        dis = dis16_ref[...]
        dcol = dis[:, :1]
        t = dcol * (aggp_ref[0] + aggp_ref[1] + q0_ref[...])
        h1 = jnp.maximum(
            jnp.dot(t, W0_ref[...], preferred_element_type=jnp.float32)
            + b0_ref[...], 0.0)
        q1_ref[...] = dcol * h1
        sblk = jnp.sum(sp_ref[...], axis=0)[:, None]
        c16_ref[...] = dis * (jnp.broadcast_to(sblk, (_K, 16)) + dis)

    return pl.pallas_call(
        body,
        grid=(_NBLK_N,),
        in_specs=[pl.BlockSpec((_NC, _K, _D), lambda b: (0, b, 0)),
                  pl.BlockSpec((_K, _D), lambda b: (b, 0)),
                  pl.BlockSpec((_K, 16), lambda b: (b, 0)),
                  pl.BlockSpec((_NW, _K), lambda b: (0, b)),
                  pl.BlockSpec((_D, _H), lambda b: (0, 0)),
                  pl.BlockSpec((1, _H), lambda b: (0, 0))],
        out_specs=[pl.BlockSpec((_K, _H), lambda b: (b, 0)),
                   pl.BlockSpec((_K, 16), lambda b: (b, 0))],
        out_shape=[jax.ShapeDtypeStruct((_NP, _H), jnp.float32),
                   jax.ShapeDtypeStruct((_NP, 16), jnp.float32)],
    )(aggp, q0, dis16, sp, W0, b0)


def _tc3_call(aggp, q1, dis16, c16, W1, b1, W2, b2, Wl, bl):
    def body(aggp_ref, q1_ref, dis16_ref, c16_ref, W1_ref, b1_ref,
             W2_ref, b2_ref, Wl_ref, bl_ref, out_ref, u_ref):
        b = pl.program_id(0)
        dcol = dis16_ref[:, :1]
        t = dcol * (aggp_ref[0] + aggp_ref[1] + q1_ref[...])
        h2 = jnp.maximum(
            jnp.dot(t, W1_ref[...], preferred_element_type=jnp.float32)
            + b1_ref[...], 0.0)
        contrib = jnp.sum(c16_ref[:, :1] * h2, axis=0, keepdims=True)

        @pl.when(b == 0)
        def _():
            u_ref[...] = jnp.zeros((1, _H), jnp.float32)

        u_ref[...] = u_ref[...] + contrib

        @pl.when(b == _NBLK_N - 1)
        def _():
            pooled = jnp.dot(u_ref[...], W2_ref[...],
                             preferred_element_type=jnp.float32) \
                + jnp.float32(_N) * b2_ref[...]
            out_ref[...] = jnp.dot(pooled, Wl_ref[...],
                                   preferred_element_type=jnp.float32) \
                + bl_ref[...]

    return pl.pallas_call(
        body,
        grid=(_NBLK_N,),
        in_specs=[pl.BlockSpec((_NC, _K, _D), lambda b: (0, b, 0)),
                  pl.BlockSpec((_K, _D), lambda b: (b, 0)),
                  pl.BlockSpec((_K, 16), lambda b: (b, 0)),
                  pl.BlockSpec((_K, 16), lambda b: (b, 0)),
                  pl.BlockSpec((_H, _H), lambda b: (0, 0)),
                  pl.BlockSpec((1, _H), lambda b: (0, 0)),
                  pl.BlockSpec((_H, _H), lambda b: (0, 0)),
                  pl.BlockSpec((1, _H), lambda b: (0, 0)),
                  pl.BlockSpec((_H, _C), lambda b: (0, 0)),
                  pl.BlockSpec((1, _C), lambda b: (0, 0))],
        out_specs=pl.BlockSpec((1, _C), lambda b: (0, 0)),
        out_shape=jax.ShapeDtypeStruct((1, _C), jnp.float32),
        scratch_shapes=[pltpu.VMEM((1, _H), jnp.float32)],
    )(aggp, q1, dis16, c16, W1, b1, W2, b2, Wl, bl)


def kernel(x, edge_idx, W0, b0, W1, b1, W2, b2, Wl, bl):
    src = edge_idx[0].astype(jnp.int32)
    dst = edge_idx[1].astype(jnp.int32)
    fill = jnp.full((_E_PAD - _E,), _N, jnp.int32)
    src_p = jnp.concatenate([src, fill]).reshape(_NW, _NBLK_E, _KE)
    dst_p = jnp.concatenate([dst, fill]).reshape(_NW, _NBLK_E, _KE)
    ei = jnp.stack([src_p, dst_p], axis=2).reshape(_NW * _NBLK_E, 2, _KE)

    degp = _deg_call(ei)
    q0, dis16 = _tc1_call(degp, x)
    dis1 = dis16[:, 0]
    aggp, sp = _prop_scalar_call(q0, dis1, ei)
    q1, c16 = _tc2_call(aggp, q0, dis16, sp, W0, b0.reshape(1, _H))
    agg1p = _prop_call(q1, ei)
    return _tc3_call(agg1p, q1, dis16, c16, W1, b1.reshape(1, _H),
                     W2, b2.reshape(1, _H), Wl, bl.reshape(1, _C))

# --- scband reference (transcript-rebuilt; emitter-appended) ---
"""Pipeline reference for scband-gcn-87711822119195 (READ-ONLY COPY).

The authoritative reference and input builder live on the scoring server;
editing this copy changes nothing except your own understanding.
"""

import jax, jax.numpy as jnp
import numpy as np

N = 10000
E = 320000
D = 128
H = 128
C = 40


def setup_inputs(seed: int = 0) -> dict:
    key = jax.random.key(seed)
    ks = jax.random.split(key, 12)
    x = jax.random.normal(ks[0], (N, D), dtype=jnp.float32)
    edge_idx = jax.random.randint(ks[1], (2, E), 0, N, dtype=jnp.int32)
    # GCNConv params: lin weight [in, out] (bias=False) + separate bias [out]
    W0 = jax.random.normal(ks[2], (D, H), dtype=jnp.float32) * (1.0 / np.sqrt(D))
    b0 = jnp.zeros((H,), dtype=jnp.float32)
    W1 = jax.random.normal(ks[3], (H, H), dtype=jnp.float32) * (1.0 / np.sqrt(H))
    b1 = jnp.zeros((H,), dtype=jnp.float32)
    W2 = jax.random.normal(ks[4], (H, H), dtype=jnp.float32) * (1.0 / np.sqrt(H))
    b2 = jnp.zeros((H,), dtype=jnp.float32)
    Wl = jax.random.normal(ks[5], (H, C), dtype=jnp.float32) * (1.0 / np.sqrt(H))
    bl = jnp.zeros((C,), dtype=jnp.float32)
    return {"x": x, "edge_idx": edge_idx, "W0": W0, "b0": b0, "W1": W1, "b1": b1, "W2": W2, "b2": b2, "Wl": Wl, "bl": bl}


def _gcn_conv(x, src, dst, W, b):
    # symmetric normalization with self-loops already appended to src/dst
    deg = jnp.zeros((N,), dtype=jnp.float32).at[dst].add(1.0)
    dis = jnp.where(deg > 0, 1.0 / jnp.sqrt(deg), 0.0)
    norm = dis[src] * dis[dst]
    h = x @ W
    msg = h[src] * norm[:, None]
    out = jax.ops.segment_sum(msg, dst, num_segments=N)
    return out + b


def reference(x, edge_idx, W0, b0, W1, b1, W2, b2, Wl, bl):
    loops = jnp.arange(N, dtype=edge_idx.dtype)
    src = jnp.concatenate([edge_idx[0], loops])
    dst = jnp.concatenate([edge_idx[1], loops])
    h = jax.nn.relu(_gcn_conv(x, src, dst, W0, b0))
    # convs[0]: relu applied since i=0 < num_layers-2=1
    h = jax.nn.relu(_gcn_conv(h, src, dst, W1, b1))
    # convs[1]: no relu (i=1 not < 1)
    h = _gcn_conv(h, src, dst, W2, b2)
    # global_add_pool with batch=None -> sum over all nodes, shape [1, H]
    pooled = jnp.sum(h, axis=0, keepdims=True)
    # dropout: identity in eval / deterministic reference
    return pooled @ Wl + bl

if __name__ == "__main__":
    import jax
    _d = setup_inputs()
    print(jax.jit(kernel)(*tuple(_d.values())))

</pallas_src>

<mosaic_0001>
#map = affine_map<(d0, d1) -> (0, 0)>
#map1 = affine_map<(d0, d1) -> (0, 0, 0)>
module attributes {stable_mosaic.version = 14 : i64} {
  func.func @prop_k(%arg0: i32, %arg1: i32, %arg2: memref<10112x128xf32, #tpu.memory_space<hbm>>, %arg3: memref<3392x2x96xi32, #tpu.memory_space<hbm>>, %arg4: memref<2x10240x128xf32, #tpu.memory_space<hbm>>, %arg5: memref<2x96xi32, #tpu.memory_space<vmem>>, %arg6: memref<2x96xi32, #tpu.memory_space<vmem>>, %arg7: memref<2x96xi32, #tpu.memory_space<vmem>>, %arg8: memref<2x96xi32, #tpu.memory_space<vmem>>, %arg9: memref<96x128xf32, #tpu.memory_space<vmem>>, %arg10: memref<96x128xf32, #tpu.memory_space<vmem>>, %arg11: memref<10240x128xf32, #tpu.memory_space<vmem_shared>>, %arg12: memref<!tpu.dma_semaphore, #tpu.memory_space<semaphore_mem>>, %arg13: memref<!tpu.dma_semaphore, #tpu.memory_space<semaphore_mem>>, %arg14: memref<!tpu.dma_semaphore, #tpu.memory_space<semaphore_mem>>, %arg15: memref<!tpu.dma_semaphore, #tpu.memory_space<semaphore_mem>>, %arg16: memref<!tpu.dma_semaphore, #tpu.memory_space<semaphore_mem>>, %arg17: memref<!tpu.dma_semaphore, #tpu.memory_space<semaphore_mem>>, %arg18: memref<!tpu.dma_semaphore, #tpu.memory_space<semaphore_mem>>, %arg19: memref<!tpu.dma_semaphore, #tpu.memory_space<semaphore_mem>>) attributes {dimension_semantics = [#tpu.dimension_semantics<core_parallel>, #tpu.dimension_semantics<subcore_parallel>], iteration_bounds = array<i64: 2, 16>, scalar_prefetch = 0 : i64, scratch_operands = 15 : i64, tpu.core_type = #tpu.core_type<sc_vector_subcore>, window_params = [{transform_indices = #map}, {transform_indices = #map1}, {transform_indices = #map1}]} {
    %mul3A = arith.constant 16 : i32
    %mul3A_0 = arith.muli %arg0, %mul3A : i32
    %add3A = arith.addi %mul3A_0, %arg1 : i32
    %scan3A = arith.constant 0 : i32
    %scan3A_1 = arith.constant 0 : i32
    %scan3A_2 = arith.constant 96 : i32
    %scan3A_3 = arith.addi %scan3A_1, %scan3A_2 : i32
    %scan3A_4 = arith.constant 1 : i32
    scf.for %scan3A_177 = %scan3A_1 to %scan3A_3 step %scan3A_4  : i32 {
      %broadcast_in_dim3A = arith.constant 0.000000e+00 : f32
      %broadcast_in_dim3A_178 = vector.broadcast %broadcast_in_dim3A : f32 to vector<16xf32>
      %swap3A = arith.index_cast %scan3A_177 : i32 to index
      %swap3A_179 = arith.constant 0 : index
      %swap3A_180 = tpu.vector_load %arg9[%swap3A, %swap3A_179] {strides = array<i32>} : memref<96x128xf32, #tpu.memory_space<vmem>>, vector<16xf32>,
      tpu.vector_store %arg9[%swap3A, %swap3A_179], %broadcast_in_dim3A_178 {strides = array<i32>} : memref<96x128xf32, #tpu.memory_space<vmem>>, vector<16xf32>,
      %broadcast_in_dim3A_181 = arith.constant 0.000000e+00 : f32
      %broadcast_in_dim3A_182 = vector.broadcast %broadcast_in_dim3A_181 : f32 to vector<16xf32>
      %swap3A_183 = arith.index_cast %scan3A_177 : i32 to index
      %swap3A_184 = arith.constant 16 : index
      %swap3A_185 = tpu.vector_load %arg9[%swap3A_183, %swap3A_184] {strides = array<i32>} : memref<96x128xf32, #tpu.memory_space<vmem>>, vector<16xf32>,
      tpu.vector_store %arg9[%swap3A_183, %swap3A_184], %broadcast_in_dim3A_182 {strides = array<i32>} : memref<96x128xf32, #tpu.memory_space<vmem>>, vector<16xf32>,
      %broadcast_in_dim3A_186 = arith.constant 0.000000e+00 : f32
      %broadcast_in_dim3A_187 = vector.broadcast %broadcast_in_dim3A_186 : f32 to vector<16xf32>
      %swap3A_188 = arith.index_cast %scan3A_177 : i32 to index
      %swap3A_189 = arith.constant 32 : index
      %swap3A_190 = tpu.vector_load %arg9[%swap3A_188, %swap3A_189] {strides = array<i32>} : memref<96x128xf32, #tpu.memory_space<vmem>>, vector<16xf32>,
      tpu.vector_store %arg9[%swap3A_188, %swap3A_189], %broadcast_in_dim3A_187 {strides = array<i32>} : memref<96x128xf32, #tpu.memory_space<vmem>>, vector<16xf32>,
      %broadcast_in_dim3A_191 = arith.constant 0.000000e+00 : f32
      %broadcast_in_dim3A_192 = vector.broadcast %broadcast_in_dim3A_191 : f32 to vector<16xf32>
      %swap3A_193 = arith.index_cast %scan3A_177 : i32 to index
      %swap3A_194 = arith.constant 48 : index
      %swap3A_195 = tpu.vector_load %arg9[%swap3A_193, %swap3A_194] {strides = array<i32>} : memref<96x128xf32, #tpu.memory_space<vmem>>, vector<16xf32>,
      tpu.vector_store %arg9[%swap3A_193, %swap3A_194], %broadcast_in_dim3A_192 {strides = array<i32>} : memref<96x128xf32, #tpu.memory_space<vmem>>, vector<16xf32>,
      %broadcast_in_dim3A_196 = arith.constant 0.000000e+00 : f32
      %broadcast_in_dim3A_197 = vector.broadcast %broadcast_in_dim3A_196 : f32 to vector<16xf32>
      %swap3A_198 = arith.index_cast %scan3A_177 : i32 to index
      %swap3A_199 = arith.constant 64 : index
      %swap3A_200 = tpu.vector_load %arg9[%swap3A_198, %swap3A_199] {strides = array<i32>} : memref<96x128xf32, #tpu.memory_space<vmem>>, vector<16xf32>,
      tpu.vector_store %arg9[%swap3A_198, %swap3A_199], %broadcast_in_dim3A_197 {strides = array<i32>} : memref<96x128xf32, #tpu.memory_space<vmem>>, vector<16xf32>,
      %broadcast_in_dim3A_201 = arith.constant 0.000000e+00 : f32
      %broadcast_in_dim3A_202 = vector.broadcast %broadcast_in_dim3A_201 : f32 to vector<16xf32>
      %swap3A_203 = arith.index_cast %scan3A_177 : i32 to index
      %swap3A_204 = arith.constant 80 : index
      %swap3A_205 = tpu.vector_load %arg9[%swap3A_203, %swap3A_204] {strides = array<i32>} : memref<96x128xf32, #tpu.memory_space<vmem>>, vector<16xf32>,
      tpu.vector_store %arg9[%swap3A_203, %swap3A_204], %broadcast_in_dim3A_202 {strides = array<i32>} : memref<96x128xf32, #tpu.memory_space<vmem>>, vector<16xf32>,
      %broadcast_in_dim3A_206 = arith.constant 0.000000e+00 : f32
      %broadcast_in_dim3A_207 = vector.broadcast %broadcast_in_dim3A_206 : f32 to vector<16xf32>
      %swap3A_208 = arith.index_cast %scan3A_177 : i32 to index
      %swap3A_209 = arith.constant 96 : index
      %swap3A_210 = tpu.vector_load %arg9[%swap3A_208, %swap3A_209] {strides = array<i32>} : memref<96x128xf32, #tpu.memory_space<vmem>>, vector<16xf32>,
      tpu.vector_store %arg9[%swap3A_208, %swap3A_209], %broadcast_in_dim3A_207 {strides = array<i32>} : memref<96x128xf32, #tpu.memory_space<vmem>>, vector<16xf32>,
      %broadcast_in_dim3A_211 = arith.constant 0.000000e+00 : f32
      %broadcast_in_dim3A_212 = vector.broadcast %broadcast_in_dim3A_211 : f32 to vector<16xf32>
      %swap3A_213 = arith.index_cast %scan3A_177 : i32 to index
      %swap3A_214 = arith.constant 112 : index
      %swap3A_215 = tpu.vector_load %arg9[%swap3A_213, %swap3A_214] {strides = array<i32>} : memref<96x128xf32, #tpu.memory_space<vmem>>, vector<16xf32>,
      tpu.vector_store %arg9[%swap3A_213, %swap3A_214], %broadcast_in_dim3A_212 {strides = array<i32>} : memref<96x128xf32, #tpu.memory_space<vmem>>, vector<16xf32>,
    }
    %scan3A_5 = arith.constant 96 : i32
    %mul3A_6 = arith.constant 640 : i32
    %mul3A_7 = arith.muli %arg1, %mul3A_6 : i32
    %add3A_8 = arith.constant 0 : i32
    %add3A_9 = arith.addi %mul3A_7, %add3A_8 : i32
    "tpu.region"() ({
      %run_scoped3A = tpu.sem_alloc : memref<!tpu.dma_semaphore, #tpu.memory_space<semaphore_mem>>
      %dma_start3A_177 = arith.constant 0 : i32
      %dma_start3A_178 = arith.constant 0 : i32
      %dma_start3A_179 = tpu.memref_slice %arg9[%dma_start3A_177, %dma_start3A_178] : memref<96x128xf32, #tpu.memory_space<vmem>> -> memref<96x128xf32, #tpu.memory_space<vmem>>
      %dma_start3A_180 = arith.constant 0 : i32
      %dma_start3A_181 = tpu.memref_slice %arg11[%add3A_9, %dma_start3A_180] : memref<10240x128xf32, #tpu.memory_space<vmem_shared>> -> memref<96x128xf32, #tpu.memory_space<vmem_shared>>
      %dma_start3A_182 = arith.constant 0 : i32
      %dma_start3A_183 = tpu.memref_slice %arg11[%add3A_9, %dma_start3A_182] : memref<10240x128xf32, #tpu.memory_space<vmem_shared>> -> memref<96x128xf32, #tpu.memory_space<vmem_shared>>
      %dma_start3A_184 = arith.constant 0 : i32
      %dma_start3A_185 = arith.constant 0 : i32
      %dma_start3A_186 = tpu.memref_slice %arg9[%dma_start3A_184, %dma_start3A_185] : memref<96x128xf32, #tpu.memory_space<vmem>> -> memref<96x128xf32, #tpu.memory_space<vmem>>
      tpu.enqueue_dma source(%dma_start3A_186 : memref<96x128xf32, #tpu.memory_space<vmem>>) target(%dma_start3A_183 : memref<96x128xf32, #tpu.memory_space<vmem_shared>>) target_semaphore(%run_scoped3A : memref<!tpu.dma_semaphore, #tpu.memory_space<semaphore_mem>>)
      %dma_wait3A_187 = arith.constant 0 : i32
      %dma_wait3A_188 = arith.constant 0 : i32
      %dma_wait3A_189 = tpu.memref_slice %arg9[%dma_wait3A_187, %dma_wait3A_188] : memref<96x128xf32, #tpu.memory_space<vmem>> -> memref<96x128xf32, #tpu.memory_space<vmem>>
      %dma_wait3A_190 = arith.constant 0 : i32
      %dma_wait3A_191 = tpu.memref_slice %arg11[%add3A_9, %dma_wait3A_190] : memref<10240x128xf32, #tpu.memory_space<vmem_shared>> -> memref<96x128xf32, #tpu.memory_space<vmem_shared>>
      %dma_wait3A_192 = arith.constant 0 : i32
      %dma_wait3A_193 = tpu.memref_slice %arg11[%add3A_9, %dma_wait3A_192] : memref<10240x128xf32, #tpu.memory_space<vmem_shared>> -> memref<96x128xf32, #tpu.memory_space<vmem_shared>>
      %dma_wait3A_194 = arith.constant 0 : i32
      %dma_wait3A_195 = arith.constant 0 : i32
      %dma_wait3A_196 = tpu.memref_slice %arg9[%dma_wait3A_194, %dma_wait3A_195] : memref<96x128xf32, #tpu.memory_space<vmem>> -> memref<96x128xf32, #tpu.memory_space<vmem>>
      tpu.wait_dma2 semaphore(%run_scoped3A : memref<!tpu.dma_semaphore, #tpu.memory_space<semaphore_mem>>) src(%dma_wait3A_196 : memref<96x128xf32, #tpu.memory_space<vmem>>) dst(%dma_wait3A_193 : memref<96x128xf32, #tpu.memory_space<vmem_shared>>)
      tpu.yield
    }) : () -> ()
    %mul3A_10 = arith.constant 640 : i32
    %mul3A_11 = arith.muli %arg1, %mul3A_10 : i32
    %add3A_12 = arith.constant 96 : i32
    %add3A_13 = arith.addi %mul3A_11, %add3A_12 : i32
    "tpu.region"() ({
      %run_scoped3A = tpu.sem_alloc : memref<!tpu.dma_semaphore, #tpu.memory_space<semaphore_mem>>
      %dma_start3A_177 = arith.constant 0 : i32
      %dma_start3A_178 = arith.constant 0 : i32
      %dma_start3A_179 = tpu.memref_slice %arg9[%dma_start3A_177, %dma_start3A_178] : memref<96x128xf32, #tpu.memory_space<vmem>> -> memref<96x128xf32, #tpu.memory_space<vmem>>
      %dma_start3A_180 = arith.constant 0 : i32
      %dma_start3A_181 = tpu.memref_slice %arg11[%add3A_13, %dma_start3A_180] : memref<10240x128xf32, #tpu.memory_space<vmem_shared>> -> memref<96x128xf32, #tpu.memory_space<vmem_shared>>
      %dma_start3A_182 = arith.constant 0 : i32
      %dma_start3A_183 = tpu.memref_slice %arg11[%add3A_13, %dma_start3A_182] : memref<10240x128xf32, #tpu.memory_space<vmem_shared>> -> memref<96x128xf32, #tpu.memory_space<vmem_shared>>
      %dma_start3A_184 = arith.constant 0 : i32
      %dma_start3A_185 = arith.constant 0 : i32
      %dma_start3A_186 = tpu.memref_slice %arg9[%dma_start3A_184, %dma_start3A_185] : memref<96x128xf32, #tpu.memory_space<vmem>> -> memref<96x128xf32, #tpu.memory_space<vmem>>
      tpu.enqueue_dma source(%dma_start3A_186 : memref<96x128xf32, #tpu.memory_space<vmem>>) target(%dma_start3A_183 : memref<96x128xf32, #tpu.memory_space<vmem_shared>>) target_semaphore(%run_scoped3A : memref<!tpu.dma_semaphore, #tpu.memory_space<semaphore_mem>>)
      %dma_wait3A_187 = arith.constant 0 : i32
      %dma_wait3A_188 = arith.constant 0 : i32
      %dma_wait3A_189 = tpu.memref_slice %arg9[%dma_wait3A_187, %dma_wait3A_188] : memref<96x128xf32, #tpu.memory_space<vmem>> -> memref<96x128xf32, #tpu.memory_space<vmem>>
      %dma_wait3A_190 = arith.constant 0 : i32
      %dma_wait3A_191 = tpu.memref_slice %arg11[%add3A_13, %dma_wait3A_190] : memref<10240x128xf32, #tpu.memory_space<vmem_shared>> -> memref<96x128xf32, #tpu.memory_space<vmem_shared>>
      %dma_wait3A_192 = arith.constant 0 : i32
      %dma_wait3A_193 = tpu.memref_slice %arg11[%add3A_13, %dma_wait3A_192] : memref<10240x128xf32, #tpu.memory_space<vmem_shared>> -> memref<96x128xf32, #tpu.memory_space<vmem_shared>>
      %dma_wait3A_194 = arith.constant 0 : i32
      %dma_wait3A_195 = arith.constant 0 : i32
      %dma_wait3A_196 = tpu.memref_slice %arg9[%dma_wait3A_194, %dma_wait3A_195] : memref<96x128xf32, #tpu.memory_space<vmem>> -> memref<96x128xf32, #tpu.memory_space<vmem>>
      tpu.wait_dma2 semaphore(%run_scoped3A : memref<!tpu.dma_semaphore, #tpu.memory_space<semaphore_mem>>) src(%dma_wait3A_196 : memref<96x128xf32, #tpu.memory_space<vmem>>) dst(%dma_wait3A_193 : memref<96x128xf32, #tpu.memory_space<vmem_shared>>)
      tpu.yield
    }) : () -> ()
    %mul3A_14 = arith.constant 640 : i32
    %mul3A_15 = arith.muli %arg1, %mul3A_14 : i32
    %add3A_16 = arith.constant 192 : i32
    %add3A_17 = arith.addi %mul3A_15, %add3A_16 : i32
    "tpu.region"() ({
      %run_scoped3A = tpu.sem_alloc : memref<!tpu.dma_semaphore, #tpu.memory_space<semaphore_mem>>
      %dma_start3A_177 = arith.constant 0 : i32
      %dma_start3A_178 = arith.constant 0 : i32
      %dma_start3A_179 = tpu.memref_slice %arg9[%dma_start3A_177, %dma_start3A_178] : memref<96x128xf32, #tpu.memory_space<vmem>> -> memref<96x128xf32, #tpu.memory_space<vmem>>
      %dma_start3A_180 = arith.constant 0 : i32
      %dma_start3A_181 = tpu.memref_slice %arg11[%add3A_17, %dma_start3A_180] : memref<10240x128xf32, #tpu.memory_space<vmem_shared>> -> memref<96x128xf32, #tpu.memory_space<vmem_shared>>
      %dma_start3A_182 = arith.constant 0 : i32
      %dma_start3A_183 = tpu.memref_slice %arg11[%add3A_17, %dma_start3A_182] : memref<10240x128xf32, #tpu.memory_space<vmem_shared>> -> memref<96x128xf32, #tpu.memory_space<vmem_shared>>
      %dma_start3A_184 = arith.constant 0 : i32
      %dma_start3A_185 = arith.constant 0 : i32
      %dma_start3A_186 = tpu.memref_slice %arg9[%dma_start3A_184, %dma_start3A_185] : memref<96x128xf32, #tpu.memory_space<vmem>> -> memref<96x128xf32, #tpu.memory_space<vmem>>
      tpu.enqueue_dma source(%dma_start3A_186 : memref<96x128xf32, #tpu.memory_space<vmem>>) target(%dma_start3A_183 : memref<96x128xf32, #tpu.memory_space<vmem_shared>>) target_semaphore(%run_scoped3A : memref<!tpu.dma_semaphore, #tpu.memory_space<semaphore_mem>>)
      %dma_wait3A_187 = arith.constant 0 : i32
      %dma_wait3A_188 = arith.constant 0 : i32
      %dma_wait3A_189 = tpu.memref_slice %arg9[%dma_wait3A_187, %dma_wait3A_188] : memref<96x128xf32, #tpu.memory_space<vmem>> -> memref<96x128xf32, #tpu.memory_space<vmem>>
      %dma_wait3A_190 = arith.constant 0 : i32
      %dma_wait3A_191 = tpu.memref_slice %arg11[%add3A_17, %dma_wait3A_190] : memref<10240x128xf32, #tpu.memory_space<vmem_shared>> -> memref<96x128xf32, #tpu.memory_space<vmem_shared>>
      %dma_wait3A_192 = arith.constant 0 : i32
      %dma_wait3A_193 = tpu.memref_slice %arg11[%add3A_17, %dma_wait3A_192] : memref<10240x128xf32, #tpu.memory_space<vmem_shared>> -> memref<96x128xf32, #tpu.memory_space<vmem_shared>>
      %dma_wait3A_194 = arith.constant 0 : i32
      %dma_wait3A_195 = arith.constant 0 : i32
      %dma_wait3A_196 = tpu.memref_slice %arg9[%dma_wait3A_194, %dma_wait3A_195] : memref<96x128xf32, #tpu.memory_space<vmem>> -> memref<96x128xf32, #tpu.memory_space<vmem>>
      tpu.wait_dma2 semaphore(%run_scoped3A : memref<!tpu.dma_semaphore, #tpu.memory_space<semaphore_mem>>) src(%dma_wait3A_196 : memref<96x128xf32, #tpu.memory_space<vmem>>) dst(%dma_wait3A_193 : memref<96x128xf32, #tpu.memory_space<vmem_shared>>)
      tpu.yield
    }) : () -> ()
    %mul3A_18 = arith.constant 640 : i32
    %mul3A_19 = arith.muli %arg1, %mul3A_18 : i32
    %add3A_20 = arith.constant 288 : i32
    %add3A_21 = arith.addi %mul3A_19, %add3A_20 : i32
    "tpu.region"() ({
      %run_scoped3A = tpu.sem_alloc : memref<!tpu.dma_semaphore, #tpu.memory_space<semaphore_mem>>
      %dma_start3A_177 = arith.constant 0 : i32
      %dma_start3A_178 = arith.constant 0 : i32
      %dma_start3A_179 = tpu.memref_slice %arg9[%dma_start3A_177, %dma_start3A_178] : memref<96x128xf32, #tpu.memory_space<vmem>> -> memref<96x128xf32, #tpu.memory_space<vmem>>
      %dma_start3A_180 = arith.constant 0 : i32
      %dma_start3A_181 = tpu.memref_slice %arg11[%add3A_21, %dma_start3A_180] : memref<10240x128xf32, #tpu.memory_space<vmem_shared>> -> memref<96x128xf32, #tpu.memory_space<vmem_shared>>
      %dma_start3A_182 = arith.constant 0 : i32
      %dma_start3A_183 = tpu.memref_slice %arg11[%add3A_21, %dma_start3A_182] : memref<10240x128xf32, #tpu.memory_space<vmem_shared>> -> memref<96x128xf32, #tpu.memory_space<vmem_shared>>
      %dma_start3A_184 = arith.constant 0 : i32
      %dma_start3A_185 = arith.constant 0 : i32
      %dma_start3A_186 = tpu.memref_slice %arg9[%dma_start3A_184, %dma_start3A_185] : memref<96x128xf32, #tpu.memory_space<vmem>> -> memref<96x128xf32, #tpu.memory_space<vmem>>
      tpu.enqueue_dma source(%dma_start3A_186 : memref<96x128xf32, #tpu.memory_space<vmem>>) target(%dma_start3A_183 : memref<96x128xf32, #tpu.memory_space<vmem_shared>>) target_semaphore(%run_scoped3A : memref<!tpu.dma_semaphore, #tpu.memory_space<semaphore_mem>>)
      %dma_wait3A_187 = arith.constant 0 : i32
      %dma_wait3A_188 = arith.constant 0 : i32
      %dma_wait3A_189 = tpu.memref_slice %arg9[%dma_wait3A_187, %dma_wait3A_188] : memref<96x128xf32, #tpu.memory_space<vmem>> -> memref<96x128xf32, #tpu.memory_space<vmem>>
      %dma_wait3A_190 = arith.constant 0 : i32
      %dma_wait3A_191 = tpu.memref_slice %arg11[%add3A_21, %dma_wait3A_190] : memref<10240x128xf32, #tpu.memory_space<vmem_shared>> -> memref<96x128xf32, #tpu.memory_space<vmem_shared>>
      %dma_wait3A_192 = arith.constant 0 : i32
      %dma_wait3A_193 = tpu.memref_slice %arg11[%add3A_21, %dma_wait3A_192] : memref<10240x128xf32, #tpu.memory_space<vmem_shared>> -> memref<96x128xf32, #tpu.memory_space<vmem_shared>>
      %dma_wait3A_194 = arith.constant 0 : i32
      %dma_wait3A_195 = arith.constant 0 : i32
      %dma_wait3A_196 = tpu.memref_slice %arg9[%dma_wait3A_194, %dma_wait3A_195] : memref<96x128xf32, #tpu.memory_space<vmem>> -> memref<96x128xf32, #tpu.memory_space<vmem>>
      tpu.wait_dma2 semaphore(%run_scoped3A : memref<!tpu.dma_semaphore, #tpu.memory_space<semaphore_mem>>) src(%dma_wait3A_196 : memref<96x128xf32, #tpu.memory_space<vmem>>) dst(%dma_wait3A_193 : memref<96x128xf32, #tpu.memory_space<vmem_shared>>)
      tpu.yield
    }) : () -> ()
    %mul3A_22 = arith.constant 640 : i32
    %mul3A_23 = arith.muli %arg1, %mul3A_22 : i32
    %add3A_24 = arith.constant 384 : i32
    %add3A_25 = arith.addi %mul3A_23, %add3A_24 : i32
    "tpu.region"() ({
      %run_scoped3A = tpu.sem_alloc : memref<!tpu.dma_semaphore, #tpu.memory_space<semaphore_mem>>
      %dma_start3A_177 = arith.constant 0 : i32
      %dma_start3A_178 = arith.constant 0 : i32
      %dma_start3A_179 = tpu.memref_slice %arg9[%dma_start3A_177, %dma_start3A_178] : memref<96x128xf32, #tpu.memory_space<vmem>> -> memref<96x128xf32, #tpu.memory_space<vmem>>
      %dma_start3A_180 = arith.constant 0 : i32
      %dma_start3A_181 = tpu.memref_slice %arg11[%add3A_25, %dma_start3A_180] : memref<10240x128xf32, #tpu.memory_space<vmem_shared>> -> memref<96x128xf32, #tpu.memory_space<vmem_shared>>
      %dma_start3A_182 = arith.constant 0 : i32
      %dma_start3A_183 = tpu.memref_slice %arg11[%add3A_25, %dma_start3A_182] : memref<10240x128xf32, #tpu.memory_space<vmem_shared>> -> memref<96x128xf32, #tpu.memory_space<vmem_shared>>
      %dma_start3A_184 = arith.constant 0 : i32
      %dma_start3A_185 = arith.constant 0 : i32
      %dma_start3A_186 = tpu.memref_slice %arg9[%dma_start3A_184, %dma_start3A_185] : memref<96x128xf32, #tpu.memory_space<vmem>> -> memref<96x128xf32, #tpu.memory_space<vmem>>
      tpu.enqueue_dma source(%dma_start3A_186 : memref<96x128xf32, #tpu.memory_space<vmem>>) target(%dma_start3A_183 : memref<96x128xf32, #tpu.memory_space<vmem_shared>>) target_semaphore(%run_scoped3A : memref<!tpu.dma_semaphore, #tpu.memory_space<semaphore_mem>>)
      %dma_wait3A_187 = arith.constant 0 : i32
      %dma_wait3A_188 = arith.constant 0 : i32
      %dma_wait3A_189 = tpu.memref_slice %arg9[%dma_wait3A_187, %dma_wait3A_188] : memref<96x128xf32, #tpu.memory_space<vmem>> -> memref<96x128xf32, #tpu.memory_space<vmem>>
      %dma_wait3A_190 = arith.constant 0 : i32
      %dma_wait3A_191 = tpu.memref_slice %arg11[%add3A_25, %dma_wait3A_190] : memref<10240x128xf32, #tpu.memory_space<vmem_shared>> -> memref<96x128xf32, #tpu.memory_space<vmem_shared>>
      %dma_wait3A_192 = arith.constant 0 : i32
      %dma_wait3A_193 = tpu.memref_slice %arg11[%add3A_25, %dma_wait3A_192] : memref<10240x128xf32, #tpu.memory_space<vmem_shared>> -> memref<96x128xf32, #tpu.memory_space<vmem_shared>>
      %dma_wait3A_194 = arith.constant 0 : i32
      %dma_wait3A_195 = arith.constant 0 : i32
      %dma_wait3A_196 = tpu.memref_slice %arg9[%dma_wait3A_194, %dma_wait3A_195] : memref<96x128xf32, #tpu.memory_space<vmem>> -> memref<96x128xf32, #tpu.memory_space<vmem>>
      tpu.wait_dma2 semaphore(%run_scoped3A : memref<!tpu.dma_semaphore, #tpu.memory_space<semaphore_mem>>) src(%dma_wait3A_196 : memref<96x128xf32, #tpu.memory_space<vmem>>) dst(%dma_wait3A_193 : memref<96x128xf32, #tpu.memory_space<vmem_shared>>)
      tpu.yield
    }) : () -> ()
    %mul3A_26 = arith.constant 640 : i32
    %mul3A_27 = arith.muli %arg1, %mul3A_26 : i32
    %add3A_28 = arith.constant 480 : i32
    %add3A_29 = arith.addi %mul3A_27, %add3A_28 : i32
    "tpu.region"() ({
      %run_scoped3A = tpu.sem_alloc : memref<!tpu.dma_semaphore, #tpu.memory_space<semaphore_mem>>
      %dma_start3A_177 = arith.constant 0 : i32
      %dma_start3A_178 = arith.constant 0 : i32
      %dma_start3A_179 = tpu.memref_slice %arg9[%dma_start3A_177, %dma_start3A_178] : memref<96x128xf32, #tpu.memory_space<vmem>> -> memref<96x128xf32, #tpu.memory_space<vmem>>
      %dma_start3A_180 = arith.constant 0 : i32
      %dma_start3A_181 = tpu.memref_slice %arg11[%add3A_29, %dma_start3A_180] : memref<10240x128xf32, #tpu.memory_space<vmem_shared>> -> memref<96x128xf32, #tpu.memory_space<vmem_shared>>
      %dma_start3A_182 = arith.constant 0 : i32
      %dma_start3A_183 = tpu.memref_slice %arg11[%add3A_29, %dma_start3A_182] : memref<10240x128xf32, #tpu.memory_space<vmem_shared>> -> memref<96x128xf32, #tpu.memory_space<vmem_shared>>
      %dma_start3A_184 = arith.constant 0 : i32
      %dma_start3A_185 = arith.constant 0 : i32
      %dma_start3A_186 = tpu.memref_slice %arg9[%dma_start3A_184, %dma_start3A_185] : memref<96x128xf32, #tpu.memory_space<vmem>> -> memref<96x128xf32, #tpu.memory_space<vmem>>
      tpu.enqueue_dma source(%dma_start3A_186 : memref<96x128xf32, #tpu.memory_space<vmem>>) target(%dma_start3A_183 : memref<96x128xf32, #tpu.memory_space<vmem_shared>>) target_semaphore(%run_scoped3A : memref<!tpu.dma_semaphore, #tpu.memory_space<semaphore_mem>>)
      %dma_wait3A_187 = arith.constant 0 : i32
      %dma_wait3A_188 = arith.constant 0 : i32
      %dma_wait3A_189 = tpu.memref_slice %arg9[%dma_wait3A_187, %dma_wait3A_188] : memref<96x128xf32, #tpu.memory_space<vmem>> -> memref<96x128xf32, #tpu.memory_space<vmem>>
      %dma_wait3A_190 = arith.constant 0 : i32
      %dma_wait3A_191 = tpu.memref_slice %arg11[%add3A_29, %dma_wait3A_190] : memref<10240x128xf32, #tpu.memory_space<vmem_shared>> -> memref<96x128xf32, #tpu.memory_space<vmem_shared>>
      %dma_wait3A_192 = arith.constant 0 : i32
      %dma_wait3A_193 = tpu.memref_slice %arg11[%add3A_29, %dma_wait3A_192] : memref<10240x128xf32, #tpu.memory_space<vmem_shared>> -> memref<96x128xf32, #tpu.memory_space<vmem_shared>>
      %dma_wait3A_194 = arith.constant 0 : i32
      %dma_wait3A_195 = arith.constant 0 : i32
      %dma_wait3A_196 = tpu.memref_slice %arg9[%dma_wait3A_194, %dma_wait3A_195] : memref<96x128xf32, #tpu.memory_space<vmem>> -> memref<96x128xf32, #tpu.memory_space<vmem>>
      tpu.wait_dma2 semaphore(%run_scoped3A : memref<!tpu.dma_semaphore, #tpu.memory_space<semaphore_mem>>) src(%dma_wait3A_196 : memref<96x128xf32, #tpu.memory_space<vmem>>) dst(%dma_wait3A_193 : memref<96x128xf32, #tpu.memory_space<vmem_shared>>)
      tpu.yield
    }) : () -> ()
    %mul3A_30 = arith.constant 640 : i32
    %mul3A_31 = arith.muli %arg1, %mul3A_30 : i32
    %add3A_32 = arith.constant 576 : i32
    %add3A_33 = arith.addi %mul3A_31, %add3A_32 : i32
    "tpu.region"() ({
      %run_scoped3A = tpu.sem_alloc : memref<!tpu.dma_semaphore, #tpu.memory_space<semaphore_mem>>
      %dma_start3A_177 = arith.constant 0 : i32
      %dma_start3A_178 = arith.constant 0 : i32
      %dma_start3A_179 = tpu.memref_slice %arg9[%dma_start3A_177, %dma_start3A_178] : memref<96x128xf32, #tpu.memory_space<vmem>> -> memref<64x128xf32, #tpu.memory_space<vmem>>
      %dma_start3A_180 = arith.constant 0 : i32
      %dma_start3A_181 = tpu.memref_slice %arg11[%add3A_33, %dma_start3A_180] : memref<10240x128xf32, #tpu.memory_space<vmem_shared>> -> memref<64x128xf32, #tpu.memory_space<vmem_shared>>
      %dma_start3A_182 = arith.constant 0 : i32
      %dma_start3A_183 = tpu.memref_slice %arg11[%add3A_33, %dma_start3A_182] : memref<10240x128xf32, #tpu.memory_space<vmem_shared>> -> memref<64x128xf32, #tpu.memory_space<vmem_shared>>
      %dma_start3A_184 = arith.constant 0 : i32
      %dma_start3A_185 = arith.constant 0 : i32
      %dma_start3A_186 = tpu.memref_slice %arg9[%dma_start3A_184, %dma_start3A_185] : memref<96x128xf32, #tpu.memory_space<vmem>> -> memref<64x128xf32, #tpu.memory_space<vmem>>
      tpu.enqueue_dma source(%dma_start3A_186 : memref<64x128xf32, #tpu.memory_space<vmem>>) target(%dma_start3A_183 : memref<64x128xf32, #tpu.memory_space<vmem_shared>>) target_semaphore(%run_scoped3A : memref<!tpu.dma_semaphore, #tpu.memory_space<semaphore_mem>>)
      %dma_wait3A_187 = arith.constant 0 : i32
      %dma_wait3A_188 = arith.constant 0 : i32
      %dma_wait3A_189 = tpu.memref_slice %arg9[%dma_wait3A_187, %dma_wait3A_188] : memref<96x128xf32, #tpu.memory_space<vmem>> -> memref<64x128xf32, #tpu.memory_space<vmem>>
      %dma_wait3A_190 = arith.constant 0 : i32
      %dma_wait3A_191 = tpu.memref_slice %arg11[%add3A_33, %dma_wait3A_190] : memref<10240x128xf32, #tpu.memory_space<vmem_shared>> -> memref<64x128xf32, #tpu.memory_space<vmem_shared>>
      %dma_wait3A_192 = arith.constant 0 : i32
      %dma_wait3A_193 = tpu.memref_slice %arg11[%add3A_33, %dma_wait3A_192] : memref<10240x128xf32, #tpu.memory_space<vmem_shared>> -> memref<64x128xf32, #tpu.memory_space<vmem_shared>>
      %dma_wait3A_194 = arith.constant 0 : i32
      %dma_wait3A_195 = arith.constant 0 : i32
      %dma_wait3A_196 = tpu.memref_slice %arg9[%dma_wait3A_194, %dma_wait3A_195] : memref<96x128xf32, #tpu.memory_space<vmem>> -> memref<64x128xf32, #tpu.memory_space<vmem>>
      tpu.wait_dma2 semaphore(%run_scoped3A : memref<!tpu.dma_semaphore, #tpu.memory_space<semaphore_mem>>) src(%dma_wait3A_196 : memref<64x128xf32, #tpu.memory_space<vmem>>) dst(%dma_wait3A_193 : memref<64x128xf32, #tpu.memory_space<vmem_shared>>)
      tpu.yield
    }) : () -> ()
    %barrier3A = arith.constant 0 : index
    tpu.barrier barrier_id(%barrier3A)
    %mul3A_34 = arith.constant 212 : i32
    %mul3A_35 = arith.muli %arg1, %mul3A_34 : i32
    %mul3A_36 = arith.constant 164 : i32
    %mul3A_37 = arith.muli %arg0, %mul3A_36 : i32
    %add3A_38 = arith.addi %mul3A_35, %mul3A_37 : i32
    %eq3A = arith.constant 0 : i32
    %eq3A_39 = arith.cmpi eq, %arg0, %eq3A : i32
    %jit3A = arith.constant 164 : i32
    %jit3A_40 = arith.constant 48 : i32
    %select_n3A = arith.select %eq3A_39, %jit3A, %jit3A_40 : i32
    %add3A_41 = arith.addi %add3A_38, %select_n3A : i32
    %sub3A = arith.constant 1 : i32
    %sub3A_42 = arith.subi %add3A_41, %sub3A : i32
    %add3A_43 = arith.constant 0 : i32
    %add3A_44 = arith.addi %add3A_38, %add3A_43 : i32
    %min3A = arith.minsi %add3A_44, %sub3A_42 : i32
    %dma_start3A = arith.constant 0 : i32
    %dma_start3A_45 = arith.constant 0 : i32
    %dma_start3A_46 = tpu.memref_slice %arg3[%min3A, %dma_start3A, %dma_start3A_45] : memref<3392x2x96xi32, #tpu.memory_space<hbm>> -> memref<1x2x96xi32, #tpu.memory_space<hbm>>
    %dma_start3A_47 = tpu.memref_squeeze %dma_start3A_46 : memref<1x2x96xi32, #tpu.memory_space<hbm>> -> memref<2x96xi32, #tpu.memory_space<hbm>>
    %dma_start3A_48 = arith.constant 0 : i32
    %dma_start3A_49 = arith.constant 0 : i32
    %dma_start3A_50 = tpu.memref_slice %arg3[%min3A, %dma_start3A_48, %dma_start3A_49] : memref<3392x2x96xi32, #tpu.memory_space<hbm>> -> memref<1x2x96xi32, #tpu.memory_space<hbm>>
    %dma_start3A_51 = tpu.memref_squeeze %dma_start3A_50 : memref<1x2x96xi32, #tpu.memory_space<hbm>> -> memref<2x96xi32, #tpu.memory_space<hbm>>
    tpu.enqueue_dma source(%dma_start3A_51 : memref<2x96xi32, #tpu.memory_space<hbm>>) target(%arg5 : memref<2x96xi32, #tpu.memory_space<vmem>>) target_semaphore(%arg12 : memref<!tpu.dma_semaphore, #tpu.memory_space<semaphore_mem>>)
    %add3A_52 = arith.constant 1 : i32
    %add3A_53 = arith.addi %add3A_38, %add3A_52 : i32
    %min3A_54 = arith.minsi %add3A_53, %sub3A_42 : i32
    %dma_start3A_55 = arith.constant 0 : i32
    %dma_start3A_56 = arith.constant 0 : i32
    %dma_start3A_57 = tpu.memref_slice %arg3[%min3A_54, %dma_start3A_55, %dma_start3A_56] : memref<3392x2x96xi32, #tpu.memory_space<hbm>> -> memref<1x2x96xi32, #tpu.memory_space<hbm>>
    %dma_start3A_58 = tpu.memref_squeeze %dma_start3A_57 : memref<1x2x96xi32, #tpu.memory_space<hbm>> -> memref<2x96xi32, #tpu.memory_space<hbm>>
    %dma_start3A_59 = arith.constant 0 : i32
    %dma_start3A_60 = arith.constant 0 : i32
    %dma_start3A_61 = tpu.memref_slice %arg3[%min3A_54, %dma_start3A_59, %dma_start3A_60] : memref<3392x2x96xi32, #tpu.memory_space<hbm>> -> memref<1x2x96xi32, #tpu.memory_space<hbm>>
    %dma_start3A_62 = tpu.memref_squeeze %dma_start3A_61 : memref<1x2x96xi32, #tpu.memory_space<hbm>> -> memref<2x96xi32, #tpu.memory_space<hbm>>
    tpu.enqueue_dma source(%dma_start3A_62 : memref<2x96xi32, #tpu.memory_space<hbm>>) target(%arg6 : memref<2x96xi32, #tpu.memory_space<vmem>>) target_semaphore(%arg13 : memref<!tpu.dma_semaphore, #tpu.memory_space<semaphore_mem>>)
    %add3A_63 = arith.constant 2 : i32
    %add3A_64 = arith.addi %add3A_38, %add3A_63 : i32
    %min3A_65 = arith.minsi %add3A_64, %sub3A_42 : i32
    %dma_start3A_66 = arith.constant 0 : i32
    %dma_start3A_67 = arith.constant 0 : i32
    %dma_start3A_68 = tpu.memref_slice %arg3[%min3A_65, %dma_start3A_66, %dma_start3A_67] : memref<3392x2x96xi32, #tpu.memory_space<hbm>> -> memref<1x2x96xi32, #tpu.memory_space<hbm>>
    %dma_start3A_69 = tpu.memref_squeeze %dma_start3A_68 : memref<1x2x96xi32, #tpu.memory_space<hbm>> -> memref<2x96xi32, #tpu.memory_space<hbm>>
    %dma_start3A_70 = arith.constant 0 : i32
    %dma_start3A_71 = arith.constant 0 : i32
    %dma_start3A_72 = tpu.memref_slice %arg3[%min3A_65, %dma_start3A_70, %dma_start3A_71] : memref<3392x2x96xi32, #tpu.memory_space<hbm>> -> memref<1x2x96xi32, #tpu.memory_space<hbm>>
    %dma_start3A_73 = tpu.memref_squeeze %dma_start3A_72 : memref<1x2x96xi32, #tpu.memory_space<hbm>> -> memref<2x96xi32, #tpu.memory_space<hbm>>
    tpu.enqueue_dma source(%dma_start3A_73 : memref<2x96xi32, #tpu.memory_space<hbm>>) target(%arg7 : memref<2x96xi32, #tpu.memory_space<vmem>>) target_semaphore(%arg14 : memref<!tpu.dma_semaphore, #tpu.memory_space<semaphore_mem>>)
    %add3A_74 = arith.constant 3 : i32
    %add3A_75 = arith.addi %add3A_38, %add3A_74 : i32
    %min3A_76 = arith.minsi %add3A_75, %sub3A_42 : i32
    %dma_start3A_77 = arith.constant 0 : i32
    %dma_start3A_78 = arith.constant 0 : i32
    %dma_start3A_79 = tpu.memref_slice %arg3[%min3A_76, %dma_start3A_77, %dma_start3A_78] : memref<3392x2x96xi32, #tpu.memory_space<hbm>> -> memref<1x2x96xi32, #tpu.memory_space<hbm>>
    %dma_start3A_80 = tpu.memref_squeeze %dma_start3A_79 : memref<1x2x96xi32, #tpu.memory_space<hbm>> -> memref<2x96xi32, #tpu.memory_space<hbm>>
    %dma_start3A_81 = arith.constant 0 : i32
    %dma_start3A_82 = arith.constant 0 : i32
    %dma_start3A_83 = tpu.memref_slice %arg3[%min3A_76, %dma_start3A_81, %dma_start3A_82] : memref<3392x2x96xi32, #tpu.memory_space<hbm>> -> memref<1x2x96xi32, #tpu.memory_space<hbm>>
    %dma_start3A_84 = tpu.memref_squeeze %dma_start3A_83 : memref<1x2x96xi32, #tpu.memory_space<hbm>> -> memref<2x96xi32, #tpu.memory_space<hbm>>
    tpu.enqueue_dma source(%dma_start3A_84 : memref<2x96xi32, #tpu.memory_space<hbm>>) target(%arg8 : memref<2x96xi32, #tpu.memory_space<vmem>>) target_semaphore(%arg15 : memref<!tpu.dma_semaphore, #tpu.memory_space<semaphore_mem>>)
    %dma_wait3A = arith.constant 0 : i32
    %dma_wait3A_85 = arith.constant 0 : i32
    %dma_wait3A_86 = tpu.memref_slice %arg3[%add3A_38, %dma_wait3A, %dma_wait3A_85] : memref<3392x2x96xi32, #tpu.memory_space<hbm>> -> memref<1x2x96xi32, #tpu.memory_space<hbm>>
    %dma_wait3A_87 = tpu.memref_squeeze %dma_wait3A_86 : memref<1x2x96xi32, #tpu.memory_space<hbm>> -> memref<2x96xi32, #tpu.memory_space<hbm>>
    %dma_wait3A_88 = arith.constant 0 : i32
    %dma_wait3A_89 = arith.constant 0 : i32
    %dma_wait3A_90 = tpu.memref_slice %arg3[%add3A_38, %dma_wait3A_88, %dma_wait3A_89] : memref<3392x2x96xi32, #tpu.memory_space<hbm>> -> memref<1x2x96xi32, #tpu.memory_space<hbm>>
    %dma_wait3A_91 = tpu.memref_squeeze %dma_wait3A_90 : memref<1x2x96xi32, #tpu.memory_space<hbm>> -> memref<2x96xi32, #tpu.memory_space<hbm>>
    tpu.wait_dma2 semaphore(%arg12 : memref<!tpu.dma_semaphore, #tpu.memory_space<semaphore_mem>>) src(%dma_wait3A_91 : memref<2x96xi32, #tpu.memory_space<hbm>>) dst(%arg5 : memref<2x96xi32, #tpu.memory_space<vmem>>)
    %dma_start3A_92 = arith.constant 0 : i32
    %dma_start3A_93 = arith.constant 0 : i32
    %dma_start3A_94 = tpu.memref_slice %arg5[%dma_start3A_92, %dma_start3A_93] : memref<2x96xi32, #tpu.memory_space<vmem>> -> memref<1x96xi32, #tpu.memory_space<vmem>>
    %dma_start3A_95 = tpu.memref_squeeze %dma_start3A_94 : memref<1x96xi32, #tpu.memory_space<vmem>> -> memref<96xi32, #tpu.memory_space<vmem>>
    %dma_start3A_96 = arith.constant 0 : i32
    %dma_start3A_97 = arith.constant 0 : i32
    %dma_start3A_98 = tpu.memref_slice %arg2[%dma_start3A_96, %dma_start3A_97] : memref<10112x128xf32, #tpu.memory_space<hbm>> -> memref<10112x128xf32, #tpu.memory_space<hbm>>
    tpu.enqueue_indirect_dma source(%dma_start3A_98 : memref<10112x128xf32, #tpu.memory_space<hbm>>) target(%arg9 : memref<96x128xf32, #tpu.memory_space<vmem>>) offsets(%dma_start3A_95 : memref<96xi32, #tpu.memory_space<vmem>>) semaphore(%arg16 : memref<!tpu.dma_semaphore, #tpu.memory_space<semaphore_mem>>)
    %dma_wait3A_99 = arith.constant 0 : i32
    %dma_wait3A_100 = arith.constant 0 : i32
    %dma_wait3A_101 = tpu.memref_slice %arg3[%add3A_38, %dma_wait3A_99, %dma_wait3A_100] : memref<3392x2x96xi32, #tpu.memory_space<hbm>> -> memref<1x2x96xi32, #tpu.memory_space<hbm>>
    %dma_wait3A_102 = tpu.memref_squeeze %dma_wait3A_101 : memref<1x2x96xi32, #tpu.memory_space<hbm>> -> memref<2x96xi32, #tpu.memory_space<hbm>>
    %dma_wait3A_103 = arith.constant 0 : i32
    %dma_wait3A_104 = arith.constant 0 : i32
    %dma_wait3A_105 = tpu.memref_slice %arg3[%add3A_38, %dma_wait3A_103, %dma_wait3A_104] : memref<3392x2x96xi32, #tpu.memory_space<hbm>> -> memref<1x2x96xi32, #tpu.memory_space<hbm>>
    %dma_wait3A_106 = tpu.memref_squeeze %dma_wait3A_105 : memref<1x2x96xi32, #tpu.memory_space<hbm>> -> memref<2x96xi32, #tpu.memory_space<hbm>>
    tpu.wait_dma2 semaphore(%arg13 : memref<!tpu.dma_semaphore, #tpu.memory_space<semaphore_mem>>) src(%dma_wait3A_106 : memref<2x96xi32, #tpu.memory_space<hbm>>) dst(%arg6 : memref<2x96xi32, #tpu.memory_space<vmem>>)
    %dma_start3A_107 = arith.constant 0 : i32
    %dma_start3A_108 = arith.constant 0 : i32
    %dma_start3A_109 = tpu.memref_slice %arg6[%dma_start3A_107, %dma_start3A_108] : memref<2x96xi32, #tpu.memory_space<vmem>> -> memref<1x96xi32, #tpu.memory_space<vmem>>
    %dma_start3A_110 = tpu.memref_squeeze %dma_start3A_109 : memref<1x96xi32, #tpu.memory_space<vmem>> -> memref<96xi32, #tpu.memory_space<vmem>>
    %dma_start3A_111 = arith.constant 0 : i32
    %dma_start3A_112 = arith.constant 0 : i32
    %dma_start3A_113 = tpu.memref_slice %arg2[%dma_start3A_111, %dma_start3A_112] : memref<10112x128xf32, #tpu.memory_space<hbm>> -> memref<10112x128xf32, #tpu.memory_space<hbm>>
    tpu.enqueue_indirect_dma source(%dma_start3A_113 : memref<10112x128xf32, #tpu.memory_space<hbm>>) target(%arg10 : memref<96x128xf32, #tpu.memory_space<vmem>>) offsets(%dma_start3A_110 : memref<96xi32, #tpu.memory_space<vmem>>) semaphore(%arg17 : memref<!tpu.dma_semaphore, #tpu.memory_space<semaphore_mem>>)
    %jit3A_114 = arith.constant 4 : i32
    %div3A = arith.divsi %select_n3A, %jit3A_114 : i32
    %sign3A = arith.constant 0 : i32
    %sign3A_115 = arith.cmpi sgt, %select_n3A, %sign3A : i32
    %sign3A_116 = arith.extui %sign3A_115 : i1 to i32
    %sign3A_117 = arith.constant 0 : i32
    %sign3A_118 = arith.cmpi slt, %select_n3A, %sign3A_117 : i32
    %sign3A_119 = arith.extui %sign3A_118 : i1 to i32
    %sign3A_120 = arith.subi %sign3A_116, %sign3A_119 : i32
    %sign3A_121 = arith.constant 0 : i32
    %sign3A_122 = arith.cmpi sgt, %jit3A_114, %sign3A_121 : i32
    %sign3A_123 = arith.extui %sign3A_122 : i1 to i32
    %sign3A_124 = arith.constant 0 : i32
    %sign3A_125 = arith.cmpi slt, %jit3A_114, %sign3A_124 : i32
    %sign3A_126 = arith.extui %sign3A_125 : i1 to i32
    %sign3A_127 = arith.subi %sign3A_123, %sign3A_126 : i32
    %ne3A = arith.cmpi ne, %sign3A_120, %sign3A_127 : i32
    %rem3A = arith.remsi %select_n3A, %jit3A_114 : i32
    %ne3A_128 = arith.constant 0 : i32
    %ne3A_129 = arith.cmpi ne, %rem3A, %ne3A_128 : i32
    %and3A = arith.andi %ne3A, %ne3A_129 : i1
    %sub3A_130 = arith.constant 1 : i32
    %sub3A_131 = arith.subi %div3A, %sub3A_130 : i32
    %select_n3A_132 = arith.select %and3A, %sub3A_131, %div3A : i32
    %while3A = arith.constant 0 : i32
    %while3A_133 = arith.constant 0 : i32
    %while3A_134 = arith.subi %select_n3A_132, %while3A_133 : i32
    %while3A_135 = arith.addi %while3A_133, %while3A_134 : i32
    %while3A_136 = arith.constant 1 : i32
    %while3A_137 = arith.divsi %while3A_134, %while3A_136 : i32
    %while3A_138 = arith.muli %while3A_137, %while3A_136 : i32
    %while3A_139 = arith.addi %while3A_133, %while3A_138 : i32
    %while3A_140 = arith.constant 1 : i32
    scf.for %while3A_177 = %while3A_133 to %while3A_139 step %while3A_140  : i32 {
      %mul3A_178 = arith.constant 4 : i32
      %mul3A_179 = arith.muli %mul3A_178, %while3A_177 : i32
      %dma_wait3A_180 = arith.constant 0 : i32
      %dma_wait3A_181 = arith.constant 0 : i32
      %dma_wait3A_182 = tpu.memref_slice %arg5[%dma_wait3A_180, %dma_wait3A_181] : memref<2x96xi32, #tpu.memory_space<vmem>> -> memref<1x96xi32, #tpu.memory_space<vmem>>
      %dma_wait3A_183 = tpu.memref_squeeze %dma_wait3A_182 : memref<1x96xi32, #tpu.memory_space<vmem>> -> memref<96xi32, #tpu.memory_space<vmem>>
      %dma_wait3A_184 = arith.constant 0 : i32
      %dma_wait3A_185 = arith.constant 0 : i32
      %dma_wait3A_186 = tpu.memref_slice %arg2[%dma_wait3A_184, %dma_wait3A_185] : memref<10112x128xf32, #tpu.memory_space<hbm>> -> memref<10112x128xf32, #tpu.memory_space<hbm>>
      tpu.wait_indirect_dma semaphore(%arg16 : memref<!tpu.dma_semaphore, #tpu.memory_space<semaphore_mem>>) src(%dma_wait3A_186 : memref<10112x128xf32, #tpu.memory_space<hbm>>) dst(%arg9 : memref<96x128xf32, #tpu.memory_space<vmem>>)
      %dma_start3A_187 = arith.constant 1 : i32
      %dma_start3A_188 = arith.constant 0 : i32
      %dma_start3A_189 = tpu.memref_slice %arg5[%dma_start3A_187, %dma_start3A_188] : memref<2x96xi32, #tpu.memory_space<vmem>> -> memref<1x96xi32, #tpu.memory_space<vmem>>
      %dma_start3A_190 = tpu.memref_squeeze %dma_start3A_189 : memref<1x96xi32, #tpu.memory_space<vmem>> -> memref<96xi32, #tpu.memory_space<vmem>>
      %dma_start3A_191 = arith.constant 0 : i32
      %dma_start3A_192 = arith.constant 0 : i32
      %dma_start3A_193 = tpu.memref_slice %arg11[%dma_start3A_191, %dma_start3A_192] : memref<10240x128xf32, #tpu.memory_space<vmem_shared>> -> memref<10240x128xf32, #tpu.memory_space<vmem_shared>>
      tpu.enqueue_indirect_dma source(%arg9 : memref<96x128xf32, #tpu.memory_space<vmem>>) target(%dma_start3A_193 : memref<10240x128xf32, #tpu.memory_space<vmem_shared>>) offsets(%dma_start3A_190 : memref<96xi32, #tpu.memory_space<vmem>>) semaphore(%arg18 : memref<!tpu.dma_semaphore, #tpu.memory_space<semaphore_mem>>) {add = true}
      %dma_wait3A_194 = arith.constant 0 : i32
      %dma_wait3A_195 = arith.constant 0 : i32
      %dma_wait3A_196 = tpu.memref_slice %arg6[%dma_wait3A_194, %dma_wait3A_195] : memref<2x96xi32, #tpu.memory_space<vmem>> -> memref<1x96xi32, #tpu.memory_space<vmem>>
      %dma_wait3A_197 = tpu.memref_squeeze %dma_wait3A_196 : memref<1x96xi32, #tpu.memory_space<vmem>> -> memref<96xi32, #tpu.memory_space<vmem>>
      %dma_wait3A_198 = arith.constant 0 : i32
      %dma_wait3A_199 = arith.constant 0 : i32
      %dma_wait3A_200 = tpu.memref_slice %arg2[%dma_wait3A_198, %dma_wait3A_199] : memref<10112x128xf32, #tpu.memory_space<hbm>> -> memref<10112x128xf32, #tpu.memory_space<hbm>>
      tpu.wait_indirect_dma semaphore(%arg17 : memref<!tpu.dma_semaphore, #tpu.memory_space<semaphore_mem>>) src(%dma_wait3A_200 : memref<10112x128xf32, #tpu.memory_space<hbm>>) dst(%arg10 : memref<96x128xf32, #tpu.memory_space<vmem>>)
      %dma_start3A_201 = arith.constant 1 : i32
      %dma_start3A_202 = arith.constant 0 : i32
      %dma_start3A_203 = tpu.memref_slice %arg6[%dma_start3A_201, %dma_start3A_202] : memref<2x96xi32, #tpu.memory_space<vmem>> -> memref<1x96xi32, #tpu.memory_space<vmem>>
      %dma_start3A_204 = tpu.memref_squeeze %dma_start3A_203 : memref<1x96xi32, #tpu.memory_space<vmem>> -> memref<96xi32, #tpu.memory_space<vmem>>
      %dma_start3A_205 = arith.constant 0 : i32
      %dma_start3A_206 = arith.constant 0 : i32
      %dma_start3A_207 = tpu.memref_slice %arg11[%dma_start3A_205, %dma_start3A_206] : memref<10240x128xf32, #tpu.memory_space<vmem_shared>> -> memref<10240x128xf32, #tpu.memory_space<vmem_shared>>
      tpu.enqueue_indirect_dma source(%arg10 : memref<96x128xf32, #tpu.memory_space<vmem>>) target(%dma_start3A_207 : memref<10240x128xf32, #tpu.memory_space<vmem_shared>>) offsets(%dma_start3A_204 : memref<96xi32, #tpu.memory_space<vmem>>) semaphore(%arg19 : memref<!tpu.dma_semaphore, #tpu.memory_space<semaphore_mem>>) {add = true}
      %dma_wait3A_208 = arith.constant 1 : i32
      %dma_wait3A_209 = arith.constant 0 : i32
      %dma_wait3A_210 = tpu.memref_slice %arg5[%dma_wait3A_208, %dma_wait3A_209] : memref<2x96xi32, #tpu.memory_space<vmem>> -> memref<1x96xi32, #tpu.memory_space<vmem>>
      %dma_wait3A_211 = tpu.memref_squeeze %dma_wait3A_210 : memref<1x96xi32, #tpu.memory_space<vmem>> -> memref<96xi32, #tpu.memory_space<vmem>>
      %dma_wait3A_212 = arith.constant 0 : i32
      %dma_wait3A_213 = arith.constant 0 : i32
      %dma_wait3A_214 = tpu.memref_slice %arg11[%dma_wait3A_212, %dma_wait3A_213] : memref<10240x128xf32, #tpu.memory_space<vmem_shared>> -> memref<10240x128xf32, #tpu.memory_space<vmem_shared>>
      tpu.wait_indirect_dma semaphore(%arg18 : memref<!tpu.dma_semaphore, #tpu.memory_space<semaphore_mem>>) src(%arg9 : memref<96x128xf32, #tpu.memory_space<vmem>>) dst(%dma_wait3A_214 : memref<10240x128xf32, #tpu.memory_space<vmem_shared>>)
      %dma_wait3A_215 = arith.constant 0 : i32
      %dma_wait3A_216 = arith.constant 0 : i32
      %dma_wait3A_217 = tpu.memref_slice %arg3[%add3A_38, %dma_wait3A_215, %dma_wait3A_216] : memref<3392x2x96xi32, #tpu.memory_space<hbm>> -> memref<1x2x96xi32, #tpu.memory_space<hbm>>
      %dma_wait3A_218 = tpu.memref_squeeze %dma_wait3A_217 : memref<1x2x96xi32, #tpu.memory_space<hbm>> -> memref<2x96xi32, #tpu.memory_space<hbm>>
      %dma_wait3A_219 = arith.constant 0 : i32
      %dma_wait3A_220 = arith.constant 0 : i32
      %dma_wait3A_221 = tpu.memref_slice %arg3[%add3A_38, %dma_wait3A_219, %dma_wait3A_220] : memref<3392x2x96xi32, #tpu.memory_space<hbm>> -> memref<1x2x96xi32, #tpu.memory_space<hbm>>
      %dma_wait3A_222 = tpu.memref_squeeze %dma_wait3A_221 : memref<1x2x96xi32, #tpu.memory_space<hbm>> -> memref<2x96xi32, #tpu.memory_space<hbm>>
      tpu.wait_dma2 semaphore(%arg14 : memref<!tpu.dma_semaphore, #tpu.memory_space<semaphore_mem>>) src(%dma_wait3A_222 : memref<2x96xi32, #tpu.memory_space<hbm>>) dst(%arg7 : memref<2x96xi32, #tpu.memory_space<vmem>>)
      %dma_start3A_223 = arith.constant 0 : i32
      %dma_start3A_224 = arith.constant 0 : i32
      %dma_start3A_225 = tpu.memref_slice %arg7[%dma_start3A_223, %dma_start3A_224] : memref<2x96xi32, #tpu.memory_space<vmem>> -> memref<1x96xi32, #tpu.memory_space<vmem>>
      %dma_start3A_226 = tpu.memref_squeeze %dma_start3A_225 : memref<1x96xi32, #tpu.memory_space<vmem>> -> memref<96xi32, #tpu.memory_space<vmem>>
      %dma_start3A_227 = arith.constant 0 : i32
      %dma_start3A_228 = arith.constant 0 : i32
      %dma_start3A_229 = tpu.memref_slice %arg2[%dma_start3A_227, %dma_start3A_228] : memref<10112x128xf32, #tpu.memory_space<hbm>> -> memref<10112x128xf32, #tpu.memory_space<hbm>>
      tpu.enqueue_indirect_dma source(%dma_start3A_229 : memref<10112x128xf32, #tpu.memory_space<hbm>>) target(%arg9 : memref<96x128xf32, #tpu.memory_space<vmem>>) offsets(%dma_start3A_226 : memref<96xi32, #tpu.memory_space<vmem>>) semaphore(%arg16 : memref<!tpu.dma_semaphore, #tpu.memory_space<semaphore_mem>>)
      %add3A_230 = arith.constant 4 : i32
      %add3A_231 = arith.addi %mul3A_179, %add3A_230 : i32
      %add3A_232 = arith.addi %add3A_38, %add3A_231 : i32
      %min3A_233 = arith.minsi %add3A_232, %sub3A_42 : i32
      %dma_start3A_234 = arith.constant 0 : i32
      %dma_start3A_235 = arith.constant 0 : i32
      %dma_start3A_236 = tpu.memref_slice %arg3[%min3A_233, %dma_start3A_234, %dma_start3A_235] : memref<3392x2x96xi32, #tpu.memory_space<hbm>> -> memref<1x2x96xi32, #tpu.memory_space<hbm>>
      %dma_start3A_237 = tpu.memref_squeeze %dma_start3A_236 : memref<1x2x96xi32, #tpu.memory_space<hbm>> -> memref<2x96xi32, #tpu.memory_space<hbm>>
      %dma_start3A_238 = arith.constant 0 : i32
      %dma_start3A_239 = arith.constant 0 : i32
      %dma_start3A_240 = tpu.memref_slice %arg3[%min3A_233, %dma_start3A_238, %dma_start3A_239] : memref<3392x2x96xi32, #tpu.memory_space<hbm>> -> memref<1x2x96xi32, #tpu.memory_space<hbm>>
      %dma_start3A_241 = tpu.memref_squeeze %dma_start3A_240 : memref<1x2x96xi32, #tpu.memory_space<hbm>> -> memref<2x96xi32, #tpu.memory_space<hbm>>
      tpu.enqueue_dma source(%dma_start3A_241 : memref<2x96xi32, #tpu.memory_space<hbm>>) target(%arg5 : memref<2x96xi32, #tpu.memory_space<vmem>>) target_semaphore(%arg12 : memref<!tpu.dma_semaphore, #tpu.memory_space<semaphore_mem>>)
      %dma_wait3A_242 = arith.constant 1 : i32
      %dma_wait3A_243 = arith.constant 0 : i32
      %dma_wait3A_244 = tpu.memref_slice %arg6[%dma_wait3A_242, %dma_wait3A_243] : memref<2x96xi32, #tpu.memory_space<vmem>> -> memref<1x96xi32, #tpu.memory_space<vmem>>
      %dma_wait3A_245 = tpu.memref_squeeze %dma_wait3A_244 : memref<1x96xi32, #tpu.memory_space<vmem>> -> memref<96xi32, #tpu.memory_space<vmem>>
      %dma_wait3A_246 = arith.constant 0 : i32
      %dma_wait3A_247 = arith.constant 0 : i32
      %dma_wait3A_248 = tpu.memref_slice %arg11[%dma_wait3A_246, %dma_wait3A_247] : memref<10240x128xf32, #tpu.memory_space<vmem_shared>> -> memref<10240x128xf32, #tpu.memory_space<vmem_shared>>
      tpu.wait_indirect_dma semaphore(%arg19 : memref<!tpu.dma_semaphore, #tpu.memory_space<semaphore_mem>>) src(%arg10 : memref<96x128xf32, #tpu.memory_space<vmem>>) dst(%dma_wait3A_248 : memref<10240x128xf32, #tpu.memory_space<vmem_shared>>)
      %dma_wait3A_249 = arith.constant 0 : i32
      %dma_wait3A_250 = arith.constant 0 : i32
      %dma_wait3A_251 = tpu.memref_slice %arg3[%add3A_38, %dma_wait3A_249, %dma_wait3A_250] : memref<3392x2x96xi32, #tpu.memory_space<hbm>> -> memref<1x2x96xi32, #tpu.memory_space<hbm>>
      %dma_wait3A_252 = tpu.memref_squeeze %dma_wait3A_251 : memref<1x2x96xi32, #tpu.memory_space<hbm>> -> memref<2x96xi32, #tpu.memory_space<hbm>>
      %dma_wait3A_253 = arith.constant 0 : i32
      %dma_wait3A_254 = arith.constant 0 : i32
      %dma_wait3A_255 = tpu.memref_slice %arg3[%add3A_38, %dma_wait3A_253, %dma_wait3A_254] : memref<3392x2x96xi32, #tpu.memory_space<hbm>> -> memref<1x2x96xi32, #tpu.memory_space<hbm>>
      %dma_wait3A_256 = tpu.memref_squeeze %dma_wait3A_255 : memref<1x2x96xi32, #tpu.memory_space<hbm>> -> memref<2x96xi32, #tpu.memory_space<hbm>>
      tpu.wait_dma2 semaphore(%arg15 : memref<!tpu.dma_semaphore, #tpu.memory_space<semaphore_mem>>) src(%dma_wait3A_256 : memref<2x96xi32, #tpu.memory_space<hbm>>) dst(%arg8 : memref<2x96xi32, #tpu.memory_space<vmem>>)
      %dma_start3A_257 = arith.constant 0 : i32
      %dma_start3A_258 = arith.constant 0 : i32
      %dma_start3A_259 = tpu.memref_slice %arg8[%dma_start3A_257, %dma_start3A_258] : memref<2x96xi32, #tpu.memory_space<vmem>> -> memref<1x96xi32, #tpu.memory_space<vmem>>
      %dma_start3A_260 = tpu.memref_squeeze %dma_start3A_259 : memref<1x96xi32, #tpu.memory_space<vmem>> -> memref<96xi32, #tpu.memory_space<vmem>>
      %dma_start3A_261 = arith.constant 0 : i32
      %dma_start3A_262 = arith.constant 0 : i32
      %dma_start3A_263 = tpu.memref_slice %arg2[%dma_start3A_261, %dma_start3A_262] : memref<10112x128xf32, #tpu.memory_space<hbm>> -> memref<10112x128xf32, #tpu.memory_space<hbm>>
      tpu.enqueue_indirect_dma source(%dma_start3A_263 : memref<10112x128xf32, #tpu.memory_space<hbm>>) target(%arg10 : memref<96x128xf32, #tpu.memory_space<vmem>>) offsets(%dma_start3A_260 : memref<96xi32, #tpu.memory_space<vmem>>) semaphore(%arg17 : memref<!tpu.dma_semaphore, #tpu.memory_space<semaphore_mem>>)
      %add3A_264 = arith.constant 5 : i32
      %add3A_265 = arith.addi %mul3A_179, %add3A_264 : i32
      %add3A_266 = arith.addi %add3A_38, %add3A_265 : i32
      %min3A_267 = arith.minsi %add3A_266, %sub3A_42 : i32
      %dma_start3A_268 = arith.constant 0 : i32
      %dma_start3A_269 = arith.constant 0 : i32
      %dma_start3A_270 = tpu.memref_slice %arg3[%min3A_267, %dma_start3A_268, %dma_start3A_269] : memref<3392x2x96xi32, #tpu.memory_space<hbm>> -> memref<1x2x96xi32, #tpu.memory_space<hbm>>
      %dma_start3A_271 = tpu.memref_squeeze %dma_start3A_270 : memref<1x2x96xi32, #tpu.memory_space<hbm>> -> memref<2x96xi32, #tpu.memory_space<hbm>>
      %dma_start3A_272 = arith.constant 0 : i32
      %dma_start3A_273 = arith.constant 0 : i32
      %dma_start3A_274 = tpu.memref_slice %arg3[%min3A_267, %dma_start3A_272, %dma_start3A_273] : memref<3392x2x96xi32, #tpu.memory_space<hbm>> -> memref<1x2x96xi32, #tpu.memory_space<hbm>>
      %dma_start3A_275 = tpu.memref_squeeze %dma_start3A_274 : memref<1x2x96xi32, #tpu.memory_space<hbm>> -> memref<2x96xi32, #tpu.memory_space<hbm>>
      tpu.enqueue_dma source(%dma_start3A_275 : memref<2x96xi32, #tpu.memory_space<hbm>>) target(%arg6 : memref<2x96xi32, #tpu.memory_space<vmem>>) target_semaphore(%arg13 : memref<!tpu.dma_semaphore, #tpu.memory_space<semaphore_mem>>)
      %dma_wait3A_276 = arith.constant 0 : i32
      %dma_wait3A_277 = arith.constant 0 : i32
      %dma_wait3A_278 = tpu.memref_slice %arg7[%dma_wait3A_276, %dma_wait3A_277] : memref<2x96xi32, #tpu.memory_space<vmem>> -> memref<1x96xi32, #tpu.memory_space<vmem>>
      %dma_wait3A_279 = tpu.memref_squeeze %dma_wait3A_278 : memref<1x96xi32, #tpu.memory_space<vmem>> -> memref<96xi32, #tpu.memory_space<vmem>>
      %dma_wait3A_280 = arith.constant 0 : i32
      %dma_wait3A_281 = arith.constant 0 : i32
      %dma_wait3A_282 = tpu.memref_slice %arg2[%dma_wait3A_280, %dma_wait3A_281] : memref<10112x128xf32, #tpu.memory_space<hbm>> -> memref<10112x128xf32, #tpu.memory_space<hbm>>
      tpu.wait_indirect_dma semaphore(%arg16 : memref<!tpu.dma_semaphore, #tpu.memory_space<semaphore_mem>>) src(%dma_wait3A_282 : memref<10112x128xf32, #tpu.memory_space<hbm>>) dst(%arg9 : memref<96x128xf32, #tpu.memory_space<vmem>>)
      %dma_start3A_283 = arith.constant 1 : i32
      %dma_start3A_284 = arith.constant 0 : i32
      %dma_start3A_285 = tpu.memref_slice %arg7[%dma_start3A_283, %dma_start3A_284] : memref<2x96xi32, #tpu.memory_space<vmem>> -> memref<1x96xi32, #tpu.memory_space<vmem>>
      %dma_start3A_286 = tpu.memref_squeeze %dma_start3A_285 : memref<1x96xi32, #tpu.memory_space<vmem>> -> memref<96xi32, #tpu.memory_space<vmem>>
      %dma_start3A_287 = arith.constant 0 : i32
      %dma_start3A_288 = arith.constant 0 : i32
      %dma_start3A_289 = tpu.memref_slice %arg11[%dma_start3A_287, %dma_start3A_288] : memref<10240x128xf32, #tpu.memory_space<vmem_shared>> -> memref<10240x128xf32, #tpu.memory_space<vmem_shared>>
      tpu.enqueue_indirect_dma source(%arg9 : memref<96x128xf32, #tpu.memory_space<vmem>>) target(%dma_start3A_289 : memref<10240x128xf32, #tpu.memory_space<vmem_shared>>) offsets(%dma_start3A_286 : memref<96xi32, #tpu.memory_space<vmem>>) semaphore(%arg18 : memref<!tpu.dma_semaphore, #tpu.memory_space<semaphore_mem>>) {add = true}
      %dma_wait3A_290 = arith.constant 0 : i32
      %dma_wait3A_291 = arith.constant 0 : i32
      %dma_wait3A_292 = tpu.memref_slice %arg8[%dma_wait3A_290, %dma_wait3A_291] : memref<2x96xi32, #tpu.memory_space<vmem>> -> memref<1x96xi32, #tpu.memory_space<vmem>>
      %dma_wait3A_293 = tpu.memref_squeeze %dma_wait3A_292 : memref<1x96xi32, #tpu.memory_space<vmem>> -> memref<96xi32, #tpu.memory_space<vmem>>
      %dma_wait3A_294 = arith.constant 0 : i32
      %dma_wait3A_295 = arith.constant 0 : i32
      %dma_wait3A_296 = tpu.memref_slice %arg2[%dma_wait3A_294, %dma_wait3A_295] : memref<10112x128xf32, #tpu.memory_space<hbm>> -> memref<10112x128xf32, #tpu.memory_space<hbm>>
      tpu.wait_indirect_dma semaphore(%arg17 : memref<!tpu.dma_semaphore, #tpu.memory_space<semaphore_mem>>) src(%dma_wait3A_296 : memref<10112x128xf32, #tpu.memory_space<hbm>>) dst(%arg10 : memref<96x128xf32, #tpu.memory_space<vmem>>)
      %dma_start3A_297 = arith.constant 1 : i32
      %dma_start3A_298 = arith.constant 0 : i32
      %dma_start3A_299 = tpu.memref_slice %arg8[%dma_start3A_297, %dma_start3A_298] : memref<2x96xi32, #tpu.memory_space<vmem>> -> memref<1x96xi32, #tpu.memory_space<vmem>>
      %dma_start3A_300 = tpu.memref_squeeze %dma_start3A_299 : memref<1x96xi32, #tpu.memory_space<vmem>> -> memref<96xi32, #tpu.memory_space<vmem>>
      %dma_start3A_301 = arith.constant 0 : i32
      %dma_start3A_302 = arith.constant 0 : i32
      %dma_start3A_303 = tpu.memref_slice %arg11[%dma_start3A_301, %dma_start3A_302] : memref<10240x128xf32, #tpu.memory_space<vmem_shared>> -> memref<10240x128xf32, #tpu.memory_space<vmem_shared>>
      tpu.enqueue_indirect_dma source(%arg10 : memref<96x128xf32, #tpu.memory_space<vmem>>) target(%dma_start3A_303 : memref<10240x128xf32, #tpu.memory_space<vmem_shared>>) offsets(%dma_start3A_300 : memref<96xi32, #tpu.memory_space<vmem>>) semaphore(%arg19 : memref<!tpu.dma_semaphore, #tpu.memory_space<semaphore_mem>>) {add = true}
      %dma_wait3A_304 = arith.constant 1 : i32
      %dma_wait3A_305 = arith.constant 0 : i32
      %dma_wait3A_306 = tpu.memref_slice %arg7[%dma_wait3A_304, %dma_wait3A_305] : memref<2x96xi32, #tpu.memory_space<vmem>> -> memref<1x96xi32, #tpu.memory_space<vmem>>
      %dma_wait3A_307 = tpu.memref_squeeze %dma_wait3A_306 : memref<1x96xi32, #tpu.memory_space<vmem>> -> memref<96xi32, #tpu.memory_space<vmem>>
      %dma_wait3A_308 = arith.constant 0 : i32
      %dma_wait3A_309 = arith.constant 0 : i32
      %dma_wait3A_310 = tpu.memref_slice %arg11[%dma_wait3A_308, %dma_wait3A_309] : memref<10240x128xf32, #tpu.memory_space<vmem_shared>> -> memref<10240x128xf32, #tpu.memory_space<vmem_shared>>
      tpu.wait_indirect_dma semaphore(%arg18 : memref<!tpu.dma_semaphore, #tpu.memory_space<semaphore_mem>>) src(%arg9 : memref<96x128xf32, #tpu.memory_space<vmem>>) dst(%dma_wait3A_310 : memref<10240x128xf32, #tpu.memory_space<vmem_shared>>)
      %dma_wait3A_311 = arith.constant 0 : i32
      %dma_wait3A_312 = arith.constant 0 : i32
      %dma_wait3A_313 = tpu.memref_slice %arg3[%add3A_38, %dma_wait3A_311, %dma_wait3A_312] : memref<3392x2x96xi32, #tpu.memory_space<hbm>> -> memref<1x2x96xi32, #tpu.memory_space<hbm>>
      %dma_wait3A_314 = tpu.memref_squeeze %dma_wait3A_313 : memref<1x2x96xi32, #tpu.memory_space<hbm>> -> memref<2x96xi32, #tpu.memory_space<hbm>>
      %dma_wait3A_315 = arith.constant 0 : i32
      %dma_wait3A_316 = arith.constant 0 : i32
      %dma_wait3A_317 = tpu.memref_slice %arg3[%add3A_38, %dma_wait3A_315, %dma_wait3A_316] : memref<3392x2x96xi32, #tpu.memory_space<hbm>> -> memref<1x2x96xi32, #tpu.memory_space<hbm>>
      %dma_wait3A_318 = tpu.memref_squeeze %dma_wait3A_317 : memref<1x2x96xi32, #tpu.memory_space<hbm>> -> memref<2x96xi32, #tpu.memory_space<hbm>>
      tpu.wait_dma2 semaphore(%arg12 : memref<!tpu.dma_semaphore, #tpu.memory_space<semaphore_mem>>) src(%dma_wait3A_318 : memref<2x96xi32, #tpu.memory_space<hbm>>) dst(%arg5 : memref<2x96xi32, #tpu.memory_space<vmem>>)
      %dma_start3A_319 = arith.constant 0 : i32
      %dma_start3A_320 = arith.constant 0 : i32
      %dma_start3A_321 = tpu.memref_slice %arg5[%dma_start3A_319, %dma_start3A_320] : memref<2x96xi32, #tpu.memory_space<vmem>> -> memref<1x96xi32, #tpu.memory_space<vmem>>
      %dma_start3A_322 = tpu.memref_squeeze %dma_start3A_321 : memref<1x96xi32, #tpu.memory_space<vmem>> -> memref<96xi32, #tpu.memory_space<vmem>>
      %dma_start3A_323 = arith.constant 0 : i32
      %dma_start3A_324 = arith.constant 0 : i32
      %dma_start3A_325 = tpu.memref_slice %arg2[%dma_start3A_323, %dma_start3A_324] : memref<10112x128xf32, #tpu.memory_space<hbm>> -> memref<10112x128xf32, #tpu.memory_space<hbm>>
      tpu.enqueue_indirect_dma source(%dma_start3A_325 : memref<10112x128xf32, #tpu.memory_space<hbm>>) target(%arg9 : memref<96x128xf32, #tpu.memory_space<vmem>>) offsets(%dma_start3A_322 : memref<96xi32, #tpu.memory_space<vmem>>) semaphore(%arg16 : memref<!tpu.dma_semaphore, #tpu.memory_space<semaphore_mem>>)
      %add3A_326 = arith.constant 6 : i32
      %add3A_327 = arith.addi %mul3A_179, %add3A_326 : i32
      %add3A_328 = arith.addi %add3A_38, %add3A_327 : i32
      %min3A_329 = arith.minsi %add3A_328, %sub3A_42 : i32
      %dma_start3A_330 = arith.constant 0 : i32
      %dma_start3A_331 = arith.constant 0 : i32
      %dma_start3A_332 = tpu.memref_slice %arg3[%min3A_329, %dma_start3A_330, %dma_start3A_331] : memref<3392x2x96xi32, #tpu.memory_space<hbm>> -> memref<1x2x96xi32, #tpu.memory_space<hbm>>
      %dma_start3A_333 = tpu.memref_squeeze %dma_start3A_332 : memref<1x2x96xi32, #tpu.memory_space<hbm>> -> memref<2x96xi32, #tpu.memory_space<hbm>>
      %dma_start3A_334 = arith.constant 0 : i32
      %dma_start3A_335 = arith.constant 0 : i32
      %dma_start3A_336 = tpu.memref_slice %arg3[%min3A_329, %dma_start3A_334, %dma_start3A_335] : memref<3392x2x96xi32, #tpu.memory_space<hbm>> -> memref<1x2x96xi32, #tpu.memory_space<hbm>>
      %dma_start3A_337 = tpu.memref_squeeze %dma_start3A_336 : memref<1x2x96xi32, #tpu.memory_space<hbm>> -> memref<2x96xi32, #tpu.memory_space<hbm>>
      tpu.enqueue_dma source(%dma_start3A_337 : memref<2x96xi32, #tpu.memory_space<hbm>>) target(%arg7 : memref<2x96xi32, #tpu.memory_space<vmem>>) target_semaphore(%arg14 : memref<!tpu.dma_semaphore, #tpu.memory_space<semaphore_mem>>)
      %dma_wait3A_338 = arith.constant 1 : i32
      %dma_wait3A_339 = arith.constant 0 : i32
      %dma_wait3A_340 = tpu.memref_slice %arg8[%dma_wait3A_338, %dma_wait3A_339] : memref<2x96xi32, #tpu.memory_space<vmem>> -> memref<1x96xi32, #tpu.memory_space<vmem>>
      %dma_wait3A_341 = tpu.memref_squeeze %dma_wait3A_340 : memref<1x96xi32, #tpu.memory_space<vmem>> -> memref<96xi32, #tpu.memory_space<vmem>>
      %dma_wait3A_342 = arith.constant 0 : i32
      %dma_wait3A_343 = arith.constant 0 : i32
      %dma_wait3A_344 = tpu.memref_slice %arg11[%dma_wait3A_342, %dma_wait3A_343] : memref<10240x128xf32, #tpu.memory_space<vmem_shared>> -> memref<10240x128xf32, #tpu.memory_space<vmem_shared>>
      tpu.wait_indirect_dma semaphore(%arg19 : memref<!tpu.dma_semaphore, #tpu.memory_space<semaphore_mem>>) src(%arg10 : memref<96x128xf32, #tpu.memory_space<vmem>>) dst(%dma_wait3A_344 : memref<10240x128xf32, #tpu.memory_space<vmem_shared>>)
      %dma_wait3A_345 = arith.constant 0 : i32
      %dma_wait3A_346 = arith.constant 0 : i32
      %dma_wait3A_347 = tpu.memref_slice %arg3[%add3A_38, %dma_wait3A_345, %dma_wait3A_346] : memref<3392x2x96xi32, #tpu.memory_space<hbm>> -> memref<1x2x96xi32, #tpu.memory_space<hbm>>
      %dma_wait3A_348 = tpu.memref_squeeze %dma_wait3A_347 : memref<1x2x96xi32, #tpu.memory_space<hbm>> -> memref<2x96xi32, #tpu.memory_space<hbm>>
      %dma_wait3A_349 = arith.constant 0 : i32
      %dma_wait3A_350 = arith.constant 0 : i32
      %dma_wait3A_351 = tpu.memref_slice %arg3[%add3A_38, %dma_wait3A_349, %dma_wait3A_350] : memref<3392x2x96xi32, #tpu.memory_space<hbm>> -> memref<1x2x96xi32, #tpu.memory_space<hbm>>
      %dma_wait3A_352 = tpu.memref_squeeze %dma_wait3A_351 : memref<1x2x96xi32, #tpu.memory_space<hbm>> -> memref<2x96xi32, #tpu.memory_space<hbm>>
      tpu.wait_dma2 semaphore(%arg13 : memref<!tpu.dma_semaphore, #tpu.memory_space<semaphore_mem>>) src(%dma_wait3A_352 : memref<2x96xi32, #tpu.memory_space<hbm>>) dst(%arg6 : memref<2x96xi32, #tpu.memory_space<vmem>>)
      %dma_start3A_353 = arith.constant 0 : i32
      %dma_start3A_354 = arith.constant 0 : i32
      %dma_start3A_355 = tpu.memref_slice %arg6[%dma_start3A_353, %dma_start3A_354] : memref<2x96xi32, #tpu.memory_space<vmem>> -> memref<1x96xi32, #tpu.memory_space<vmem>>
      %dma_start3A_356 = tpu.memref_squeeze %dma_start3A_355 : memref<1x96xi32, #tpu.memory_space<vmem>> -> memref<96xi32, #tpu.memory_space<vmem>>
      %dma_start3A_357 = arith.constant 0 : i32
      %dma_start3A_358 = arith.constant 0 : i32
      %dma_start3A_359 = tpu.memref_slice %arg2[%dma_start3A_357, %dma_start3A_358] : memref<10112x128xf32, #tpu.memory_space<hbm>> -> memref<10112x128xf32, #tpu.memory_space<hbm>>
      tpu.enqueue_indirect_dma source(%dma_start3A_359 : memref<10112x128xf32, #tpu.memory_space<hbm>>) target(%arg10 : memref<96x128xf32, #tpu.memory_space<vmem>>) offsets(%dma_start3A_356 : memref<96xi32, #tpu.memory_space<vmem>>) semaphore(%arg17 : memref<!tpu.dma_semaphore, #tpu.memory_space<semaphore_mem>>)
      %add3A_360 = arith.constant 7 : i32
      %add3A_361 = arith.addi %mul3A_179, %add3A_360 : i32
      %add3A_362 = arith.addi %add3A_38, %add3A_361 : i32
      %min3A_363 = arith.minsi %add3A_362, %sub3A_42 : i32
      %dma_start3A_364 = arith.constant 0 : i32
      %dma_start3A_365 = arith.constant 0 : i32
      %dma_start3A_366 = tpu.memref_slice %arg3[%min3A_363, %dma_start3A_364, %dma_start3A_365] : memref<3392x2x96xi32, #tpu.memory_space<hbm>> -> memref<1x2x96xi32, #tpu.memory_space<hbm>>
      %dma_start3A_367 = tpu.memref_squeeze %dma_start3A_366 : memref<1x2x96xi32, #tpu.memory_space<hbm>> -> memref<2x96xi32, #tpu.memory_space<hbm>>
      %dma_start3A_368 = arith.constant 0 : i32
      %dma_start3A_369 = arith.constant 0 : i32
      %dma_start3A_370 = tpu.memref_slice %arg3[%min3A_363, %dma_start3A_368, %dma_start3A_369] : memref<3392x2x96xi32, #tpu.memory_space<hbm>> -> memref<1x2x96xi32, #tpu.memory_space<hbm>>
      %dma_start3A_371 = tpu.memref_squeeze %dma_start3A_370 : memref<1x2x96xi32, #tpu.memory_space<hbm>> -> memref<2x96xi32, #tpu.memory_space<hbm>>
      tpu.enqueue_dma source(%dma_start3A_371 : memref<2x96xi32, #tpu.memory_space<hbm>>) target(%arg8 : memref<2x96xi32, #tpu.memory_space<vmem>>) target_semaphore(%arg15 : memref<!tpu.dma_semaphore, #tpu.memory_space<semaphore_mem>>)
    }
    %while3A_141 = arith.constant 1 : i32
    scf.for %while3A_177 = %while3A_139 to %while3A_135 step %while3A_141  : i32 {
      %mul3A_178 = arith.constant 4 : i32
      %mul3A_179 = arith.muli %mul3A_178, %while3A_177 : i32
      %dma_wait3A_180 = arith.constant 0 : i32
      %dma_wait3A_181 = arith.constant 0 : i32
      %dma_wait3A_182 = tpu.memref_slice %arg5[%dma_wait3A_180, %dma_wait3A_181] : memref<2x96xi32, #tpu.memory_space<vmem>> -> memref<1x96xi32, #tpu.memory_space<vmem>>
      %dma_wait3A_183 = tpu.memref_squeeze %dma_wait3A_182 : memref<1x96xi32, #tpu.memory_space<vmem>> -> memref<96xi32, #tpu.memory_space<vmem>>
      %dma_wait3A_184 = arith.constant 0 : i32
      %dma_wait3A_185 = arith.constant 0 : i32
      %dma_wait3A_186 = tpu.memref_slice %arg2[%dma_wait3A_184, %dma_wait3A_185] : memref<10112x128xf32, #tpu.memory_space<hbm>> -> memref<10112x128xf32, #tpu.memory_space<hbm>>
      tpu.wait_indirect_dma semaphore(%arg16 : memref<!tpu.dma_semaphore, #tpu.memory_space<semaphore_mem>>) src(%dma_wait3A_186 : memref<10112x128xf32, #tpu.memory_space<hbm>>) dst(%arg9 : memref<96x128xf32, #tpu.memory_space<vmem>>)
      %dma_start3A_187 = arith.constant 1 : i32
      %dma_start3A_188 = arith.constant 0 : i32
      %dma_start3A_189 = tpu.memref_slice %arg5[%dma_start3A_187, %dma_start3A_188] : memref<2x96xi32, #tpu.memory_space<vmem>> -> memref<1x96xi32, #tpu.memory_space<vmem>>
      %dma_start3A_190 = tpu.memref_squeeze %dma_start3A_189 : memref<1x96xi32, #tpu.memory_space<vmem>> -> memref<96xi32, #tpu.memory_space<vmem>>
      %dma_start3A_191 = arith.constant 0 : i32
      %dma_start3A_192 = arith.constant 0 : i32
      %dma_start3A_193 = tpu.memref_slice %arg11[%dma_start3A_191, %dma_start3A_192] : memref<10240x128xf32, #tpu.memory_space<vmem_shared>> -> memref<10240x128xf32, #tpu.memory_space<vmem_shared>>
      tpu.enqueue_indirect_dma source(%arg9 : memref<96x128xf32, #tpu.memory_space<vmem>>) target(%dma_start3A_193 : memref<10240x128xf32, #tpu.memory_space<vmem_shared>>) offsets(%dma_start3A_190 : memref<96xi32, #tpu.memory_space<vmem>>) semaphore(%arg18 : memref<!tpu.dma_semaphore, #tpu.memory_space<semaphore_mem>>) {add = true}
      %dma_wait3A_194 = arith.constant 0 : i32
      %dma_wait3A_195 = arith.constant 0 : i32
      %dma_wait3A_196 = tpu.memref_slice %arg6[%dma_wait3A_194, %dma_wait3A_195] : memref<2x96xi32, #tpu.memory_space<vmem>> -> memref<1x96xi32, #tpu.memory_space<vmem>>
      %dma_wait3A_197 = tpu.memref_squeeze %dma_wait3A_196 : memref<1x96xi32, #tpu.memory_space<vmem>> -> memref<96xi32, #tpu.memory_space<vmem>>
      %dma_wait3A_198 = arith.constant 0 : i32
      %dma_wait3A_199 = arith.constant 0 : i32
      %dma_wait3A_200 = tpu.memref_slice %arg2[%dma_wait3A_198, %dma_wait3A_199] : memref<10112x128xf32, #tpu.memory_space<hbm>> -> memref<10112x128xf32, #tpu.memory_space<hbm>>
      tpu.wait_indirect_dma semaphore(%arg17 : memref<!tpu.dma_semaphore, #tpu.memory_space<semaphore_mem>>) src(%dma_wait3A_200 : memref<10112x128xf32, #tpu.memory_space<hbm>>) dst(%arg10 : memref<96x128xf32, #tpu.memory_space<vmem>>)
      %dma_start3A_201 = arith.constant 1 : i32
      %dma_start3A_202 = arith.constant 0 : i32
      %dma_start3A_203 = tpu.memref_slice %arg6[%dma_start3A_201, %dma_start3A_202] : memref<2x96xi32, #tpu.memory_space<vmem>> -> memref<1x96xi32, #tpu.memory_space<vmem>>
      %dma_start3A_204 = tpu.memref_squeeze %dma_start3A_203 : memref<1x96xi32, #tpu.memory_space<vmem>> -> memref<96xi32, #tpu.memory_space<vmem>>
      %dma_start3A_205 = arith.constant 0 : i32
      %dma_start3A_206 = arith.constant 0 : i32
      %dma_start3A_207 = tpu.memref_slice %arg11[%dma_start3A_205, %dma_start3A_206] : memref<10240x128xf32, #tpu.memory_space<vmem_shared>> -> memref<10240x128xf32, #tpu.memory_space<vmem_shared>>
      tpu.enqueue_indirect_dma source(%arg10 : memref<96x128xf32, #tpu.memory_space<vmem>>) target(%dma_start3A_207 : memref<10240x128xf32, #tpu.memory_space<vmem_shared>>) offsets(%dma_start3A_204 : memref<96xi32, #tpu.memory_space<vmem>>) semaphore(%arg19 : memref<!tpu.dma_semaphore, #tpu.memory_space<semaphore_mem>>) {add = true}
      %dma_wait3A_208 = arith.constant 1 : i32
      %dma_wait3A_209 = arith.constant 0 : i32
      %dma_wait3A_210 = tpu.memref_slice %arg5[%dma_wait3A_208, %dma_wait3A_209] : memref<2x96xi32, #tpu.memory_space<vmem>> -> memref<1x96xi32, #tpu.memory_space<vmem>>
      %dma_wait3A_211 = tpu.memref_squeeze %dma_wait3A_210 : memref<1x96xi32, #tpu.memory_space<vmem>> -> memref<96xi32, #tpu.memory_space<vmem>>
      %dma_wait3A_212 = arith.constant 0 : i32
      %dma_wait3A_213 = arith.constant 0 : i32
      %dma_wait3A_214 = tpu.memref_slice %arg11[%dma_wait3A_212, %dma_wait3A_213] : memref<10240x128xf32, #tpu.memory_space<vmem_shared>> -> memref<10240x128xf32, #tpu.memory_space<vmem_shared>>
      tpu.wait_indirect_dma semaphore(%arg18 : memref<!tpu.dma_semaphore, #tpu.memory_space<semaphore_mem>>) src(%arg9 : memref<96x128xf32, #tpu.memory_space<vmem>>) dst(%dma_wait3A_214 : memref<10240x128xf32, #tpu.memory_space<vmem_shared>>)
      %dma_wait3A_215 = arith.constant 0 : i32
      %dma_wait3A_216 = arith.constant 0 : i32
      %dma_wait3A_217 = tpu.memref_slice %arg3[%add3A_38, %dma_wait3A_215, %dma_wait3A_216] : memref<3392x2x96xi32, #tpu.memory_space<hbm>> -> memref<1x2x96xi32, #tpu.memory_space<hbm>>
      %dma_wait3A_218 = tpu.memref_squeeze %dma_wait3A_217 : memref<1x2x96xi32, #tpu.memory_space<hbm>> -> memref<2x96xi32, #tpu.memory_space<hbm>>
      %dma_wait3A_219 = arith.constant 0 : i32
      %dma_wait3A_220 = arith.constant 0 : i32
      %dma_wait3A_221 = tpu.memref_slice %arg3[%add3A_38, %dma_wait3A_219, %dma_wait3A_220] : memref<3392x2x96xi32, #tpu.memory_space<hbm>> -> memref<1x2x96xi32, #tpu.memory_space<hbm>>
      %dma_wait3A_222 = tpu.memref_squeeze %dma_wait3A_221 : memref<1x2x96xi32, #tpu.memory_space<hbm>> -> memref<2x96xi32, #tpu.memory_space<hbm>>
      tpu.wait_dma2 semaphore(%arg14 : memref<!tpu.dma_semaphore, #tpu.memory_space<semaphore_mem>>) src(%dma_wait3A_222 : memref<2x96xi32, #tpu.memory_space<hbm>>) dst(%arg7 : memref<2x96xi32, #tpu.memory_space<vmem>>)
      %dma_start3A_223 = arith.constant 0 : i32
      %dma_start3A_224 = arith.constant 0 : i32
      %dma_start3A_225 = tpu.memref_slice %arg7[%dma_start3A_223, %dma_start3A_224] : memref<2x96xi32, #tpu.memory_space<vmem>> -> memref<1x96xi32, #tpu.memory_space<vmem>>
      %dma_start3A_226 = tpu.memref_squeeze %dma_start3A_225 : memref<1x96xi32, #tpu.memory_space<vmem>> -> memref<96xi32, #tpu.memory_space<vmem>>
      %dma_start3A_227 = arith.constant 0 : i32
      %dma_start3A_228 = arith.constant 0 : i32
      %dma_start3A_229 = tpu.memref_slice %arg2[%dma_start3A_227, %dma_start3A_228] : memref<10112x128xf32, #tpu.memory_space<hbm>> -> memref<10112x128xf32, #tpu.memory_space<hbm>>
      tpu.enqueue_indirect_dma source(%dma_start3A_229 : memref<10112x128xf32, #tpu.memory_space<hbm>>) target(%arg9 : memref<96x128xf32, #tpu.memory_space<vmem>>) offsets(%dma_start3A_226 : memref<96xi32, #tpu.memory_space<vmem>>) semaphore(%arg16 : memref<!tpu.dma_semaphore, #tpu.memory_space<semaphore_mem>>)
      %add3A_230 = arith.constant 4 : i32
      %add3A_231 = arith.addi %mul3A_179, %add3A_230 : i32
      %add3A_232 = arith.addi %add3A_38, %add3A_231 : i32
      %min3A_233 = arith.minsi %add3A_232, %sub3A_42 : i32
      %dma_start3A_234 = arith.constant 0 : i32
      %dma_start3A_235 = arith.constant 0 : i32
      %dma_start3A_236 = tpu.memref_slice %arg3[%min3A_233, %dma_start3A_234, %dma_start3A_235] : memref<3392x2x96xi32, #tpu.memory_space<hbm>> -> memref<1x2x96xi32, #tpu.memory_space<hbm>>
      %dma_start3A_237 = tpu.memref_squeeze %dma_start3A_236 : memref<1x2x96xi32, #tpu.memory_space<hbm>> -> memref<2x96xi32, #tpu.memory_space<hbm>>
      %dma_start3A_238 = arith.constant 0 : i32
      %dma_start3A_239 = arith.constant 0 : i32
      %dma_start3A_240 = tpu.memref_slice %arg3[%min3A_233, %dma_start3A_238, %dma_start3A_239] : memref<3392x2x96xi32, #tpu.memory_space<hbm>> -> memref<1x2x96xi32, #tpu.memory_space<hbm>>
      %dma_start3A_241 = tpu.memref_squeeze %dma_start3A_240 : memref<1x2x96xi32, #tpu.memory_space<hbm>> -> memref<2x96xi32, #tpu.memory_space<hbm>>
      tpu.enqueue_dma source(%dma_start3A_241 : memref<2x96xi32, #tpu.memory_space<hbm>>) target(%arg5 : memref<2x96xi32, #tpu.memory_space<vmem>>) target_semaphore(%arg12 : memref<!tpu.dma_semaphore, #tpu.memory_space<semaphore_mem>>)
      %dma_wait3A_242 = arith.constant 1 : i32
      %dma_wait3A_243 = arith.constant 0 : i32
      %dma_wait3A_244 = tpu.memref_slice %arg6[%dma_wait3A_242, %dma_wait3A_243] : memref<2x96xi32, #tpu.memory_space<vmem>> -> memref<1x96xi32, #tpu.memory_space<vmem>>
      %dma_wait3A_245 = tpu.memref_squeeze %dma_wait3A_244 : memref<1x96xi32, #tpu.memory_space<vmem>> -> memref<96xi32, #tpu.memory_space<vmem>>
      %dma_wait3A_246 = arith.constant 0 : i32
      %dma_wait3A_247 = arith.constant 0 : i32
      %dma_wait3A_248 = tpu.memref_slice %arg11[%dma_wait3A_246, %dma_wait3A_247] : memref<10240x128xf32, #tpu.memory_space<vmem_shared>> -> memref<10240x128xf32, #tpu.memory_space<vmem_shared>>
      tpu.wait_indirect_dma semaphore(%arg19 : memref<!tpu.dma_semaphore, #tpu.memory_space<semaphore_mem>>) src(%arg10 : memref<96x128xf32, #tpu.memory_space<vmem>>) dst(%dma_wait3A_248 : memref<10240x128xf32, #tpu.memory_space<vmem_shared>>)
      %dma_wait3A_249 = arith.constant 0 : i32
      %dma_wait3A_250 = arith.constant 0 : i32
      %dma_wait3A_251 = tpu.memref_slice %arg3[%add3A_38, %dma_wait3A_249, %dma_wait3A_250] : memref<3392x2x96xi32, #tpu.memory_space<hbm>> -> memref<1x2x96xi32, #tpu.memory_space<hbm>>
      %dma_wait3A_252 = tpu.memref_squeeze %dma_wait3A_251 : memref<1x2x96xi32, #tpu.memory_space<hbm>> -> memref<2x96xi32, #tpu.memory_space<hbm>>
      %dma_wait3A_253 = arith.constant 0 : i32
      %dma_wait3A_254 = arith.constant 0 : i32
      %dma_wait3A_255 = tpu.memref_slice %arg3[%add3A_38, %dma_wait3A_253, %dma_wait3A_254] : memref<3392x2x96xi32, #tpu.memory_space<hbm>> -> memref<1x2x96xi32, #tpu.memory_space<hbm>>
      %dma_wait3A_256 = tpu.memref_squeeze %dma_wait3A_255 : memref<1x2x96xi32, #tpu.memory_space<hbm>> -> memref<2x96xi32, #tpu.memory_space<hbm>>
      tpu.wait_dma2 semaphore(%arg15 : memref<!tpu.dma_semaphore, #tpu.memory_space<semaphore_mem>>) src(%dma_wait3A_256 : memref<2x96xi32, #tpu.memory_space<hbm>>) dst(%arg8 : memref<2x96xi32, #tpu.memory_space<vmem>>)
      %dma_start3A_257 = arith.constant 0 : i32
      %dma_start3A_258 = arith.constant 0 : i32
      %dma_start3A_259 = tpu.memref_slice %arg8[%dma_start3A_257, %dma_start3A_258] : memref<2x96xi32, #tpu.memory_space<vmem>> -> memref<1x96xi32, #tpu.memory_space<vmem>>
      %dma_start3A_260 = tpu.memref_squeeze %dma_start3A_259 : memref<1x96xi32, #tpu.memory_space<vmem>> -> memref<96xi32, #tpu.memory_space<vmem>>
      %dma_start3A_261 = arith.constant 0 : i32
      %dma_start3A_262 = arith.constant 0 : i32
      %dma_start3A_263 = tpu.memref_slice %arg2[%dma_start3A_261, %dma_start3A_262] : memref<10112x128xf32, #tpu.memory_space<hbm>> -> memref<10112x128xf32, #tpu.memory_space<hbm>>
      tpu.enqueue_indirect_dma source(%dma_start3A_263 : memref<10112x128xf32, #tpu.memory_space<hbm>>) target(%arg10 : memref<96x128xf32, #tpu.memory_space<vmem>>) offsets(%dma_start3A_260 : memref<96xi32, #tpu.memory_space<vmem>>) semaphore(%arg17 : memref<!tpu.dma_semaphore, #tpu.memory_space<semaphore_mem>>)
      %add3A_264 = arith.constant 5 : i32
      %add3A_265 = arith.addi %mul3A_179, %add3A_264 : i32
      %add3A_266 = arith.addi %add3A_38, %add3A_265 : i32
      %min3A_267 = arith.minsi %add3A_266, %sub3A_42 : i32
      %dma_start3A_268 = arith.constant 0 : i32
      %dma_start3A_269 = arith.constant 0 : i32
      %dma_start3A_270 = tpu.memref_slice %arg3[%min3A_267, %dma_start3A_268, %dma_start3A_269] : memref<3392x2x96xi32, #tpu.memory_space<hbm>> -> memref<1x2x96xi32, #tpu.memory_space<hbm>>
      %dma_start3A_271 = tpu.memref_squeeze %dma_start3A_270 : memref<1x2x96xi32, #tpu.memory_space<hbm>> -> memref<2x96xi32, #tpu.memory_space<hbm>>
      %dma_start3A_272 = arith.constant 0 : i32
      %dma_start3A_273 = arith.constant 0 : i32
      %dma_start3A_274 = tpu.memref_slice %arg3[%min3A_267, %dma_start3A_272, %dma_start3A_273] : memref<3392x2x96xi32, #tpu.memory_space<hbm>> -> memref<1x2x96xi32, #tpu.memory_space<hbm>>
      %dma_start3A_275 = tpu.memref_squeeze %dma_start3A_274 : memref<1x2x96xi32, #tpu.memory_space<hbm>> -> memref<2x96xi32, #tpu.memory_space<hbm>>
      tpu.enqueue_dma source(%dma_start3A_275 : memref<2x96xi32, #tpu.memory_space<hbm>>) target(%arg6 : memref<2x96xi32, #tpu.memory_space<vmem>>) target_semaphore(%arg13 : memref<!tpu.dma_semaphore, #tpu.memory_space<semaphore_mem>>)
      %dma_wait3A_276 = arith.constant 0 : i32
      %dma_wait3A_277 = arith.constant 0 : i32
      %dma_wait3A_278 = tpu.memref_slice %arg7[%dma_wait3A_276, %dma_wait3A_277] : memref<2x96xi32, #tpu.memory_space<vmem>> -> memref<1x96xi32, #tpu.memory_space<vmem>>
      %dma_wait3A_279 = tpu.memref_squeeze %dma_wait3A_278 : memref<1x96xi32, #tpu.memory_space<vmem>> -> memref<96xi32, #tpu.memory_space<vmem>>
      %dma_wait3A_280 = arith.constant 0 : i32
      %dma_wait3A_281 = arith.constant 0 : i32
      %dma_wait3A_282 = tpu.memref_slice %arg2[%dma_wait3A_280, %dma_wait3A_281] : memref<10112x128xf32, #tpu.memory_space<hbm>> -> memref<10112x128xf32, #tpu.memory_space<hbm>>
      tpu.wait_indirect_dma semaphore(%arg16 : memref<!tpu.dma_semaphore, #tpu.memory_space<semaphore_mem>>) src(%dma_wait3A_282 : memref<10112x128xf32, #tpu.memory_space<hbm>>) dst(%arg9 : memref<96x128xf32, #tpu.memory_space<vmem>>)
      %dma_start3A_283 = arith.constant 1 : i32
      %dma_start3A_284 = arith.constant 0 : i32
      %dma_start3A_285 = tpu.memref_slice %arg7[%dma_start3A_283, %dma_start3A_284] : memref<2x96xi32, #tpu.memory_space<vmem>> -> memref<1x96xi32, #tpu.memory_space<vmem>>
      %dma_start3A_286 = tpu.memref_squeeze %dma_start3A_285 : memref<1x96xi32, #tpu.memory_space<vmem>> -> memref<96xi32, #tpu.memory_space<vmem>>
      %dma_start3A_287 = arith.constant 0 : i32
      %dma_start3A_288 = arith.constant 0 : i32
      %dma_start3A_289 = tpu.memref_slice %arg11[%dma_start3A_287, %dma_start3A_288] : memref<10240x128xf32, #tpu.memory_space<vmem_shared>> -> memref<10240x128xf32, #tpu.memory_space<vmem_shared>>
      tpu.enqueue_indirect_dma source(%arg9 : memref<96x128xf32, #tpu.memory_space<vmem>>) target(%dma_start3A_289 : memref<10240x128xf32, #tpu.memory_space<vmem_shared>>) offsets(%dma_start3A_286 : memref<96xi32, #tpu.memory_space<vmem>>) semaphore(%arg18 : memref<!tpu.dma_semaphore, #tpu.memory_space<semaphore_mem>>) {add = true}
      %dma_wait3A_290 = arith.constant 0 : i32
      %dma_wait3A_291 = arith.constant 0 : i32
      %dma_wait3A_292 = tpu.memref_slice %arg8[%dma_wait3A_290, %dma_wait3A_291] : memref<2x96xi32, #tpu.memory_space<vmem>> -> memref<1x96xi32, #tpu.memory_space<vmem>>
      %dma_wait3A_293 = tpu.memref_squeeze %dma_wait3A_292 : memref<1x96xi32, #tpu.memory_space<vmem>> -> memref<96xi32, #tpu.memory_space<vmem>>
      %dma_wait3A_294 = arith.constant 0 : i32
      %dma_wait3A_295 = arith.constant 0 : i32
      %dma_wait3A_296 = tpu.memref_slice %arg2[%dma_wait3A_294, %dma_wait3A_295] : memref<10112x128xf32, #tpu.memory_space<hbm>> -> memref<10112x128xf32, #tpu.memory_space<hbm>>
      tpu.wait_indirect_dma semaphore(%arg17 : memref<!tpu.dma_semaphore, #tpu.memory_space<semaphore_mem>>) src(%dma_wait3A_296 : memref<10112x128xf32, #tpu.memory_space<hbm>>) dst(%arg10 : memref<96x128xf32, #tpu.memory_space<vmem>>)
      %dma_start3A_297 = arith.constant 1 : i32
      %dma_start3A_298 = arith.constant 0 : i32
      %dma_start3A_299 = tpu.memref_slice %arg8[%dma_start3A_297, %dma_start3A_298] : memref<2x96xi32, #tpu.memory_space<vmem>> -> memref<1x96xi32, #tpu.memory_space<vmem>>
      %dma_start3A_300 = tpu.memref_squeeze %dma_start3A_299 : memref<1x96xi32, #tpu.memory_space<vmem>> -> memref<96xi32, #tpu.memory_space<vmem>>
      %dma_start3A_301 = arith.constant 0 : i32
      %dma_start3A_302 = arith.constant 0 : i32
      %dma_start3A_303 = tpu.memref_slice %arg11[%dma_start3A_301, %dma_start3A_302] : memref<10240x128xf32, #tpu.memory_space<vmem_shared>> -> memref<10240x128xf32, #tpu.memory_space<vmem_shared>>
      tpu.enqueue_indirect_dma source(%arg10 : memref<96x128xf32, #tpu.memory_space<vmem>>) target(%dma_start3A_303 : memref<10240x128xf32, #tpu.memory_space<vmem_shared>>) offsets(%dma_start3A_300 : memref<96xi32, #tpu.memory_space<vmem>>) semaphore(%arg19 : memref<!tpu.dma_semaphore, #tpu.memory_space<semaphore_mem>>) {add = true}
      %dma_wait3A_304 = arith.constant 1 : i32
      %dma_wait3A_305 = arith.constant 0 : i32
      %dma_wait3A_306 = tpu.memref_slice %arg7[%dma_wait3A_304, %dma_wait3A_305] : memref<2x96xi32, #tpu.memory_space<vmem>> -> memref<1x96xi32, #tpu.memory_space<vmem>>
      %dma_wait3A_307 = tpu.memref_squeeze %dma_wait3A_306 : memref<1x96xi32, #tpu.memory_space<vmem>> -> memref<96xi32, #tpu.memory_space<vmem>>
      %dma_wait3A_308 = arith.constant 0 : i32
      %dma_wait3A_309 = arith.constant 0 : i32
      %dma_wait3A_310 = tpu.memref_slice %arg11[%dma_wait3A_308, %dma_wait3A_309] : memref<10240x128xf32, #tpu.memory_space<vmem_shared>> -> memref<10240x128xf32, #tpu.memory_space<vmem_shared>>
      tpu.wait_indirect_dma semaphore(%arg18 : memref<!tpu.dma_semaphore, #tpu.memory_space<semaphore_mem>>) src(%arg9 : memref<96x128xf32, #tpu.memory_space<vmem>>) dst(%dma_wait3A_310 : memref<10240x128xf32, #tpu.memory_space<vmem_shared>>)
      %dma_wait3A_311 = arith.constant 0 : i32
      %dma_wait3A_312 = arith.constant 0 : i32
      %dma_wait3A_313 = tpu.memref_slice %arg3[%add3A_38, %dma_wait3A_311, %dma_wait3A_312] : memref<3392x2x96xi32, #tpu.memory_space<hbm>> -> memref<1x2x96xi32, #tpu.memory_space<hbm>>
      %dma_wait3A_314 = tpu.memref_squeeze %dma_wait3A_313 : memref<1x2x96xi32, #tpu.memory_space<hbm>> -> memref<2x96xi32, #tpu.memory_space<hbm>>
      %dma_wait3A_315 = arith.constant 0 : i32
      %dma_wait3A_316 = arith.constant 0 : i32
      %dma_wait3A_317 = tpu.memref_slice %arg3[%add3A_38, %dma_wait3A_315, %dma_wait3A_316] : memref<3392x2x96xi32, #tpu.memory_space<hbm>> -> memref<1x2x96xi32, #tpu.memory_space<hbm>>
      %dma_wait3A_318 = tpu.memref_squeeze %dma_wait3A_317 : memref<1x2x96xi32, #tpu.memory_space<hbm>> -> memref<2x96xi32, #tpu.memory_space<hbm>>
      tpu.wait_dma2 semaphore(%arg12 : memref<!tpu.dma_semaphore, #tpu.memory_space<semaphore_mem>>) src(%dma_wait3A_318 : memref<2x96xi32, #tpu.memory_space<hbm>>) dst(%arg5 : memref<2x96xi32, #tpu.memory_space<vmem>>)
      %dma_start3A_319 = arith.constant 0 : i32
      %dma_start3A_320 = arith.constant 0 : i32
      %dma_start3A_321 = tpu.memref_slice %arg5[%dma_start3A_319, %dma_start3A_320] : memref<2x96xi32, #tpu.memory_space<vmem>> -> memref<1x96xi32, #tpu.memory_space<vmem>>
      %dma_start3A_322 = tpu.memref_squeeze %dma_start3A_321 : memref<1x96xi32, #tpu.memory_space<vmem>> -> memref<96xi32, #tpu.memory_space<vmem>>
      %dma_start3A_323 = arith.constant 0 : i32
      %dma_start3A_324 = arith.constant 0 : i32
      %dma_start3A_325 = tpu.memref_slice %arg2[%dma_start3A_323, %dma_start3A_324] : memref<10112x128xf32, #tpu.memory_space<hbm>> -> memref<10112x128xf32, #tpu.memory_space<hbm>>
      tpu.enqueue_indirect_dma source(%dma_start3A_325 : memref<10112x128xf32, #tpu.memory_space<hbm>>) target(%arg9 : memref<96x128xf32, #tpu.memory_space<vmem>>) offsets(%dma_start3A_322 : memref<96xi32, #tpu.memory_space<vmem>>) semaphore(%arg16 : memref<!tpu.dma_semaphore, #tpu.memory_space<semaphore_mem>>)
      %add3A_326 = arith.constant 6 : i32
      %add3A_327 = arith.addi %mul3A_179, %add3A_326 : i32
      %add3A_328 = arith.addi %add3A_38, %add3A_327 : i32
      %min3A_329 = arith.minsi %add3A_328, %sub3A_42 : i32
      %dma_start3A_330 = arith.constant 0 : i32
      %dma_start3A_331 = arith.constant 0 : i32
      %dma_start3A_332 = tpu.memref_slice %arg3[%min3A_329, %dma_start3A_330, %dma_start3A_331] : memref<3392x2x96xi32, #tpu.memory_space<hbm>> -> memref<1x2x96xi32, #tpu.memory_space<hbm>>
      %dma_start3A_333 = tpu.memref_squeeze %dma_start3A_332 : memref<1x2x96xi32, #tpu.memory_space<hbm>> -> memref<2x96xi32, #tpu.memory_space<hbm>>
      %dma_start3A_334 = arith.constant 0 : i32
      %dma_start3A_335 = arith.constant 0 : i32
      %dma_start3A_336 = tpu.memref_slice %arg3[%min3A_329, %dma_start3A_334, %dma_start3A_335] : memref<3392x2x96xi32, #tpu.memory_space<hbm>> -> memref<1x2x96xi32, #tpu.memory_space<hbm>>
      %dma_start3A_337 = tpu.memref_squeeze %dma_start3A_336 : memref<1x2x96xi32, #tpu.memory_space<hbm>> -> memref<2x96xi32, #tpu.memory_space<hbm>>
      tpu.enqueue_dma source(%dma_start3A_337 : memref<2x96xi32, #tpu.memory_space<hbm>>) target(%arg7 : memref<2x96xi32, #tpu.memory_space<vmem>>) target_semaphore(%arg14 : memref<!tpu.dma_semaphore, #tpu.memory_space<semaphore_mem>>)
      %dma_wait3A_338 = arith.constant 1 : i32
      %dma_wait3A_339 = arith.constant 0 : i32
      %dma_wait3A_340 = tpu.memref_slice %arg8[%dma_wait3A_338, %dma_wait3A_339] : memref<2x96xi32, #tpu.memory_space<vmem>> -> memref<1x96xi32, #tpu.memory_space<vmem>>
      %dma_wait3A_341 = tpu.memref_squeeze %dma_wait3A_340 : memref<1x96xi32, #tpu.memory_space<vmem>> -> memref<96xi32, #tpu.memory_space<vmem>>
      %dma_wait3A_342 = arith.constant 0 : i32
      %dma_wait3A_343 = arith.constant 0 : i32
      %dma_wait3A_344 = tpu.memref_slice %arg11[%dma_wait3A_342, %dma_wait3A_343] : memref<10240x128xf32, #tpu.memory_space<vmem_shared>> -> memref<10240x128xf32, #tpu.memory_space<vmem_shared>>
      tpu.wait_indirect_dma semaphore(%arg19 : memref<!tpu.dma_semaphore, #tpu.memory_space<semaphore_mem>>) src(%arg10 : memref<96x128xf32, #tpu.memory_space<vmem>>) dst(%dma_wait3A_344 : memref<10240x128xf32, #tpu.memory_space<vmem_shared>>)
      %dma_wait3A_345 = arith.constant 0 : i32
      %dma_wait3A_346 = arith.constant 0 : i32
      %dma_wait3A_347 = tpu.memref_slice %arg3[%add3A_38, %dma_wait3A_345, %dma_wait3A_346] : memref<3392x2x96xi32, #tpu.memory_space<hbm>> -> memref<1x2x96xi32, #tpu.memory_space<hbm>>
      %dma_wait3A_348 = tpu.memref_squeeze %dma_wait3A_347 : memref<1x2x96xi32, #tpu.memory_space<hbm>> -> memref<2x96xi32, #tpu.memory_space<hbm>>
      %dma_wait3A_349 = arith.constant 0 : i32
      %dma_wait3A_350 = arith.constant 0 : i32
      %dma_wait3A_351 = tpu.memref_slice %arg3[%add3A_38, %dma_wait3A_349, %dma_wait3A_350] : memref<3392x2x96xi32, #tpu.memory_space<hbm>> -> memref<1x2x96xi32, #tpu.memory_space<hbm>>
      %dma_wait3A_352 = tpu.memref_squeeze %dma_wait3A_351 : memref<1x2x96xi32, #tpu.memory_space<hbm>> -> memref<2x96xi32, #tpu.memory_space<hbm>>
      tpu.wait_dma2 semaphore(%arg13 : memref<!tpu.dma_semaphore, #tpu.memory_space<semaphore_mem>>) src(%dma_wait3A_352 : memref<2x96xi32, #tpu.memory_space<hbm>>) dst(%arg6 : memref<2x96xi32, #tpu.memory_space<vmem>>)
      %dma_start3A_353 = arith.constant 0 : i32
      %dma_start3A_354 = arith.constant 0 : i32
      %dma_start3A_355 = tpu.memref_slice %arg6[%dma_start3A_353, %dma_start3A_354] : memref<2x96xi32, #tpu.memory_space<vmem>> -> memref<1x96xi32, #tpu.memory_space<vmem>>
      %dma_start3A_356 = tpu.memref_squeeze %dma_start3A_355 : memref<1x96xi32, #tpu.memory_space<vmem>> -> memref<96xi32, #tpu.memory_space<vmem>>
      %dma_start3A_357 = arith.constant 0 : i32
      %dma_start3A_358 = arith.constant 0 : i32
      %dma_start3A_359 = tpu.memref_slice %arg2[%dma_start3A_357, %dma_start3A_358] : memref<10112x128xf32, #tpu.memory_space<hbm>> -> memref<10112x128xf32, #tpu.memory_space<hbm>>
      tpu.enqueue_indirect_dma source(%dma_start3A_359 : memref<10112x128xf32, #tpu.memory_space<hbm>>) target(%arg10 : memref<96x128xf32, #tpu.memory_space<vmem>>) offsets(%dma_start3A_356 : memref<96xi32, #tpu.memory_space<vmem>>) semaphore(%arg17 : memref<!tpu.dma_semaphore, #tpu.memory_space<semaphore_mem>>)
      %add3A_360 = arith.constant 7 : i32
      %add3A_361 = arith.addi %mul3A_179, %add3A_360 : i32
      %add3A_362 = arith.addi %add3A_38, %add3A_361 : i32
      %min3A_363 = arith.minsi %add3A_362, %sub3A_42 : i32
      %dma_start3A_364 = arith.constant 0 : i32
      %dma_start3A_365 = arith.constant 0 : i32
      %dma_start3A_366 = tpu.memref_slice %arg3[%min3A_363, %dma_start3A_364, %dma_start3A_365] : memref<3392x2x96xi32, #tpu.memory_space<hbm>> -> memref<1x2x96xi32, #tpu.memory_space<hbm>>
      %dma_start3A_367 = tpu.memref_squeeze %dma_start3A_366 : memref<1x2x96xi32, #tpu.memory_space<hbm>> -> memref<2x96xi32, #tpu.memory_space<hbm>>
      %dma_start3A_368 = arith.constant 0 : i32
      %dma_start3A_369 = arith.constant 0 : i32
      %dma_start3A_370 = tpu.memref_slice %arg3[%min3A_363, %dma_start3A_368, %dma_start3A_369] : memref<3392x2x96xi32, #tpu.memory_space<hbm>> -> memref<1x2x96xi32, #tpu.memory_space<hbm>>
      %dma_start3A_371 = tpu.memref_squeeze %dma_start3A_370 : memref<1x2x96xi32, #tpu.memory_space<hbm>> -> memref<2x96xi32, #tpu.memory_space<hbm>>
      tpu.enqueue_dma source(%dma_start3A_371 : memref<2x96xi32, #tpu.memory_space<hbm>>) target(%arg8 : memref<2x96xi32, #tpu.memory_space<vmem>>) target_semaphore(%arg15 : memref<!tpu.dma_semaphore, #tpu.memory_space<semaphore_mem>>)
    }
    %dma_wait3A_142 = arith.constant 0 : i32
    %dma_wait3A_143 = arith.constant 0 : i32
    %dma_wait3A_144 = tpu.memref_slice %arg5[%dma_wait3A_142, %dma_wait3A_143] : memref<2x96xi32, #tpu.memory_space<vmem>> -> memref<1x96xi32, #tpu.memory_space<vmem>>
    %dma_wait3A_145 = tpu.memref_squeeze %dma_wait3A_144 : memref<1x96xi32, #tpu.memory_space<vmem>> -> memref<96xi32, #tpu.memory_space<vmem>>
    %dma_wait3A_146 = arith.constant 0 : i32
    %dma_wait3A_147 = arith.constant 0 : i32
    %dma_wait3A_148 = tpu.memref_slice %arg2[%dma_wait3A_146, %dma_wait3A_147] : memref<10112x128xf32, #tpu.memory_space<hbm>> -> memref<10112x128xf32, #tpu.memory_space<hbm>>
    tpu.wait_indirect_dma semaphore(%arg16 : memref<!tpu.dma_semaphore, #tpu.memory_space<semaphore_mem>>) src(%dma_wait3A_148 : memref<10112x128xf32, #tpu.memory_space<hbm>>) dst(%arg9 : memref<96x128xf32, #tpu.memory_space<vmem>>)
    %dma_wait3A_149 = arith.constant 0 : i32
    %dma_wait3A_150 = arith.constant 0 : i32
    %dma_wait3A_151 = tpu.memref_slice %arg6[%dma_wait3A_149, %dma_wait3A_150] : memref<2x96xi32, #tpu.memory_space<vmem>> -> memref<1x96xi32, #tpu.memory_space<vmem>>
    %dma_wait3A_152 = tpu.memref_squeeze %dma_wait3A_151 : memref<1x96xi32, #tpu.memory_space<vmem>> -> memref<96xi32, #tpu.memory_space<vmem>>
    %dma_wait3A_153 = arith.constant 0 : i32
    %dma_wait3A_154 = arith.constant 0 : i32
    %dma_wait3A_155 = tpu.memref_slice %arg2[%dma_wait3A_153, %dma_wait3A_154] : memref<10112x128xf32, #tpu.memory_space<hbm>> -> memref<10112x128xf32, #tpu.memory_space<hbm>>
    tpu.wait_indirect_dma semaphore(%arg17 : memref<!tpu.dma_semaphore, #tpu.memory_space<semaphore_mem>>) src(%dma_wait3A_155 : memref<10112x128xf32, #tpu.memory_space<hbm>>) dst(%arg10 : memref<96x128xf32, #tpu.memory_space<vmem>>)
    %dma_wait3A_156 = arith.constant 0 : i32
    %dma_wait3A_157 = arith.constant 0 : i32
    %dma_wait3A_158 = tpu.memref_slice %arg3[%add3A_38, %dma_wait3A_156, %dma_wait3A_157] : memref<3392x2x96xi32, #tpu.memory_space<hbm>> -> memref<1x2x96xi32, #tpu.memory_space<hbm>>
    %dma_wait3A_159 = tpu.memref_squeeze %dma_wait3A_158 : memref<1x2x96xi32, #tpu.memory_space<hbm>> -> memref<2x96xi32, #tpu.memory_space<hbm>>
    %dma_wait3A_160 = arith.constant 0 : i32
    %dma_wait3A_161 = arith.constant 0 : i32
    %dma_wait3A_162 = tpu.memref_slice %arg3[%add3A_38, %dma_wait3A_160, %dma_wait3A_161] : memref<3392x2x96xi32, #tpu.memory_space<hbm>> -> memref<1x2x96xi32, #tpu.memory_space<hbm>>
    %dma_wait3A_163 = tpu.memref_squeeze %dma_wait3A_162 : memref<1x2x96xi32, #tpu.memory_space<hbm>> -> memref<2x96xi32, #tpu.memory_space<hbm>>
    tpu.wait_dma2 semaphore(%arg14 : memref<!tpu.dma_semaphore, #tpu.memory_space<semaphore_mem>>) src(%dma_wait3A_163 : memref<2x96xi32, #tpu.memory_space<hbm>>) dst(%arg7 : memref<2x96xi32, #tpu.memory_space<vmem>>)
    %dma_wait3A_164 = arith.constant 0 : i32
    %dma_wait3A_165 = arith.constant 0 : i32
    %dma_wait3A_166 = tpu.memref_slice %arg3[%add3A_38, %dma_wait3A_164, %dma_wait3A_165] : memref<3392x2x96xi32, #tpu.memory_space<hbm>> -> memref<1x2x96xi32, #tpu.memory_space<hbm>>
    %dma_wait3A_167 = tpu.memref_squeeze %dma_wait3A_166 : memref<1x2x96xi32, #tpu.memory_space<hbm>> -> memref<2x96xi32, #tpu.memory_space<hbm>>
    %dma_wait3A_168 = arith.constant 0 : i32
    %dma_wait3A_169 = arith.constant 0 : i32
    %dma_wait3A_170 = tpu.memref_slice %arg3[%add3A_38, %dma_wait3A_168, %dma_wait3A_169] : memref<3392x2x96xi32, #tpu.memory_space<hbm>> -> memref<1x2x96xi32, #tpu.memory_space<hbm>>
    %dma_wait3A_171 = tpu.memref_squeeze %dma_wait3A_170 : memref<1x2x96xi32, #tpu.memory_space<hbm>> -> memref<2x96xi32, #tpu.memory_space<hbm>>
    tpu.wait_dma2 semaphore(%arg15 : memref<!tpu.dma_semaphore, #tpu.memory_space<semaphore_mem>>) src(%dma_wait3A_171 : memref<2x96xi32, #tpu.memory_space<hbm>>) dst(%arg8 : memref<2x96xi32, #tpu.memory_space<vmem>>)
    %barrier3A_172 = arith.constant 0 : index
    tpu.barrier barrier_id(%barrier3A_172)
    %mul3A_173 = arith.constant 640 : i32
    %mul3A_174 = arith.muli %arg1, %mul3A_173 : i32
    %mul3A_175 = arith.constant 640 : i32
    %mul3A_176 = arith.muli %arg1, %mul3A_175 : i32
    "tpu.region"() ({
      %run_scoped3A = tpu.sem_alloc : memref<!tpu.dma_semaphore, #tpu.memory_space<semaphore_mem>>
      %dma_start3A_177 = arith.constant 0 : i32
      %dma_start3A_178 = tpu.memref_slice %arg4[%arg0, %mul3A_176, %dma_start3A_177] : memref<2x10240x128xf32, #tpu.memory_space<hbm>> -> memref<1x640x128xf32, #tpu.memory_space<hbm>>
      %dma_start3A_179 = tpu.memref_squeeze %dma_start3A_178 : memref<1x640x128xf32, #tpu.memory_space<hbm>> -> memref<640x128xf32, #tpu.memory_space<hbm>>
      %dma_start3A_180 = arith.constant 0 : i32
      %dma_start3A_181 = tpu.memref_slice %arg11[%mul3A_174, %dma_start3A_180] : memref<10240x128xf32, #tpu.memory_space<vmem_shared>> -> memref<640x128xf32, #tpu.memory_space<vmem_shared>>
      tpu.enqueue_dma source(%dma_start3A_181 : memref<640x128xf32, #tpu.memory_space<vmem_shared>>) target(%dma_start3A_179 : memref<640x128xf32, #tpu.memory_space<hbm>>) target_semaphore(%run_scoped3A : memref<!tpu.dma_semaphore, #tpu.memory_space<semaphore_mem>>)
      %dma_wait3A_182 = arith.constant 0 : i32
      %dma_wait3A_183 = tpu.memref_slice %arg4[%arg0, %mul3A_176, %dma_wait3A_182] : memref<2x10240x128xf32, #tpu.memory_space<hbm>> -> memref<1x640x128xf32, #tpu.memory_space<hbm>>
      %dma_wait3A_184 = tpu.memref_squeeze %dma_wait3A_183 : memref<1x640x128xf32, #tpu.memory_space<hbm>> -> memref<640x128xf32, #tpu.memory_space<hbm>>
      %dma_wait3A_185 = arith.constant 0 : i32
      %dma_wait3A_186 = tpu.memref_slice %arg11[%mul3A_174, %dma_wait3A_185] : memref<10240x128xf32, #tpu.memory_space<vmem_shared>> -> memref<640x128xf32, #tpu.memory_space<vmem_shared>>
      tpu.wait_dma2 semaphore(%run_scoped3A : memref<!tpu.dma_semaphore, #tpu.memory_space<semaphore_mem>>) src(%dma_wait3A_186 : memref<640x128xf32, #tpu.memory_space<vmem_shared>>) dst(%dma_wait3A_184 : memref<640x128xf32, #tpu.memory_space<hbm>>)
      tpu.yield
    }) : () -> ()
    return
  }
}

#map = affine_map<(d0, d1) -> (0, 0, 0)>
#map1 = affine_map<(d0, d1) -> (0, 0)>
module attributes {stable_mosaic.version = 14 : i64} {
  func.func @deg_k(%arg0: i32, %arg1: i32, %arg2: memref<3392x2x96xi32, #tpu.memory_space<hbm>>, %arg3: memref<32x10112xf32, #tpu.memory_space<hbm>>, %arg4: memref<96xi32, #tpu.memory_space<vmem>>, %arg5: memref<96xi32, #tpu.memory_space<vmem>>, %arg6: memref<10112xf32, #tpu.memory_space<vmem>>, %arg7: memref<!tpu.dma_semaphore, #tpu.memory_space<semaphore_mem>>, %arg8: memref<!tpu.dma_semaphore, #tpu.memory_space<semaphore_mem>>) attributes {dimension_semantics = [#tpu.dimension_semantics<core_parallel>, #tpu.dimension_semantics<subcore_parallel>], iteration_bounds = array<i64: 2, 16>, scalar_prefetch = 0 : i64, scratch_operands = 5 : i64, tpu.core_type = #tpu.core_type<sc_vector_subcore>, window_params = [{transform_indices = #map}, {transform_indices = #map1}]} {
    %mul3A = arith.constant 16 : i32
    %mul3A_0 = arith.muli %arg0, %mul3A : i32
    %add3A = arith.addi %mul3A_0, %arg1 : i32
    %scan3A = arith.constant 0 : i32
    %scan3A_1 = arith.constant 0 : i32
    %scan3A_2 = arith.constant 632 : i32
    %scan3A_3 = arith.addi %scan3A_1, %scan3A_2 : i32
    %scan3A_4 = arith.constant 1 : i32
    scf.for %scan3A_68 = %scan3A_1 to %scan3A_3 step %scan3A_4  : i32 {
      %broadcast_in_dim3A_69 = arith.constant 0.000000e+00 : f32
      %broadcast_in_dim3A_70 = vector.broadcast %broadcast_in_dim3A_69 : f32 to vector<16xf32>
      %mul3A_71 = arith.constant 16 : i32
      %mul3A_72 = arith.muli %scan3A_68, %mul3A_71 : i32
      %swap3A = arith.index_cast %mul3A_72 : i32 to index
      %swap3A_73 = tpu.vector_load %arg6[%swap3A] {strides = array<i32>} : memref<10112xf32, #tpu.memory_space<vmem>>, vector<16xf32>,
      tpu.vector_store %arg6[%swap3A], %broadcast_in_dim3A_70 {strides = array<i32>} : memref<10112xf32, #tpu.memory_space<vmem>>, vector<16xf32>,
    }
    %scan3A_5 = arith.constant 632 : i32
    %mul3A_6 = arith.constant 106 : i32
    %mul3A_7 = arith.muli %add3A, %mul3A_6 : i32
    %broadcast_in_dim3A = arith.constant 1.000000e+00 : f32
    %broadcast_in_dim3A_8 = vector.broadcast %broadcast_in_dim3A : f32 to vector<16xf32>
    %add3A_9 = arith.constant 0 : i32
    %add3A_10 = arith.addi %mul3A_7, %add3A_9 : i32
    %dma_start3A = arith.constant 1 : i32
    %dma_start3A_11 = arith.constant 0 : i32
    %dma_start3A_12 = tpu.memref_slice %arg2[%add3A_10, %dma_start3A, %dma_start3A_11] : memref<3392x2x96xi32, #tpu.memory_space<hbm>> -> memref<1x1x96xi32, #tpu.memory_space<hbm>>
    %dma_start3A_13 = tpu.memref_squeeze %dma_start3A_12 : memref<1x1x96xi32, #tpu.memory_space<hbm>> -> memref<96xi32, #tpu.memory_space<hbm>>
    %dma_start3A_14 = arith.constant 0 : i32
    %dma_start3A_15 = tpu.memref_slice %arg2[%add3A_10, %dma_start3A, %dma_start3A_14] : memref<3392x2x96xi32, #tpu.memory_space<hbm>> -> memref<1x1x96xi32, #tpu.memory_space<hbm>>
    %dma_start3A_16 = tpu.memref_squeeze %dma_start3A_15 : memref<1x1x96xi32, #tpu.memory_space<hbm>> -> memref<96xi32, #tpu.memory_space<hbm>>
    tpu.enqueue_dma source(%dma_start3A_16 : memref<96xi32, #tpu.memory_space<hbm>>) target(%arg4 : memref<96xi32, #tpu.memory_space<vmem>>) target_semaphore(%arg7 : memref<!tpu.dma_semaphore, #tpu.memory_space<semaphore_mem>>)
    %add3A_17 = arith.constant 1 : i32
    %add3A_18 = arith.addi %mul3A_7, %add3A_17 : i32
    %dma_start3A_19 = arith.constant 1 : i32
    %dma_start3A_20 = arith.constant 0 : i32
    %dma_start3A_21 = tpu.memref_slice %arg2[%add3A_18, %dma_start3A_19, %dma_start3A_20] : memref<3392x2x96xi32, #tpu.memory_space<hbm>> -> memref<1x1x96xi32, #tpu.memory_space<hbm>>
    %dma_start3A_22 = tpu.memref_squeeze %dma_start3A_21 : memref<1x1x96xi32, #tpu.memory_space<hbm>> -> memref<96xi32, #tpu.memory_space<hbm>>
    %dma_start3A_23 = arith.constant 0 : i32
    %dma_start3A_24 = tpu.memref_slice %arg2[%add3A_18, %dma_start3A_19, %dma_start3A_23] : memref<3392x2x96xi32, #tpu.memory_space<hbm>> -> memref<1x1x96xi32, #tpu.memory_space<hbm>>
    %dma_start3A_25 = tpu.memref_squeeze %dma_start3A_24 : memref<1x1x96xi32, #tpu.memory_space<hbm>> -> memref<96xi32, #tpu.memory_space<hbm>>
    tpu.enqueue_dma source(%dma_start3A_25 : memref<96xi32, #tpu.memory_space<hbm>>) target(%arg5 : memref<96xi32, #tpu.memory_space<vmem>>) target_semaphore(%arg8 : memref<!tpu.dma_semaphore, #tpu.memory_space<semaphore_mem>>)
    %scan3A_26 = arith.constant 0 : i32
    %scan3A_27 = arith.constant 0 : i32
    %scan3A_28 = arith.constant 52 : i32
    %scan3A_29 = arith.addi %scan3A_27, %scan3A_28 : i32
    %scan3A_30 = arith.constant 1 : i32
    scf.for %scan3A_68 = %scan3A_27 to %scan3A_29 step %scan3A_30  : i32 {
      %mul3A_69 = arith.constant 2 : i32
      %mul3A_70 = arith.muli %mul3A_69, %scan3A_68 : i32
      %dma_wait3A_71 = arith.constant 1 : i32
      %dma_wait3A_72 = arith.constant 0 : i32
      %dma_wait3A_73 = tpu.memref_slice %arg2[%mul3A_7, %dma_wait3A_71, %dma_wait3A_72] : memref<3392x2x96xi32, #tpu.memory_space<hbm>> -> memref<1x1x96xi32, #tpu.memory_space<hbm>>
      %dma_wait3A_74 = tpu.memref_squeeze %dma_wait3A_73 : memref<1x1x96xi32, #tpu.memory_space<hbm>> -> memref<96xi32, #tpu.memory_space<hbm>>
      %dma_wait3A_75 = arith.constant 0 : i32
      %dma_wait3A_76 = tpu.memref_slice %arg2[%mul3A_7, %dma_wait3A_71, %dma_wait3A_75] : memref<3392x2x96xi32, #tpu.memory_space<hbm>> -> memref<1x1x96xi32, #tpu.memory_space<hbm>>
      %dma_wait3A_77 = tpu.memref_squeeze %dma_wait3A_76 : memref<1x1x96xi32, #tpu.memory_space<hbm>> -> memref<96xi32, #tpu.memory_space<hbm>>
      tpu.wait_dma2 semaphore(%arg7 : memref<!tpu.dma_semaphore, #tpu.memory_space<semaphore_mem>>) src(%dma_wait3A_77 : memref<96xi32, #tpu.memory_space<hbm>>) dst(%arg4 : memref<96xi32, #tpu.memory_space<vmem>>)
      %get3A_78 = arith.constant 0 : index
      %get3A_79 = tpu.vector_load %arg4[%get3A_78] {strides = array<i32>} : memref<96xi32, #tpu.memory_space<vmem>>, vector<16xi32>,
      tpu.vector_store_idx %arg6[%get3A_79], %broadcast_in_dim3A_8 {add = true} : memref<10112xf32, #tpu.memory_space<vmem>>[vector<16xi32>], vector<16xf32>,
      %get3A_80 = arith.constant 16 : index
      %get3A_81 = tpu.vector_load %arg4[%get3A_80] {strides = array<i32>} : memref<96xi32, #tpu.memory_space<vmem>>, vector<16xi32>,
      tpu.vector_store_idx %arg6[%get3A_81], %broadcast_in_dim3A_8 {add = true} : memref<10112xf32, #tpu.memory_space<vmem>>[vector<16xi32>], vector<16xf32>,
      %get3A_82 = arith.constant 32 : index
      %get3A_83 = tpu.vector_load %arg4[%get3A_82] {strides = array<i32>} : memref<96xi32, #tpu.memory_space<vmem>>, vector<16xi32>,
      tpu.vector_store_idx %arg6[%get3A_83], %broadcast_in_dim3A_8 {add = true} : memref<10112xf32, #tpu.memory_space<vmem>>[vector<16xi32>], vector<16xf32>,
      %get3A_84 = arith.constant 48 : index
      %get3A_85 = tpu.vector_load %arg4[%get3A_84] {strides = array<i32>} : memref<96xi32, #tpu.memory_space<vmem>>, vector<16xi32>,
      tpu.vector_store_idx %arg6[%get3A_85], %broadcast_in_dim3A_8 {add = true} : memref<10112xf32, #tpu.memory_space<vmem>>[vector<16xi32>], vector<16xf32>,
      %get3A_86 = arith.constant 64 : index
      %get3A_87 = tpu.vector_load %arg4[%get3A_86] {strides = array<i32>} : memref<96xi32, #tpu.memory_space<vmem>>, vector<16xi32>,
      tpu.vector_store_idx %arg6[%get3A_87], %broadcast_in_dim3A_8 {add = true} : memref<10112xf32, #tpu.memory_space<vmem>>[vector<16xi32>], vector<16xf32>,
      %get3A_88 = arith.constant 80 : index
      %get3A_89 = tpu.vector_load %arg4[%get3A_88] {strides = array<i32>} : memref<96xi32, #tpu.memory_space<vmem>>, vector<16xi32>,
      tpu.vector_store_idx %arg6[%get3A_89], %broadcast_in_dim3A_8 {add = true} : memref<10112xf32, #tpu.memory_space<vmem>>[vector<16xi32>], vector<16xf32>,
      %add3A_90 = arith.constant 2 : i32
      %add3A_91 = arith.addi %mul3A_70, %add3A_90 : i32
      %add3A_92 = arith.addi %mul3A_7, %add3A_91 : i32
      %dma_start3A_93 = arith.constant 1 : i32
      %dma_start3A_94 = arith.constant 0 : i32
      %dma_start3A_95 = tpu.memref_slice %arg2[%add3A_92, %dma_start3A_93, %dma_start3A_94] : memref<3392x2x96xi32, #tpu.memory_space<hbm>> -> memref<1x1x96xi32, #tpu.memory_space<hbm>>
      %dma_start3A_96 = tpu.memref_squeeze %dma_start3A_95 : memref<1x1x96xi32, #tpu.memory_space<hbm>> -> memref<96xi32, #tpu.memory_space<hbm>>
      %dma_start3A_97 = arith.constant 0 : i32
      %dma_start3A_98 = tpu.memref_slice %arg2[%add3A_92, %dma_start3A_93, %dma_start3A_97] : memref<3392x2x96xi32, #tpu.memory_space<hbm>> -> memref<1x1x96xi32, #tpu.memory_space<hbm>>
      %dma_start3A_99 = tpu.memref_squeeze %dma_start3A_98 : memref<1x1x96xi32, #tpu.memory_space<hbm>> -> memref<96xi32, #tpu.memory_space<hbm>>
      tpu.enqueue_dma source(%dma_start3A_99 : memref<96xi32, #tpu.memory_space<hbm>>) target(%arg4 : memref<96xi32, #tpu.memory_space<vmem>>) target_semaphore(%arg7 : memref<!tpu.dma_semaphore, #tpu.memory_space<semaphore_mem>>)
      %dma_wait3A_100 = arith.constant 1 : i32
      %dma_wait3A_101 = arith.constant 0 : i32
      %dma_wait3A_102 = tpu.memref_slice %arg2[%mul3A_7, %dma_wait3A_100, %dma_wait3A_101] : memref<3392x2x96xi32, #tpu.memory_space<hbm>> -> memref<1x1x96xi32, #tpu.memory_space<hbm>>
      %dma_wait3A_103 = tpu.memref_squeeze %dma_wait3A_102 : memref<1x1x96xi32, #tpu.memory_space<hbm>> -> memref<96xi32, #tpu.memory_space<hbm>>
      %dma_wait3A_104 = arith.constant 0 : i32
      %dma_wait3A_105 = tpu.memref_slice %arg2[%mul3A_7, %dma_wait3A_100, %dma_wait3A_104] : memref<3392x2x96xi32, #tpu.memory_space<hbm>> -> memref<1x1x96xi32, #tpu.memory_space<hbm>>
      %dma_wait3A_106 = tpu.memref_squeeze %dma_wait3A_105 : memref<1x1x96xi32, #tpu.memory_space<hbm>> -> memref<96xi32, #tpu.memory_space<hbm>>
      tpu.wait_dma2 semaphore(%arg8 : memref<!tpu.dma_semaphore, #tpu.memory_space<semaphore_mem>>) src(%dma_wait3A_106 : memref<96xi32, #tpu.memory_space<hbm>>) dst(%arg5 : memref<96xi32, #tpu.memory_space<vmem>>)
      %get3A_107 = arith.constant 0 : index
      %get3A_108 = tpu.vector_load %arg5[%get3A_107] {strides = array<i32>} : memref<96xi32, #tpu.memory_space<vmem>>, vector<16xi32>,
      tpu.vector_store_idx %arg6[%get3A_108], %broadcast_in_dim3A_8 {add = true} : memref<10112xf32, #tpu.memory_space<vmem>>[vector<16xi32>], vector<16xf32>,
      %get3A_109 = arith.constant 16 : index
      %get3A_110 = tpu.vector_load %arg5[%get3A_109] {strides = array<i32>} : memref<96xi32, #tpu.memory_space<vmem>>, vector<16xi32>,
      tpu.vector_store_idx %arg6[%get3A_110], %broadcast_in_dim3A_8 {add = true} : memref<10112xf32, #tpu.memory_space<vmem>>[vector<16xi32>], vector<16xf32>,
      %get3A_111 = arith.constant 32 : index
      %get3A_112 = tpu.vector_load %arg5[%get3A_111] {strides = array<i32>} : memref<96xi32, #tpu.memory_space<vmem>>, vector<16xi32>,
      tpu.vector_store_idx %arg6[%get3A_112], %broadcast_in_dim3A_8 {add = true} : memref<10112xf32, #tpu.memory_space<vmem>>[vector<16xi32>], vector<16xf32>,
      %get3A_113 = arith.constant 48 : index
      %get3A_114 = tpu.vector_load %arg5[%get3A_113] {strides = array<i32>} : memref<96xi32, #tpu.memory_space<vmem>>, vector<16xi32>,
      tpu.vector_store_idx %arg6[%get3A_114], %broadcast_in_dim3A_8 {add = true} : memref<10112xf32, #tpu.memory_space<vmem>>[vector<16xi32>], vector<16xf32>,
      %get3A_115 = arith.constant 64 : index
      %get3A_116 = tpu.vector_load %arg5[%get3A_115] {strides = array<i32>} : memref<96xi32, #tpu.memory_space<vmem>>, vector<16xi32>,
      tpu.vector_store_idx %arg6[%get3A_116], %broadcast_in_dim3A_8 {add = true} : memref<10112xf32, #tpu.memory_space<vmem>>[vector<16xi32>], vector<16xf32>,
      %get3A_117 = arith.constant 80 : index
      %get3A_118 = tpu.vector_load %arg5[%get3A_117] {strides = array<i32>} : memref<96xi32, #tpu.memory_space<vmem>>, vector<16xi32>,
      tpu.vector_store_idx %arg6[%get3A_118], %broadcast_in_dim3A_8 {add = true} : memref<10112xf32, #tpu.memory_space<vmem>>[vector<16xi32>], vector<16xf32>,
      %add3A_119 = arith.constant 3 : i32
      %add3A_120 = arith.addi %mul3A_70, %add3A_119 : i32
      %add3A_121 = arith.addi %mul3A_7, %add3A_120 : i32
      %dma_start3A_122 = arith.constant 1 : i32
      %dma_start3A_123 = arith.constant 0 : i32
      %dma_start3A_124 = tpu.memref_slice %arg2[%add3A_121, %dma_start3A_122, %dma_start3A_123] : memref<3392x2x96xi32, #tpu.memory_space<hbm>> -> memref<1x1x96xi32, #tpu.memory_space<hbm>>
      %dma_start3A_125 = tpu.memref_squeeze %dma_start3A_124 : memref<1x1x96xi32, #tpu.memory_space<hbm>> -> memref<96xi32, #tpu.memory_space<hbm>>
      %dma_start3A_126 = arith.constant 0 : i32
      %dma_start3A_127 = tpu.memref_slice %arg2[%add3A_121, %dma_start3A_122, %dma_start3A_126] : memref<3392x2x96xi32, #tpu.memory_space<hbm>> -> memref<1x1x96xi32, #tpu.memory_space<hbm>>
      %dma_start3A_128 = tpu.memref_squeeze %dma_start3A_127 : memref<1x1x96xi32, #tpu.memory_space<hbm>> -> memref<96xi32, #tpu.memory_space<hbm>>
      tpu.enqueue_dma source(%dma_start3A_128 : memref<96xi32, #tpu.memory_space<hbm>>) target(%arg5 : memref<96xi32, #tpu.memory_space<vmem>>) target_semaphore(%arg8 : memref<!tpu.dma_semaphore, #tpu.memory_space<semaphore_mem>>)
    }
    %scan3A_31 = arith.constant 52 : i32
    %dma_wait3A = arith.constant 1 : i32
    %dma_wait3A_32 = arith.constant 0 : i32
    %dma_wait3A_33 = tpu.memref_slice %arg2[%mul3A_7, %dma_wait3A, %dma_wait3A_32] : memref<3392x2x96xi32, #tpu.memory_space<hbm>> -> memref<1x1x96xi32, #tpu.memory_space<hbm>>
    %dma_wait3A_34 = tpu.memref_squeeze %dma_wait3A_33 : memref<1x1x96xi32, #tpu.memory_space<hbm>> -> memref<96xi32, #tpu.memory_space<hbm>>
    %dma_wait3A_35 = arith.constant 0 : i32
    %dma_wait3A_36 = tpu.memref_slice %arg2[%mul3A_7, %dma_wait3A, %dma_wait3A_35] : memref<3392x2x96xi32, #tpu.memory_space<hbm>> -> memref<1x1x96xi32, #tpu.memory_space<hbm>>
    %dma_wait3A_37 = tpu.memref_squeeze %dma_wait3A_36 : memref<1x1x96xi32, #tpu.memory_space<hbm>> -> memref<96xi32, #tpu.memory_space<hbm>>
    tpu.wait_dma2 semaphore(%arg7 : memref<!tpu.dma_semaphore, #tpu.memory_space<semaphore_mem>>) src(%dma_wait3A_37 : memref<96xi32, #tpu.memory_space<hbm>>) dst(%arg4 : memref<96xi32, #tpu.memory_space<vmem>>)
    %get3A = arith.constant 0 : index
    %get3A_38 = tpu.vector_load %arg4[%get3A] {strides = array<i32>} : memref<96xi32, #tpu.memory_space<vmem>>, vector<16xi32>,
    tpu.vector_store_idx %arg6[%get3A_38], %broadcast_in_dim3A_8 {add = true} : memref<10112xf32, #tpu.memory_space<vmem>>[vector<16xi32>], vector<16xf32>,
    %get3A_39 = arith.constant 16 : index
    %get3A_40 = tpu.vector_load %arg4[%get3A_39] {strides = array<i32>} : memref<96xi32, #tpu.memory_space<vmem>>, vector<16xi32>,
    tpu.vector_store_idx %arg6[%get3A_40], %broadcast_in_dim3A_8 {add = true} : memref<10112xf32, #tpu.memory_space<vmem>>[vector<16xi32>], vector<16xf32>,
    %get3A_41 = arith.constant 32 : index
    %get3A_42 = tpu.vector_load %arg4[%get3A_41] {strides = array<i32>} : memref<96xi32, #tpu.memory_space<vmem>>, vector<16xi32>,
    tpu.vector_store_idx %arg6[%get3A_42], %broadcast_in_dim3A_8 {add = true} : memref<10112xf32, #tpu.memory_space<vmem>>[vector<16xi32>], vector<16xf32>,
    %get3A_43 = arith.constant 48 : index
    %get3A_44 = tpu.vector_load %arg4[%get3A_43] {strides = array<i32>} : memref<96xi32, #tpu.memory_space<vmem>>, vector<16xi32>,
    tpu.vector_store_idx %arg6[%get3A_44], %broadcast_in_dim3A_8 {add = true} : memref<10112xf32, #tpu.memory_space<vmem>>[vector<16xi32>], vector<16xf32>,
    %get3A_45 = arith.constant 64 : index
    %get3A_46 = tpu.vector_load %arg4[%get3A_45] {strides = array<i32>} : memref<96xi32, #tpu.memory_space<vmem>>, vector<16xi32>,
    tpu.vector_store_idx %arg6[%get3A_46], %broadcast_in_dim3A_8 {add = true} : memref<10112xf32, #tpu.memory_space<vmem>>[vector<16xi32>], vector<16xf32>,
    %get3A_47 = arith.constant 80 : index
    %get3A_48 = tpu.vector_load %arg4[%get3A_47] {strides = array<i32>} : memref<96xi32, #tpu.memory_space<vmem>>, vector<16xi32>,
    tpu.vector_store_idx %arg6[%get3A_48], %broadcast_in_dim3A_8 {add = true} : memref<10112xf32, #tpu.memory_space<vmem>>[vector<16xi32>], vector<16xf32>,
    %dma_wait3A_49 = arith.constant 1 : i32
    %dma_wait3A_50 = arith.constant 0 : i32
    %dma_wait3A_51 = tpu.memref_slice %arg2[%mul3A_7, %dma_wait3A_49, %dma_wait3A_50] : memref<3392x2x96xi32, #tpu.memory_space<hbm>> -> memref<1x1x96xi32, #tpu.memory_space<hbm>>
    %dma_wait3A_52 = tpu.memref_squeeze %dma_wait3A_51 : memref<1x1x96xi32, #tpu.memory_space<hbm>> -> memref<96xi32, #tpu.memory_space<hbm>>
    %dma_wait3A_53 = arith.constant 0 : i32
    %dma_wait3A_54 = tpu.memref_slice %arg2[%mul3A_7, %dma_wait3A_49, %dma_wait3A_53] : memref<3392x2x96xi32, #tpu.memory_space<hbm>> -> memref<1x1x96xi32, #tpu.memory_space<hbm>>
    %dma_wait3A_55 = tpu.memref_squeeze %dma_wait3A_54 : memref<1x1x96xi32, #tpu.memory_space<hbm>> -> memref<96xi32, #tpu.memory_space<hbm>>
    tpu.wait_dma2 semaphore(%arg8 : memref<!tpu.dma_semaphore, #tpu.memory_space<semaphore_mem>>) src(%dma_wait3A_55 : memref<96xi32, #tpu.memory_space<hbm>>) dst(%arg5 : memref<96xi32, #tpu.memory_space<vmem>>)
    %get3A_56 = arith.constant 0 : index
    %get3A_57 = tpu.vector_load %arg5[%get3A_56] {strides = array<i32>} : memref<96xi32, #tpu.memory_space<vmem>>, vector<16xi32>,
    tpu.vector_store_idx %arg6[%get3A_57], %broadcast_in_dim3A_8 {add = true} : memref<10112xf32, #tpu.memory_space<vmem>>[vector<16xi32>], vector<16xf32>,
    %get3A_58 = arith.constant 16 : index
    %get3A_59 = tpu.vector_load %arg5[%get3A_58] {strides = array<i32>} : memref<96xi32, #tpu.memory_space<vmem>>, vector<16xi32>,
    tpu.vector_store_idx %arg6[%get3A_59], %broadcast_in_dim3A_8 {add = true} : memref<10112xf32, #tpu.memory_space<vmem>>[vector<16xi32>], vector<16xf32>,
    %get3A_60 = arith.constant 32 : index
    %get3A_61 = tpu.vector_load %arg5[%get3A_60] {strides = array<i32>} : memref<96xi32, #tpu.memory_space<vmem>>, vector<16xi32>,
    tpu.vector_store_idx %arg6[%get3A_61], %broadcast_in_dim3A_8 {add = true} : memref<10112xf32, #tpu.memory_space<vmem>>[vector<16xi32>], vector<16xf32>,
    %get3A_62 = arith.constant 48 : index
    %get3A_63 = tpu.vector_load %arg5[%get3A_62] {strides = array<i32>} : memref<96xi32, #tpu.memory_space<vmem>>, vector<16xi32>,
    tpu.vector_store_idx %arg6[%get3A_63], %broadcast_in_dim3A_8 {add = true} : memref<10112xf32, #tpu.memory_space<vmem>>[vector<16xi32>], vector<16xf32>,
    %get3A_64 = arith.constant 64 : index
    %get3A_65 = tpu.vector_load %arg5[%get3A_64] {strides = array<i32>} : memref<96xi32, #tpu.memory_space<vmem>>, vector<16xi32>,
    tpu.vector_store_idx %arg6[%get3A_65], %broadcast_in_dim3A_8 {add = true} : memref<10112xf32, #tpu.memory_space<vmem>>[vector<16xi32>], vector<16xf32>,
    %get3A_66 = arith.constant 80 : index
    %get3A_67 = tpu.vector_load %arg5[%get3A_66] {strides = array<i32>} : memref<96xi32, #tpu.memory_space<vmem>>, vector<16xi32>,
    tpu.vector_store_idx %arg6[%get3A_67], %broadcast_in_dim3A_8 {add = true} : memref<10112xf32, #tpu.memory_space<vmem>>[vector<16xi32>], vector<16xf32>,
    "tpu.region"() ({
      %run_scoped3A = tpu.sem_alloc : memref<!tpu.dma_semaphore, #tpu.memory_space<semaphore_mem>>
      %dma_start3A_68 = arith.constant 0 : i32
      %dma_start3A_69 = tpu.memref_slice %arg3[%add3A, %dma_start3A_68] : memref<32x10112xf32, #tpu.memory_space<hbm>> -> memref<1x10112xf32, #tpu.memory_space<hbm>>
      %dma_start3A_70 = tpu.memref_squeeze %dma_start3A_69 : memref<1x10112xf32, #tpu.memory_space<hbm>> -> memref<10112xf32, #tpu.memory_space<hbm>>
      %dma_start3A_71 = arith.constant 0 : i32
      %dma_start3A_72 = tpu.memref_slice %arg3[%add3A, %dma_start3A_71] : memref<32x10112xf32, #tpu.memory_space<hbm>> -> memref<1x10112xf32, #tpu.memory_space<hbm>>
      %dma_start3A_73 = tpu.memref_squeeze %dma_start3A_72 : memref<1x10112xf32, #tpu.memory_space<hbm>> -> memref<10112xf32, #tpu.memory_space<hbm>>
      tpu.enqueue_dma source(%arg6 : memref<10112xf32, #tpu.memory_space<vmem>>) target(%dma_start3A_73 : memref<10112xf32, #tpu.memory_space<hbm>>) target_semaphore(%run_scoped3A : memref<!tpu.dma_semaphore, #tpu.memory_space<semaphore_mem>>)
      %dma_wait3A_74 = arith.constant 0 : i32
      %dma_wait3A_75 = tpu.memref_slice %arg3[%add3A, %dma_wait3A_74] : memref<32x10112xf32, #tpu.memory_space<hbm>> -> memref<1x10112xf32, #tpu.memory_space<hbm>>
      %dma_wait3A_76 = tpu.memref_squeeze %dma_wait3A_75 : memref<1x10112xf32, #tpu.memory_space<hbm>> -> memref<10112xf32, #tpu.memory_space<hbm>>
      %dma_wait3A_77 = arith.constant 0 : i32
      %dma_wait3A_78 = tpu.memref_slice %arg3[%add3A, %dma_wait3A_77] : memref<32x10112xf32, #tpu.memory_space<hbm>> -> memref<1x10112xf32, #tpu.memory_space<hbm>>
      %dma_wait3A_79 = tpu.memref_squeeze %dma_wait3A_78 : memref<1x10112xf32, #tpu.memory_space<hbm>> -> memref<10112xf32, #tpu.memory_space<hbm>>
      tpu.wait_dma2 semaphore(%run_scoped3A : memref<!tpu.dma_semaphore, #tpu.memory_space<semaphore_mem>>) src(%arg6 : memref<10112xf32, #tpu.memory_space<vmem>>) dst(%dma_wait3A_79 : memref<10112xf32, #tpu.memory_space<hbm>>)
      tpu.yield
    }) : () -> ()
    return
  }
}

#map = affine_map<(d0, d1) -> (0, 0)>
#map1 = affine_map<(d0, d1) -> (0)>
#map2 = affine_map<(d0, d1) -> (0, 0, 0)>
module attributes {stable_mosaic.version = 14 : i64} {
  func.func @prop_k(%arg0: i32, %arg1: i32, %arg2: memref<10112x128xf32, #tpu.memory_space<hbm>>, %arg3: memref<10112xf32, #tpu.memory_space<hbm>>, %arg4: memref<3392x2x96xi32, #tpu.memory_space<hbm>>, %arg5: memref<2x10240x128xf32, #tpu.memory_space<hbm>>, %arg6: memref<32x10112xf32, #tpu.memory_space<hbm>>, %arg7: memref<2x96xi32, #tpu.memory_space<vmem>>, %arg8: memref<2x96xi32, #tpu.memory_space<vmem>>, %arg9: memref<2x96xi32, #tpu.memory_space<vmem>>, %arg10: memref<2x96xi32, #tpu.memory_space<vmem>>, %arg11: memref<96x128xf32, #tpu.memory_space<vmem>>, %arg12: memref<96x128xf32, #tpu.memory_space<vmem>>, %arg13: memref<10240x128xf32, #tpu.memory_space<vmem_shared>>, %arg14: memref<!tpu.dma_semaphore, #tpu.memory_space<semaphore_mem>>, %arg15: memref<!tpu.dma_semaphore, #tpu.memory_space<semaphore_mem>>, %arg16: memref<!tpu.dma_semaphore, #tpu.memory_space<semaphore_mem>>, %arg17: memref<!tpu.dma_semaphore, #tpu.memory_space<semaphore_mem>>, %arg18: memref<!tpu.dma_semaphore, #tpu.memory_space<semaphore_mem>>, %arg19: memref<!tpu.dma_semaphore, #tpu.memory_space<semaphore_mem>>, %arg20: memref<!tpu.dma_semaphore, #tpu.memory_space<semaphore_mem>>, %arg21: memref<!tpu.dma_semaphore, #tpu.memory_space<semaphore_mem>>, %arg22: memref<10112xf32, #tpu.memory_space<vmem>>, %arg23: memref<10112xf32, #tpu.memory_space<vmem>>) attributes {dimension_semantics = [#tpu.dimension_semantics<core_parallel>, #tpu.dimension_semantics<subcore_parallel>], iteration_bounds = array<i64: 2, 16>, scalar_prefetch = 0 : i64, scratch_operands = 17 : i64, tpu.core_type = #tpu.core_type<sc_vector_subcore>, window_params = [{transform_indices = #map}, {transform_indices = #map1}, {transform_indices = #map2}, {transform_indices = #map2}, {transform_indices = #map}]} {
    %mul3A = arith.constant 16 : i32
    %mul3A_0 = arith.muli %arg0, %mul3A : i32
    %add3A = arith.addi %mul3A_0, %arg1 : i32
    %scan3A = arith.constant 0 : i32
    %scan3A_1 = arith.constant 0 : i32
    %scan3A_2 = arith.constant 96 : i32
    %scan3A_3 = arith.addi %scan3A_1, %scan3A_2 : i32
    %scan3A_4 = arith.constant 1 : i32
    scf.for %scan3A_183 = %scan3A_1 to %scan3A_3 step %scan3A_4  : i32 {
      %broadcast_in_dim3A = arith.constant 0.000000e+00 : f32
      %broadcast_in_dim3A_184 = vector.broadcast %broadcast_in_dim3A : f32 to vector<16xf32>
      %swap3A = arith.index_cast %scan3A_183 : i32 to index
      %swap3A_185 = arith.constant 0 : index
      %swap3A_186 = tpu.vector_load %arg11[%swap3A, %swap3A_185] {strides = array<i32>} : memref<96x128xf32, #tpu.memory_space<vmem>>, vector<16xf32>,
      tpu.vector_store %arg11[%swap3A, %swap3A_185], %broadcast_in_dim3A_184 {strides = array<i32>} : memref<96x128xf32, #tpu.memory_space<vmem>>, vector<16xf32>,
      %broadcast_in_dim3A_187 = arith.constant 0.000000e+00 : f32
      %broadcast_in_dim3A_188 = vector.broadcast %broadcast_in_dim3A_187 : f32 to vector<16xf32>
      %swap3A_189 = arith.index_cast %scan3A_183 : i32 to index
      %swap3A_190 = arith.constant 16 : index
      %swap3A_191 = tpu.vector_load %arg11[%swap3A_189, %swap3A_190] {strides = array<i32>} : memref<96x128xf32, #tpu.memory_space<vmem>>, vector<16xf32>,
      tpu.vector_store %arg11[%swap3A_189, %swap3A_190], %broadcast_in_dim3A_188 {strides = array<i32>} : memref<96x128xf32, #tpu.memory_space<vmem>>, vector<16xf32>,
      %broadcast_in_dim3A_192 = arith.constant 0.000000e+00 : f32
      %broadcast_in_dim3A_193 = vector.broadcast %broadcast_in_dim3A_192 : f32 to vector<16xf32>
      %swap3A_194 = arith.index_cast %scan3A_183 : i32 to index
      %swap3A_195 = arith.constant 32 : index
      %swap3A_196 = tpu.vector_load %arg11[%swap3A_194, %swap3A_195] {strides = array<i32>} : memref<96x128xf32, #tpu.memory_space<vmem>>, vector<16xf32>,
      tpu.vector_store %arg11[%swap3A_194, %swap3A_195], %broadcast_in_dim3A_193 {strides = array<i32>} : memref<96x128xf32, #tpu.memory_space<vmem>>, vector<16xf32>,
      %broadcast_in_dim3A_197 = arith.constant 0.000000e+00 : f32
      %broadcast_in_dim3A_198 = vector.broadcast %broadcast_in_dim3A_197 : f32 to vector<16xf32>
      %swap3A_199 = arith.index_cast %scan3A_183 : i32 to index
      %swap3A_200 = arith.constant 48 : index
      %swap3A_201 = tpu.vector_load %arg11[%swap3A_199, %swap3A_200] {strides = array<i32>} : memref<96x128xf32, #tpu.memory_space<vmem>>, vector<16xf32>,
      tpu.vector_store %arg11[%swap3A_199, %swap3A_200], %broadcast_in_dim3A_198 {strides = array<i32>} : memref<96x128xf32, #tpu.memory_space<vmem>>, vector<16xf32>,
      %broadcast_in_dim3A_202 = arith.constant 0.000000e+00 : f32
      %broadcast_in_dim3A_203 = vector.broadcast %broadcast_in_dim3A_202 : f32 to vector<16xf32>
      %swap3A_204 = arith.index_cast %scan3A_183 : i32 to index
      %swap3A_205 = arith.constant 64 : index
      %swap3A_206 = tpu.vector_load %arg11[%swap3A_204, %swap3A_205] {strides = array<i32>} : memref<96x128xf32, #tpu.memory_space<vmem>>, vector<16xf32>,
      tpu.vector_store %arg11[%swap3A_204, %swap3A_205], %broadcast_in_dim3A_203 {strides = array<i32>} : memref<96x128xf32, #tpu.memory_space<vmem>>, vector<16xf32>,
      %broadcast_in_dim3A_207 = arith.constant 0.000000e+00 : f32
      %broadcast_in_dim3A_208 = vector.broadcast %broadcast_in_dim3A_207 : f32 to vector<16xf32>
      %swap3A_209 = arith.index_cast %scan3A_183 : i32 to index
      %swap3A_210 = arith.constant 80 : index
      %swap3A_211 = tpu.vector_load %arg11[%swap3A_209, %swap3A_210] {strides = array<i32>} : memref<96x128xf32, #tpu.memory_space<vmem>>, vector<16xf32>,
      tpu.vector_store %arg11[%swap3A_209, %swap3A_210], %broadcast_in_dim3A_208 {strides = array<i32>} : memref<96x128xf32, #tpu.memory_space<vmem>>, vector<16xf32>,
      %broadcast_in_dim3A_212 = arith.constant 0.000000e+00 : f32
      %broadcast_in_dim3A_213 = vector.broadcast %broadcast_in_dim3A_212 : f32 to vector<16xf32>
      %swap3A_214 = arith.index_cast %scan3A_183 : i32 to index
      %swap3A_215 = arith.constant 96 : index
      %swap3A_216 = tpu.vector_load %arg11[%swap3A_214, %swap3A_215] {strides = array<i32>} : memref<96x128xf32, #tpu.memory_space<vmem>>, vector<16xf32>,
      tpu.vector_store %arg11[%swap3A_214, %swap3A_215], %broadcast_in_dim3A_213 {strides = array<i32>} : memref<96x128xf32, #tpu.memory_space<vmem>>, vector<16xf32>,
      %broadcast_in_dim3A_217 = arith.constant 0.000000e+00 : f32
      %broadcast_in_dim3A_218 = vector.broadcast %broadcast_in_dim3A_217 : f32 to vector<16xf32>
      %swap3A_219 = arith.index_cast %scan3A_183 : i32 to index
      %swap3A_220 = arith.constant 112 : index
      %swap3A_221 = tpu.vector_load %arg11[%swap3A_219, %swap3A_220] {strides = array<i32>} : memref<96x128xf32, #tpu.memory_space<vmem>>, vector<16xf32>,
      tpu.vector_store %arg11[%swap3A_219, %swap3A_220], %broadcast_in_dim3A_218 {strides = array<i32>} : memref<96x128xf32, #tpu.memory_space<vmem>>, vector<16xf32>,
    }
    %scan3A_5 = arith.constant 96 : i32
    %mul3A_6 = arith.constant 640 : i32
    %mul3A_7 = arith.muli %arg1, %mul3A_6 : i32
    %add3A_8 = arith.constant 0 : i32
    %add3A_9 = arith.addi %mul3A_7, %add3A_8 : i32
    "tpu.region"() ({
      %run_scoped3A = tpu.sem_alloc : memref<!tpu.dma_semaphore, #tpu.memory_space<semaphore_mem>>
      %dma_start3A_183 = arith.constant 0 : i32
      %dma_start3A_184 = arith.constant 0 : i32
      %dma_start3A_185 = tpu.memref_slice %arg11[%dma_start3A_183, %dma_start3A_184] : memref<96x128xf32, #tpu.memory_space<vmem>> -> memref<96x128xf32, #tpu.memory_space<vmem>>
      %dma_start3A_186 = arith.constant 0 : i32
      %dma_start3A_187 = tpu.memref_slice %arg13[%add3A_9, %dma_start3A_186] : memref<10240x128xf32, #tpu.memory_space<vmem_shared>> -> memref<96x128xf32, #tpu.memory_space<vmem_shared>>
      %dma_start3A_188 = arith.constant 0 : i32
      %dma_start3A_189 = tpu.memref_slice %arg13[%add3A_9, %dma_start3A_188] : memref<10240x128xf32, #tpu.memory_space<vmem_shared>> -> memref<96x128xf32, #tpu.memory_space<vmem_shared>>
      %dma_start3A_190 = arith.constant 0 : i32
      %dma_start3A_191 = arith.constant 0 : i32
      %dma_start3A_192 = tpu.memref_slice %arg11[%dma_start3A_190, %dma_start3A_191] : memref<96x128xf32, #tpu.memory_space<vmem>> -> memref<96x128xf32, #tpu.memory_space<vmem>>
      tpu.enqueue_dma source(%dma_start3A_192 : memref<96x128xf32, #tpu.memory_space<vmem>>) target(%dma_start3A_189 : memref<96x128xf32, #tpu.memory_space<vmem_shared>>) target_semaphore(%run_scoped3A : memref<!tpu.dma_semaphore, #tpu.memory_space<semaphore_mem>>)
      %dma_wait3A_193 = arith.constant 0 : i32
      %dma_wait3A_194 = arith.constant 0 : i32
      %dma_wait3A_195 = tpu.memref_slice %arg11[%dma_wait3A_193, %dma_wait3A_194] : memref<96x128xf32, #tpu.memory_space<vmem>> -> memref<96x128xf32, #tpu.memory_space<vmem>>
      %dma_wait3A_196 = arith.constant 0 : i32
      %dma_wait3A_197 = tpu.memref_slice %arg13[%add3A_9, %dma_wait3A_196] : memref<10240x128xf32, #tpu.memory_space<vmem_shared>> -> memref<96x128xf32, #tpu.memory_space<vmem_shared>>
      %dma_wait3A_198 = arith.constant 0 : i32
      %dma_wait3A_199 = tpu.memref_slice %arg13[%add3A_9, %dma_wait3A_198] : memref<10240x128xf32, #tpu.memory_space<vmem_shared>> -> memref<96x128xf32, #tpu.memory_space<vmem_shared>>
      %dma_wait3A_200 = arith.constant 0 : i32
      %dma_wait3A_201 = arith.constant 0 : i32
      %dma_wait3A_202 = tpu.memref_slice %arg11[%dma_wait3A_200, %dma_wait3A_201] : memref<96x128xf32, #tpu.memory_space<vmem>> -> memref<96x128xf32, #tpu.memory_space<vmem>>
      tpu.wait_dma2 semaphore(%run_scoped3A : memref<!tpu.dma_semaphore, #tpu.memory_space<semaphore_mem>>) src(%dma_wait3A_202 : memref<96x128xf32, #tpu.memory_space<vmem>>) dst(%dma_wait3A_199 : memref<96x128xf32, #tpu.memory_space<vmem_shared>>)
      tpu.yield
    }) : () -> ()
    %mul3A_10 = arith.constant 640 : i32
    %mul3A_11 = arith.muli %arg1, %mul3A_10 : i32
    %add3A_12 = arith.constant 96 : i32
    %add3A_13 = arith.addi %mul3A_11, %add3A_12 : i32
    "tpu.region"() ({
      %run_scoped3A = tpu.sem_alloc : memref<!tpu.dma_semaphore, #tpu.memory_space<semaphore_mem>>
      %dma_start3A_183 = arith.constant 0 : i32
      %dma_start3A_184 = arith.constant 0 : i32
      %dma_start3A_185 = tpu.memref_slice %arg11[%dma_start3A_183, %dma_start3A_184] : memref<96x128xf32, #tpu.memory_space<vmem>> -> memref<96x128xf32, #tpu.memory_space<vmem>>
      %dma_start3A_186 = arith.constant 0 : i32
      %dma_start3A_187 = tpu.memref_slice %arg13[%add3A_13, %dma_start3A_186] : memref<10240x128xf32, #tpu.memory_space<vmem_shared>> -> memref<96x128xf32, #tpu.memory_space<vmem_shared>>
      %dma_start3A_188 = arith.constant 0 : i32
      %dma_start3A_189 = tpu.memref_slice %arg13[%add3A_13, %dma_start3A_188] : memref<10240x128xf32, #tpu.memory_space<vmem_shared>> -> memref<96x128xf32, #tpu.memory_space<vmem_shared>>
      %dma_start3A_190 = arith.constant 0 : i32
      %dma_start3A_191 = arith.constant 0 : i32
      %dma_start3A_192 = tpu.memref_slice %arg11[%dma_start3A_190, %dma_start3A_191] : memref<96x128xf32, #tpu.memory_space<vmem>> -> memref<96x128xf32, #tpu.memory_space<vmem>>
      tpu.enqueue_dma source(%dma_start3A_192 : memref<96x128xf32, #tpu.memory_space<vmem>>) target(%dma_start3A_189 : memref<96x128xf32, #tpu.memory_space<vmem_shared>>) target_semaphore(%run_scoped3A : memref<!tpu.dma_semaphore, #tpu.memory_space<semaphore_mem>>)
      %dma_wait3A_193 = arith.constant 0 : i32
      %dma_wait3A_194 = arith.constant 0 : i32
      %dma_wait3A_195 = tpu.memref_slice %arg11[%dma_wait3A_193, %dma_wait3A_194] : memref<96x128xf32, #tpu.memory_space<vmem>> -> memref<96x128xf32, #tpu.memory_space<vmem>>
      %dma_wait3A_196 = arith.constant 0 : i32
      %dma_wait3A_197 = tpu.memref_slice %arg13[%add3A_13, %dma_wait3A_196] : memref<10240x128xf32, #tpu.memory_space<vmem_shared>> -> memref<96x128xf32, #tpu.memory_space<vmem_shared>>
      %dma_wait3A_198 = arith.constant 0 : i32
      %dma_wait3A_199 = tpu.memref_slice %arg13[%add3A_13, %dma_wait3A_198] : memref<10240x128xf32, #tpu.memory_space<vmem_shared>> -> memref<96x128xf32, #tpu.memory_space<vmem_shared>>
      %dma_wait3A_200 = arith.constant 0 : i32
      %dma_wait3A_201 = arith.constant 0 : i32
      %dma_wait3A_202 = tpu.memref_slice %arg11[%dma_wait3A_200, %dma_wait3A_201] : memref<96x128xf32, #tpu.memory_space<vmem>> -> memref<96x128xf32, #tpu.memory_space<vmem>>
      tpu.wait_dma2 semaphore(%run_scoped3A : memref<!tpu.dma_semaphore, #tpu.memory_space<semaphore_mem>>) src(%dma_wait3A_202 : memref<96x128xf32, #tpu.memory_space<vmem>>) dst(%dma_wait3A_199 : memref<96x128xf32, #tpu.memory_space<vmem_shared>>)
      tpu.yield
    }) : () -> ()
    %mul3A_14 = arith.constant 640 : i32
    %mul3A_15 = arith.muli %arg1, %mul3A_14 : i32
    %add3A_16 = arith.constant 192 : i32
    %add3A_17 = arith.addi %mul3A_15, %add3A_16 : i32
    "tpu.region"() ({
      %run_scoped3A = tpu.sem_alloc : memref<!tpu.dma_semaphore, #tpu.memory_space<semaphore_mem>>
      %dma_start3A_183 = arith.constant 0 : i32
      %dma_start3A_184 = arith.constant 0 : i32
      %dma_start3A_185 = tpu.memref_slice %arg11[%dma_start3A_183, %dma_start3A_184] : memref<96x128xf32, #tpu.memory_space<vmem>> -> memref<96x128xf32, #tpu.memory_space<vmem>>
      %dma_start3A_186 = arith.constant 0 : i32
      %dma_start3A_187 = tpu.memref_slice %arg13[%add3A_17, %dma_start3A_186] : memref<10240x128xf32, #tpu.memory_space<vmem_shared>> -> memref<96x128xf32, #tpu.memory_space<vmem_shared>>
      %dma_start3A_188 = arith.constant 0 : i32
      %dma_start3A_189 = tpu.memref_slice %arg13[%add3A_17, %dma_start3A_188] : memref<10240x128xf32, #tpu.memory_space<vmem_shared>> -> memref<96x128xf32, #tpu.memory_space<vmem_shared>>
      %dma_start3A_190 = arith.constant 0 : i32
      %dma_start3A_191 = arith.constant 0 : i32
      %dma_start3A_192 = tpu.memref_slice %arg11[%dma_start3A_190, %dma_start3A_191] : memref<96x128xf32, #tpu.memory_space<vmem>> -> memref<96x128xf32, #tpu.memory_space<vmem>>
      tpu.enqueue_dma source(%dma_start3A_192 : memref<96x128xf32, #tpu.memory_space<vmem>>) target(%dma_start3A_189 : memref<96x128xf32, #tpu.memory_space<vmem_shared>>) target_semaphore(%run_scoped3A : memref<!tpu.dma_semaphore, #tpu.memory_space<semaphore_mem>>)
      %dma_wait3A_193 = arith.constant 0 : i32
      %dma_wait3A_194 = arith.constant 0 : i32
      %dma_wait3A_195 = tpu.memref_slice %arg11[%dma_wait3A_193, %dma_wait3A_194] : memref<96x128xf32, #tpu.memory_space<vmem>> -> memref<96x128xf32, #tpu.memory_space<vmem>>
      %dma_wait3A_196 = arith.constant 0 : i32
      %dma_wait3A_197 = tpu.memref_slice %arg13[%add3A_17, %dma_wait3A_196] : memref<10240x128xf32, #tpu.memory_space<vmem_shared>> -> memref<96x128xf32, #tpu.memory_space<vmem_shared>>
      %dma_wait3A_198 = arith.constant 0 : i32
      %dma_wait3A_199 = tpu.memref_slice %arg13[%add3A_17, %dma_wait3A_198] : memref<10240x128xf32, #tpu.memory_space<vmem_shared>> -> memref<96x128xf32, #tpu.memory_space<vmem_shared>>
      %dma_wait3A_200 = arith.constant 0 : i32
      %dma_wait3A_201 = arith.constant 0 : i32
      %dma_wait3A_202 = tpu.memref_slice %arg11[%dma_wait3A_200, %dma_wait3A_201] : memref<96x128xf32, #tpu.memory_space<vmem>> -> memref<96x128xf32, #tpu.memory_space<vmem>>
      tpu.wait_dma2 semaphore(%run_scoped3A : memref<!tpu.dma_semaphore, #tpu.memory_space<semaphore_mem>>) src(%dma_wait3A_202 : memref<96x128xf32, #tpu.memory_space<vmem>>) dst(%dma_wait3A_199 : memref<96x128xf32, #tpu.memory_space<vmem_shared>>)
      tpu.yield
    }) : () -> ()
    %mul3A_18 = arith.constant 640 : i32
    %mul3A_19 = arith.muli %arg1, %mul3A_18 : i32
    %add3A_20 = arith.constant 288 : i32
    %add3A_21 = arith.addi %mul3A_19, %add3A_20 : i32
    "tpu.region"() ({
      %run_scoped3A = tpu.sem_alloc : memref<!tpu.dma_semaphore, #tpu.memory_space<semaphore_mem>>
      %dma_start3A_183 = arith.constant 0 : i32
      %dma_start3A_184 = arith.constant 0 : i32
      %dma_start3A_185 = tpu.memref_slice %arg11[%dma_start3A_183, %dma_start3A_184] : memref<96x128xf32, #tpu.memory_space<vmem>> -> memref<96x128xf32, #tpu.memory_space<vmem>>
      %dma_start3A_186 = arith.constant 0 : i32
      %dma_start3A_187 = tpu.memref_slice %arg13[%add3A_21, %dma_start3A_186] : memref<10240x128xf32, #tpu.memory_space<vmem_shared>> -> memref<96x128xf32, #tpu.memory_space<vmem_shared>>
      %dma_start3A_188 = arith.constant 0 : i32
      %dma_start3A_189 = tpu.memref_slice %arg13[%add3A_21, %dma_start3A_188] : memref<10240x128xf32, #tpu.memory_space<vmem_shared>> -> memref<96x128xf32, #tpu.memory_space<vmem_shared>>
      %dma_start3A_190 = arith.constant 0 : i32
      %dma_start3A_191 = arith.constant 0 : i32
      %dma_start3A_192 = tpu.memref_slice %arg11[%dma_start3A_190, %dma_start3A_191] : memref<96x128xf32, #tpu.memory_space<vmem>> -> memref<96x128xf32, #tpu.memory_space<vmem>>
      tpu.enqueue_dma source(%dma_start3A_192 : memref<96x128xf32, #tpu.memory_space<vmem>>) target(%dma_start3A_189 : memref<96x128xf32, #tpu.memory_space<vmem_shared>>) target_semaphore(%run_scoped3A : memref<!tpu.dma_semaphore, #tpu.memory_space<semaphore_mem>>)
      %dma_wait3A_193 = arith.constant 0 : i32
      %dma_wait3A_194 = arith.constant 0 : i32
      %dma_wait3A_195 = tpu.memref_slice %arg11[%dma_wait3A_193, %dma_wait3A_194] : memref<96x128xf32, #tpu.memory_space<vmem>> -> memref<96x128xf32, #tpu.memory_space<vmem>>
      %dma_wait3A_196 = arith.constant 0 : i32
      %dma_wait3A_197 = tpu.memref_slice %arg13[%add3A_21, %dma_wait3A_196] : memref<10240x128xf32, #tpu.memory_space<vmem_shared>> -> memref<96x128xf32, #tpu.memory_space<vmem_shared>>
      %dma_wait3A_198 = arith.constant 0 : i32
      %dma_wait3A_199 = tpu.memref_slice %arg13[%add3A_21, %dma_wait3A_198] : memref<10240x128xf32, #tpu.memory_space<vmem_shared>> -> memref<96x128xf32, #tpu.memory_space<vmem_shared>>
      %dma_wait3A_200 = arith.constant 0 : i32
      %dma_wait3A_201 = arith.constant 0 : i32
      %dma_wait3A_202 = tpu.memref_slice %arg11[%dma_wait3A_200, %dma_wait3A_201] : memref<96x128xf32, #tpu.memory_space<vmem>> -> memref<96x128xf32, #tpu.memory_space<vmem>>
      tpu.wait_dma2 semaphore(%run_scoped3A : memref<!tpu.dma_semaphore, #tpu.memory_space<semaphore_mem>>) src(%dma_wait3A_202 : memref<96x128xf32, #tpu.memory_space<vmem>>) dst(%dma_wait3A_199 : memref<96x128xf32, #tpu.memory_space<vmem_shared>>)
      tpu.yield
    }) : () -> ()
    %mul3A_22 = arith.constant 640 : i32
    %mul3A_23 = arith.muli %arg1, %mul3A_22 : i32
    %add3A_24 = arith.constant 384 : i32
    %add3A_25 = arith.addi %mul3A_23, %add3A_24 : i32
    "tpu.region"() ({
      %run_scoped3A = tpu.sem_alloc : memref<!tpu.dma_semaphore, #tpu.memory_space<semaphore_mem>>
      %dma_start3A_183 = arith.constant 0 : i32
      %dma_start3A_184 = arith.constant 0 : i32
      %dma_start3A_185 = tpu.memref_slice %arg11[%dma_start3A_183, %dma_start3A_184] : memref<96x128xf32, #tpu.memory_space<vmem>> -> memref<96x128xf32, #tpu.memory_space<vmem>>
      %dma_start3A_186 = arith.constant 0 : i32
      %dma_start3A_187 = tpu.memref_slice %arg13[%add3A_25, %dma_start3A_186] : memref<10240x128xf32, #tpu.memory_space<vmem_shared>> -> memref<96x128xf32, #tpu.memory_space<vmem_shared>>
      %dma_start3A_188 = arith.constant 0 : i32
      %dma_start3A_189 = tpu.memref_slice %arg13[%add3A_25, %dma_start3A_188] : memref<10240x128xf32, #tpu.memory_space<vmem_shared>> -> memref<96x128xf32, #tpu.memory_space<vmem_shared>>
      %dma_start3A_190 = arith.constant 0 : i32
      %dma_start3A_191 = arith.constant 0 : i32
      %dma_start3A_192 = tpu.memref_slice %arg11[%dma_start3A_190, %dma_start3A_191] : memref<96x128xf32, #tpu.memory_space<vmem>> -> memref<96x128xf32, #tpu.memory_space<vmem>>
      tpu.enqueue_dma source(%dma_start3A_192 : memref<96x128xf32, #tpu.memory_space<vmem>>) target(%dma_start3A_189 : memref<96x128xf32, #tpu.memory_space<vmem_shared>>) target_semaphore(%run_scoped3A : memref<!tpu.dma_semaphore, #tpu.memory_space<semaphore_mem>>)
      %dma_wait3A_193 = arith.constant 0 : i32
      %dma_wait3A_194 = arith.constant 0 : i32
      %dma_wait3A_195 = tpu.memref_slice %arg11[%dma_wait3A_193, %dma_wait3A_194] : memref<96x128xf32, #tpu.memory_space<vmem>> -> memref<96x128xf32, #tpu.memory_space<vmem>>
      %dma_wait3A_196 = arith.constant 0 : i32
      %dma_wait3A_197 = tpu.memref_slice %arg13[%add3A_25, %dma_wait3A_196] : memref<10240x128xf32, #tpu.memory_space<vmem_shared>> -> memref<96x128xf32, #tpu.memory_space<vmem_shared>>
      %dma_wait3A_198 = arith.constant 0 : i32
      %dma_wait3A_199 = tpu.memref_slice %arg13[%add3A_25, %dma_wait3A_198] : memref<10240x128xf32, #tpu.memory_space<vmem_shared>> -> memref<96x128xf32, #tpu.memory_space<vmem_shared>>
      %dma_wait3A_200 = arith.constant 0 : i32
      %dma_wait3A_201 = arith.constant 0 : i32
      %dma_wait3A_202 = tpu.memref_slice %arg11[%dma_wait3A_200, %dma_wait3A_201] : memref<96x128xf32, #tpu.memory_space<vmem>> -> memref<96x128xf32, #tpu.memory_space<vmem>>
      tpu.wait_dma2 semaphore(%run_scoped3A : memref<!tpu.dma_semaphore, #tpu.memory_space<semaphore_mem>>) src(%dma_wait3A_202 : memref<96x128xf32, #tpu.memory_space<vmem>>) dst(%dma_wait3A_199 : memref<96x128xf32, #tpu.memory_space<vmem_shared>>)
      tpu.yield
    }) : () -> ()
    %mul3A_26 = arith.constant 640 : i32
    %mul3A_27 = arith.muli %arg1, %mul3A_26 : i32
    %add3A_28 = arith.constant 480 : i32
    %add3A_29 = arith.addi %mul3A_27, %add3A_28 : i32
    "tpu.region"() ({
      %run_scoped3A = tpu.sem_alloc : memref<!tpu.dma_semaphore, #tpu.memory_space<semaphore_mem>>
      %dma_start3A_183 = arith.constant 0 : i32
      %dma_start3A_184 = arith.constant 0 : i32
      %dma_start3A_185 = tpu.memref_slice %arg11[%dma_start3A_183, %dma_start3A_184] : memref<96x128xf32, #tpu.memory_space<vmem>> -> memref<96x128xf32, #tpu.memory_space<vmem>>
      %dma_start3A_186 = arith.constant 0 : i32
      %dma_start3A_187 = tpu.memref_slice %arg13[%add3A_29, %dma_start3A_186] : memref<10240x128xf32, #tpu.memory_space<vmem_shared>> -> memref<96x128xf32, #tpu.memory_space<vmem_shared>>
      %dma_start3A_188 = arith.constant 0 : i32
      %dma_start3A_189 = tpu.memref_slice %arg13[%add3A_29, %dma_start3A_188] : memref<10240x128xf32, #tpu.memory_space<vmem_shared>> -> memref<96x128xf32, #tpu.memory_space<vmem_shared>>
      %dma_start3A_190 = arith.constant 0 : i32
      %dma_start3A_191 = arith.constant 0 : i32
      %dma_start3A_192 = tpu.memref_slice %arg11[%dma_start3A_190, %dma_start3A_191] : memref<96x128xf32, #tpu.memory_space<vmem>> -> memref<96x128xf32, #tpu.memory_space<vmem>>
      tpu.enqueue_dma source(%dma_start3A_192 : memref<96x128xf32, #tpu.memory_space<vmem>>) target(%dma_start3A_189 : memref<96x128xf32, #tpu.memory_space<vmem_shared>>) target_semaphore(%run_scoped3A : memref<!tpu.dma_semaphore, #tpu.memory_space<semaphore_mem>>)
      %dma_wait3A_193 = arith.constant 0 : i32
      %dma_wait3A_194 = arith.constant 0 : i32
      %dma_wait3A_195 = tpu.memref_slice %arg11[%dma_wait3A_193, %dma_wait3A_194] : memref<96x128xf32, #tpu.memory_space<vmem>> -> memref<96x128xf32, #tpu.memory_space<vmem>>
      %dma_wait3A_196 = arith.constant 0 : i32
      %dma_wait3A_197 = tpu.memref_slice %arg13[%add3A_29, %dma_wait3A_196] : memref<10240x128xf32, #tpu.memory_space<vmem_shared>> -> memref<96x128xf32, #tpu.memory_space<vmem_shared>>
      %dma_wait3A_198 = arith.constant 0 : i32
      %dma_wait3A_199 = tpu.memref_slice %arg13[%add3A_29, %dma_wait3A_198] : memref<10240x128xf32, #tpu.memory_space<vmem_shared>> -> memref<96x128xf32, #tpu.memory_space<vmem_shared>>
      %dma_wait3A_200 = arith.constant 0 : i32
      %dma_wait3A_201 = arith.constant 0 : i32
      %dma_wait3A_202 = tpu.memref_slice %arg11[%dma_wait3A_200, %dma_wait3A_201] : memref<96x128xf32, #tpu.memory_space<vmem>> -> memref<96x128xf32, #tpu.memory_space<vmem>>
      tpu.wait_dma2 semaphore(%run_scoped3A : memref<!tpu.dma_semaphore, #tpu.memory_space<semaphore_mem>>) src(%dma_wait3A_202 : memref<96x128xf32, #tpu.memory_space<vmem>>) dst(%dma_wait3A_199 : memref<96x128xf32, #tpu.memory_space<vmem_shared>>)
      tpu.yield
    }) : () -> ()
    %mul3A_30 = arith.constant 640 : i32
    %mul3A_31 = arith.muli %arg1, %mul3A_30 : i32
    %add3A_32 = arith.constant 576 : i32
    %add3A_33 = arith.addi %mul3A_31, %add3A_32 : i32
    "tpu.region"() ({
      %run_scoped3A = tpu.sem_alloc : memref<!tpu.dma_semaphore, #tpu.memory_space<semaphore_mem>>
      %dma_start3A_183 = arith.constant 0 : i32
      %dma_start3A_184 = arith.constant 0 : i32
      %dma_start3A_185 = tpu.memref_slice %arg11[%dma_start3A_183, %dma_start3A_184] : memref<96x128xf32, #tpu.memory_space<vmem>> -> memref<64x128xf32, #tpu.memory_space<vmem>>
      %dma_start3A_186 = arith.constant 0 : i32
      %dma_start3A_187 = tpu.memref_slice %arg13[%add3A_33, %dma_start3A_186] : memref<10240x128xf32, #tpu.memory_space<vmem_shared>> -> memref<64x128xf32, #tpu.memory_space<vmem_shared>>
      %dma_start3A_188 = arith.constant 0 : i32
      %dma_start3A_189 = tpu.memref_slice %arg13[%add3A_33, %dma_start3A_188] : memref<10240x128xf32, #tpu.memory_space<vmem_shared>> -> memref<64x128xf32, #tpu.memory_space<vmem_shared>>
      %dma_start3A_190 = arith.constant 0 : i32
      %dma_start3A_191 = arith.constant 0 : i32
      %dma_start3A_192 = tpu.memref_slice %arg11[%dma_start3A_190, %dma_start3A_191] : memref<96x128xf32, #tpu.memory_space<vmem>> -> memref<64x128xf32, #tpu.memory_space<vmem>>
      tpu.enqueue_dma source(%dma_start3A_192 : memref<64x128xf32, #tpu.memory_space<vmem>>) target(%dma_start3A_189 : memref<64x128xf32, #tpu.memory_space<vmem_shared>>) target_semaphore(%run_scoped3A : memref<!tpu.dma_semaphore, #tpu.memory_space<semaphore_mem>>)
      %dma_wait3A_193 = arith.constant 0 : i32
      %dma_wait3A_194 = arith.constant 0 : i32
      %dma_wait3A_195 = tpu.memref_slice %arg11[%dma_wait3A_193, %dma_wait3A_194] : memref<96x128xf32, #tpu.memory_space<vmem>> -> memref<64x128xf32, #tpu.memory_space<vmem>>
      %dma_wait3A_196 = arith.constant 0 : i32
      %dma_wait3A_197 = tpu.memref_slice %arg13[%add3A_33, %dma_wait3A_196] : memref<10240x128xf32, #tpu.memory_space<vmem_shared>> -> memref<64x128xf32, #tpu.memory_space<vmem_shared>>
      %dma_wait3A_198 = arith.constant 0 : i32
      %dma_wait3A_199 = tpu.memref_slice %arg13[%add3A_33, %dma_wait3A_198] : memref<10240x128xf32, #tpu.memory_space<vmem_shared>> -> memref<64x128xf32, #tpu.memory_space<vmem_shared>>
      %dma_wait3A_200 = arith.constant 0 : i32
      %dma_wait3A_201 = arith.constant 0 : i32
      %dma_wait3A_202 = tpu.memref_slice %arg11[%dma_wait3A_200, %dma_wait3A_201] : memref<96x128xf32, #tpu.memory_space<vmem>> -> memref<64x128xf32, #tpu.memory_space<vmem>>
      tpu.wait_dma2 semaphore(%run_scoped3A : memref<!tpu.dma_semaphore, #tpu.memory_space<semaphore_mem>>) src(%dma_wait3A_202 : memref<64x128xf32, #tpu.memory_space<vmem>>) dst(%dma_wait3A_199 : memref<64x128xf32, #tpu.memory_space<vmem_shared>>)
      tpu.yield
    }) : () -> ()
    %scan3A_34 = arith.constant 0 : i32
    %scan3A_35 = arith.constant 0 : i32
    %scan3A_36 = arith.constant 632 : i32
    %scan3A_37 = arith.addi %scan3A_35, %scan3A_36 : i32
    %scan3A_38 = arith.constant 1 : i32
    scf.for %scan3A_183 = %scan3A_35 to %scan3A_37 step %scan3A_38  : i32 {
      %broadcast_in_dim3A = arith.constant 0.000000e+00 : f32
      %broadcast_in_dim3A_184 = vector.broadcast %broadcast_in_dim3A : f32 to vector<16xf32>
      %mul3A_185 = arith.constant 16 : i32
      %mul3A_186 = arith.muli %scan3A_183, %mul3A_185 : i32
      %swap3A = arith.index_cast %mul3A_186 : i32 to index
      %swap3A_187 = tpu.vector_load %arg23[%swap3A] {strides = array<i32>} : memref<10112xf32, #tpu.memory_space<vmem>>, vector<16xf32>,
      tpu.vector_store %arg23[%swap3A], %broadcast_in_dim3A_184 {strides = array<i32>} : memref<10112xf32, #tpu.memory_space<vmem>>, vector<16xf32>,
    }
    %scan3A_39 = arith.constant 632 : i32
    "tpu.region"() ({
      %run_scoped3A = tpu.sem_alloc : memref<!tpu.dma_semaphore, #tpu.memory_space<semaphore_mem>>
      tpu.enqueue_dma source(%arg3 : memref<10112xf32, #tpu.memory_space<hbm>>) target(%arg22 : memref<10112xf32, #tpu.memory_space<vmem>>) target_semaphore(%run_scoped3A : memref<!tpu.dma_semaphore, #tpu.memory_space<semaphore_mem>>)
      tpu.wait_dma2 semaphore(%run_scoped3A : memref<!tpu.dma_semaphore, #tpu.memory_space<semaphore_mem>>) src(%arg3 : memref<10112xf32, #tpu.memory_space<hbm>>) dst(%arg22 : memref<10112xf32, #tpu.memory_space<vmem>>)
      tpu.yield
    }) : () -> ()
    %barrier3A = arith.constant 0 : index
    tpu.barrier barrier_id(%barrier3A)
    %mul3A_40 = arith.constant 212 : i32
    %mul3A_41 = arith.muli %arg1, %mul3A_40 : i32
    %mul3A_42 = arith.constant 168 : i32
    %mul3A_43 = arith.muli %arg0, %mul3A_42 : i32
    %add3A_44 = arith.addi %mul3A_41, %mul3A_43 : i32
    %eq3A = arith.constant 0 : i32
    %eq3A_45 = arith.cmpi eq, %arg0, %eq3A : i32
    %jit3A = arith.constant 168 : i32
    %jit3A_46 = arith.constant 44 : i32
    %select_n3A = arith.select %eq3A_45, %jit3A, %jit3A_46 : i32
    %add3A_47 = arith.addi %add3A_44, %select_n3A : i32
    %sub3A = arith.constant 1 : i32
    %sub3A_48 = arith.subi %add3A_47, %sub3A : i32
    %add3A_49 = arith.constant 0 : i32
    %add3A_50 = arith.addi %add3A_44, %add3A_49 : i32
    %min3A = arith.minsi %add3A_50, %sub3A_48 : i32
    %dma_start3A = arith.constant 0 : i32
    %dma_start3A_51 = arith.constant 0 : i32
    %dma_start3A_52 = tpu.memref_slice %arg4[%min3A, %dma_start3A, %dma_start3A_51] : memref<3392x2x96xi32, #tpu.memory_space<hbm>> -> memref<1x2x96xi32, #tpu.memory_space<hbm>>
    %dma_start3A_53 = tpu.memref_squeeze %dma_start3A_52 : memref<1x2x96xi32, #tpu.memory_space<hbm>> -> memref<2x96xi32, #tpu.memory_space<hbm>>
    %dma_start3A_54 = arith.constant 0 : i32
    %dma_start3A_55 = arith.constant 0 : i32
    %dma_start3A_56 = tpu.memref_slice %arg4[%min3A, %dma_start3A_54, %dma_start3A_55] : memref<3392x2x96xi32, #tpu.memory_space<hbm>> -> memref<1x2x96xi32, #tpu.memory_space<hbm>>
    %dma_start3A_57 = tpu.memref_squeeze %dma_start3A_56 : memref<1x2x96xi32, #tpu.memory_space<hbm>> -> memref<2x96xi32, #tpu.memory_space<hbm>>
    tpu.enqueue_dma source(%dma_start3A_57 : memref<2x96xi32, #tpu.memory_space<hbm>>) target(%arg7 : memref<2x96xi32, #tpu.memory_space<vmem>>) target_semaphore(%arg14 : memref<!tpu.dma_semaphore, #tpu.memory_space<semaphore_mem>>)
    %add3A_58 = arith.constant 1 : i32
    %add3A_59 = arith.addi %add3A_44, %add3A_58 : i32
    %min3A_60 = arith.minsi %add3A_59, %sub3A_48 : i32
    %dma_start3A_61 = arith.constant 0 : i32
    %dma_start3A_62 = arith.constant 0 : i32
    %dma_start3A_63 = tpu.memref_slice %arg4[%min3A_60, %dma_start3A_61, %dma_start3A_62] : memref<3392x2x96xi32, #tpu.memory_space<hbm>> -> memref<1x2x96xi32, #tpu.memory_space<hbm>>
    %dma_start3A_64 = tpu.memref_squeeze %dma_start3A_63 : memref<1x2x96xi32, #tpu.memory_space<hbm>> -> memref<2x96xi32, #tpu.memory_space<hbm>>
    %dma_start3A_65 = arith.constant 0 : i32
    %dma_start3A_66 = arith.constant 0 : i32
    %dma_start3A_67 = tpu.memref_slice %arg4[%min3A_60, %dma_start3A_65, %dma_start3A_66] : memref<3392x2x96xi32, #tpu.memory_space<hbm>> -> memref<1x2x96xi32, #tpu.memory_space<hbm>>
    %dma_start3A_68 = tpu.memref_squeeze %dma_start3A_67 : memref<1x2x96xi32, #tpu.memory_space<hbm>> -> memref<2x96xi32, #tpu.memory_space<hbm>>
    tpu.enqueue_dma source(%dma_start3A_68 : memref<2x96xi32, #tpu.memory_space<hbm>>) target(%arg8 : memref<2x96xi32, #tpu.memory_space<vmem>>) target_semaphore(%arg15 : memref<!tpu.dma_semaphore, #tpu.memory_space<semaphore_mem>>)
    %add3A_69 = arith.constant 2 : i32
    %add3A_70 = arith.addi %add3A_44, %add3A_69 : i32
    %min3A_71 = arith.minsi %add3A_70, %sub3A_48 : i32
    %dma_start3A_72 = arith.constant 0 : i32
    %dma_start3A_73 = arith.constant 0 : i32
    %dma_start3A_74 = tpu.memref_slice %arg4[%min3A_71, %dma_start3A_72, %dma_start3A_73] : memref<3392x2x96xi32, #tpu.memory_space<hbm>> -> memref<1x2x96xi32, #tpu.memory_space<hbm>>
    %dma_start3A_75 = tpu.memref_squeeze %dma_start3A_74 : memref<1x2x96xi32, #tpu.memory_space<hbm>> -> memref<2x96xi32, #tpu.memory_space<hbm>>
    %dma_start3A_76 = arith.constant 0 : i32
    %dma_start3A_77 = arith.constant 0 : i32
    %dma_start3A_78 = tpu.memref_slice %arg4[%min3A_71, %dma_start3A_76, %dma_start3A_77] : memref<3392x2x96xi32, #tpu.memory_space<hbm>> -> memref<1x2x96xi32, #tpu.memory_space<hbm>>
    %dma_start3A_79 = tpu.memref_squeeze %dma_start3A_78 : memref<1x2x96xi32, #tpu.memory_space<hbm>> -> memref<2x96xi32, #tpu.memory_space<hbm>>
    tpu.enqueue_dma source(%dma_start3A_79 : memref<2x96xi32, #tpu.memory_space<hbm>>) target(%arg9 : memref<2x96xi32, #tpu.memory_space<vmem>>) target_semaphore(%arg16 : memref<!tpu.dma_semaphore, #tpu.memory_space<semaphore_mem>>)
    %add3A_80 = arith.constant 3 : i32
    %add3A_81 = arith.addi %add3A_44, %add3A_80 : i32
    %min3A_82 = arith.minsi %add3A_81, %sub3A_48 : i32
    %dma_start3A_83 = arith.constant 0 : i32
    %dma_start3A_84 = arith.constant 0 : i32
    %dma_start3A_85 = tpu.memref_slice %arg4[%min3A_82, %dma_start3A_83, %dma_start3A_84] : memref<3392x2x96xi32, #tpu.memory_space<hbm>> -> memref<1x2x96xi32, #tpu.memory_space<hbm>>
    %dma_start3A_86 = tpu.memref_squeeze %dma_start3A_85 : memref<1x2x96xi32, #tpu.memory_space<hbm>> -> memref<2x96xi32, #tpu.memory_space<hbm>>
    %dma_start3A_87 = arith.constant 0 : i32
    %dma_start3A_88 = arith.constant 0 : i32
    %dma_start3A_89 = tpu.memref_slice %arg4[%min3A_82, %dma_start3A_87, %dma_start3A_88] : memref<3392x2x96xi32, #tpu.memory_space<hbm>> -> memref<1x2x96xi32, #tpu.memory_space<hbm>>
    %dma_start3A_90 = tpu.memref_squeeze %dma_start3A_89 : memref<1x2x96xi32, #tpu.memory_space<hbm>> -> memref<2x96xi32, #tpu.memory_space<hbm>>
    tpu.enqueue_dma source(%dma_start3A_90 : memref<2x96xi32, #tpu.memory_space<hbm>>) target(%arg10 : memref<2x96xi32, #tpu.memory_space<vmem>>) target_semaphore(%arg17 : memref<!tpu.dma_semaphore, #tpu.memory_space<semaphore_mem>>)
    %dma_wait3A = arith.constant 0 : i32
    %dma_wait3A_91 = arith.constant 0 : i32
    %dma_wait3A_92 = tpu.memref_slice %arg4[%add3A_44, %dma_wait3A, %dma_wait3A_91] : memref<3392x2x96xi32, #tpu.memory_space<hbm>> -> memref<1x2x96xi32, #tpu.memory_space<hbm>>
    %dma_wait3A_93 = tpu.memref_squeeze %dma_wait3A_92 : memref<1x2x96xi32, #tpu.memory_space<hbm>> -> memref<2x96xi32, #tpu.memory_space<hbm>>
    %dma_wait3A_94 = arith.constant 0 : i32
    %dma_wait3A_95 = arith.constant 0 : i32
    %dma_wait3A_96 = tpu.memref_slice %arg4[%add3A_44, %dma_wait3A_94, %dma_wait3A_95] : memref<3392x2x96xi32, #tpu.memory_space<hbm>> -> memref<1x2x96xi32, #tpu.memory_space<hbm>>
    %dma_wait3A_97 = tpu.memref_squeeze %dma_wait3A_96 : memref<1x2x96xi32, #tpu.memory_space<hbm>> -> memref<2x96xi32, #tpu.memory_space<hbm>>
    tpu.wait_dma2 semaphore(%arg14 : memref<!tpu.dma_semaphore, #tpu.memory_space<semaphore_mem>>) src(%dma_wait3A_97 : memref<2x96xi32, #tpu.memory_space<hbm>>) dst(%arg7 : memref<2x96xi32, #tpu.memory_space<vmem>>)
    %dma_start3A_98 = arith.constant 0 : i32
    %dma_start3A_99 = arith.constant 0 : i32
    %dma_start3A_100 = tpu.memref_slice %arg7[%dma_start3A_98, %dma_start3A_99] : memref<2x96xi32, #tpu.memory_space<vmem>> -> memref<1x96xi32, #tpu.memory_space<vmem>>
    %dma_start3A_101 = tpu.memref_squeeze %dma_start3A_100 : memref<1x96xi32, #tpu.memory_space<vmem>> -> memref<96xi32, #tpu.memory_space<vmem>>
    %dma_start3A_102 = arith.constant 0 : i32
    %dma_start3A_103 = arith.constant 0 : i32
    %dma_start3A_104 = tpu.memref_slice %arg2[%dma_start3A_102, %dma_start3A_103] : memref<10112x128xf32, #tpu.memory_space<hbm>> -> memref<10112x128xf32, #tpu.memory_space<hbm>>
    tpu.enqueue_indirect_dma source(%dma_start3A_104 : memref<10112x128xf32, #tpu.memory_space<hbm>>) target(%arg11 : memref<96x128xf32, #tpu.memory_space<vmem>>) offsets(%dma_start3A_101 : memref<96xi32, #tpu.memory_space<vmem>>) semaphore(%arg18 : memref<!tpu.dma_semaphore, #tpu.memory_space<semaphore_mem>>)
    %dma_wait3A_105 = arith.constant 0 : i32
    %dma_wait3A_106 = arith.constant 0 : i32
    %dma_wait3A_107 = tpu.memref_slice %arg4[%add3A_44, %dma_wait3A_105, %dma_wait3A_106] : memref<3392x2x96xi32, #tpu.memory_space<hbm>> -> memref<1x2x96xi32, #tpu.memory_space<hbm>>
    %dma_wait3A_108 = tpu.memref_squeeze %dma_wait3A_107 : memref<1x2x96xi32, #tpu.memory_space<hbm>> -> memref<2x96xi32, #tpu.memory_space<hbm>>
    %dma_wait3A_109 = arith.constant 0 : i32
    %dma_wait3A_110 = arith.constant 0 : i32
    %dma_wait3A_111 = tpu.memref_slice %arg4[%add3A_44, %dma_wait3A_109, %dma_wait3A_110] : memref<3392x2x96xi32, #tpu.memory_space<hbm>> -> memref<1x2x96xi32, #tpu.memory_space<hbm>>
    %dma_wait3A_112 = tpu.memref_squeeze %dma_wait3A_111 : memref<1x2x96xi32, #tpu.memory_space<hbm>> -> memref<2x96xi32, #tpu.memory_space<hbm>>
    tpu.wait_dma2 semaphore(%arg15 : memref<!tpu.dma_semaphore, #tpu.memory_space<semaphore_mem>>) src(%dma_wait3A_112 : memref<2x96xi32, #tpu.memory_space<hbm>>) dst(%arg8 : memref<2x96xi32, #tpu.memory_space<vmem>>)
    %dma_start3A_113 = arith.constant 0 : i32
    %dma_start3A_114 = arith.constant 0 : i32
    %dma_start3A_115 = tpu.memref_slice %arg8[%dma_start3A_113, %dma_start3A_114] : memref<2x96xi32, #tpu.memory_space<vmem>> -> memref<1x96xi32, #tpu.memory_space<vmem>>
    %dma_start3A_116 = tpu.memref_squeeze %dma_start3A_115 : memref<1x96xi32, #tpu.memory_space<vmem>> -> memref<96xi32, #tpu.memory_space<vmem>>
    %dma_start3A_117 = arith.constant 0 : i32
    %dma_start3A_118 = arith.constant 0 : i32
    %dma_start3A_119 = tpu.memref_slice %arg2[%dma_start3A_117, %dma_start3A_118] : memref<10112x128xf32, #tpu.memory_space<hbm>> -> memref<10112x128xf32, #tpu.memory_space<hbm>>
    tpu.enqueue_indirect_dma source(%dma_start3A_119 : memref<10112x128xf32, #tpu.memory_space<hbm>>) target(%arg12 : memref<96x128xf32, #tpu.memory_space<vmem>>) offsets(%dma_start3A_116 : memref<96xi32, #tpu.memory_space<vmem>>) semaphore(%arg19 : memref<!tpu.dma_semaphore, #tpu.memory_space<semaphore_mem>>)
    %jit3A_120 = arith.constant 4 : i32
    %div3A = arith.divsi %select_n3A, %jit3A_120 : i32
    %sign3A = arith.constant 0 : i32
    %sign3A_121 = arith.cmpi sgt, %select_n3A, %sign3A : i32
    %sign3A_122 = arith.extui %sign3A_121 : i1 to i32
    %sign3A_123 = arith.constant 0 : i32
    %sign3A_124 = arith.cmpi slt, %select_n3A, %sign3A_123 : i32
    %sign3A_125 = arith.extui %sign3A_124 : i1 to i32
    %sign3A_126 = arith.subi %sign3A_122, %sign3A_125 : i32
    %sign3A_127 = arith.constant 0 : i32
    %sign3A_128 = arith.cmpi sgt, %jit3A_120, %sign3A_127 : i32
    %sign3A_129 = arith.extui %sign3A_128 : i1 to i32
    %sign3A_130 = arith.constant 0 : i32
    %sign3A_131 = arith.cmpi slt, %jit3A_120, %sign3A_130 : i32
    %sign3A_132 = arith.extui %sign3A_131 : i1 to i32
    %sign3A_133 = arith.subi %sign3A_129, %sign3A_132 : i32
    %ne3A = arith.cmpi ne, %sign3A_126, %sign3A_133 : i32
    %rem3A = arith.remsi %select_n3A, %jit3A_120 : i32
    %ne3A_134 = arith.constant 0 : i32
    %ne3A_135 = arith.cmpi ne, %rem3A, %ne3A_134 : i32
    %and3A = arith.andi %ne3A, %ne3A_135 : i1
    %sub3A_136 = arith.constant 1 : i32
    %sub3A_137 = arith.subi %div3A, %sub3A_136 : i32
    %select_n3A_138 = arith.select %and3A, %sub3A_137, %div3A : i32
    %while3A = arith.constant 0 : i32
    %while3A_139 = arith.constant 0 : i32
    %while3A_140 = arith.subi %select_n3A_138, %while3A_139 : i32
    %while3A_141 = arith.addi %while3A_139, %while3A_140 : i32
    %while3A_142 = arith.constant 1 : i32
    %while3A_143 = arith.divsi %while3A_140, %while3A_142 : i32
    %while3A_144 = arith.muli %while3A_143, %while3A_142 : i32
    %while3A_145 = arith.addi %while3A_139, %while3A_144 : i32
    %while3A_146 = arith.constant 1 : i32
    scf.for %while3A_183 = %while3A_139 to %while3A_145 step %while3A_146  : i32 {
      %mul3A_184 = arith.constant 4 : i32
      %mul3A_185 = arith.muli %mul3A_184, %while3A_183 : i32
      %dma_wait3A_186 = arith.constant 0 : i32
      %dma_wait3A_187 = arith.constant 0 : i32
      %dma_wait3A_188 = tpu.memref_slice %arg7[%dma_wait3A_186, %dma_wait3A_187] : memref<2x96xi32, #tpu.memory_space<vmem>> -> memref<1x96xi32, #tpu.memory_space<vmem>>
      %dma_wait3A_189 = tpu.memref_squeeze %dma_wait3A_188 : memref<1x96xi32, #tpu.memory_space<vmem>> -> memref<96xi32, #tpu.memory_space<vmem>>
      %dma_wait3A_190 = arith.constant 0 : i32
      %dma_wait3A_191 = arith.constant 0 : i32
      %dma_wait3A_192 = tpu.memref_slice %arg2[%dma_wait3A_190, %dma_wait3A_191] : memref<10112x128xf32, #tpu.memory_space<hbm>> -> memref<10112x128xf32, #tpu.memory_space<hbm>>
      tpu.wait_indirect_dma semaphore(%arg18 : memref<!tpu.dma_semaphore, #tpu.memory_space<semaphore_mem>>) src(%dma_wait3A_192 : memref<10112x128xf32, #tpu.memory_space<hbm>>) dst(%arg11 : memref<96x128xf32, #tpu.memory_space<vmem>>)
      %dma_start3A_193 = arith.constant 1 : i32
      %dma_start3A_194 = arith.constant 0 : i32
      %dma_start3A_195 = tpu.memref_slice %arg7[%dma_start3A_193, %dma_start3A_194] : memref<2x96xi32, #tpu.memory_space<vmem>> -> memref<1x96xi32, #tpu.memory_space<vmem>>
      %dma_start3A_196 = tpu.memref_squeeze %dma_start3A_195 : memref<1x96xi32, #tpu.memory_space<vmem>> -> memref<96xi32, #tpu.memory_space<vmem>>
      %dma_start3A_197 = arith.constant 0 : i32
      %dma_start3A_198 = arith.constant 0 : i32
      %dma_start3A_199 = tpu.memref_slice %arg13[%dma_start3A_197, %dma_start3A_198] : memref<10240x128xf32, #tpu.memory_space<vmem_shared>> -> memref<10240x128xf32, #tpu.memory_space<vmem_shared>>
      tpu.enqueue_indirect_dma source(%arg11 : memref<96x128xf32, #tpu.memory_space<vmem>>) target(%dma_start3A_199 : memref<10240x128xf32, #tpu.memory_space<vmem_shared>>) offsets(%dma_start3A_196 : memref<96xi32, #tpu.memory_space<vmem>>) semaphore(%arg20 : memref<!tpu.dma_semaphore, #tpu.memory_space<semaphore_mem>>) {add = true}
      %get3A = arith.constant 1 : i32
      %get3A_200 = arith.index_cast %get3A : i32 to index
      %get3A_201 = arith.constant 0 : index
      %get3A_202 = tpu.vector_load %arg7[%get3A_200, %get3A_201] {strides = array<i32>} : memref<2x96xi32, #tpu.memory_space<vmem>>, vector<16xi32>,
      %get3A_203 = arith.constant 0 : i32
      %get3A_204 = arith.index_cast %get3A_203 : i32 to index
      %get3A_205 = arith.constant 0 : index
      %get3A_206 = tpu.vector_load %arg7[%get3A_204, %get3A_205] {strides = array<i32>} : memref<2x96xi32, #tpu.memory_space<vmem>>, vector<16xi32>,
      %gather3A = tpu.vector_load_idx %arg22[%get3A_202] : memref<10112xf32, #tpu.memory_space<vmem>>[vector<16xi32>], vector<16xf32>,
      tpu.vector_store_idx %arg23[%get3A_206], %gather3A {add = true} : memref<10112xf32, #tpu.memory_space<vmem>>[vector<16xi32>], vector<16xf32>,
      %get3A_207 = arith.constant 1 : i32
      %get3A_208 = arith.index_cast %get3A_207 : i32 to index
      %get3A_209 = arith.constant 16 : index
      %get3A_210 = tpu.vector_load %arg7[%get3A_208, %get3A_209] {strides = array<i32>} : memref<2x96xi32, #tpu.memory_space<vmem>>, vector<16xi32>,
      %get3A_211 = arith.constant 0 : i32
      %get3A_212 = arith.index_cast %get3A_211 : i32 to index
      %get3A_213 = arith.constant 16 : index
      %get3A_214 = tpu.vector_load %arg7[%get3A_212, %get3A_213] {strides = array<i32>} : memref<2x96xi32, #tpu.memory_space<vmem>>, vector<16xi32>,
      %gather3A_215 = tpu.vector_load_idx %arg22[%get3A_210] : memref<10112xf32, #tpu.memory_space<vmem>>[vector<16xi32>], vector<16xf32>,
      tpu.vector_store_idx %arg23[%get3A_214], %gather3A_215 {add = true} : memref<10112xf32, #tpu.memory_space<vmem>>[vector<16xi32>], vector<16xf32>,
      %get3A_216 = arith.constant 1 : i32
      %get3A_217 = arith.index_cast %get3A_216 : i32 to index
      %get3A_218 = arith.constant 32 : index
      %get3A_219 = tpu.vector_load %arg7[%get3A_217, %get3A_218] {strides = array<i32>} : memref<2x96xi32, #tpu.memory_space<vmem>>, vector<16xi32>,
      %get3A_220 = arith.constant 0 : i32
      %get3A_221 = arith.index_cast %get3A_220 : i32 to index
      %get3A_222 = arith.constant 32 : index
      %get3A_223 = tpu.vector_load %arg7[%get3A_221, %get3A_222] {strides = array<i32>} : memref<2x96xi32, #tpu.memory_space<vmem>>, vector<16xi32>,
      %gather3A_224 = tpu.vector_load_idx %arg22[%get3A_219] : memref<10112xf32, #tpu.memory_space<vmem>>[vector<16xi32>], vector<16xf32>,
      tpu.vector_store_idx %arg23[%get3A_223], %gather3A_224 {add = true} : memref<10112xf32, #tpu.memory_space<vmem>>[vector<16xi32>], vector<16xf32>,
      %get3A_225 = arith.constant 1 : i32
      %get3A_226 = arith.index_cast %get3A_225 : i32 to index
      %get3A_227 = arith.constant 48 : index
      %get3A_228 = tpu.vector_load %arg7[%get3A_226, %get3A_227] {strides = array<i32>} : memref<2x96xi32, #tpu.memory_space<vmem>>, vector<16xi32>,
      %get3A_229 = arith.constant 0 : i32
      %get3A_230 = arith.index_cast %get3A_229 : i32 to index
      %get3A_231 = arith.constant 48 : index
      %get3A_232 = tpu.vector_load %arg7[%get3A_230, %get3A_231] {strides = array<i32>} : memref<2x96xi32, #tpu.memory_space<vmem>>, vector<16xi32>,
      %gather3A_233 = tpu.vector_load_idx %arg22[%get3A_228] : memref<10112xf32, #tpu.memory_space<vmem>>[vector<16xi32>], vector<16xf32>,
      tpu.vector_store_idx %arg23[%get3A_232], %gather3A_233 {add = true} : memref<10112xf32, #tpu.memory_space<vmem>>[vector<16xi32>], vector<16xf32>,
      %get3A_234 = arith.constant 1 : i32
      %get3A_235 = arith.index_cast %get3A_234 : i32 to index
      %get3A_236 = arith.constant 64 : index
      %get3A_237 = tpu.vector_load %arg7[%get3A_235, %get3A_236] {strides = array<i32>} : memref<2x96xi32, #tpu.memory_space<vmem>>, vector<16xi32>,
      %get3A_238 = arith.constant 0 : i32
      %get3A_239 = arith.index_cast %get3A_238 : i32 to index
      %get3A_240 = arith.constant 64 : index
      %get3A_241 = tpu.vector_load %arg7[%get3A_239, %get3A_240] {strides = array<i32>} : memref<2x96xi32, #tpu.memory_space<vmem>>, vector<16xi32>,
      %gather3A_242 = tpu.vector_load_idx %arg22[%get3A_237] : memref<10112xf32, #tpu.memory_space<vmem>>[vector<16xi32>], vector<16xf32>,
      tpu.vector_store_idx %arg23[%get3A_241], %gather3A_242 {add = true} : memref<10112xf32, #tpu.memory_space<vmem>>[vector<16xi32>], vector<16xf32>,
      %get3A_243 = arith.constant 1 : i32
      %get3A_244 = arith.index_cast %get3A_243 : i32 to index
      %get3A_245 = arith.constant 80 : index
      %get3A_246 = tpu.vector_load %arg7[%get3A_244, %get3A_245] {strides = array<i32>} : memref<2x96xi32, #tpu.memory_space<vmem>>, vector<16xi32>,
      %get3A_247 = arith.constant 0 : i32
      %get3A_248 = arith.index_cast %get3A_247 : i32 to index
      %get3A_249 = arith.constant 80 : index
      %get3A_250 = tpu.vector_load %arg7[%get3A_248, %get3A_249] {strides = array<i32>} : memref<2x96xi32, #tpu.memory_space<vmem>>, vector<16xi32>,
      %gather3A_251 = tpu.vector_load_idx %arg22[%get3A_246] : memref<10112xf32, #tpu.memory_space<vmem>>[vector<16xi32>], vector<16xf32>,
      tpu.vector_store_idx %arg23[%get3A_250], %gather3A_251 {add = true} : memref<10112xf32, #tpu.memory_space<vmem>>[vector<16xi32>], vector<16xf32>,
      %dma_wait3A_252 = arith.constant 0 : i32
      %dma_wait3A_253 = arith.constant 0 : i32
      %dma_wait3A_254 = tpu.memref_slice %arg8[%dma_wait3A_252, %dma_wait3A_253] : memref<2x96xi32, #tpu.memory_space<vmem>> -> memref<1x96xi32, #tpu.memory_space<vmem>>
      %dma_wait3A_255 = tpu.memref_squeeze %dma_wait3A_254 : memref<1x96xi32, #tpu.memory_space<vmem>> -> memref<96xi32, #tpu.memory_space<vmem>>
      %dma_wait3A_256 = arith.constant 0 : i32
      %dma_wait3A_257 = arith.constant 0 : i32
      %dma_wait3A_258 = tpu.memref_slice %arg2[%dma_wait3A_256, %dma_wait3A_257] : memref<10112x128xf32, #tpu.memory_space<hbm>> -> memref<10112x128xf32, #tpu.memory_space<hbm>>
      tpu.wait_indirect_dma semaphore(%arg19 : memref<!tpu.dma_semaphore, #tpu.memory_space<semaphore_mem>>) src(%dma_wait3A_258 : memref<10112x128xf32, #tpu.memory_space<hbm>>) dst(%arg12 : memref<96x128xf32, #tpu.memory_space<vmem>>)
      %dma_start3A_259 = arith.constant 1 : i32
      %dma_start3A_260 = arith.constant 0 : i32
      %dma_start3A_261 = tpu.memref_slice %arg8[%dma_start3A_259, %dma_start3A_260] : memref<2x96xi32, #tpu.memory_space<vmem>> -> memref<1x96xi32, #tpu.memory_space<vmem>>
      %dma_start3A_262 = tpu.memref_squeeze %dma_start3A_261 : memref<1x96xi32, #tpu.memory_space<vmem>> -> memref<96xi32, #tpu.memory_space<vmem>>
      %dma_start3A_263 = arith.constant 0 : i32
      %dma_start3A_264 = arith.constant 0 : i32
      %dma_start3A_265 = tpu.memref_slice %arg13[%dma_start3A_263, %dma_start3A_264] : memref<10240x128xf32, #tpu.memory_space<vmem_shared>> -> memref<10240x128xf32, #tpu.memory_space<vmem_shared>>
      tpu.enqueue_indirect_dma source(%arg12 : memref<96x128xf32, #tpu.memory_space<vmem>>) target(%dma_start3A_265 : memref<10240x128xf32, #tpu.memory_space<vmem_shared>>) offsets(%dma_start3A_262 : memref<96xi32, #tpu.memory_space<vmem>>) semaphore(%arg21 : memref<!tpu.dma_semaphore, #tpu.memory_space<semaphore_mem>>) {add = true}
      %get3A_266 = arith.constant 1 : i32
      %get3A_267 = arith.index_cast %get3A_266 : i32 to index
      %get3A_268 = arith.constant 0 : index
      %get3A_269 = tpu.vector_load %arg8[%get3A_267, %get3A_268] {strides = array<i32>} : memref<2x96xi32, #tpu.memory_space<vmem>>, vector<16xi32>,
      %get3A_270 = arith.constant 0 : i32
      %get3A_271 = arith.index_cast %get3A_270 : i32 to index
      %get3A_272 = arith.constant 0 : index
      %get3A_273 = tpu.vector_load %arg8[%get3A_271, %get3A_272] {strides = array<i32>} : memref<2x96xi32, #tpu.memory_space<vmem>>, vector<16xi32>,
      %gather3A_274 = tpu.vector_load_idx %arg22[%get3A_269] : memref<10112xf32, #tpu.memory_space<vmem>>[vector<16xi32>], vector<16xf32>,
      tpu.vector_store_idx %arg23[%get3A_273], %gather3A_274 {add = true} : memref<10112xf32, #tpu.memory_space<vmem>>[vector<16xi32>], vector<16xf32>,
      %get3A_275 = arith.constant 1 : i32
      %get3A_276 = arith.index_cast %get3A_275 : i32 to index
      %get3A_277 = arith.constant 16 : index
      %get3A_278 = tpu.vector_load %arg8[%get3A_276, %get3A_277] {strides = array<i32>} : memref<2x96xi32, #tpu.memory_space<vmem>>, vector<16xi32>,
      %get3A_279 = arith.constant 0 : i32
      %get3A_280 = arith.index_cast %get3A_279 : i32 to index
      %get3A_281 = arith.constant 16 : index
      %get3A_282 = tpu.vector_load %arg8[%get3A_280, %get3A_281] {strides = array<i32>} : memref<2x96xi32, #tpu.memory_space<vmem>>, vector<16xi32>,
      %gather3A_283 = tpu.vector_load_idx %arg22[%get3A_278] : memref<10112xf32, #tpu.memory_space<vmem>>[vector<16xi32>], vector<16xf32>,
      tpu.vector_store_idx %arg23[%get3A_282], %gather3A_283 {add = true} : memref<10112xf32, #tpu.memory_space<vmem>>[vector<16xi32>], vector<16xf32>,
      %get3A_284 = arith.constant 1 : i32
      %get3A_285 = arith.index_cast %get3A_284 : i32 to index
      %get3A_286 = arith.constant 32 : index
      %get3A_287 = tpu.vector_load %arg8[%get3A_285, %get3A_286] {strides = array<i32>} : memref<2x96xi32, #tpu.memory_space<vmem>>, vector<16xi32>,
      %get3A_288 = arith.constant 0 : i32
      %get3A_289 = arith.index_cast %get3A_288 : i32 to index
      %get3A_290 = arith.constant 32 : index
      %get3A_291 = tpu.vector_load %arg8[%get3A_289, %get3A_290] {strides = array<i32>} : memref<2x96xi32, #tpu.memory_space<vmem>>, vector<16xi32>,
      %gather3A_292 = tpu.vector_load_idx %arg22[%get3A_287] : memref<10112xf32, #tpu.memory_space<vmem>>[vector<16xi32>], vector<16xf32>,
      tpu.vector_store_idx %arg23[%get3A_291], %gather3A_292 {add = true} : memref<10112xf32, #tpu.memory_space<vmem>>[vector<16xi32>], vector<16xf32>,
      %get3A_293 = arith.constant 1 : i32
      %get3A_294 = arith.index_cast %get3A_293 : i32 to index
      %get3A_295 = arith.constant 48 : index
      %get3A_296 = tpu.vector_load %arg8[%get3A_294, %get3A_295] {strides = array<i32>} : memref<2x96xi32, #tpu.memory_space<vmem>>, vector<16xi32>,
      %get3A_297 = arith.constant 0 : i32
      %get3A_298 = arith.index_cast %get3A_297 : i32 to index
      %get3A_299 = arith.constant 48 : index
      %get3A_300 = tpu.vector_load %arg8[%get3A_298, %get3A_299] {strides = array<i32>} : memref<2x96xi32, #tpu.memory_space<vmem>>, vector<16xi32>,
      %gather3A_301 = tpu.vector_load_idx %arg22[%get3A_296] : memref<10112xf32, #tpu.memory_space<vmem>>[vector<16xi32>], vector<16xf32>,
      tpu.vector_store_idx %arg23[%get3A_300], %gather3A_301 {add = true} : memref<10112xf32, #tpu.memory_space<vmem>>[vector<16xi32>], vector<16xf32>,
      %get3A_302 = arith.constant 1 : i32
      %get3A_303 = arith.index_cast %get3A_302 : i32 to index
      %get3A_304 = arith.constant 64 : index
      %get3A_305 = tpu.vector_load %arg8[%get3A_303, %get3A_304] {strides = array<i32>} : memref<2x96xi32, #tpu.memory_space<vmem>>, vector<16xi32>,
      %get3A_306 = arith.constant 0 : i32
      %get3A_307 = arith.index_cast %get3A_306 : i32 to index
      %get3A_308 = arith.constant 64 : index
      %get3A_309 = tpu.vector_load %arg8[%get3A_307, %get3A_308] {strides = array<i32>} : memref<2x96xi32, #tpu.memory_space<vmem>>, vector<16xi32>,
      %gather3A_310 = tpu.vector_load_idx %arg22[%get3A_305] : memref<10112xf32, #tpu.memory_space<vmem>>[vector<16xi32>], vector<16xf32>,
      tpu.vector_store_idx %arg23[%get3A_309], %gather3A_310 {add = true} : memref<10112xf32, #tpu.memory_space<vmem>>[vector<16xi32>], vector<16xf32>,
      %get3A_311 = arith.constant 1 : i32
      %get3A_312 = arith.index_cast %get3A_311 : i32 to index
      %get3A_313 = arith.constant 80 : index
      %get3A_314 = tpu.vector_load %arg8[%get3A_312, %get3A_313] {strides = array<i32>} : memref<2x96xi32, #tpu.memory_space<vmem>>, vector<16xi32>,
      %get3A_315 = arith.constant 0 : i32
      %get3A_316 = arith.index_cast %get3A_315 : i32 to index
      %get3A_317 = arith.constant 80 : index
      %get3A_318 = tpu.vector_load %arg8[%get3A_316, %get3A_317] {strides = array<i32>} : memref<2x96xi32, #tpu.memory_space<vmem>>, vector<16xi32>,
      %gather3A_319 = tpu.vector_load_idx %arg22[%get3A_314] : memref<10112xf32, #tpu.memory_space<vmem>>[vector<16xi32>], vector<16xf32>,
      tpu.vector_store_idx %arg23[%get3A_318], %gather3A_319 {add = true} : memref<10112xf32, #tpu.memory_space<vmem>>[vector<16xi32>], vector<16xf32>,
      %dma_wait3A_320 = arith.constant 1 : i32
      %dma_wait3A_321 = arith.constant 0 : i32
      %dma_wait3A_322 = tpu.memref_slice %arg7[%dma_wait3A_320, %dma_wait3A_321] : memref<2x96xi32, #tpu.memory_space<vmem>> -> memref<1x96xi32, #tpu.memory_space<vmem>>
      %dma_wait3A_323 = tpu.memref_squeeze %dma_wait3A_322 : memref<1x96xi32, #tpu.memory_space<vmem>> -> memref<96xi32, #tpu.memory_space<vmem>>
      %dma_wait3A_324 = arith.constant 0 : i32
      %dma_wait3A_325 = arith.constant 0 : i32
      %dma_wait3A_326 = tpu.memref_slice %arg13[%dma_wait3A_324, %dma_wait3A_325] : memref<10240x128xf32, #tpu.memory_space<vmem_shared>> -> memref<10240x128xf32, #tpu.memory_space<vmem_shared>>
      tpu.wait_indirect_dma semaphore(%arg20 : memref<!tpu.dma_semaphore, #tpu.memory_space<semaphore_mem>>) src(%arg11 : memref<96x128xf32, #tpu.memory_space<vmem>>) dst(%dma_wait3A_326 : memref<10240x128xf32, #tpu.memory_space<vmem_shared>>)
      %dma_wait3A_327 = arith.constant 0 : i32
      %dma_wait3A_328 = arith.constant 0 : i32
      %dma_wait3A_329 = tpu.memref_slice %arg4[%add3A_44, %dma_wait3A_327, %dma_wait3A_328] : memref<3392x2x96xi32, #tpu.memory_space<hbm>> -> memref<1x2x96xi32, #tpu.memory_space<hbm>>
      %dma_wait3A_330 = tpu.memref_squeeze %dma_wait3A_329 : memref<1x2x96xi32, #tpu.memory_space<hbm>> -> memref<2x96xi32, #tpu.memory_space<hbm>>
      %dma_wait3A_331 = arith.constant 0 : i32
      %dma_wait3A_332 = arith.constant 0 : i32
      %dma_wait3A_333 = tpu.memref_slice %arg4[%add3A_44, %dma_wait3A_331, %dma_wait3A_332] : memref<3392x2x96xi32, #tpu.memory_space<hbm>> -> memref<1x2x96xi32, #tpu.memory_space<hbm>>
      %dma_wait3A_334 = tpu.memref_squeeze %dma_wait3A_333 : memref<1x2x96xi32, #tpu.memory_space<hbm>> -> memref<2x96xi32, #tpu.memory_space<hbm>>
      tpu.wait_dma2 semaphore(%arg16 : memref<!tpu.dma_semaphore, #tpu.memory_space<semaphore_mem>>) src(%dma_wait3A_334 : memref<2x96xi32, #tpu.memory_space<hbm>>) dst(%arg9 : memref<2x96xi32, #tpu.memory_space<vmem>>)
      %dma_start3A_335 = arith.constant 0 : i32
      %dma_start3A_336 = arith.constant 0 : i32
      %dma_start3A_337 = tpu.memref_slice %arg9[%dma_start3A_335, %dma_start3A_336] : memref<2x96xi32, #tpu.memory_space<vmem>> -> memref<1x96xi32, #tpu.memory_space<vmem>>
      %dma_start3A_338 = tpu.memref_squeeze %dma_start3A_337 : memref<1x96xi32, #tpu.memory_space<vmem>> -> memref<96xi32, #tpu.memory_space<vmem>>
      %dma_start3A_339 = arith.constant 0 : i32
      %dma_start3A_340 = arith.constant 0 : i32
      %dma_start3A_341 = tpu.memref_slice %arg2[%dma_start3A_339, %dma_start3A_340] : memref<10112x128xf32, #tpu.memory_space<hbm>> -> memref<10112x128xf32, #tpu.memory_space<hbm>>
      tpu.enqueue_indirect_dma source(%dma_start3A_341 : memref<10112x128xf32, #tpu.memory_space<hbm>>) target(%arg11 : memref<96x128xf32, #tpu.memory_space<vmem>>) offsets(%dma_start3A_338 : memref<96xi32, #tpu.memory_space<vmem>>) semaphore(%arg18 : memref<!tpu.dma_semaphore, #tpu.memory_space<semaphore_mem>>)
      %add3A_342 = arith.constant 4 : i32
      %add3A_343 = arith.addi %mul3A_185, %add3A_342 : i32
      %add3A_344 = arith.addi %add3A_44, %add3A_343 : i32
      %min3A_345 = arith.minsi %add3A_344, %sub3A_48 : i32
      %dma_start3A_346 = arith.constant 0 : i32
      %dma_start3A_347 = arith.constant 0 : i32
      %dma_start3A_348 = tpu.memref_slice %arg4[%min3A_345, %dma_start3A_346, %dma_start3A_347] : memref<3392x2x96xi32, #tpu.memory_space<hbm>> -> memref<1x2x96xi32, #tpu.memory_space<hbm>>
      %dma_start3A_349 = tpu.memref_squeeze %dma_start3A_348 : memref<1x2x96xi32, #tpu.memory_space<hbm>> -> memref<2x96xi32, #tpu.memory_space<hbm>>
      %dma_start3A_350 = arith.constant 0 : i32
      %dma_start3A_351 = arith.constant 0 : i32
      %dma_start3A_352 = tpu.memref_slice %arg4[%min3A_345, %dma_start3A_350, %dma_start3A_351] : memref<3392x2x96xi32, #tpu.memory_space<hbm>> -> memref<1x2x96xi32, #tpu.memory_space<hbm>>
      %dma_start3A_353 = tpu.memref_squeeze %dma_start3A_352 : memref<1x2x96xi32, #tpu.memory_space<hbm>> -> memref<2x96xi32, #tpu.memory_space<hbm>>
      tpu.enqueue_dma source(%dma_start3A_353 : memref<2x96xi32, #tpu.memory_space<hbm>>) target(%arg7 : memref<2x96xi32, #tpu.memory_space<vmem>>) target_semaphore(%arg14 : memref<!tpu.dma_semaphore, #tpu.memory_space<semaphore_mem>>)
      %dma_wait3A_354 = arith.constant 1 : i32
      %dma_wait3A_355 = arith.constant 0 : i32
      %dma_wait3A_356 = tpu.memref_slice %arg8[%dma_wait3A_354, %dma_wait3A_355] : memref<2x96xi32, #tpu.memory_space<vmem>> -> memref<1x96xi32, #tpu.memory_space<vmem>>
      %dma_wait3A_357 = tpu.memref_squeeze %dma_wait3A_356 : memref<1x96xi32, #tpu.memory_space<vmem>> -> memref<96xi32, #tpu.memory_space<vmem>>
      %dma_wait3A_358 = arith.constant 0 : i32
      %dma_wait3A_359 = arith.constant 0 : i32
      %dma_wait3A_360 = tpu.memref_slice %arg13[%dma_wait3A_358, %dma_wait3A_359] : memref<10240x128xf32, #tpu.memory_space<vmem_shared>> -> memref<10240x128xf32, #tpu.memory_space<vmem_shared>>
      tpu.wait_indirect_dma semaphore(%arg21 : memref<!tpu.dma_semaphore, #tpu.memory_space<semaphore_mem>>) src(%arg12 : memref<96x128xf32, #tpu.memory_space<vmem>>) dst(%dma_wait3A_360 : memref<10240x128xf32, #tpu.memory_space<vmem_shared>>)
      %dma_wait3A_361 = arith.constant 0 : i32
      %dma_wait3A_362 = arith.constant 0 : i32
      %dma_wait3A_363 = tpu.memref_slice %arg4[%add3A_44, %dma_wait3A_361, %dma_wait3A_362] : memref<3392x2x96xi32, #tpu.memory_space<hbm>> -> memref<1x2x96xi32, #tpu.memory_space<hbm>>
      %dma_wait3A_364 = tpu.memref_squeeze %dma_wait3A_363 : memref<1x2x96xi32, #tpu.memory_space<hbm>> -> memref<2x96xi32, #tpu.memory_space<hbm>>
      %dma_wait3A_365 = arith.constant 0 : i32
      %dma_wait3A_366 = arith.constant 0 : i32
      %dma_wait3A_367 = tpu.memref_slice %arg4[%add3A_44, %dma_wait3A_365, %dma_wait3A_366] : memref<3392x2x96xi32, #tpu.memory_space<hbm>> -> memref<1x2x96xi32, #tpu.memory_space<hbm>>
      %dma_wait3A_368 = tpu.memref_squeeze %dma_wait3A_367 : memref<1x2x96xi32, #tpu.memory_space<hbm>> -> memref<2x96xi32, #tpu.memory_space<hbm>>
      tpu.wait_dma2 semaphore(%arg17 : memref<!tpu.dma_semaphore, #tpu.memory_space<semaphore_mem>>) src(%dma_wait3A_368 : memref<2x96xi32, #tpu.memory_space<hbm>>) dst(%arg10 : memref<2x96xi32, #tpu.memory_space<vmem>>)
      %dma_start3A_369 = arith.constant 0 : i32
      %dma_start3A_370 = arith.constant 0 : i32
      %dma_start3A_371 = tpu.memref_slice %arg10[%dma_start3A_369, %dma_start3A_370] : memref<2x96xi32, #tpu.memory_space<vmem>> -> memref<1x96xi32, #tpu.memory_space<vmem>>
      %dma_start3A_372 = tpu.memref_squeeze %dma_start3A_371 : memref<1x96xi32, #tpu.memory_space<vmem>> -> memref<96xi32, #tpu.memory_space<vmem>>
      %dma_start3A_373 = arith.constant 0 : i32
      %dma_start3A_374 = arith.constant 0 : i32
      %dma_start3A_375 = tpu.memref_slice %arg2[%dma_start3A_373, %dma_start3A_374] : memref<10112x128xf32, #tpu.memory_space<hbm>> -> memref<10112x128xf32, #tpu.memory_space<hbm>>
      tpu.enqueue_indirect_dma source(%dma_start3A_375 : memref<10112x128xf32, #tpu.memory_space<hbm>>) target(%arg12 : memref<96x128xf32, #tpu.memory_space<vmem>>) offsets(%dma_start3A_372 : memref<96xi32, #tpu.memory_space<vmem>>) semaphore(%arg19 : memref<!tpu.dma_semaphore, #tpu.memory_space<semaphore_mem>>)
      %add3A_376 = arith.constant 5 : i32
      %add3A_377 = arith.addi %mul3A_185, %add3A_376 : i32
      %add3A_378 = arith.addi %add3A_44, %add3A_377 : i32
      %min3A_379 = arith.minsi %add3A_378, %sub3A_48 : i32
      %dma_start3A_380 = arith.constant 0 : i32
      %dma_start3A_381 = arith.constant 0 : i32
      %dma_start3A_382 = tpu.memref_slice %arg4[%min3A_379, %dma_start3A_380, %dma_start3A_381] : memref<3392x2x96xi32, #tpu.memory_space<hbm>> -> memref<1x2x96xi32, #tpu.memory_space<hbm>>
      %dma_start3A_383 = tpu.memref_squeeze %dma_start3A_382 : memref<1x2x96xi32, #tpu.memory_space<hbm>> -> memref<2x96xi32, #tpu.memory_space<hbm>>
      %dma_start3A_384 = arith.constant 0 : i32
      %dma_start3A_385 = arith.constant 0 : i32
      %dma_start3A_386 = tpu.memref_slice %arg4[%min3A_379, %dma_start3A_384, %dma_start3A_385] : memref<3392x2x96xi32, #tpu.memory_space<hbm>> -> memref<1x2x96xi32, #tpu.memory_space<hbm>>
      %dma_start3A_387 = tpu.memref_squeeze %dma_start3A_386 : memref<1x2x96xi32, #tpu.memory_space<hbm>> -> memref<2x96xi32, #tpu.memory_space<hbm>>
      tpu.enqueue_dma source(%dma_start3A_387 : memref<2x96xi32, #tpu.memory_space<hbm>>) target(%arg8 : memref<2x96xi32, #tpu.memory_space<vmem>>) target_semaphore(%arg15 : memref<!tpu.dma_semaphore, #tpu.memory_space<semaphore_mem>>)
      %dma_wait3A_388 = arith.constant 0 : i32
      %dma_wait3A_389 = arith.constant 0 : i32
      %dma_wait3A_390 = tpu.memref_slice %arg9[%dma_wait3A_388, %dma_wait3A_389] : memref<2x96xi32, #tpu.memory_space<vmem>> -> memref<1x96xi32, #tpu.memory_space<vmem>>
      %dma_wait3A_391 = tpu.memref_squeeze %dma_wait3A_390 : memref<1x96xi32, #tpu.memory_space<vmem>> -> memref<96xi32, #tpu.memory_space<vmem>>
      %dma_wait3A_392 = arith.constant 0 : i32
      %dma_wait3A_393 = arith.constant 0 : i32
      %dma_wait3A_394 = tpu.memref_slice %arg2[%dma_wait3A_392, %dma_wait3A_393] : memref<10112x128xf32, #tpu.memory_space<hbm>> -> memref<10112x128xf32, #tpu.memory_space<hbm>>
      tpu.wait_indirect_dma semaphore(%arg18 : memref<!tpu.dma_semaphore, #tpu.memory_space<semaphore_mem>>) src(%dma_wait3A_394 : memref<10112x128xf32, #tpu.memory_space<hbm>>) dst(%arg11 : memref<96x128xf32, #tpu.memory_space<vmem>>)
      %dma_start3A_395 = arith.constant 1 : i32
      %dma_start3A_396 = arith.constant 0 : i32
      %dma_start3A_397 = tpu.memref_slice %arg9[%dma_start3A_395, %dma_start3A_396] : memref<2x96xi32, #tpu.memory_space<vmem>> -> memref<1x96xi32, #tpu.memory_space<vmem>>
      %dma_start3A_398 = tpu.memref_squeeze %dma_start3A_397 : memref<1x96xi32, #tpu.memory_space<vmem>> -> memref<96xi32, #tpu.memory_space<vmem>>
      %dma_start3A_399 = arith.constant 0 : i32
      %dma_start3A_400 = arith.constant 0 : i32
      %dma_start3A_401 = tpu.memref_slice %arg13[%dma_start3A_399, %dma_start3A_400] : memref<10240x128xf32, #tpu.memory_space<vmem_shared>> -> memref<10240x128xf32, #tpu.memory_space<vmem_shared>>
      tpu.enqueue_indirect_dma source(%arg11 : memref<96x128xf32, #tpu.memory_space<vmem>>) target(%dma_start3A_401 : memref<10240x128xf32, #tpu.memory_space<vmem_shared>>) offsets(%dma_start3A_398 : memref<96xi32, #tpu.memory_space<vmem>>) semaphore(%arg20 : memref<!tpu.dma_semaphore, #tpu.memory_space<semaphore_mem>>) {add = true}
      %get3A_402 = arith.constant 1 : i32
      %get3A_403 = arith.index_cast %get3A_402 : i32 to index
      %get3A_404 = arith.constant 0 : index
      %get3A_405 = tpu.vector_load %arg9[%get3A_403, %get3A_404] {strides = array<i32>} : memref<2x96xi32, #tpu.memory_space<vmem>>, vector<16xi32>,
      %get3A_406 = arith.constant 0 : i32
      %get3A_407 = arith.index_cast %get3A_406 : i32 to index
      %get3A_408 = arith.constant 0 : index
      %get3A_409 = tpu.vector_load %arg9[%get3A_407, %get3A_408] {strides = array<i32>} : memref<2x96xi32, #tpu.memory_space<vmem>>, vector<16xi32>,
      %gather3A_410 = tpu.vector_load_idx %arg22[%get3A_405] : memref<10112xf32, #tpu.memory_space<vmem>>[vector<16xi32>], vector<16xf32>,
      tpu.vector_store_idx %arg23[%get3A_409], %gather3A_410 {add = true} : memref<10112xf32, #tpu.memory_space<vmem>>[vector<16xi32>], vector<16xf32>,
      %get3A_411 = arith.constant 1 : i32
      %get3A_412 = arith.index_cast %get3A_411 : i32 to index
      %get3A_413 = arith.constant 16 : index
      %get3A_414 = tpu.vector_load %arg9[%get3A_412, %get3A_413] {strides = array<i32>} : memref<2x96xi32, #tpu.memory_space<vmem>>, vector<16xi32>,
      %get3A_415 = arith.constant 0 : i32
      %get3A_416 = arith.index_cast %get3A_415 : i32 to index
      %get3A_417 = arith.constant 16 : index
      %get3A_418 = tpu.vector_load %arg9[%get3A_416, %get3A_417] {strides = array<i32>} : memref<2x96xi32, #tpu.memory_space<vmem>>, vector<16xi32>,
      %gather3A_419 = tpu.vector_load_idx %arg22[%get3A_414] : memref<10112xf32, #tpu.memory_space<vmem>>[vector<16xi32>], vector<16xf32>,
      tpu.vector_store_idx %arg23[%get3A_418], %gather3A_419 {add = true} : memref<10112xf32, #tpu.memory_space<vmem>>[vector<16xi32>], vector<16xf32>,
      %get3A_420 = arith.constant 1 : i32
      %get3A_421 = arith.index_cast %get3A_420 : i32 to index
      %get3A_422 = arith.constant 32 : index
      %get3A_423 = tpu.vector_load %arg9[%get3A_421, %get3A_422] {strides = array<i32>} : memref<2x96xi32, #tpu.memory_space<vmem>>, vector<16xi32>,
      %get3A_424 = arith.constant 0 : i32
      %get3A_425 = arith.index_cast %get3A_424 : i32 to index
      %get3A_426 = arith.constant 32 : index
      %get3A_427 = tpu.vector_load %arg9[%get3A_425, %get3A_426] {strides = array<i32>} : memref<2x96xi32, #tpu.memory_space<vmem>>, vector<16xi32>,
      %gather3A_428 = tpu.vector_load_idx %arg22[%get3A_423] : memref<10112xf32, #tpu.memory_space<vmem>>[vector<16xi32>], vector<16xf32>,
      tpu.vector_store_idx %arg23[%get3A_427], %gather3A_428 {add = true} : memref<10112xf32, #tpu.memory_space<vmem>>[vector<16xi32>], vector<16xf32>,
      %get3A_429 = arith.constant 1 : i32
      %get3A_430 = arith.index_cast %get3A_429 : i32 to index
      %get3A_431 = arith.constant 48 : index
      %get3A_432 = tpu.vector_load %arg9[%get3A_430, %get3A_431] {strides = array<i32>} : memref<2x96xi32, #tpu.memory_space<vmem>>, vector<16xi32>,
      %get3A_433 = arith.constant 0 : i32
      %get3A_434 = arith.index_cast %get3A_433 : i32 to index
      %get3A_435 = arith.constant 48 : index
      %get3A_436 = tpu.vector_load %arg9[%get3A_434, %get3A_435] {strides = array<i32>} : memref<2x96xi32, #tpu.memory_space<vmem>>, vector<16xi32>,
      %gather3A_437 = tpu.vector_load_idx %arg22[%get3A_432] : memref<10112xf32, #tpu.memory_space<vmem>>[vector<16xi32>], vector<16xf32>,
      tpu.vector_store_idx %arg23[%get3A_436], %gather3A_437 {add = true} : memref<10112xf32, #tpu.memory_space<vmem>>[vector<16xi32>], vector<16xf32>,
      %get3A_438 = arith.constant 1 : i32
      %get3A_439 = arith.index_cast %get3A_438 : i32 to index
      %get3A_440 = arith.constant 64 : index
      %get3A_441 = tpu.vector_load %arg9[%get3A_439, %get3A_440] {strides = array<i32>} : memref<2x96xi32, #tpu.memory_space<vmem>>, vector<16xi32>,
      %get3A_442 = arith.constant 0 : i32
      %get3A_443 = arith.index_cast %get3A_442 : i32 to index
      %get3A_444 = arith.constant 64 : index
      %get3A_445 = tpu.vector_load %arg9[%get3A_443, %get3A_444] {strides = array<i32>} : memref<2x96xi32, #tpu.memory_space<vmem>>, vector<16xi32>,
      %gather3A_446 = tpu.vector_load_idx %arg22[%get3A_441] : memref<10112xf32, #tpu.memory_space<vmem>>[vector<16xi32>], vector<16xf32>,
      tpu.vector_store_idx %arg23[%get3A_445], %gather3A_446 {add = true} : memref<10112xf32, #tpu.memory_space<vmem>>[vector<16xi32>], vector<16xf32>,
      %get3A_447 = arith.constant 1 : i32
      %get3A_448 = arith.index_cast %get3A_447 : i32 to index
      %get3A_449 = arith.constant 80 : index
      %get3A_450 = tpu.vector_load %arg9[%get3A_448, %get3A_449] {strides = array<i32>} : memref<2x96xi32, #tpu.memory_space<vmem>>, vector<16xi32>,
      %get3A_451 = arith.constant 0 : i32
      %get3A_452 = arith.index_cast %get3A_451 : i32 to index
      %get3A_453 = arith.constant 80 : index
      %get3A_454 = tpu.vector_load %arg9[%get3A_452, %get3A_453] {strides = array<i32>} : memref<2x96xi32, #tpu.memory_space<vmem>>, vector<16xi32>,
      %gather3A_455 = tpu.vector_load_idx %arg22[%get3A_450] : memref<10112xf32, #tpu.memory_space<vmem>>[vector<16xi32>], vector<16xf32>,
      tpu.vector_store_idx %arg23[%get3A_454], %gather3A_455 {add = true} : memref<10112xf32, #tpu.memory_space<vmem>>[vector<16xi32>], vector<16xf32>,
      %dma_wait3A_456 = arith.constant 0 : i32
      %dma_wait3A_457 = arith.constant 0 : i32
      %dma_wait3A_458 = tpu.memref_slice %arg10[%dma_wait3A_456, %dma_wait3A_457] : memref<2x96xi32, #tpu.memory_space<vmem>> -> memref<1x96xi32, #tpu.memory_space<vmem>>
      %dma_wait3A_459 = tpu.memref_squeeze %dma_wait3A_458 : memref<1x96xi32, #tpu.memory_space<vmem>> -> memref<96xi32, #tpu.memory_space<vmem>>
      %dma_wait3A_460 = arith.constant 0 : i32
      %dma_wait3A_461 = arith.constant 0 : i32
      %dma_wait3A_462 = tpu.memref_slice %arg2[%dma_wait3A_460, %dma_wait3A_461] : memref<10112x128xf32, #tpu.memory_space<hbm>> -> memref<10112x128xf32, #tpu.memory_space<hbm>>
      tpu.wait_indirect_dma semaphore(%arg19 : memref<!tpu.dma_semaphore, #tpu.memory_space<semaphore_mem>>) src(%dma_wait3A_462 : memref<10112x128xf32, #tpu.memory_space<hbm>>) dst(%arg12 : memref<96x128xf32, #tpu.memory_space<vmem>>)
      %dma_start3A_463 = arith.constant 1 : i32
      %dma_start3A_464 = arith.constant 0 : i32
      %dma_start3A_465 = tpu.memref_slice %arg10[%dma_start3A_463, %dma_start3A_464] : memref<2x96xi32, #tpu.memory_space<vmem>> -> memref<1x96xi32, #tpu.memory_space<vmem>>
      %dma_start3A_466 = tpu.memref_squeeze %dma_start3A_465 : memref<1x96xi32, #tpu.memory_space<vmem>> -> memref<96xi32, #tpu.memory_space<vmem>>
      %dma_start3A_467 = arith.constant 0 : i32
      %dma_start3A_468 = arith.constant 0 : i32
      %dma_start3A_469 = tpu.memref_slice %arg13[%dma_start3A_467, %dma_start3A_468] : memref<10240x128xf32, #tpu.memory_space<vmem_shared>> -> memref<10240x128xf32, #tpu.memory_space<vmem_shared>>
      tpu.enqueue_indirect_dma source(%arg12 : memref<96x128xf32, #tpu.memory_space<vmem>>) target(%dma_start3A_469 : memref<10240x128xf32, #tpu.memory_space<vmem_shared>>) offsets(%dma_start3A_466 : memref<96xi32, #tpu.memory_space<vmem>>) semaphore(%arg21 : memref<!tpu.dma_semaphore, #tpu.memory_space<semaphore_mem>>) {add = true}
      %get3A_470 = arith.constant 1 : i32
      %get3A_471 = arith.index_cast %get3A_470 : i32 to index
      %get3A_472 = arith.constant 0 : index
      %get3A_473 = tpu.vector_load %arg10[%get3A_471, %get3A_472] {strides = array<i32>} : memref<2x96xi32, #tpu.memory_space<vmem>>, vector<16xi32>,
      %get3A_474 = arith.constant 0 : i32
      %get3A_475 = arith.index_cast %get3A_474 : i32 to index
      %get3A_476 = arith.constant 0 : index
      %get3A_477 = tpu.vector_load %arg10[%get3A_475, %get3A_476] {strides = array<i32>} : memref<2x96xi32, #tpu.memory_space<vmem>>, vector<16xi32>,
      %gather3A_478 = tpu.vector_load_idx %arg22[%get3A_473] : memref<10112xf32, #tpu.memory_space<vmem>>[vector<16xi32>], vector<16xf32>,
      tpu.vector_store_idx %arg23[%get3A_477], %gather3A_478 {add = true} : memref<10112xf32, #tpu.memory_space<vmem>>[vector<16xi32>], vector<16xf32>,
      %get3A_479 = arith.constant 1 : i32
      %get3A_480 = arith.index_cast %get3A_479 : i32 to index
      %get3A_481 = arith.constant 16 : index
      %get3A_482 = tpu.vector_load %arg10[%get3A_480, %get3A_481] {strides = array<i32>} : memref<2x96xi32, #tpu.memory_space<vmem>>, vector<16xi32>,
      %get3A_483 = arith.constant 0 : i32
      %get3A_484 = arith.index_cast %get3A_483 : i32 to index
      %get3A_485 = arith.constant 16 : index
      %get3A_486 = tpu.vector_load %arg10[%get3A_484, %get3A_485] {strides = array<i32>} : memref<2x96xi32, #tpu.memory_space<vmem>>, vector<16xi32>,
      %gather3A_487 = tpu.vector_load_idx %arg22[%get3A_482] : memref<10112xf32, #tpu.memory_space<vmem>>[vector<16xi32>], vector<16xf32>,
      tpu.vector_store_idx %arg23[%get3A_486], %gather3A_487 {add = true} : memref<10112xf32, #tpu.memory_space<vmem>>[vector<16xi32>], vector<16xf32>,
      %get3A_488 = arith.constant 1 : i32
      %get3A_489 = arith.index_cast %get3A_488 : i32 to index
      %get3A_490 = arith.constant 32 : index
      %get3A_491 = tpu.vector_load %arg10[%get3A_489, %get3A_490] {strides = array<i32>} : memref<2x96xi32, #tpu.memory_space<vmem>>, vector<16xi32>,
      %get3A_492 = arith.constant 0 : i32
      %get3A_493 = arith.index_cast %get3A_492 : i32 to index
      %get3A_494 = arith.constant 32 : index
      %get3A_495 = tpu.vector_load %arg10[%get3A_493, %get3A_494] {strides = array<i32>} : memref<2x96xi32, #tpu.memory_space<vmem>>, vector<16xi32>,
      %gather3A_496 = tpu.vector_load_idx %arg22[%get3A_491] : memref<10112xf32, #tpu.memory_space<vmem>>[vector<16xi32>], vector<16xf32>,
      tpu.vector_store_idx %arg23[%get3A_495], %gather3A_496 {add = true} : memref<10112xf32, #tpu.memory_space<vmem>>[vector<16xi32>], vector<16xf32>,
      %get3A_497 = arith.constant 1 : i32
      %get3A_498 = arith.index_cast %get3A_497 : i32 to index
      %get3A_499 = arith.constant 48 : index
      %get3A_500 = tpu.vector_load %arg10[%get3A_498, %get3A_499] {strides = array<i32>} : memref<2x96xi32, #tpu.memory_space<vmem>>, vector<16xi32>,
      %get3A_501 = arith.constant 0 : i32
      %get3A_502 = arith.index_cast %get3A_501 : i32 to index
      %get3A_503 = arith.constant 48 : index
      %get3A_504 = tpu.vector_load %arg10[%get3A_502, %get3A_503] {strides = array<i32>} : memref<2x96xi32, #tpu.memory_space<vmem>>, vector<16xi32>,
      %gather3A_505 = tpu.vector_load_idx %arg22[%get3A_500] : memref<10112xf32, #tpu.memory_space<vmem>>[vector<16xi32>], vector<16xf32>,
      tpu.vector_store_idx %arg23[%get3A_504], %gather3A_505 {add = true} : memref<10112xf32, #tpu.memory_space<vmem>>[vector<16xi32>], vector<16xf32>,
      %get3A_506 = arith.constant 1 : i32
      %get3A_507 = arith.index_cast %get3A_506 : i32 to index
      %get3A_508 = arith.constant 64 : index
      %get3A_509 = tpu.vector_load %arg10[%get3A_507, %get3A_508] {strides = array<i32>} : memref<2x96xi32, #tpu.memory_space<vmem>>, vector<16xi32>,
      %get3A_510 = arith.constant 0 : i32
      %get3A_511 = arith.index_cast %get3A_510 : i32 to index
      %get3A_512 = arith.constant 64 : index
      %get3A_513 = tpu.vector_load %arg10[%get3A_511, %get3A_512] {strides = array<i32>} : memref<2x96xi32, #tpu.memory_space<vmem>>, vector<16xi32>,
      %gather3A_514 = tpu.vector_load_idx %arg22[%get3A_509] : memref<10112xf32, #tpu.memory_space<vmem>>[vector<16xi32>], vector<16xf32>,
      tpu.vector_store_idx %arg23[%get3A_513], %gather3A_514 {add = true} : memref<10112xf32, #tpu.memory_space<vmem>>[vector<16xi32>], vector<16xf32>,
      %get3A_515 = arith.constant 1 : i32
      %get3A_516 = arith.index_cast %get3A_515 : i32 to index
      %get3A_517 = arith.constant 80 : index
      %get3A_518 = tpu.vector_load %arg10[%get3A_516, %get3A_517] {strides = array<i32>} : memref<2x96xi32, #tpu.memory_space<vmem>>, vector<16xi32>,
      %get3A_519 = arith.constant 0 : i32
      %get3A_520 = arith.index_cast %get3A_519 : i32 to index
      %get3A_521 = arith.constant 80 : index
      %get3A_522 = tpu.vector_load %arg10[%get3A_520, %get3A_521] {strides = array<i32>} : memref<2x96xi32, #tpu.memory_space<vmem>>, vector<16xi32>,
      %gather3A_523 = tpu.vector_load_idx %arg22[%get3A_518] : memref<10112xf32, #tpu.memory_space<vmem>>[vector<16xi32>], vector<16xf32>,
      tpu.vector_store_idx %arg23[%get3A_522], %gather3A_523 {add = true} : memref<10112xf32, #tpu.memory_space<vmem>>[vector<16xi32>], vector<16xf32>,
      %dma_wait3A_524 = arith.constant 1 : i32
      %dma_wait3A_525 = arith.constant 0 : i32
      %dma_wait3A_526 = tpu.memref_slice %arg9[%dma_wait3A_524, %dma_wait3A_525] : memref<2x96xi32, #tpu.memory_space<vmem>> -> memref<1x96xi32, #tpu.memory_space<vmem>>
      %dma_wait3A_527 = tpu.memref_squeeze %dma_wait3A_526 : memref<1x96xi32, #tpu.memory_space<vmem>> -> memref<96xi32, #tpu.memory_space<vmem>>
      %dma_wait3A_528 = arith.constant 0 : i32
      %dma_wait3A_529 = arith.constant 0 : i32
      %dma_wait3A_530 = tpu.memref_slice %arg13[%dma_wait3A_528, %dma_wait3A_529] : memref<10240x128xf32, #tpu.memory_space<vmem_shared>> -> memref<10240x128xf32, #tpu.memory_space<vmem_shared>>
      tpu.wait_indirect_dma semaphore(%arg20 : memref<!tpu.dma_semaphore, #tpu.memory_space<semaphore_mem>>) src(%arg11 : memref<96x128xf32, #tpu.memory_space<vmem>>) dst(%dma_wait3A_530 : memref<10240x128xf32, #tpu.memory_space<vmem_shared>>)
      %dma_wait3A_531 = arith.constant 0 : i32
      %dma_wait3A_532 = arith.constant 0 : i32
      %dma_wait3A_533 = tpu.memref_slice %arg4[%add3A_44, %dma_wait3A_531, %dma_wait3A_532] : memref<3392x2x96xi32, #tpu.memory_space<hbm>> -> memref<1x2x96xi32, #tpu.memory_space<hbm>>
      %dma_wait3A_534 = tpu.memref_squeeze %dma_wait3A_533 : memref<1x2x96xi32, #tpu.memory_space<hbm>> -> memref<2x96xi32, #tpu.memory_space<hbm>>
      %dma_wait3A_535 = arith.constant 0 : i32
      %dma_wait3A_536 = arith.constant 0 : i32
      %dma_wait3A_537 = tpu.memref_slice %arg4[%add3A_44, %dma_wait3A_535, %dma_wait3A_536] : memref<3392x2x96xi32, #tpu.memory_space<hbm>> -> memref<1x2x96xi32, #tpu.memory_space<hbm>>
      %dma_wait3A_538 = tpu.memref_squeeze %dma_wait3A_537 : memref<1x2x96xi32, #tpu.memory_space<hbm>> -> memref<2x96xi32, #tpu.memory_space<hbm>>
      tpu.wait_dma2 semaphore(%arg14 : memref<!tpu.dma_semaphore, #tpu.memory_space<semaphore_mem>>) src(%dma_wait3A_538 : memref<2x96xi32, #tpu.memory_space<hbm>>) dst(%arg7 : memref<2x96xi32, #tpu.memory_space<vmem>>)
      %dma_start3A_539 = arith.constant 0 : i32
      %dma_start3A_540 = arith.constant 0 : i32
      %dma_start3A_541 = tpu.memref_slice %arg7[%dma_start3A_539, %dma_start3A_540] : memref<2x96xi32, #tpu.memory_space<vmem>> -> memref<1x96xi32, #tpu.memory_space<vmem>>
      %dma_start3A_542 = tpu.memref_squeeze %dma_start3A_541 : memref<1x96xi32, #tpu.memory_space<vmem>> -> memref<96xi32, #tpu.memory_space<vmem>>
      %dma_start3A_543 = arith.constant 0 : i32
      %dma_start3A_544 = arith.constant 0 : i32
      %dma_start3A_545 = tpu.memref_slice %arg2[%dma_start3A_543, %dma_start3A_544] : memref<10112x128xf32, #tpu.memory_space<hbm>> -> memref<10112x128xf32, #tpu.memory_space<hbm>>
      tpu.enqueue_indirect_dma source(%dma_start3A_545 : memref<10112x128xf32, #tpu.memory_space<hbm>>) target(%arg11 : memref<96x128xf32, #tpu.memory_space<vmem>>) offsets(%dma_start3A_542 : memref<96xi32, #tpu.memory_space<vmem>>) semaphore(%arg18 : memref<!tpu.dma_semaphore, #tpu.memory_space<semaphore_mem>>)
      %add3A_546 = arith.constant 6 : i32
      %add3A_547 = arith.addi %mul3A_185, %add3A_546 : i32
      %add3A_548 = arith.addi %add3A_44, %add3A_547 : i32
      %min3A_549 = arith.minsi %add3A_548, %sub3A_48 : i32
      %dma_start3A_550 = arith.constant 0 : i32
      %dma_start3A_551 = arith.constant 0 : i32
      %dma_start3A_552 = tpu.memref_slice %arg4[%min3A_549, %dma_start3A_550, %dma_start3A_551] : memref<3392x2x96xi32, #tpu.memory_space<hbm>> -> memref<1x2x96xi32, #tpu.memory_space<hbm>>
      %dma_start3A_553 = tpu.memref_squeeze %dma_start3A_552 : memref<1x2x96xi32, #tpu.memory_space<hbm>> -> memref<2x96xi32, #tpu.memory_space<hbm>>
      %dma_start3A_554 = arith.constant 0 : i32
      %dma_start3A_555 = arith.constant 0 : i32
      %dma_start3A_556 = tpu.memref_slice %arg4[%min3A_549, %dma_start3A_554, %dma_start3A_555] : memref<3392x2x96xi32, #tpu.memory_space<hbm>> -> memref<1x2x96xi32, #tpu.memory_space<hbm>>
      %dma_start3A_557 = tpu.memref_squeeze %dma_start3A_556 : memref<1x2x96xi32, #tpu.memory_space<hbm>> -> memref<2x96xi32, #tpu.memory_space<hbm>>
      tpu.enqueue_dma source(%dma_start3A_557 : memref<2x96xi32, #tpu.memory_space<hbm>>) target(%arg9 : memref<2x96xi32, #tpu.memory_space<vmem>>) target_semaphore(%arg16 : memref<!tpu.dma_semaphore, #tpu.memory_space<semaphore_mem>>)
      %dma_wait3A_558 = arith.constant 1 : i32
      %dma_wait3A_559 = arith.constant 0 : i32
      %dma_wait3A_560 = tpu.memref_slice %arg10[%dma_wait3A_558, %dma_wait3A_559] : memref<2x96xi32, #tpu.memory_space<vmem>> -> memref<1x96xi32, #tpu.memory_space<vmem>>
      %dma_wait3A_561 = tpu.memref_squeeze %dma_wait3A_560 : memref<1x96xi32, #tpu.memory_space<vmem>> -> memref<96xi32, #tpu.memory_space<vmem>>
      %dma_wait3A_562 = arith.constant 0 : i32
      %dma_wait3A_563 = arith.constant 0 : i32
      %dma_wait3A_564 = tpu.memref_slice %arg13[%dma_wait3A_562, %dma_wait3A_563] : memref<10240x128xf32, #tpu.memory_space<vmem_shared>> -> memref<10240x128xf32, #tpu.memory_space<vmem_shared>>
      tpu.wait_indirect_dma semaphore(%arg21 : memref<!tpu.dma_semaphore, #tpu.memory_space<semaphore_mem>>) src(%arg12 : memref<96x128xf32, #tpu.memory_space<vmem>>) dst(%dma_wait3A_564 : memref<10240x128xf32, #tpu.memory_space<vmem_shared>>)
      %dma_wait3A_565 = arith.constant 0 : i32
      %dma_wait3A_566 = arith.constant 0 : i32
      %dma_wait3A_567 = tpu.memref_slice %arg4[%add3A_44, %dma_wait3A_565, %dma_wait3A_566] : memref<3392x2x96xi32, #tpu.memory_space<hbm>> -> memref<1x2x96xi32, #tpu.memory_space<hbm>>
      %dma_wait3A_568 = tpu.memref_squeeze %dma_wait3A_567 : memref<1x2x96xi32, #tpu.memory_space<hbm>> -> memref<2x96xi32, #tpu.memory_space<hbm>>
      %dma_wait3A_569 = arith.constant 0 : i32
      %dma_wait3A_570 = arith.constant 0 : i32
      %dma_wait3A_571 = tpu.memref_slice %arg4[%add3A_44, %dma_wait3A_569, %dma_wait3A_570] : memref<3392x2x96xi32, #tpu.memory_space<hbm>> -> memref<1x2x96xi32, #tpu.memory_space<hbm>>
      %dma_wait3A_572 = tpu.memref_squeeze %dma_wait3A_571 : memref<1x2x96xi32, #tpu.memory_space<hbm>> -> memref<2x96xi32, #tpu.memory_space<hbm>>
      tpu.wait_dma2 semaphore(%arg15 : memref<!tpu.dma_semaphore, #tpu.memory_space<semaphore_mem>>) src(%dma_wait3A_572 : memref<2x96xi32, #tpu.memory_space<hbm>>) dst(%arg8 : memref<2x96xi32, #tpu.memory_space<vmem>>)
      %dma_start3A_573 = arith.constant 0 : i32
      %dma_start3A_574 = arith.constant 0 : i32
      %dma_start3A_575 = tpu.memref_slice %arg8[%dma_start3A_573, %dma_start3A_574] : memref<2x96xi32, #tpu.memory_space<vmem>> -> memref<1x96xi32, #tpu.memory_space<vmem>>
      %dma_start3A_576 = tpu.memref_squeeze %dma_start3A_575 : memref<1x96xi32, #tpu.memory_space<vmem>> -> memref<96xi32, #tpu.memory_space<vmem>>
      %dma_start3A_577 = arith.constant 0 : i32
      %dma_start3A_578 = arith.constant 0 : i32
      %dma_start3A_579 = tpu.memref_slice %arg2[%dma_start3A_577, %dma_start3A_578] : memref<10112x128xf32, #tpu.memory_space<hbm>> -> memref<10112x128xf32, #tpu.memory_space<hbm>>
      tpu.enqueue_indirect_dma source(%dma_start3A_579 : memref<10112x128xf32, #tpu.memory_space<hbm>>) target(%arg12 : memref<96x128xf32, #tpu.memory_space<vmem>>) offsets(%dma_start3A_576 : memref<96xi32, #tpu.memory_space<vmem>>) semaphore(%arg19 : memref<!tpu.dma_semaphore, #tpu.memory_space<semaphore_mem>>)
      %add3A_580 = arith.constant 7 : i32
      %add3A_581 = arith.addi %mul3A_185, %add3A_580 : i32
      %add3A_582 = arith.addi %add3A_44, %add3A_581 : i32
      %min3A_583 = arith.minsi %add3A_582, %sub3A_48 : i32
      %dma_start3A_584 = arith.constant 0 : i32
      %dma_start3A_585 = arith.constant 0 : i32
      %dma_start3A_586 = tpu.memref_slice %arg4[%min3A_583, %dma_start3A_584, %dma_start3A_585] : memref<3392x2x96xi32, #tpu.memory_space<hbm>> -> memref<1x2x96xi32, #tpu.memory_space<hbm>>
      %dma_start3A_587 = tpu.memref_squeeze %dma_start3A_586 : memref<1x2x96xi32, #tpu.memory_space<hbm>> -> memref<2x96xi32, #tpu.memory_space<hbm>>
      %dma_start3A_588 = arith.constant 0 : i32
      %dma_start3A_589 = arith.constant 0 : i32
      %dma_start3A_590 = tpu.memref_slice %arg4[%min3A_583, %dma_start3A_588, %dma_start3A_589] : memref<3392x2x96xi32, #tpu.memory_space<hbm>> -> memref<1x2x96xi32, #tpu.memory_space<hbm>>
      %dma_start3A_591 = tpu.memref_squeeze %dma_start3A_590 : memref<1x2x96xi32, #tpu.memory_space<hbm>> -> memref<2x96xi32, #tpu.memory_space<hbm>>
      tpu.enqueue_dma source(%dma_start3A_591 : memref<2x96xi32, #tpu.memory_space<hbm>>) target(%arg10 : memref<2x96xi32, #tpu.memory_space<vmem>>) target_semaphore(%arg17 : memref<!tpu.dma_semaphore, #tpu.memory_space<semaphore_mem>>)
    }
    %while3A_147 = arith.constant 1 : i32
    scf.for %while3A_183 = %while3A_145 to %while3A_141 step %while3A_147  : i32 {
      %mul3A_184 = arith.constant 4 : i32
      %mul3A_185 = arith.muli %mul3A_184, %while3A_183 : i32
      %dma_wait3A_186 = arith.constant 0 : i32
      %dma_wait3A_187 = arith.constant 0 : i32
      %dma_wait3A_188 = tpu.memref_slice %arg7[%dma_wait3A_186, %dma_wait3A_187] : memref<2x96xi32, #tpu.memory_space<vmem>> -> memref<1x96xi32, #tpu.memory_space<vmem>>
      %dma_wait3A_189 = tpu.memref_squeeze %dma_wait3A_188 : memref<1x96xi32, #tpu.memory_space<vmem>> -> memref<96xi32, #tpu.memory_space<vmem>>
      %dma_wait3A_190 = arith.constant 0 : i32
      %dma_wait3A_191 = arith.constant 0 : i32
      %dma_wait3A_192 = tpu.memref_slice %arg2[%dma_wait3A_190, %dma_wait3A_191] : memref<10112x128xf32, #tpu.memory_space<hbm>> -> memref<10112x128xf32, #tpu.memory_space<hbm>>
      tpu.wait_indirect_dma semaphore(%arg18 : memref<!tpu.dma_semaphore, #tpu.memory_space<semaphore_mem>>) src(%dma_wait3A_192 : memref<10112x128xf32, #tpu.memory_space<hbm>>) dst(%arg11 : memref<96x128xf32, #tpu.memory_space<vmem>>)
      %dma_start3A_193 = arith.constant 1 : i32
      %dma_start3A_194 = arith.constant 0 : i32
      %dma_start3A_195 = tpu.memref_slice %arg7[%dma_start3A_193, %dma_start3A_194] : memref<2x96xi32, #tpu.memory_space<vmem>> -> memref<1x96xi32, #tpu.memory_space<vmem>>
      %dma_start3A_196 = tpu.memref_squeeze %dma_start3A_195 : memref<1x96xi32, #tpu.memory_space<vmem>> -> memref<96xi32, #tpu.memory_space<vmem>>
      %dma_start3A_197 = arith.constant 0 : i32
      %dma_start3A_198 = arith.constant 0 : i32
      %dma_start3A_199 = tpu.memref_slice %arg13[%dma_start3A_197, %dma_start3A_198] : memref<10240x128xf32, #tpu.memory_space<vmem_shared>> -> memref<10240x128xf32, #tpu.memory_space<vmem_shared>>
      tpu.enqueue_indirect_dma source(%arg11 : memref<96x128xf32, #tpu.memory_space<vmem>>) target(%dma_start3A_199 : memref<10240x128xf32, #tpu.memory_space<vmem_shared>>) offsets(%dma_start3A_196 : memref<96xi32, #tpu.memory_space<vmem>>) semaphore(%arg20 : memref<!tpu.dma_semaphore, #tpu.memory_space<semaphore_mem>>) {add = true}
      %get3A = arith.constant 1 : i32
      %get3A_200 = arith.index_cast %get3A : i32 to index
      %get3A_201 = arith.constant 0 : index
      %get3A_202 = tpu.vector_load %arg7[%get3A_200, %get3A_201] {strides = array<i32>} : memref<2x96xi32, #tpu.memory_space<vmem>>, vector<16xi32>,
      %get3A_203 = arith.constant 0 : i32
      %get3A_204 = arith.index_cast %get3A_203 : i32 to index
      %get3A_205 = arith.constant 0 : index
      %get3A_206 = tpu.vector_load %arg7[%get3A_204, %get3A_205] {strides = array<i32>} : memref<2x96xi32, #tpu.memory_space<vmem>>, vector<16xi32>,
      %gather3A = tpu.vector_load_idx %arg22[%get3A_202] : memref<10112xf32, #tpu.memory_space<vmem>>[vector<16xi32>], vector<16xf32>,
      tpu.vector_store_idx %arg23[%get3A_206], %gather3A {add = true} : memref<10112xf32, #tpu.memory_space<vmem>>[vector<16xi32>], vector<16xf32>,
      %get3A_207 = arith.constant 1 : i32
      %get3A_208 = arith.index_cast %get3A_207 : i32 to index
      %get3A_209 = arith.constant 16 : index
      %get3A_210 = tpu.vector_load %arg7[%get3A_208, %get3A_209] {strides = array<i32>} : memref<2x96xi32, #tpu.memory_space<vmem>>, vector<16xi32>,
      %get3A_211 = arith.constant 0 : i32
      %get3A_212 = arith.index_cast %get3A_211 : i32 to index
      %get3A_213 = arith.constant 16 : index
      %get3A_214 = tpu.vector_load %arg7[%get3A_212, %get3A_213] {strides = array<i32>} : memref<2x96xi32, #tpu.memory_space<vmem>>, vector<16xi32>,
      %gather3A_215 = tpu.vector_load_idx %arg22[%get3A_210] : memref<10112xf32, #tpu.memory_space<vmem>>[vector<16xi32>], vector<16xf32>,
      tpu.vector_store_idx %arg23[%get3A_214], %gather3A_215 {add = true} : memref<10112xf32, #tpu.memory_space<vmem>>[vector<16xi32>], vector<16xf32>,
      %get3A_216 = arith.constant 1 : i32
      %get3A_217 = arith.index_cast %get3A_216 : i32 to index
      %get3A_218 = arith.constant 32 : index
      %get3A_219 = tpu.vector_load %arg7[%get3A_217, %get3A_218] {strides = array<i32>} : memref<2x96xi32, #tpu.memory_space<vmem>>, vector<16xi32>,
      %get3A_220 = arith.constant 0 : i32
      %get3A_221 = arith.index_cast %get3A_220 : i32 to index
      %get3A_222 = arith.constant 32 : index
      %get3A_223 = tpu.vector_load %arg7[%get3A_221, %get3A_222] {strides = array<i32>} : memref<2x96xi32, #tpu.memory_space<vmem>>, vector<16xi32>,
      %gather3A_224 = tpu.vector_load_idx %arg22[%get3A_219] : memref<10112xf32, #tpu.memory_space<vmem>>[vector<16xi32>], vector<16xf32>,
      tpu.vector_store_idx %arg23[%get3A_223], %gather3A_224 {add = true} : memref<10112xf32, #tpu.memory_space<vmem>>[vector<16xi32>], vector<16xf32>,
      %get3A_225 = arith.constant 1 : i32
      %get3A_226 = arith.index_cast %get3A_225 : i32 to index
      %get3A_227 = arith.constant 48 : index
      %get3A_228 = tpu.vector_load %arg7[%get3A_226, %get3A_227] {strides = array<i32>} : memref<2x96xi32, #tpu.memory_space<vmem>>, vector<16xi32>,
      %get3A_229 = arith.constant 0 : i32
      %get3A_230 = arith.index_cast %get3A_229 : i32 to index
      %get3A_231 = arith.constant 48 : index
      %get3A_232 = tpu.vector_load %arg7[%get3A_230, %get3A_231] {strides = array<i32>} : memref<2x96xi32, #tpu.memory_space<vmem>>, vector<16xi32>,
      %gather3A_233 = tpu.vector_load_idx %arg22[%get3A_228] : memref<10112xf32, #tpu.memory_space<vmem>>[vector<16xi32>], vector<16xf32>,
      tpu.vector_store_idx %arg23[%get3A_232], %gather3A_233 {add = true} : memref<10112xf32, #tpu.memory_space<vmem>>[vector<16xi32>], vector<16xf32>,
      %get3A_234 = arith.constant 1 : i32
      %get3A_235 = arith.index_cast %get3A_234 : i32 to index
      %get3A_236 = arith.constant 64 : index
      %get3A_237 = tpu.vector_load %arg7[%get3A_235, %get3A_236] {strides = array<i32>} : memref<2x96xi32, #tpu.memory_space<vmem>>, vector<16xi32>,
      %get3A_238 = arith.constant 0 : i32
      %get3A_239 = arith.index_cast %get3A_238 : i32 to index
      %get3A_240 = arith.constant 64 : index
      %get3A_241 = tpu.vector_load %arg7[%get3A_239, %get3A_240] {strides = array<i32>} : memref<2x96xi32, #tpu.memory_space<vmem>>, vector<16xi32>,
      %gather3A_242 = tpu.vector_load_idx %arg22[%get3A_237] : memref<10112xf32, #tpu.memory_space<vmem>>[vector<16xi32>], vector<16xf32>,
      tpu.vector_store_idx %arg23[%get3A_241], %gather3A_242 {add = true} : memref<10112xf32, #tpu.memory_space<vmem>>[vector<16xi32>], vector<16xf32>,
      %get3A_243 = arith.constant 1 : i32
      %get3A_244 = arith.index_cast %get3A_243 : i32 to index
      %get3A_245 = arith.constant 80 : index
      %get3A_246 = tpu.vector_load %arg7[%get3A_244, %get3A_245] {strides = array<i32>} : memref<2x96xi32, #tpu.memory_space<vmem>>, vector<16xi32>,
      %get3A_247 = arith.constant 0 : i32
      %get3A_248 = arith.index_cast %get3A_247 : i32 to index
      %get3A_249 = arith.constant 80 : index
      %get3A_250 = tpu.vector_load %arg7[%get3A_248, %get3A_249] {strides = array<i32>} : memref<2x96xi32, #tpu.memory_space<vmem>>, vector<16xi32>,
      %gather3A_251 = tpu.vector_load_idx %arg22[%get3A_246] : memref<10112xf32, #tpu.memory_space<vmem>>[vector<16xi32>], vector<16xf32>,
      tpu.vector_store_idx %arg23[%get3A_250], %gather3A_251 {add = true} : memref<10112xf32, #tpu.memory_space<vmem>>[vector<16xi32>], vector<16xf32>,
      %dma_wait3A_252 = arith.constant 0 : i32
      %dma_wait3A_253 = arith.constant 0 : i32
      %dma_wait3A_254 = tpu.memref_slice %arg8[%dma_wait3A_252, %dma_wait3A_253] : memref<2x96xi32, #tpu.memory_space<vmem>> -> memref<1x96xi32, #tpu.memory_space<vmem>>
      %dma_wait3A_255 = tpu.memref_squeeze %dma_wait3A_254 : memref<1x96xi32, #tpu.memory_space<vmem>> -> memref<96xi32, #tpu.memory_space<vmem>>
      %dma_wait3A_256 = arith.constant 0 : i32
      %dma_wait3A_257 = arith.constant 0 : i32
      %dma_wait3A_258 = tpu.memref_slice %arg2[%dma_wait3A_256, %dma_wait3A_257] : memref<10112x128xf32, #tpu.memory_space<hbm>> -> memref<10112x128xf32, #tpu.memory_space<hbm>>
      tpu.wait_indirect_dma semaphore(%arg19 : memref<!tpu.dma_semaphore, #tpu.memory_space<semaphore_mem>>) src(%dma_wait3A_258 : memref<10112x128xf32, #tpu.memory_space<hbm>>) dst(%arg12 : memref<96x128xf32, #tpu.memory_space<vmem>>)
      %dma_start3A_259 = arith.constant 1 : i32
      %dma_start3A_260 = arith.constant 0 : i32
      %dma_start3A_261 = tpu.memref_slice %arg8[%dma_start3A_259, %dma_start3A_260] : memref<2x96xi32, #tpu.memory_space<vmem>> -> memref<1x96xi32, #tpu.memory_space<vmem>>
      %dma_start3A_262 = tpu.memref_squeeze %dma_start3A_261 : memref<1x96xi32, #tpu.memory_space<vmem>> -> memref<96xi32, #tpu.memory_space<vmem>>
      %dma_start3A_263 = arith.constant 0 : i32
      %dma_start3A_264 = arith.constant 0 : i32
      %dma_start3A_265 = tpu.memref_slice %arg13[%dma_start3A_263, %dma_start3A_264] : memref<10240x128xf32, #tpu.memory_space<vmem_shared>> -> memref<10240x128xf32, #tpu.memory_space<vmem_shared>>
      tpu.enqueue_indirect_dma source(%arg12 : memref<96x128xf32, #tpu.memory_space<vmem>>) target(%dma_start3A_265 : memref<10240x128xf32, #tpu.memory_space<vmem_shared>>) offsets(%dma_start3A_262 : memref<96xi32, #tpu.memory_space<vmem>>) semaphore(%arg21 : memref<!tpu.dma_semaphore, #tpu.memory_space<semaphore_mem>>) {add = true}
      %get3A_266 = arith.constant 1 : i32
      %get3A_267 = arith.index_cast %get3A_266 : i32 to index
      %get3A_268 = arith.constant 0 : index
      %get3A_269 = tpu.vector_load %arg8[%get3A_267, %get3A_268] {strides = array<i32>} : memref<2x96xi32, #tpu.memory_space<vmem>>, vector<16xi32>,
      %get3A_270 = arith.constant 0 : i32
      %get3A_271 = arith.index_cast %get3A_270 : i32 to index
      %get3A_272 = arith.constant 0 : index
      %get3A_273 = tpu.vector_load %arg8[%get3A_271, %get3A_272] {strides = array<i32>} : memref<2x96xi32, #tpu.memory_space<vmem>>, vector<16xi32>,
      %gather3A_274 = tpu.vector_load_idx %arg22[%get3A_269] : memref<10112xf32, #tpu.memory_space<vmem>>[vector<16xi32>], vector<16xf32>,
      tpu.vector_store_idx %arg23[%get3A_273], %gather3A_274 {add = true} : memref<10112xf32, #tpu.memory_space<vmem>>[vector<16xi32>], vector<16xf32>,
      %get3A_275 = arith.constant 1 : i32
      %get3A_276 = arith.index_cast %get3A_275 : i32 to index
      %get3A_277 = arith.constant 16 : index
      %get3A_278 = tpu.vector_load %arg8[%get3A_276, %get3A_277] {strides = array<i32>} : memref<2x96xi32, #tpu.memory_space<vmem>>, vector<16xi32>,
      %get3A_279 = arith.constant 0 : i32
      %get3A_280 = arith.index_cast %get3A_279 : i32 to index
      %get3A_281 = arith.constant 16 : index
      %get3A_282 = tpu.vector_load %arg8[%get3A_280, %get3A_281] {strides = array<i32>} : memref<2x96xi32, #tpu.memory_space<vmem>>, vector<16xi32>,
      %gather3A_283 = tpu.vector_load_idx %arg22[%get3A_278] : memref<10112xf32, #tpu.memory_space<vmem>>[vector<16xi32>], vector<16xf32>,
      tpu.vector_store_idx %arg23[%get3A_282], %gather3A_283 {add = true} : memref<10112xf32, #tpu.memory_space<vmem>>[vector<16xi32>], vector<16xf32>,
      %get3A_284 = arith.constant 1 : i32
      %get3A_285 = arith.index_cast %get3A_284 : i32 to index
      %get3A_286 = arith.constant 32 : index
      %get3A_287 = tpu.vector_load %arg8[%get3A_285, %get3A_286] {strides = array<i32>} : memref<2x96xi32, #tpu.memory_space<vmem>>, vector<16xi32>,
      %get3A_288 = arith.constant 0 : i32
      %get3A_289 = arith.index_cast %get3A_288 : i32 to index
      %get3A_290 = arith.constant 32 : index
      %get3A_291 = tpu.vector_load %arg8[%get3A_289, %get3A_290] {strides = array<i32>} : memref<2x96xi32, #tpu.memory_space<vmem>>, vector<16xi32>,
      %gather3A_292 = tpu.vector_load_idx %arg22[%get3A_287] : memref<10112xf32, #tpu.memory_space<vmem>>[vector<16xi32>], vector<16xf32>,
      tpu.vector_store_idx %arg23[%get3A_291], %gather3A_292 {add = true} : memref<10112xf32, #tpu.memory_space<vmem>>[vector<16xi32>], vector<16xf32>,
      %get3A_293 = arith.constant 1 : i32
      %get3A_294 = arith.index_cast %get3A_293 : i32 to index
      %get3A_295 = arith.constant 48 : index
      %get3A_296 = tpu.vector_load %arg8[%get3A_294, %get3A_295] {strides = array<i32>} : memref<2x96xi32, #tpu.memory_space<vmem>>, vector<16xi32>,
      %get3A_297 = arith.constant 0 : i32
      %get3A_298 = arith.index_cast %get3A_297 : i32 to index
      %get3A_299 = arith.constant 48 : index
      %get3A_300 = tpu.vector_load %arg8[%get3A_298, %get3A_299] {strides = array<i32>} : memref<2x96xi32, #tpu.memory_space<vmem>>, vector<16xi32>,
      %gather3A_301 = tpu.vector_load_idx %arg22[%get3A_296] : memref<10112xf32, #tpu.memory_space<vmem>>[vector<16xi32>], vector<16xf32>,
      tpu.vector_store_idx %arg23[%get3A_300], %gather3A_301 {add = true} : memref<10112xf32, #tpu.memory_space<vmem>>[vector<16xi32>], vector<16xf32>,
      %get3A_302 = arith.constant 1 : i32
      %get3A_303 = arith.index_cast %get3A_302 : i32 to index
      %get3A_304 = arith.constant 64 : index
      %get3A_305 = tpu.vector_load %arg8[%get3A_303, %get3A_304] {strides = array<i32>} : memref<2x96xi32, #tpu.memory_space<vmem>>, vector<16xi32>,
      %get3A_306 = arith.constant 0 : i32
      %get3A_307 = arith.index_cast %get3A_306 : i32 to index
      %get3A_308 = arith.constant 64 : index
      %get3A_309 = tpu.vector_load %arg8[%get3A_307, %get3A_308] {strides = array<i32>} : memref<2x96xi32, #tpu.memory_space<vmem>>, vector<16xi32>,
      %gather3A_310 = tpu.vector_load_idx %arg22[%get3A_305] : memref<10112xf32, #tpu.memory_space<vmem>>[vector<16xi32>], vector<16xf32>,
      tpu.vector_store_idx %arg23[%get3A_309], %gather3A_310 {add = true} : memref<10112xf32, #tpu.memory_space<vmem>>[vector<16xi32>], vector<16xf32>,
      %get3A_311 = arith.constant 1 : i32
      %get3A_312 = arith.index_cast %get3A_311 : i32 to index
      %get3A_313 = arith.constant 80 : index
      %get3A_314 = tpu.vector_load %arg8[%get3A_312, %get3A_313] {strides = array<i32>} : memref<2x96xi32, #tpu.memory_space<vmem>>, vector<16xi32>,
      %get3A_315 = arith.constant 0 : i32
      %get3A_316 = arith.index_cast %get3A_315 : i32 to index
      %get3A_317 = arith.constant 80 : index
      %get3A_318 = tpu.vector_load %arg8[%get3A_316, %get3A_317] {strides = array<i32>} : memref<2x96xi32, #tpu.memory_space<vmem>>, vector<16xi32>,
      %gather3A_319 = tpu.vector_load_idx %arg22[%get3A_314] : memref<10112xf32, #tpu.memory_space<vmem>>[vector<16xi32>], vector<16xf32>,
      tpu.vector_store_idx %arg23[%get3A_318], %gather3A_319 {add = true} : memref<10112xf32, #tpu.memory_space<vmem>>[vector<16xi32>], vector<16xf32>,
      %dma_wait3A_320 = arith.constant 1 : i32
      %dma_wait3A_321 = arith.constant 0 : i32
      %dma_wait3A_322 = tpu.memref_slice %arg7[%dma_wait3A_320, %dma_wait3A_321] : memref<2x96xi32, #tpu.memory_space<vmem>> -> memref<1x96xi32, #tpu.memory_space<vmem>>
      %dma_wait3A_323 = tpu.memref_squeeze %dma_wait3A_322 : memref<1x96xi32, #tpu.memory_space<vmem>> -> memref<96xi32, #tpu.memory_space<vmem>>
      %dma_wait3A_324 = arith.constant 0 : i32
      %dma_wait3A_325 = arith.constant 0 : i32
      %dma_wait3A_326 = tpu.memref_slice %arg13[%dma_wait3A_324, %dma_wait3A_325] : memref<10240x128xf32, #tpu.memory_space<vmem_shared>> -> memref<10240x128xf32, #tpu.memory_space<vmem_shared>>
      tpu.wait_indirect_dma semaphore(%arg20 : memref<!tpu.dma_semaphore, #tpu.memory_space<semaphore_mem>>) src(%arg11 : memref<96x128xf32, #tpu.memory_space<vmem>>) dst(%dma_wait3A_326 : memref<10240x128xf32, #tpu.memory_space<vmem_shared>>)
      %dma_wait3A_327 = arith.constant 0 : i32
      %dma_wait3A_328 = arith.constant 0 : i32
      %dma_wait3A_329 = tpu.memref_slice %arg4[%add3A_44, %dma_wait3A_327, %dma_wait3A_328] : memref<3392x2x96xi32, #tpu.memory_space<hbm>> -> memref<1x2x96xi32, #tpu.memory_space<hbm>>
      %dma_wait3A_330 = tpu.memref_squeeze %dma_wait3A_329 : memref<1x2x96xi32, #tpu.memory_space<hbm>> -> memref<2x96xi32, #tpu.memory_space<hbm>>
      %dma_wait3A_331 = arith.constant 0 : i32
      %dma_wait3A_332 = arith.constant 0 : i32
      %dma_wait3A_333 = tpu.memref_slice %arg4[%add3A_44, %dma_wait3A_331, %dma_wait3A_332] : memref<3392x2x96xi32, #tpu.memory_space<hbm>> -> memref<1x2x96xi32, #tpu.memory_space<hbm>>
      %dma_wait3A_334 = tpu.memref_squeeze %dma_wait3A_333 : memref<1x2x96xi32, #tpu.memory_space<hbm>> -> memref<2x96xi32, #tpu.memory_space<hbm>>
      tpu.wait_dma2 semaphore(%arg16 : memref<!tpu.dma_semaphore, #tpu.memory_space<semaphore_mem>>) src(%dma_wait3A_334 : memref<2x96xi32, #tpu.memory_space<hbm>>) dst(%arg9 : memref<2x96xi32, #tpu.memory_space<vmem>>)
      %dma_start3A_335 = arith.constant 0 : i32
      %dma_start3A_336 = arith.constant 0 : i32
      %dma_start3A_337 = tpu.memref_slice %arg9[%dma_start3A_335, %dma_start3A_336] : memref<2x96xi32, #tpu.memory_space<vmem>> -> memref<1x96xi32, #tpu.memory_space<vmem>>
      %dma_start3A_338 = tpu.memref_squeeze %dma_start3A_337 : memref<1x96xi32, #tpu.memory_space<vmem>> -> memref<96xi32, #tpu.memory_space<vmem>>
      %dma_start3A_339 = arith.constant 0 : i32
      %dma_start3A_340 = arith.constant 0 : i32
      %dma_start3A_341 = tpu.memref_slice %arg2[%dma_start3A_339, %dma_start3A_340] : memref<10112x128xf32, #tpu.memory_space<hbm>> -> memref<10112x128xf32, #tpu.memory_space<hbm>>
      tpu.enqueue_indirect_dma source(%dma_start3A_341 : memref<10112x128xf32, #tpu.memory_space<hbm>>) target(%arg11 : memref<96x128xf32, #tpu.memory_space<vmem>>) offsets(%dma_start3A_338 : memref<96xi32, #tpu.memory_space<vmem>>) semaphore(%arg18 : memref<!tpu.dma_semaphore, #tpu.memory_space<semaphore_mem>>)
      %add3A_342 = arith.constant 4 : i32
      %add3A_343 = arith.addi %mul3A_185, %add3A_342 : i32
      %add3A_344 = arith.addi %add3A_44, %add3A_343 : i32
      %min3A_345 = arith.minsi %add3A_344, %sub3A_48 : i32
      %dma_start3A_346 = arith.constant 0 : i32
      %dma_start3A_347 = arith.constant 0 : i32
      %dma_start3A_348 = tpu.memref_slice %arg4[%min3A_345, %dma_start3A_346, %dma_start3A_347] : memref<3392x2x96xi32, #tpu.memory_space<hbm>> -> memref<1x2x96xi32, #tpu.memory_space<hbm>>
      %dma_start3A_349 = tpu.memref_squeeze %dma_start3A_348 : memref<1x2x96xi32, #tpu.memory_space<hbm>> -> memref<2x96xi32, #tpu.memory_space<hbm>>
      %dma_start3A_350 = arith.constant 0 : i32
      %dma_start3A_351 = arith.constant 0 : i32
      %dma_start3A_352 = tpu.memref_slice %arg4[%min3A_345, %dma_start3A_350, %dma_start3A_351] : memref<3392x2x96xi32, #tpu.memory_space<hbm>> -> memref<1x2x96xi32, #tpu.memory_space<hbm>>
      %dma_start3A_353 = tpu.memref_squeeze %dma_start3A_352 : memref<1x2x96xi32, #tpu.memory_space<hbm>> -> memref<2x96xi32, #tpu.memory_space<hbm>>
      tpu.enqueue_dma source(%dma_start3A_353 : memref<2x96xi32, #tpu.memory_space<hbm>>) target(%arg7 : memref<2x96xi32, #tpu.memory_space<vmem>>) target_semaphore(%arg14 : memref<!tpu.dma_semaphore, #tpu.memory_space<semaphore_mem>>)
      %dma_wait3A_354 = arith.constant 1 : i32
      %dma_wait3A_355 = arith.constant 0 : i32
      %dma_wait3A_356 = tpu.memref_slice %arg8[%dma_wait3A_354, %dma_wait3A_355] : memref<2x96xi32, #tpu.memory_space<vmem>> -> memref<1x96xi32, #tpu.memory_space<vmem>>
      %dma_wait3A_357 = tpu.memref_squeeze %dma_wait3A_356 : memref<1x96xi32, #tpu.memory_space<vmem>> -> memref<96xi32, #tpu.memory_space<vmem>>
      %dma_wait3A_358 = arith.constant 0 : i32
      %dma_wait3A_359 = arith.constant 0 : i32
      %dma_wait3A_360 = tpu.memref_slice %arg13[%dma_wait3A_358, %dma_wait3A_359] : memref<10240x128xf32, #tpu.memory_space<vmem_shared>> -> memref<10240x128xf32, #tpu.memory_space<vmem_shared>>
      tpu.wait_indirect_dma semaphore(%arg21 : memref<!tpu.dma_semaphore, #tpu.memory_space<semaphore_mem>>) src(%arg12 : memref<96x128xf32, #tpu.memory_space<vmem>>) dst(%dma_wait3A_360 : memref<10240x128xf32, #tpu.memory_space<vmem_shared>>)
      %dma_wait3A_361 = arith.constant 0 : i32
      %dma_wait3A_362 = arith.constant 0 : i32
      %dma_wait3A_363 = tpu.memref_slice %arg4[%add3A_44, %dma_wait3A_361, %dma_wait3A_362] : memref<3392x2x96xi32, #tpu.memory_space<hbm>> -> memref<1x2x96xi32, #tpu.memory_space<hbm>>
      %dma_wait3A_364 = tpu.memref_squeeze %dma_wait3A_363 : memref<1x2x96xi32, #tpu.memory_space<hbm>> -> memref<2x96xi32, #tpu.memory_space<hbm>>
      %dma_wait3A_365 = arith.constant 0 : i32
      %dma_wait3A_366 = arith.constant 0 : i32
      %dma_wait3A_367 = tpu.memref_slice %arg4[%add3A_44, %dma_wait3A_365, %dma_wait3A_366] : memref<3392x2x96xi32, #tpu.memory_space<hbm>> -> memref<1x2x96xi32, #tpu.memory_space<hbm>>
      %dma_wait3A_368 = tpu.memref_squeeze %dma_wait3A_367 : memref<1x2x96xi32, #tpu.memory_space<hbm>> -> memref<2x96xi32, #tpu.memory_space<hbm>>
      tpu.wait_dma2 semaphore(%arg17 : memref<!tpu.dma_semaphore, #tpu.memory_space<semaphore_mem>>) src(%dma_wait3A_368 : memref<2x96xi32, #tpu.memory_space<hbm>>) dst(%arg10 : memref<2x96xi32, #tpu.memory_space<vmem>>)
      %dma_start3A_369 = arith.constant 0 : i32
      %dma_start3A_370 = arith.constant 0 : i32
      %dma_start3A_371 = tpu.memref_slice %arg10[%dma_start3A_369, %dma_start3A_370] : memref<2x96xi32, #tpu.memory_space<vmem>> -> memref<1x96xi32, #tpu.memory_space<vmem>>
      %dma_start3A_372 = tpu.memref_squeeze %dma_start3A_371 : memref<1x96xi32, #tpu.memory_space<vmem>> -> memref<96xi32, #tpu.memory_space<vmem>>
      %dma_start3A_373 = arith.constant 0 : i32
      %dma_start3A_374 = arith.constant 0 : i32
      %dma_start3A_375 = tpu.memref_slice %arg2[%dma_start3A_373, %dma_start3A_374] : memref<10112x128xf32, #tpu.memory_space<hbm>> -> memref<10112x128xf32, #tpu.memory_space<hbm>>
      tpu.enqueue_indirect_dma source(%dma_start3A_375 : memref<10112x128xf32, #tpu.memory_space<hbm>>) target(%arg12 : memref<96x128xf32, #tpu.memory_space<vmem>>) offsets(%dma_start3A_372 : memref<96xi32, #tpu.memory_space<vmem>>) semaphore(%arg19 : memref<!tpu.dma_semaphore, #tpu.memory_space<semaphore_mem>>)
      %add3A_376 = arith.constant 5 : i32
      %add3A_377 = arith.addi %mul3A_185, %add3A_376 : i32
      %add3A_378 = arith.addi %add3A_44, %add3A_377 : i32
      %min3A_379 = arith.minsi %add3A_378, %sub3A_48 : i32
      %dma_start3A_380 = arith.constant 0 : i32
      %dma_start3A_381 = arith.constant 0 : i32
      %dma_start3A_382 = tpu.memref_slice %arg4[%min3A_379, %dma_start3A_380, %dma_start3A_381] : memref<3392x2x96xi32, #tpu.memory_space<hbm>> -> memref<1x2x96xi32, #tpu.memory_space<hbm>>
      %dma_start3A_383 = tpu.memref_squeeze %dma_start3A_382 : memref<1x2x96xi32, #tpu.memory_space<hbm>> -> memref<2x96xi32, #tpu.memory_space<hbm>>
      %dma_start3A_384 = arith.constant 0 : i32
      %dma_start3A_385 = arith.constant 0 : i32
      %dma_start3A_386 = tpu.memref_slice %arg4[%min3A_379, %dma_start3A_384, %dma_start3A_385] : memref<3392x2x96xi32, #tpu.memory_space<hbm>> -> memref<1x2x96xi32, #tpu.memory_space<hbm>>
      %dma_start3A_387 = tpu.memref_squeeze %dma_start3A_386 : memref<1x2x96xi32, #tpu.memory_space<hbm>> -> memref<2x96xi32, #tpu.memory_space<hbm>>
      tpu.enqueue_dma source(%dma_start3A_387 : memref<2x96xi32, #tpu.memory_space<hbm>>) target(%arg8 : memref<2x96xi32, #tpu.memory_space<vmem>>) target_semaphore(%arg15 : memref<!tpu.dma_semaphore, #tpu.memory_space<semaphore_mem>>)
      %dma_wait3A_388 = arith.constant 0 : i32
      %dma_wait3A_389 = arith.constant 0 : i32
      %dma_wait3A_390 = tpu.memref_slice %arg9[%dma_wait3A_388, %dma_wait3A_389] : memref<2x96xi32, #tpu.memory_space<vmem>> -> memref<1x96xi32, #tpu.memory_space<vmem>>
      %dma_wait3A_391 = tpu.memref_squeeze %dma_wait3A_390 : memref<1x96xi32, #tpu.memory_space<vmem>> -> memref<96xi32, #tpu.memory_space<vmem>>
      %dma_wait3A_392 = arith.constant 0 : i32
      %dma_wait3A_393 = arith.constant 0 : i32
      %dma_wait3A_394 = tpu.memref_slice %arg2[%dma_wait3A_392, %dma_wait3A_393] : memref<10112x128xf32, #tpu.memory_space<hbm>> -> memref<10112x128xf32, #tpu.memory_space<hbm>>
      tpu.wait_indirect_dma semaphore(%arg18 : memref<!tpu.dma_semaphore, #tpu.memory_space<semaphore_mem>>) src(%dma_wait3A_394 : memref<10112x128xf32, #tpu.memory_space<hbm>>) dst(%arg11 : memref<96x128xf32, #tpu.memory_space<vmem>>)
      %dma_start3A_395 = arith.constant 1 : i32
      %dma_start3A_396 = arith.constant 0 : i32
      %dma_start3A_397 = tpu.memref_slice %arg9[%dma_start3A_395, %dma_start3A_396] : memref<2x96xi32, #tpu.memory_space<vmem>> -> memref<1x96xi32, #tpu.memory_space<vmem>>
      %dma_start3A_398 = tpu.memref_squeeze %dma_start3A_397 : memref<1x96xi32, #tpu.memory_space<vmem>> -> memref<96xi32, #tpu.memory_space<vmem>>
      %dma_start3A_399 = arith.constant 0 : i32
      %dma_start3A_400 = arith.constant 0 : i32
      %dma_start3A_401 = tpu.memref_slice %arg13[%dma_start3A_399, %dma_start3A_400] : memref<10240x128xf32, #tpu.memory_space<vmem_shared>> -> memref<10240x128xf32, #tpu.memory_space<vmem_shared>>
      tpu.enqueue_indirect_dma source(%arg11 : memref<96x128xf32, #tpu.memory_space<vmem>>) target(%dma_start3A_401 : memref<10240x128xf32, #tpu.memory_space<vmem_shared>>) offsets(%dma_start3A_398 : memref<96xi32, #tpu.memory_space<vmem>>) semaphore(%arg20 : memref<!tpu.dma_semaphore, #tpu.memory_space<semaphore_mem>>) {add = true}
      %get3A_402 = arith.constant 1 : i32
      %get3A_403 = arith.index_cast %get3A_402 : i32 to index
      %get3A_404 = arith.constant 0 : index
      %get3A_405 = tpu.vector_load %arg9[%get3A_403, %get3A_404] {strides = array<i32>} : memref<2x96xi32, #tpu.memory_space<vmem>>, vector<16xi32>,
      %get3A_406 = arith.constant 0 : i32
      %get3A_407 = arith.index_cast %get3A_406 : i32 to index
      %get3A_408 = arith.constant 0 : index
      %get3A_409 = tpu.vector_load %arg9[%get3A_407, %get3A_408] {strides = array<i32>} : memref<2x96xi32, #tpu.memory_space<vmem>>, vector<16xi32>,
      %gather3A_410 = tpu.vector_load_idx %arg22[%get3A_405] : memref<10112xf32, #tpu.memory_space<vmem>>[vector<16xi32>], vector<16xf32>,
      tpu.vector_store_idx %arg23[%get3A_409], %gather3A_410 {add = true} : memref<10112xf32, #tpu.memory_space<vmem>>[vector<16xi32>], vector<16xf32>,
      %get3A_411 = arith.constant 1 : i32
      %get3A_412 = arith.index_cast %get3A_411 : i32 to index
      %get3A_413 = arith.constant 16 : index
      %get3A_414 = tpu.vector_load %arg9[%get3A_412, %get3A_413] {strides = array<i32>} : memref<2x96xi32, #tpu.memory_space<vmem>>, vector<16xi32>,
      %get3A_415 = arith.constant 0 : i32
      %get3A_416 = arith.index_cast %get3A_415 : i32 to index
      %get3A_417 = arith.constant 16 : index
      %get3A_418 = tpu.vector_load %arg9[%get3A_416, %get3A_417] {strides = array<i32>} : memref<2x96xi32, #tpu.memory_space<vmem>>, vector<16xi32>,
      %gather3A_419 = tpu.vector_load_idx %arg22[%get3A_414] : memref<10112xf32, #tpu.memory_space<vmem>>[vector<16xi32>], vector<16xf32>,
      tpu.vector_store_idx %arg23[%get3A_418], %gather3A_419 {add = true} : memref<10112xf32, #tpu.memory_space<vmem>>[vector<16xi32>], vector<16xf32>,
      %get3A_420 = arith.constant 1 : i32
      %get3A_421 = arith.index_cast %get3A_420 : i32 to index
      %get3A_422 = arith.constant 32 : index
      %get3A_423 = tpu.vector_load %arg9[%get3A_421, %get3A_422] {strides = array<i32>} : memref<2x96xi32, #tpu.memory_space<vmem>>, vector<16xi32>,
      %get3A_424 = arith.constant 0 : i32
      %get3A_425 = arith.index_cast %get3A_424 : i32 to index
      %get3A_426 = arith.constant 32 : index
      %get3A_427 = tpu.vector_load %arg9[%get3A_425, %get3A_426] {strides = array<i32>} : memref<2x96xi32, #tpu.memory_space<vmem>>, vector<16xi32>,
      %gather3A_428 = tpu.vector_load_idx %arg22[%get3A_423] : memref<10112xf32, #tpu.memory_space<vmem>>[vector<16xi32>], vector<16xf32>,
      tpu.vector_store_idx %arg23[%get3A_427], %gather3A_428 {add = true} : memref<10112xf32, #tpu.memory_space<vmem>>[vector<16xi32>], vector<16xf32>,
      %get3A_429 = arith.constant 1 : i32
      %get3A_430 = arith.index_cast %get3A_429 : i32 to index
      %get3A_431 = arith.constant 48 : index
      %get3A_432 = tpu.vector_load %arg9[%get3A_430, %get3A_431] {strides = array<i32>} : memref<2x96xi32, #tpu.memory_space<vmem>>, vector<16xi32>,
      %get3A_433 = arith.constant 0 : i32
      %get3A_434 = arith.index_cast %get3A_433 : i32 to index
      %get3A_435 = arith.constant 48 : index
      %get3A_436 = tpu.vector_load %arg9[%get3A_434, %get3A_435] {strides = array<i32>} : memref<2x96xi32, #tpu.memory_space<vmem>>, vector<16xi32>,
      %gather3A_437 = tpu.vector_load_idx %arg22[%get3A_432] : memref<10112xf32, #tpu.memory_space<vmem>>[vector<16xi32>], vector<16xf32>,
      tpu.vector_store_idx %arg23[%get3A_436], %gather3A_437 {add = true} : memref<10112xf32, #tpu.memory_space<vmem>>[vector<16xi32>], vector<16xf32>,
      %get3A_438 = arith.constant 1 : i32
      %get3A_439 = arith.index_cast %get3A_438 : i32 to index
      %get3A_440 = arith.constant 64 : index
      %get3A_441 = tpu.vector_load %arg9[%get3A_439, %get3A_440] {strides = array<i32>} : memref<2x96xi32, #tpu.memory_space<vmem>>, vector<16xi32>,
      %get3A_442 = arith.constant 0 : i32
      %get3A_443 = arith.index_cast %get3A_442 : i32 to index
      %get3A_444 = arith.constant 64 : index
      %get3A_445 = tpu.vector_load %arg9[%get3A_443, %get3A_444] {strides = array<i32>} : memref<2x96xi32, #tpu.memory_space<vmem>>, vector<16xi32>,
      %gather3A_446 = tpu.vector_load_idx %arg22[%get3A_441] : memref<10112xf32, #tpu.memory_space<vmem>>[vector<16xi32>], vector<16xf32>,
      tpu.vector_store_idx %arg23[%get3A_445], %gather3A_446 {add = true} : memref<10112xf32, #tpu.memory_space<vmem>>[vector<16xi32>], vector<16xf32>,
      %get3A_447 = arith.constant 1 : i32
      %get3A_448 = arith.index_cast %get3A_447 : i32 to index
      %get3A_449 = arith.constant 80 : index
      %get3A_450 = tpu.vector_load %arg9[%get3A_448, %get3A_449] {strides = array<i32>} : memref<2x96xi32, #tpu.memory_space<vmem>>, vector<16xi32>,
      %get3A_451 = arith.constant 0 : i32
      %get3A_452 = arith.index_cast %get3A_451 : i32 to index
      %get3A_453 = arith.constant 80 : index
      %get3A_454 = tpu.vector_load %arg9[%get3A_452, %get3A_453] {strides = array<i32>} : memref<2x96xi32, #tpu.memory_space<vmem>>, vector<16xi32>,
      %gather3A_455 = tpu.vector_load_idx %arg22[%get3A_450] : memref<10112xf32, #tpu.memory_space<vmem>>[vector<16xi32>], vector<16xf32>,
      tpu.vector_store_idx %arg23[%get3A_454], %gather3A_455 {add = true} : memref<10112xf32, #tpu.memory_space<vmem>>[vector<16xi32>], vector<16xf32>,
      %dma_wait3A_456 = arith.constant 0 : i32
      %dma_wait3A_457 = arith.constant 0 : i32
      %dma_wait3A_458 = tpu.memref_slice %arg10[%dma_wait3A_456, %dma_wait3A_457] : memref<2x96xi32, #tpu.memory_space<vmem>> -> memref<1x96xi32, #tpu.memory_space<vmem>>
      %dma_wait3A_459 = tpu.memref_squeeze %dma_wait3A_458 : memref<1x96xi32, #tpu.memory_space<vmem>> -> memref<96xi32, #tpu.memory_space<vmem>>
      %dma_wait3A_460 = arith.constant 0 : i32
      %dma_wait3A_461 = arith.constant 0 : i32
      %dma_wait3A_462 = tpu.memref_slice %arg2[%dma_wait3A_460, %dma_wait3A_461] : memref<10112x128xf32, #tpu.memory_space<hbm>> -> memref<10112x128xf32, #tpu.memory_space<hbm>>
      tpu.wait_indirect_dma semaphore(%arg19 : memref<!tpu.dma_semaphore, #tpu.memory_space<semaphore_mem>>) src(%dma_wait3A_462 : memref<10112x128xf32, #tpu.memory_space<hbm>>) dst(%arg12 : memref<96x128xf32, #tpu.memory_space<vmem>>)
      %dma_start3A_463 = arith.constant 1 : i32
      %dma_start3A_464 = arith.constant 0 : i32
      %dma_start3A_465 = tpu.memref_slice %arg10[%dma_start3A_463, %dma_start3A_464] : memref<2x96xi32, #tpu.memory_space<vmem>> -> memref<1x96xi32, #tpu.memory_space<vmem>>
      %dma_start3A_466 = tpu.memref_squeeze %dma_start3A_465 : memref<1x96xi32, #tpu.memory_space<vmem>> -> memref<96xi32, #tpu.memory_space<vmem>>
      %dma_start3A_467 = arith.constant 0 : i32
      %dma_start3A_468 = arith.constant 0 : i32
      %dma_start3A_469 = tpu.memref_slice %arg13[%dma_start3A_467, %dma_start3A_468] : memref<10240x128xf32, #tpu.memory_space<vmem_shared>> -> memref<10240x128xf32, #tpu.memory_space<vmem_shared>>
      tpu.enqueue_indirect_dma source(%arg12 : memref<96x128xf32, #tpu.memory_space<vmem>>) target(%dma_start3A_469 : memref<10240x128xf32, #tpu.memory_space<vmem_shared>>) offsets(%dma_start3A_466 : memref<96xi32, #tpu.memory_space<vmem>>) semaphore(%arg21 : memref<!tpu.dma_semaphore, #tpu.memory_space<semaphore_mem>>) {add = true}
      %get3A_470 = arith.constant 1 : i32
      %get3A_471 = arith.index_cast %get3A_470 : i32 to index
      %get3A_472 = arith.constant 0 : index
      %get3A_473 = tpu.vector_load %arg10[%get3A_471, %get3A_472] {strides = array<i32>} : memref<2x96xi32, #tpu.memory_space<vmem>>, vector<16xi32>,
      %get3A_474 = arith.constant 0 : i32
      %get3A_475 = arith.index_cast %get3A_474 : i32 to index
      %get3A_476 = arith.constant 0 : index
      %get3A_477 = tpu.vector_load %arg10[%get3A_475, %get3A_476] {strides = array<i32>} : memref<2x96xi32, #tpu.memory_space<vmem>>, vector<16xi32>,
      %gather3A_478 = tpu.vector_load_idx %arg22[%get3A_473] : memref<10112xf32, #tpu.memory_space<vmem>>[vector<16xi32>], vector<16xf32>,
      tpu.vector_store_idx %arg23[%get3A_477], %gather3A_478 {add = true} : memref<10112xf32, #tpu.memory_space<vmem>>[vector<16xi32>], vector<16xf32>,
      %get3A_479 = arith.constant 1 : i32
      %get3A_480 = arith.index_cast %get3A_479 : i32 to index
      %get3A_481 = arith.constant 16 : index
      %get3A_482 = tpu.vector_load %arg10[%get3A_480, %get3A_481] {strides = array<i32>} : memref<2x96xi32, #tpu.memory_space<vmem>>, vector<16xi32>,
      %get3A_483 = arith.constant 0 : i32
      %get3A_484 = arith.index_cast %get3A_483 : i32 to index
      %get3A_485 = arith.constant 16 : index
      %get3A_486 = tpu.vector_load %arg10[%get3A_484, %get3A_485] {strides = array<i32>} : memref<2x96xi32, #tpu.memory_space<vmem>>, vector<16xi32>,
      %gather3A_487 = tpu.vector_load_idx %arg22[%get3A_482] : memref<10112xf32, #tpu.memory_space<vmem>>[vector<16xi32>], vector<16xf32>,
      tpu.vector_store_idx %arg23[%get3A_486], %gather3A_487 {add = true} : memref<10112xf32, #tpu.memory_space<vmem>>[vector<16xi32>], vector<16xf32>,
      %get3A_488 = arith.constant 1 : i32
      %get3A_489 = arith.index_cast %get3A_488 : i32 to index
      %get3A_490 = arith.constant 32 : index
      %get3A_491 = tpu.vector_load %arg10[%get3A_489, %get3A_490] {strides = array<i32>} : memref<2x96xi32, #tpu.memory_space<vmem>>, vector<16xi32>,
      %get3A_492 = arith.constant 0 : i32
      %get3A_493 = arith.index_cast %get3A_492 : i32 to index
      %get3A_494 = arith.constant 32 : index
      %get3A_495 = tpu.vector_load %arg10[%get3A_493, %get3A_494] {strides = array<i32>} : memref<2x96xi32, #tpu.memory_space<vmem>>, vector<16xi32>,
      %gather3A_496 = tpu.vector_load_idx %arg22[%get3A_491] : memref<10112xf32, #tpu.memory_space<vmem>>[vector<16xi32>], vector<16xf32>,
      tpu.vector_store_idx %arg23[%get3A_495], %gather3A_496 {add = true} : memref<10112xf32, #tpu.memory_space<vmem>>[vector<16xi32>], vector<16xf32>,
      %get3A_497 = arith.constant 1 : i32
      %get3A_498 = arith.index_cast %get3A_497 : i32 to index
      %get3A_499 = arith.constant 48 : index
      %get3A_500 = tpu.vector_load %arg10[%get3A_498, %get3A_499] {strides = array<i32>} : memref<2x96xi32, #tpu.memory_space<vmem>>, vector<16xi32>,
      %get3A_501 = arith.constant 0 : i32
      %get3A_502 = arith.index_cast %get3A_501 : i32 to index
      %get3A_503 = arith.constant 48 : index
      %get3A_504 = tpu.vector_load %arg10[%get3A_502, %get3A_503] {strides = array<i32>} : memref<2x96xi32, #tpu.memory_space<vmem>>, vector<16xi32>,
      %gather3A_505 = tpu.vector_load_idx %arg22[%get3A_500] : memref<10112xf32, #tpu.memory_space<vmem>>[vector<16xi32>], vector<16xf32>,
      tpu.vector_store_idx %arg23[%get3A_504], %gather3A_505 {add = true} : memref<10112xf32, #tpu.memory_space<vmem>>[vector<16xi32>], vector<16xf32>,
      %get3A_506 = arith.constant 1 : i32
      %get3A_507 = arith.index_cast %get3A_506 : i32 to index
      %get3A_508 = arith.constant 64 : index
      %get3A_509 = tpu.vector_load %arg10[%get3A_507, %get3A_508] {strides = array<i32>} : memref<2x96xi32, #tpu.memory_space<vmem>>, vector<16xi32>,
      %get3A_510 = arith.constant 0 : i32
      %get3A_511 = arith.index_cast %get3A_510 : i32 to index
      %get3A_512 = arith.constant 64 : index
      %get3A_513 = tpu.vector_load %arg10[%get3A_511, %get3A_512] {strides = array<i32>} : memref<2x96xi32, #tpu.memory_space<vmem>>, vector<16xi32>,
      %gather3A_514 = tpu.vector_load_idx %arg22[%get3A_509] : memref<10112xf32, #tpu.memory_space<vmem>>[vector<16xi32>], vector<16xf32>,
      tpu.vector_store_idx %arg23[%get3A_513], %gather3A_514 {add = true} : memref<10112xf32, #tpu.memory_space<vmem>>[vector<16xi32>], vector<16xf32>,
      %get3A_515 = arith.constant 1 : i32
      %get3A_516 = arith.index_cast %get3A_515 : i32 to index
      %get3A_517 = arith.constant 80 : index
      %get3A_518 = tpu.vector_load %arg10[%get3A_516, %get3A_517] {strides = array<i32>} : memref<2x96xi32, #tpu.memory_space<vmem>>, vector<16xi32>,
      %get3A_519 = arith.constant 0 : i32
      %get3A_520 = arith.index_cast %get3A_519 : i32 to index
      %get3A_521 = arith.constant 80 : index
      %get3A_522 = tpu.vector_load %arg10[%get3A_520, %get3A_521] {strides = array<i32>} : memref<2x96xi32, #tpu.memory_space<vmem>>, vector<16xi32>,
      %gather3A_523 = tpu.vector_load_idx %arg22[%get3A_518] : memref<10112xf32, #tpu.memory_space<vmem>>[vector<16xi32>], vector<16xf32>,
      tpu.vector_store_idx %arg23[%get3A_522], %gather3A_523 {add = true} : memref<10112xf32, #tpu.memory_space<vmem>>[vector<16xi32>], vector<16xf32>,
      %dma_wait3A_524 = arith.constant 1 : i32
      %dma_wait3A_525 = arith.constant 0 : i32
      %dma_wait3A_526 = tpu.memref_slice %arg9[%dma_wait3A_524, %dma_wait3A_525] : memref<2x96xi32, #tpu.memory_space<vmem>> -> memref<1x96xi32, #tpu.memory_space<vmem>>
      %dma_wait3A_527 = tpu.memref_squeeze %dma_wait3A_526 : memref<1x96xi32, #tpu.memory_space<vmem>> -> memref<96xi32, #tpu.memory_space<vmem>>
      %dma_wait3A_528 = arith.constant 0 : i32
      %dma_wait3A_529 = arith.constant 0 : i32
      %dma_wait3A_530 = tpu.memref_slice %arg13[%dma_wait3A_528, %dma_wait3A_529] : memref<10240x128xf32, #tpu.memory_space<vmem_shared>> -> memref<10240x128xf32, #tpu.memory_space<vmem_shared>>
      tpu.wait_indirect_dma semaphore(%arg20 : memref<!tpu.dma_semaphore, #tpu.memory_space<semaphore_mem>>) src(%arg11 : memref<96x128xf32, #tpu.memory_space<vmem>>) dst(%dma_wait3A_530 : memref<10240x128xf32, #tpu.memory_space<vmem_shared>>)
      %dma_wait3A_531 = arith.constant 0 : i32
      %dma_wait3A_532 = arith.constant 0 : i32
      %dma_wait3A_533 = tpu.memref_slice %arg4[%add3A_44, %dma_wait3A_531, %dma_wait3A_532] : memref<3392x2x96xi32, #tpu.memory_space<hbm>> -> memref<1x2x96xi32, #tpu.memory_space<hbm>>
      %dma_wait3A_534 = tpu.memref_squeeze %dma_wait3A_533 : memref<1x2x96xi32, #tpu.memory_space<hbm>> -> memref<2x96xi32, #tpu.memory_space<hbm>>
      %dma_wait3A_535 = arith.constant 0 : i32
      %dma_wait3A_536 = arith.constant 0 : i32
      %dma_wait3A_537 = tpu.memref_slice %arg4[%add3A_44, %dma_wait3A_535, %dma_wait3A_536] : memref<3392x2x96xi32, #tpu.memory_space<hbm>> -> memref<1x2x96xi32, #tpu.memory_space<hbm>>
      %dma_wait3A_538 = tpu.memref_squeeze %dma_wait3A_537 : memref<1x2x96xi32, #tpu.memory_space<hbm>> -> memref<2x96xi32, #tpu.memory_space<hbm>>
      tpu.wait_dma2 semaphore(%arg14 : memref<!tpu.dma_semaphore, #tpu.memory_space<semaphore_mem>>) src(%dma_wait3A_538 : memref<2x96xi32, #tpu.memory_space<hbm>>) dst(%arg7 : memref<2x96xi32, #tpu.memory_space<vmem>>)
      %dma_start3A_539 = arith.constant 0 : i32
      %dma_start3A_540 = arith.constant 0 : i32
      %dma_start3A_541 = tpu.memref_slice %arg7[%dma_start3A_539, %dma_start3A_540] : memref<2x96xi32, #tpu.memory_space<vmem>> -> memref<1x96xi32, #tpu.memory_space<vmem>>
      %dma_start3A_542 = tpu.memref_squeeze %dma_start3A_541 : memref<1x96xi32, #tpu.memory_space<vmem>> -> memref<96xi32, #tpu.memory_space<vmem>>
      %dma_start3A_543 = arith.constant 0 : i32
      %dma_start3A_544 = arith.constant 0 : i32
      %dma_start3A_545 = tpu.memref_slice %arg2[%dma_start3A_543, %dma_start3A_544] : memref<10112x128xf32, #tpu.memory_space<hbm>> -> memref<10112x128xf32, #tpu.memory_space<hbm>>
      tpu.enqueue_indirect_dma source(%dma_start3A_545 : memref<10112x128xf32, #tpu.memory_space<hbm>>) target(%arg11 : memref<96x128xf32, #tpu.memory_space<vmem>>) offsets(%dma_start3A_542 : memref<96xi32, #tpu.memory_space<vmem>>) semaphore(%arg18 : memref<!tpu.dma_semaphore, #tpu.memory_space<semaphore_mem>>)
      %add3A_546 = arith.constant 6 : i32
      %add3A_547 = arith.addi %mul3A_185, %add3A_546 : i32
      %add3A_548 = arith.addi %add3A_44, %add3A_547 : i32
      %min3A_549 = arith.minsi %add3A_548, %sub3A_48 : i32
      %dma_start3A_550 = arith.constant 0 : i32
      %dma_start3A_551 = arith.constant 0 : i32
      %dma_start3A_552 = tpu.memref_slice %arg4[%min3A_549, %dma_start3A_550, %dma_start3A_551] : memref<3392x2x96xi32, #tpu.memory_space<hbm>> -> memref<1x2x96xi32, #tpu.memory_space<hbm>>
      %dma_start3A_553 = tpu.memref_squeeze %dma_start3A_552 : memref<1x2x96xi32, #tpu.memory_space<hbm>> -> memref<2x96xi32, #tpu.memory_space<hbm>>
      %dma_start3A_554 = arith.constant 0 : i32
      %dma_start3A_555 = arith.constant 0 : i32
      %dma_start3A_556 = tpu.memref_slice %arg4[%min3A_549, %dma_start3A_554, %dma_start3A_555] : memref<3392x2x96xi32, #tpu.memory_space<hbm>> -> memref<1x2x96xi32, #tpu.memory_space<hbm>>
      %dma_start3A_557 = tpu.memref_squeeze %dma_start3A_556 : memref<1x2x96xi32, #tpu.memory_space<hbm>> -> memref<2x96xi32, #tpu.memory_space<hbm>>
      tpu.enqueue_dma source(%dma_start3A_557 : memref<2x96xi32, #tpu.memory_space<hbm>>) target(%arg9 : memref<2x96xi32, #tpu.memory_space<vmem>>) target_semaphore(%arg16 : memref<!tpu.dma_semaphore, #tpu.memory_space<semaphore_mem>>)
      %dma_wait3A_558 = arith.constant 1 : i32
      %dma_wait3A_559 = arith.constant 0 : i32
      %dma_wait3A_560 = tpu.memref_slice %arg10[%dma_wait3A_558, %dma_wait3A_559] : memref<2x96xi32, #tpu.memory_space<vmem>> -> memref<1x96xi32, #tpu.memory_space<vmem>>
      %dma_wait3A_561 = tpu.memref_squeeze %dma_wait3A_560 : memref<1x96xi32, #tpu.memory_space<vmem>> -> memref<96xi32, #tpu.memory_space<vmem>>
      %dma_wait3A_562 = arith.constant 0 : i32
      %dma_wait3A_563 = arith.constant 0 : i32
      %dma_wait3A_564 = tpu.memref_slice %arg13[%dma_wait3A_562, %dma_wait3A_563] : memref<10240x128xf32, #tpu.memory_space<vmem_shared>> -> memref<10240x128xf32, #tpu.memory_space<vmem_shared>>
      tpu.wait_indirect_dma semaphore(%arg21 : memref<!tpu.dma_semaphore, #tpu.memory_space<semaphore_mem>>) src(%arg12 : memref<96x128xf32, #tpu.memory_space<vmem>>) dst(%dma_wait3A_564 : memref<10240x128xf32, #tpu.memory_space<vmem_shared>>)
      %dma_wait3A_565 = arith.constant 0 : i32
      %dma_wait3A_566 = arith.constant 0 : i32
      %dma_wait3A_567 = tpu.memref_slice %arg4[%add3A_44, %dma_wait3A_565, %dma_wait3A_566] : memref<3392x2x96xi32, #tpu.memory_space<hbm>> -> memref<1x2x96xi32, #tpu.memory_space<hbm>>
      %dma_wait3A_568 = tpu.memref_squeeze %dma_wait3A_567 : memref<1x2x96xi32, #tpu.memory_space<hbm>> -> memref<2x96xi32, #tpu.memory_space<hbm>>
      %dma_wait3A_569 = arith.constant 0 : i32
      %dma_wait3A_570 = arith.constant 0 : i32
      %dma_wait3A_571 = tpu.memref_slice %arg4[%add3A_44, %dma_wait3A_569, %dma_wait3A_570] : memref<3392x2x96xi32, #tpu.memory_space<hbm>> -> memref<1x2x96xi32, #tpu.memory_space<hbm>>
      %dma_wait3A_572 = tpu.memref_squeeze %dma_wait3A_571 : memref<1x2x96xi32, #tpu.memory_space<hbm>> -> memref<2x96xi32, #tpu.memory_space<hbm>>
      tpu.wait_dma2 semaphore(%arg15 : memref<!tpu.dma_semaphore, #tpu.memory_space<semaphore_mem>>) src(%dma_wait3A_572 : memref<2x96xi32, #tpu.memory_space<hbm>>) dst(%arg8 : memref<2x96xi32, #tpu.memory_space<vmem>>)
      %dma_start3A_573 = arith.constant 0 : i32
      %dma_start3A_574 = arith.constant 0 : i32
      %dma_start3A_575 = tpu.memref_slice %arg8[%dma_start3A_573, %dma_start3A_574] : memref<2x96xi32, #tpu.memory_space<vmem>> -> memref<1x96xi32, #tpu.memory_space<vmem>>
      %dma_start3A_576 = tpu.memref_squeeze %dma_start3A_575 : memref<1x96xi32, #tpu.memory_space<vmem>> -> memref<96xi32, #tpu.memory_space<vmem>>
      %dma_start3A_577 = arith.constant 0 : i32
      %dma_start3A_578 = arith.constant 0 : i32
      %dma_start3A_579 = tpu.memref_slice %arg2[%dma_start3A_577, %dma_start3A_578] : memref<10112x128xf32, #tpu.memory_space<hbm>> -> memref<10112x128xf32, #tpu.memory_space<hbm>>
      tpu.enqueue_indirect_dma source(%dma_start3A_579 : memref<10112x128xf32, #tpu.memory_space<hbm>>) target(%arg12 : memref<96x128xf32, #tpu.memory_space<vmem>>) offsets(%dma_start3A_576 : memref<96xi32, #tpu.memory_space<vmem>>) semaphore(%arg19 : memref<!tpu.dma_semaphore, #tpu.memory_space<semaphore_mem>>)
      %add3A_580 = arith.constant 7 : i32
      %add3A_581 = arith.addi %mul3A_185, %add3A_580 : i32
      %add3A_582 = arith.addi %add3A_44, %add3A_581 : i32
      %min3A_583 = arith.minsi %add3A_582, %sub3A_48 : i32
      %dma_start3A_584 = arith.constant 0 : i32
      %dma_start3A_585 = arith.constant 0 : i32
      %dma_start3A_586 = tpu.memref_slice %arg4[%min3A_583, %dma_start3A_584, %dma_start3A_585] : memref<3392x2x96xi32, #tpu.memory_space<hbm>> -> memref<1x2x96xi32, #tpu.memory_space<hbm>>
      %dma_start3A_587 = tpu.memref_squeeze %dma_start3A_586 : memref<1x2x96xi32, #tpu.memory_space<hbm>> -> memref<2x96xi32, #tpu.memory_space<hbm>>
      %dma_start3A_588 = arith.constant 0 : i32
      %dma_start3A_589 = arith.constant 0 : i32
      %dma_start3A_590 = tpu.memref_slice %arg4[%min3A_583, %dma_start3A_588, %dma_start3A_589] : memref<3392x2x96xi32, #tpu.memory_space<hbm>> -> memref<1x2x96xi32, #tpu.memory_space<hbm>>
      %dma_start3A_591 = tpu.memref_squeeze %dma_start3A_590 : memref<1x2x96xi32, #tpu.memory_space<hbm>> -> memref<2x96xi32, #tpu.memory_space<hbm>>
      tpu.enqueue_dma source(%dma_start3A_591 : memref<2x96xi32, #tpu.memory_space<hbm>>) target(%arg10 : memref<2x96xi32, #tpu.memory_space<vmem>>) target_semaphore(%arg17 : memref<!tpu.dma_semaphore, #tpu.memory_space<semaphore_mem>>)
    }
    %dma_wait3A_148 = arith.constant 0 : i32
    %dma_wait3A_149 = arith.constant 0 : i32
    %dma_wait3A_150 = tpu.memref_slice %arg7[%dma_wait3A_148, %dma_wait3A_149] : memref<2x96xi32, #tpu.memory_space<vmem>> -> memref<1x96xi32, #tpu.memory_space<vmem>>
    %dma_wait3A_151 = tpu.memref_squeeze %dma_wait3A_150 : memref<1x96xi32, #tpu.memory_space<vmem>> -> memref<96xi32, #tpu.memory_space<vmem>>
    %dma_wait3A_152 = arith.constant 0 : i32
    %dma_wait3A_153 = arith.constant 0 : i32
    %dma_wait3A_154 = tpu.memref_slice %arg2[%dma_wait3A_152, %dma_wait3A_153] : memref<10112x128xf32, #tpu.memory_space<hbm>> -> memref<10112x128xf32, #tpu.memory_space<hbm>>
    tpu.wait_indirect_dma semaphore(%arg18 : memref<!tpu.dma_semaphore, #tpu.memory_space<semaphore_mem>>) src(%dma_wait3A_154 : memref<10112x128xf32, #tpu.memory_space<hbm>>) dst(%arg11 : memref<96x128xf32, #tpu.memory_space<vmem>>)
    %dma_wait3A_155 = arith.constant 0 : i32
    %dma_wait3A_156 = arith.constant 0 : i32
    %dma_wait3A_157 = tpu.memref_slice %arg8[%dma_wait3A_155, %dma_wait3A_156] : memref<2x96xi32, #tpu.memory_space<vmem>> -> memref<1x96xi32, #tpu.memory_space<vmem>>
    %dma_wait3A_158 = tpu.memref_squeeze %dma_wait3A_157 : memref<1x96xi32, #tpu.memory_space<vmem>> -> memref<96xi32, #tpu.memory_space<vmem>>
    %dma_wait3A_159 = arith.constant 0 : i32
    %dma_wait3A_160 = arith.constant 0 : i32
    %dma_wait3A_161 = tpu.memref_slice %arg2[%dma_wait3A_159, %dma_wait3A_160] : memref<10112x128xf32, #tpu.memory_space<hbm>> -> memref<10112x128xf32, #tpu.memory_space<hbm>>
    tpu.wait_indirect_dma semaphore(%arg19 : memref<!tpu.dma_semaphore, #tpu.memory_space<semaphore_mem>>) src(%dma_wait3A_161 : memref<10112x128xf32, #tpu.memory_space<hbm>>) dst(%arg12 : memref<96x128xf32, #tpu.memory_space<vmem>>)
    %dma_wait3A_162 = arith.constant 0 : i32
    %dma_wait3A_163 = arith.constant 0 : i32
    %dma_wait3A_164 = tpu.memref_slice %arg4[%add3A_44, %dma_wait3A_162, %dma_wait3A_163] : memref<3392x2x96xi32, #tpu.memory_space<hbm>> -> memref<1x2x96xi32, #tpu.memory_space<hbm>>
    %dma_wait3A_165 = tpu.memref_squeeze %dma_wait3A_164 : memref<1x2x96xi32, #tpu.memory_space<hbm>> -> memref<2x96xi32, #tpu.memory_space<hbm>>
    %dma_wait3A_166 = arith.constant 0 : i32
    %dma_wait3A_167 = arith.constant 0 : i32
    %dma_wait3A_168 = tpu.memref_slice %arg4[%add3A_44, %dma_wait3A_166, %dma_wait3A_167] : memref<3392x2x96xi32, #tpu.memory_space<hbm>> -> memref<1x2x96xi32, #tpu.memory_space<hbm>>
    %dma_wait3A_169 = tpu.memref_squeeze %dma_wait3A_168 : memref<1x2x96xi32, #tpu.memory_space<hbm>> -> memref<2x96xi32, #tpu.memory_space<hbm>>
    tpu.wait_dma2 semaphore(%arg16 : memref<!tpu.dma_semaphore, #tpu.memory_space<semaphore_mem>>) src(%dma_wait3A_169 : memref<2x96xi32, #tpu.memory_space<hbm>>) dst(%arg9 : memref<2x96xi32, #tpu.memory_space<vmem>>)
    %dma_wait3A_170 = arith.constant 0 : i32
    %dma_wait3A_171 = arith.constant 0 : i32
    %dma_wait3A_172 = tpu.memref_slice %arg4[%add3A_44, %dma_wait3A_170, %dma_wait3A_171] : memref<3392x2x96xi32, #tpu.memory_space<hbm>> -> memref<1x2x96xi32, #tpu.memory_space<hbm>>
    %dma_wait3A_173 = tpu.memref_squeeze %dma_wait3A_172 : memref<1x2x96xi32, #tpu.memory_space<hbm>> -> memref<2x96xi32, #tpu.memory_space<hbm>>
    %dma_wait3A_174 = arith.constant 0 : i32
    %dma_wait3A_175 = arith.constant 0 : i32
    %dma_wait3A_176 = tpu.memref_slice %arg4[%add3A_44, %dma_wait3A_174, %dma_wait3A_175] : memref<3392x2x96xi32, #tpu.memory_space<hbm>> -> memref<1x2x96xi32, #tpu.memory_space<hbm>>
    %dma_wait3A_177 = tpu.memref_squeeze %dma_wait3A_176 : memref<1x2x96xi32, #tpu.memory_space<hbm>> -> memref<2x96xi32, #tpu.memory_space<hbm>>
    tpu.wait_dma2 semaphore(%arg17 : memref<!tpu.dma_semaphore, #tpu.memory_space<semaphore_mem>>) src(%dma_wait3A_177 : memref<2x96xi32, #tpu.memory_space<hbm>>) dst(%arg10 : memref<2x96xi32, #tpu.memory_space<vmem>>)
    %barrier3A_178 = arith.constant 0 : index
    tpu.barrier barrier_id(%barrier3A_178)
    %mul3A_179 = arith.constant 640 : i32
    %mul3A_180 = arith.muli %arg1, %mul3A_179 : i32
    %mul3A_181 = arith.constant 640 : i32
    %mul3A_182 = arith.muli %arg1, %mul3A_181 : i32
    "tpu.region"() ({
      %run_scoped3A = tpu.sem_alloc : memref<!tpu.dma_semaphore, #tpu.memory_space<semaphore_mem>>
      %dma_start3A_183 = arith.constant 0 : i32
      %dma_start3A_184 = tpu.memref_slice %arg5[%arg0, %mul3A_182, %dma_start3A_183] : memref<2x10240x128xf32, #tpu.memory_space<hbm>> -> memref<1x640x128xf32, #tpu.memory_space<hbm>>
      %dma_start3A_185 = tpu.memref_squeeze %dma_start3A_184 : memref<1x640x128xf32, #tpu.memory_space<hbm>> -> memref<640x128xf32, #tpu.memory_space<hbm>>
      %dma_start3A_186 = arith.constant 0 : i32
      %dma_start3A_187 = tpu.memref_slice %arg13[%mul3A_180, %dma_start3A_186] : memref<10240x128xf32, #tpu.memory_space<vmem_shared>> -> memref<640x128xf32, #tpu.memory_space<vmem_shared>>
      tpu.enqueue_dma source(%dma_start3A_187 : memref<640x128xf32, #tpu.memory_space<vmem_shared>>) target(%dma_start3A_185 : memref<640x128xf32, #tpu.memory_space<hbm>>) target_semaphore(%run_scoped3A : memref<!tpu.dma_semaphore, #tpu.memory_space<semaphore_mem>>)
      %dma_wait3A_188 = arith.constant 0 : i32
      %dma_wait3A_189 = tpu.memref_slice %arg5[%arg0, %mul3A_182, %dma_wait3A_188] : memref<2x10240x128xf32, #tpu.memory_space<hbm>> -> memref<1x640x128xf32, #tpu.memory_space<hbm>>
      %dma_wait3A_190 = tpu.memref_squeeze %dma_wait3A_189 : memref<1x640x128xf32, #tpu.memory_space<hbm>> -> memref<640x128xf32, #tpu.memory_space<hbm>>
      %dma_wait3A_191 = arith.constant 0 : i32
      %dma_wait3A_192 = tpu.memref_slice %arg13[%mul3A_180, %dma_wait3A_191] : memref<10240x128xf32, #tpu.memory_space<vmem_shared>> -> memref<640x128xf32, #tpu.memory_space<vmem_shared>>
      tpu.wait_dma2 semaphore(%run_scoped3A : memref<!tpu.dma_semaphore, #tpu.memory_space<semaphore_mem>>) src(%dma_wait3A_192 : memref<640x128xf32, #tpu.memory_space<vmem_shared>>) dst(%dma_wait3A_190 : memref<640x128xf32, #tpu.memory_space<hbm>>)
      tpu.yield
    }) : () -> ()
    "tpu.region"() ({
      %run_scoped3A = tpu.sem_alloc : memref<!tpu.dma_semaphore, #tpu.memory_space<semaphore_mem>>
      %dma_start3A_183 = arith.constant 0 : i32
      %dma_start3A_184 = tpu.memref_slice %arg6[%add3A, %dma_start3A_183] : memref<32x10112xf32, #tpu.memory_space<hbm>> -> memref<1x10112xf32, #tpu.memory_space<hbm>>
      %dma_start3A_185 = tpu.memref_squeeze %dma_start3A_184 : memref<1x10112xf32, #tpu.memory_space<hbm>> -> memref<10112xf32, #tpu.memory_space<hbm>>
      %dma_start3A_186 = arith.constant 0 : i32
      %dma_start3A_187 = tpu.memref_slice %arg6[%add3A, %dma_start3A_186] : memref<32x10112xf32, #tpu.memory_space<hbm>> -> memref<1x10112xf32, #tpu.memory_space<hbm>>
      %dma_start3A_188 = tpu.memref_squeeze %dma_start3A_187 : memref<1x10112xf32, #tpu.memory_space<hbm>> -> memref<10112xf32, #tpu.memory_space<hbm>>
      tpu.enqueue_dma source(%arg23 : memref<10112xf32, #tpu.memory_space<vmem>>) target(%dma_start3A_188 : memref<10112xf32, #tpu.memory_space<hbm>>) target_semaphore(%run_scoped3A : memref<!tpu.dma_semaphore, #tpu.memory_space<semaphore_mem>>)
      %dma_wait3A_189 = arith.constant 0 : i32
      %dma_wait3A_190 = tpu.memref_slice %arg6[%add3A, %dma_wait3A_189] : memref<32x10112xf32, #tpu.memory_space<hbm>> -> memref<1x10112xf32, #tpu.memory_space<hbm>>
      %dma_wait3A_191 = tpu.memref_squeeze %dma_wait3A_190 : memref<1x10112xf32, #tpu.memory_space<hbm>> -> memref<10112xf32, #tpu.memory_space<hbm>>
      %dma_wait3A_192 = arith.constant 0 : i32
      %dma_wait3A_193 = tpu.memref_slice %arg6[%add3A, %dma_wait3A_192] : memref<32x10112xf32, #tpu.memory_space<hbm>> -> memref<1x10112xf32, #tpu.memory_space<hbm>>
      %dma_wait3A_194 = tpu.memref_squeeze %dma_wait3A_193 : memref<1x10112xf32, #tpu.memory_space<hbm>> -> memref<10112xf32, #tpu.memory_space<hbm>>
      tpu.wait_dma2 semaphore(%run_scoped3A : memref<!tpu.dma_semaphore, #tpu.memory_space<semaphore_mem>>) src(%arg23 : memref<10112xf32, #tpu.memory_space<vmem>>) dst(%dma_wait3A_194 : memref<10112xf32, #tpu.memory_space<hbm>>)
      tpu.yield
    }) : () -> ()
    return
  }
}

module attributes {stable_mosaic.version = 14 : i64} {
  func.func @body(%arg0: i32, %arg1: memref<32x128xf32, #tpu.memory_space<vmem>>, %arg2: memref<128x128xf32, #tpu.memory_space<vmem>>, %arg3: memref<128x128xf32, #tpu.memory_space<vmem>>, %arg4: memref<128x16xf32, #tpu.memory_space<vmem>>) attributes {dimension_semantics = [#tpu.dimension_semantics<arbitrary>], iteration_bounds = array<i64: 79>, scalar_prefetch = 0 : i64, scratch_operands = 0 : i64, tpu.core_type = #tpu.core_type<tc>, window_params = [{transform_indices = @transform_0, window_bounds = array<i64: 32, 128>}, {transform_indices = @transform_1, window_bounds = array<i64: 128, 128>}, {transform_indices = @transform_2, window_bounds = array<i64: 128, 128>}, {transform_indices = @transform_3, window_bounds = array<i64: 128, 16>}]} {
    %get3A = arith.constant 0 : index
    %get3A_0 = arith.constant 0 : index
    %get3A_1 = vector.load %arg1[%get3A, %get3A_0] : memref<32x128xf32, #tpu.memory_space<vmem>>, vector<32x128xf32>
    %reduce_sum3A = arith.constant dense<0.000000e+00> : vector<128xf32>
    %reduce_sum3A_2 = vector.multi_reduction <add>, %get3A_1, %reduce_sum3A [0] : vector<32x128xf32> to vector<128xf32>
    %broadcast_in_dim3A = vector.shape_cast %reduce_sum3A_2 : vector<128xf32> to vector<128x1xf32>
    %add3A = arith.constant 1.000000e+00 : f32
    %add3A_3 = vector.broadcast %add3A : f32 to vector<128x1xf32>
    %add3A_4 = arith.addf %broadcast_in_dim3A, %add3A_3 : vector<128x1xf32>
    %iota3A = tpu.iota {dimensions = array<i32: 0>} : vector<128x16xi32>
    %mul3A = arith.constant 128 : i32
    %mul3A_5 = arith.muli %arg0, %mul3A : i32
    %add3A_6 = vector.broadcast %mul3A_5 : i32 to vector<128x16xi32>
    %add3A_7 = arith.addi %iota3A, %add3A_6 : vector<128x16xi32>
    %lt3A = arith.constant 10000 : i32
    %lt3A_8 = vector.broadcast %lt3A : i32 to vector<128x16xi32>
    %lt3A_9 = arith.cmpi slt, %add3A_7, %lt3A_8 : vector<128x16xi32>
    %broadcast_in_dim3A_10 = vector.shape_cast %add3A_4 : vector<128x1xf32> to vector<128x1xf32>
    %broadcast_in_dim3A_11 = vector.broadcast %broadcast_in_dim3A_10 : vector<128x1xf32> to vector<128x16xf32>
    %rsqrt3A = math.rsqrt %broadcast_in_dim3A_11 : vector<128x16xf32>
    %jit3A = arith.constant 0.000000e+00 : f32
    %broadcast_in_dim3A_12 = vector.broadcast %jit3A : f32 to vector<128x16xf32>
    %select_n3A = arith.select %lt3A_9, %rsqrt3A, %broadcast_in_dim3A_12 : vector<128x16xi1>, vector<128x16xf32>
    %swap3A = arith.constant 0 : index
    %swap3A_13 = arith.constant 0 : index
    %swap3A_14 = vector.load %arg4[%swap3A, %swap3A_13] : memref<128x16xf32, #tpu.memory_space<vmem>>, vector<128x16xf32>
    tpu.vector_store %arg4[%swap3A, %swap3A_13], %select_n3A {strides = array<i32>} : memref<128x16xf32, #tpu.memory_space<vmem>>, vector<128x16xf32>,
    %iota3A_15 = tpu.iota {dimensions = array<i32: 0>} : vector<128x128xi32>
    %mul3A_16 = arith.constant 128 : i32
    %mul3A_17 = arith.muli %arg0, %mul3A_16 : i32
    %add3A_18 = vector.broadcast %mul3A_17 : i32 to vector<128x128xi32>
    %add3A_19 = arith.addi %iota3A_15, %add3A_18 : vector<128x128xi32>
    %lt3A_20 = arith.constant 10000 : i32
    %lt3A_21 = vector.broadcast %lt3A_20 : i32 to vector<128x128xi32>
    %lt3A_22 = arith.cmpi slt, %add3A_19, %lt3A_21 : vector<128x128xi32>
    %slice3A = vector.extract_strided_slice %select_n3A {offsets = [0, 0], sizes = [128, 1], strides = [1, 1]} : vector<128x16xf32> to vector<128x1xf32>
    %get3A_23 = arith.constant 0 : index
    %get3A_24 = arith.constant 0 : index
    %get3A_25 = vector.load %arg2[%get3A_23, %get3A_24] : memref<128x128xf32, #tpu.memory_space<vmem>>, vector<128x128xf32>
    %mul3A_26 = vector.broadcast %slice3A : vector<128x1xf32> to vector<128x128xf32>
    %mul3A_27 = arith.mulf %mul3A_26, %get3A_25 : vector<128x128xf32>
    %jit3A_28 = arith.constant 0.000000e+00 : f32
    %broadcast_in_dim3A_29 = vector.broadcast %jit3A_28 : f32 to vector<128x128xf32>
    %select_n3A_30 = arith.select %lt3A_22, %mul3A_27, %broadcast_in_dim3A_29 : vector<128x128xi1>, vector<128x128xf32>
    %swap3A_31 = arith.constant 0 : index
    %swap3A_32 = arith.constant 0 : index
    %swap3A_33 = vector.load %arg3[%swap3A_31, %swap3A_32] : memref<128x128xf32, #tpu.memory_space<vmem>>, vector<128x128xf32>
    tpu.vector_store %arg3[%swap3A_31, %swap3A_32], %select_n3A_30 {strides = array<i32>} : memref<128x128xf32, #tpu.memory_space<vmem>>, vector<128x128xf32>,
    return
  }
  func.func @transform_0(%arg0: i32) -> (i32, i32) {
    %c0_i32 = arith.constant 0 : i32
    %c0_i32_0 = arith.constant 0 : i32
    return %c0_i32, %arg0 : i32, i32
  }
  func.func @transform_1(%arg0: i32) -> (i32, i32) {
    %c0_i32 = arith.constant 0 : i32
    %c0_i32_0 = arith.constant 0 : i32
    return %arg0, %c0_i32 : i32, i32
  }
  func.func @transform_2(%arg0: i32) -> (i32, i32) {
    %c0_i32 = arith.constant 0 : i32
    %c0_i32_0 = arith.constant 0 : i32
    return %arg0, %c0_i32 : i32, i32
  }
  func.func @transform_3(%arg0: i32) -> (i32, i32) {
    %c0_i32 = arith.constant 0 : i32
    %c0_i32_0 = arith.constant 0 : i32
    return %arg0, %c0_i32 : i32, i32
  }
}

module attributes {stable_mosaic.version = 14 : i64} {
  func.func @body(%arg0: i32, %arg1: memref<2x128x128xf32, #tpu.memory_space<vmem>>, %arg2: memref<128x128xf32, #tpu.memory_space<vmem>>, %arg3: memref<128x16xf32, #tpu.memory_space<vmem>>, %arg4: memref<128x16xf32, #tpu.memory_space<vmem>>, %arg5: memref<128x128xf32, #tpu.memory_space<vmem>>, %arg6: memref<1x128xf32, #tpu.memory_space<vmem>>, %arg7: memref<128x128xf32, #tpu.memory_space<vmem>>, %arg8: memref<1x128xf32, #tpu.memory_space<vmem>>, %arg9: memref<128x40xf32, #tpu.memory_space<vmem>>, %arg10: memref<1x40xf32, #tpu.memory_space<vmem>>, %arg11: memref<1x40xf32, #tpu.memory_space<vmem>>, %arg12: memref<1x128xf32, #tpu.memory_space<vmem>>) attributes {dimension_semantics = [#tpu.dimension_semantics<arbitrary>], iteration_bounds = array<i64: 79>, scalar_prefetch = 0 : i64, scratch_operands = 1 : i64, tpu.core_type = #tpu.core_type<tc>, window_params = [{transform_indices = @transform_0, window_bounds = array<i64: 2, 128, 128>}, {transform_indices = @transform_1, window_bounds = array<i64: 128, 128>}, {transform_indices = @transform_2, window_bounds = array<i64: 128, 16>}, {transform_indices = @transform_3, window_bounds = array<i64: 128, 16>}, {pipeline_mode = #tpu.pipeline_mode<synchronous>, transform_indices = @transform_4, window_bounds = array<i64: 128, 128>}, {pipeline_mode = #tpu.pipeline_mode<synchronous>, transform_indices = @transform_5, window_bounds = array<i64: 1, 128>}, {pipeline_mode = #tpu.pipeline_mode<synchronous>, transform_indices = @transform_6, window_bounds = array<i64: 128, 128>}, {pipeline_mode = #tpu.pipeline_mode<synchronous>, transform_indices = @transform_7, window_bounds = array<i64: 1, 128>}, {pipeline_mode = #tpu.pipeline_mode<synchronous>, transform_indices = @transform_8, window_bounds = array<i64: 128, 40>}, {pipeline_mode = #tpu.pipeline_mode<synchronous>, transform_indices = @transform_9, window_bounds = array<i64: 1, 40>}, {pipeline_mode = #tpu.pipeline_mode<synchronous>, transform_indices = @transform_10, window_bounds = array<i64: 1, 40>}]} {
    %get3A = arith.constant 0 : index
    %get3A_0 = arith.constant 0 : index
    %get3A_1 = vector.load %arg3[%get3A, %get3A_0] : memref<128x16xf32, #tpu.memory_space<vmem>>, vector<128x1xf32>
    %get3A_2 = arith.constant 0 : index
    %get3A_3 = arith.constant 0 : index
    %get3A_4 = arith.constant 0 : index
    %get3A_5 = vector.load %arg1[%get3A_2, %get3A_3, %get3A_4] : memref<2x128x128xf32, #tpu.memory_space<vmem>>, vector<1x128x128xf32>
    %get3A_6 = vector.shape_cast %get3A_5 : vector<1x128x128xf32> to vector<128x128xf32>
    %get3A_7 = arith.constant 1 : index
    %get3A_8 = arith.constant 0 : index
    %get3A_9 = arith.constant 0 : index
    %get3A_10 = vector.load %arg1[%get3A_7, %get3A_8, %get3A_9] : memref<2x128x128xf32, #tpu.memory_space<vmem>>, vector<1x128x128xf32>
    %get3A_11 = vector.shape_cast %get3A_10 : vector<1x128x128xf32> to vector<128x128xf32>
    %add3A = arith.addf %get3A_6, %get3A_11 : vector<128x128xf32>
    %get3A_12 = arith.constant 0 : index
    %get3A_13 = arith.constant 0 : index
    %get3A_14 = vector.load %arg2[%get3A_12, %get3A_13] : memref<128x128xf32, #tpu.memory_space<vmem>>, vector<128x128xf32>
    %add3A_15 = arith.addf %add3A, %get3A_14 : vector<128x128xf32>
    %mul3A = vector.broadcast %get3A_1 : vector<128x1xf32> to vector<128x128xf32>
    %mul3A_16 = arith.mulf %mul3A, %add3A_15 : vector<128x128xf32>
    %get3A_17 = arith.constant 0 : index
    %get3A_18 = arith.constant 0 : index
    %get3A_19 = vector.load %arg5[%get3A_17, %get3A_18] : memref<128x128xf32, #tpu.memory_space<vmem>>, vector<128x128xf32>
    %dot_general3A = arith.constant dense<0.000000e+00> : vector<128x128xf32>
    %dot_general3A_20 = tpu.matmul %mul3A_16, %get3A_19, %dot_general3A {dimension_numbers = #tpu.dot_dimension_numbers<[1], [0], [0], [1], [0, 0, 1, 1], [], []>, transpose_lhs_hint = false} : vector<128x128xf32>, vector<128x128xf32>, vector<128x128xf32> -> vector<128x128xf32>
    %get3A_21 = arith.constant 0 : index
    %get3A_22 = arith.constant 0 : index
    %get3A_23 = vector.load %arg6[%get3A_21, %get3A_22] : memref<1x128xf32, #tpu.memory_space<vmem>>, vector<1x128xf32>
    %add3A_24 = vector.broadcast %get3A_23 : vector<1x128xf32> to vector<128x128xf32>
    %add3A_25 = arith.addf %dot_general3A_20, %add3A_24 : vector<128x128xf32>
    %max3A = arith.constant 0.000000e+00 : f32
    %max3A_26 = vector.broadcast %max3A : f32 to vector<128x128xf32>
    %max3A_27 = arith.maximumf %add3A_25, %max3A_26 : vector<128x128xf32>
    %get3A_28 = arith.constant 0 : index
    %get3A_29 = arith.constant 0 : index
    %get3A_30 = vector.load %arg4[%get3A_28, %get3A_29] : memref<128x16xf32, #tpu.memory_space<vmem>>, vector<128x1xf32>
    %mul3A_31 = vector.broadcast %get3A_30 : vector<128x1xf32> to vector<128x128xf32>
    %mul3A_32 = arith.mulf %mul3A_31, %max3A_27 : vector<128x128xf32>
    %reduce_sum3A = arith.constant dense<0.000000e+00> : vector<128xf32>
    %reduce_sum3A_33 = vector.multi_reduction <add>, %mul3A_32, %reduce_sum3A [0] : vector<128x128xf32> to vector<128xf32>
    %broadcast_in_dim3A = vector.shape_cast %reduce_sum3A_33 : vector<128xf32> to vector<1x128xf32>
    %eq3A = arith.constant 0 : i32
    %eq3A_34 = arith.cmpi eq, %arg0, %eq3A : i32
    %convert_element_type3A = arith.extui %eq3A_34 : i1 to i32
    %cond3A = arith.constant 0 : i32
    %cond3A_35 = arith.cmpi ne, %convert_element_type3A, %cond3A : i32
    scf.if %cond3A_35 {
      %broadcast_in_dim3A_47 = arith.constant 0.000000e+00 : f32
      %broadcast_in_dim3A_48 = vector.broadcast %broadcast_in_dim3A_47 : f32 to vector<1x128xf32>
      %swap3A_49 = arith.constant 0 : index
      %swap3A_50 = arith.constant 0 : index
      %swap3A_51 = vector.load %arg12[%swap3A_49, %swap3A_50] : memref<1x128xf32, #tpu.memory_space<vmem>>, vector<1x128xf32>
      tpu.vector_store %arg12[%swap3A_49, %swap3A_50], %broadcast_in_dim3A_48 {strides = array<i32>} : memref<1x128xf32, #tpu.memory_space<vmem>>, vector<1x128xf32>,
    } else {
    }
    %get3A_36 = arith.constant 0 : index
    %get3A_37 = arith.constant 0 : index
    %get3A_38 = vector.load %arg12[%get3A_36, %get3A_37] : memref<1x128xf32, #tpu.memory_space<vmem>>, vector<1x128xf32>
    %add3A_39 = arith.addf %get3A_38, %broadcast_in_dim3A : vector<1x128xf32>
    %swap3A = arith.constant 0 : index
    %swap3A_40 = arith.constant 0 : index
    %swap3A_41 = vector.load %arg12[%swap3A, %swap3A_40] : memref<1x128xf32, #tpu.memory_space<vmem>>, vector<1x128xf32>
    tpu.vector_store %arg12[%swap3A, %swap3A_40], %add3A_39 {strides = array<i32>} : memref<1x128xf32, #tpu.memory_space<vmem>>, vector<1x128xf32>,
    %eq3A_42 = arith.constant 78 : i32
    %eq3A_43 = arith.cmpi eq, %arg0, %eq3A_42 : i32
    %convert_element_type3A_44 = arith.extui %eq3A_43 : i1 to i32
    %cond3A_45 = arith.constant 0 : i32
    %cond3A_46 = arith.cmpi ne, %convert_element_type3A_44, %cond3A_45 : i32
    scf.if %cond3A_46 {
      %get3A_47 = arith.constant 0 : index
      %get3A_48 = arith.constant 0 : index
      %get3A_49 = vector.load %arg12[%get3A_47, %get3A_48] : memref<1x128xf32, #tpu.memory_space<vmem>>, vector<1x128xf32>
      %get3A_50 = arith.constant 0 : index
      %get3A_51 = arith.constant 0 : index
      %get3A_52 = vector.load %arg7[%get3A_50, %get3A_51] : memref<128x128xf32, #tpu.memory_space<vmem>>, vector<128x128xf32>
      %dot_general3A_53 = arith.constant dense<0.000000e+00> : vector<1x128xf32>
      %dot_general3A_54 = tpu.matmul %get3A_49, %get3A_52, %dot_general3A_53 {dimension_numbers = #tpu.dot_dimension_numbers<[1], [0], [0], [1], [0, 0, 1, 1], [], []>, transpose_lhs_hint = false} : vector<1x128xf32>, vector<128x128xf32>, vector<1x128xf32> -> vector<1x128xf32>
      %get3A_55 = arith.constant 0 : index
      %get3A_56 = arith.constant 0 : index
      %get3A_57 = vector.load %arg8[%get3A_55, %get3A_56] : memref<1x128xf32, #tpu.memory_space<vmem>>, vector<1x128xf32>
      %mul3A_58 = arith.constant 1.000000e+04 : f32
      %mul3A_59 = vector.broadcast %mul3A_58 : f32 to vector<1x128xf32>
      %mul3A_60 = arith.mulf %mul3A_59, %get3A_57 : vector<1x128xf32>
      %add3A_61 = arith.addf %dot_general3A_54, %mul3A_60 : vector<1x128xf32>
      %get3A_62 = arith.constant 0 : index
      %get3A_63 = arith.constant 0 : index
      %get3A_64 = vector.load %arg9[%get3A_62, %get3A_63] : memref<128x40xf32, #tpu.memory_space<vmem>>, vector<128x40xf32>
      %dot_general3A_65 = arith.constant dense<0.000000e+00> : vector<1x40xf32>
      %dot_general3A_66 = tpu.matmul %add3A_61, %get3A_64, %dot_general3A_65 {dimension_numbers = #tpu.dot_dimension_numbers<[1], [0], [0], [1], [0, 0, 1, 1], [], []>, transpose_lhs_hint = false} : vector<1x128xf32>, vector<128x40xf32>, vector<1x40xf32> -> vector<1x40xf32>
      %get3A_67 = arith.constant 0 : index
      %get3A_68 = arith.constant 0 : index
      %get3A_69 = vector.load %arg10[%get3A_67, %get3A_68] : memref<1x40xf32, #tpu.memory_space<vmem>>, vector<1x40xf32>
      %add3A_70 = arith.addf %dot_general3A_66, %get3A_69 : vector<1x40xf32>
      %swap3A_71 = arith.constant 0 : index
      %swap3A_72 = arith.constant 0 : index
      %swap3A_73 = vector.load %arg11[%swap3A_71, %swap3A_72] : memref<1x40xf32, #tpu.memory_space<vmem>>, vector<1x40xf32>
      tpu.vector_store %arg11[%swap3A_71, %swap3A_72], %add3A_70 {strides = array<i32>} : memref<1x40xf32, #tpu.memory_space<vmem>>, vector<1x40xf32>,
    } else {
    }
    return
  }
  func.func @transform_0(%arg0: i32) -> (i32, i32, i32) {
    %c0_i32 = arith.constant 0 : i32
    %c0_i32_0 = arith.constant 0 : i32
    %c0_i32_1 = arith.constant 0 : i32
    return %c0_i32, %arg0, %c0_i32_0 : i32, i32, i32
  }
  func.func @transform_1(%arg0: i32) -> (i32, i32) {
    %c0_i32 = arith.constant 0 : i32
    %c0_i32_0 = arith.constant 0 : i32
    return %arg0, %c0_i32 : i32, i32
  }
  func.func @transform_2(%arg0: i32) -> (i32, i32) {
    %c0_i32 = arith.constant 0 : i32
    %c0_i32_0 = arith.constant 0 : i32
    return %arg0, %c0_i32 : i32, i32
  }
  func.func @transform_3(%arg0: i32) -> (i32, i32) {
    %c0_i32 = arith.constant 0 : i32
    %c0_i32_0 = arith.constant 0 : i32
    return %arg0, %c0_i32 : i32, i32
  }
  func.func @transform_4(%arg0: i32) -> (i32, i32) {
    %c0_i32 = arith.constant 0 : i32
    %c0_i32_0 = arith.constant 0 : i32
    %c0_i32_1 = arith.constant 0 : i32
    return %c0_i32, %c0_i32_0 : i32, i32
  }
  func.func @transform_5(%arg0: i32) -> (i32, i32) {
    %c0_i32 = arith.constant 0 : i32
    %c0_i32_0 = arith.constant 0 : i32
    %c0_i32_1 = arith.constant 0 : i32
    return %c0_i32, %c0_i32_0 : i32, i32
  }
  func.func @transform_6(%arg0: i32) -> (i32, i32) {
    %c0_i32 = arith.constant 0 : i32
    %c0_i32_0 = arith.constant 0 : i32
    %c0_i32_1 = arith.constant 0 : i32
    return %c0_i32, %c0_i32_0 : i32, i32
  }
  func.func @transform_7(%arg0: i32) -> (i32, i32) {
    %c0_i32 = arith.constant 0 : i32
    %c0_i32_0 = arith.constant 0 : i32
    %c0_i32_1 = arith.constant 0 : i32
    return %c0_i32, %c0_i32_0 : i32, i32
  }
  func.func @transform_8(%arg0: i32) -> (i32, i32) {
    %c0_i32 = arith.constant 0 : i32
    %c0_i32_0 = arith.constant 0 : i32
    %c0_i32_1 = arith.constant 0 : i32
    return %c0_i32, %c0_i32_0 : i32, i32
  }
  func.func @transform_9(%arg0: i32) -> (i32, i32) {
    %c0_i32 = arith.constant 0 : i32
    %c0_i32_0 = arith.constant 0 : i32
    %c0_i32_1 = arith.constant 0 : i32
    return %c0_i32, %c0_i32_0 : i32, i32
  }
  func.func @transform_10(%arg0: i32) -> (i32, i32) {
    %c0_i32 = arith.constant 0 : i32
    %c0_i32_0 = arith.constant 0 : i32
    %c0_i32_1 = arith.constant 0 : i32
    return %c0_i32, %c0_i32_0 : i32, i32
  }
}

module attributes {stable_mosaic.version = 14 : i64} {
  func.func @body(%arg0: i32, %arg1: memref<2x128x128xf32, #tpu.memory_space<vmem>>, %arg2: memref<128x128xf32, #tpu.memory_space<vmem>>, %arg3: memref<128x16xf32, #tpu.memory_space<vmem>>, %arg4: memref<32x128xf32, #tpu.memory_space<vmem>>, %arg5: memref<128x128xf32, #tpu.memory_space<vmem>>, %arg6: memref<1x128xf32, #tpu.memory_space<vmem>>, %arg7: memref<128x128xf32, #tpu.memory_space<vmem>>, %arg8: memref<128x16xf32, #tpu.memory_space<vmem>>) attributes {dimension_semantics = [#tpu.dimension_semantics<arbitrary>], iteration_bounds = array<i64: 79>, scalar_prefetch = 0 : i64, scratch_operands = 0 : i64, tpu.core_type = #tpu.core_type<tc>, window_params = [{transform_indices = @transform_0, window_bounds = array<i64: 2, 128, 128>}, {transform_indices = @transform_1, window_bounds = array<i64: 128, 128>}, {transform_indices = @transform_2, window_bounds = array<i64: 128, 16>}, {transform_indices = @transform_3, window_bounds = array<i64: 32, 128>}, {pipeline_mode = #tpu.pipeline_mode<synchronous>, transform_indices = @transform_4, window_bounds = array<i64: 128, 128>}, {pipeline_mode = #tpu.pipeline_mode<synchronous>, transform_indices = @transform_5, window_bounds = array<i64: 1, 128>}, {transform_indices = @transform_6, window_bounds = array<i64: 128, 128>}, {transform_indices = @transform_7, window_bounds = array<i64: 128, 16>}]} {
    %get3A = arith.constant 0 : index
    %get3A_0 = arith.constant 0 : index
    %get3A_1 = vector.load %arg3[%get3A, %get3A_0] : memref<128x16xf32, #tpu.memory_space<vmem>>, vector<128x16xf32>
    %slice3A = vector.extract_strided_slice %get3A_1 {offsets = [0, 0], sizes = [128, 1], strides = [1, 1]} : vector<128x16xf32> to vector<128x1xf32>
    %get3A_2 = arith.constant 0 : index
    %get3A_3 = arith.constant 0 : index
    %get3A_4 = arith.constant 0 : index
    %get3A_5 = vector.load %arg1[%get3A_2, %get3A_3, %get3A_4] : memref<2x128x128xf32, #tpu.memory_space<vmem>>, vector<1x128x128xf32>
    %get3A_6 = vector.shape_cast %get3A_5 : vector<1x128x128xf32> to vector<128x128xf32>
    %get3A_7 = arith.constant 1 : index
    %get3A_8 = arith.constant 0 : index
    %get3A_9 = arith.constant 0 : index
    %get3A_10 = vector.load %arg1[%get3A_7, %get3A_8, %get3A_9] : memref<2x128x128xf32, #tpu.memory_space<vmem>>, vector<1x128x128xf32>
    %get3A_11 = vector.shape_cast %get3A_10 : vector<1x128x128xf32> to vector<128x128xf32>
    %add3A = arith.addf %get3A_6, %get3A_11 : vector<128x128xf32>
    %get3A_12 = arith.constant 0 : index
    %get3A_13 = arith.constant 0 : index
    %get3A_14 = vector.load %arg2[%get3A_12, %get3A_13] : memref<128x128xf32, #tpu.memory_space<vmem>>, vector<128x128xf32>
    %add3A_15 = arith.addf %add3A, %get3A_14 : vector<128x128xf32>
    %mul3A = vector.broadcast %slice3A : vector<128x1xf32> to vector<128x128xf32>
    %mul3A_16 = arith.mulf %mul3A, %add3A_15 : vector<128x128xf32>
    %get3A_17 = arith.constant 0 : index
    %get3A_18 = arith.constant 0 : index
    %get3A_19 = vector.load %arg5[%get3A_17, %get3A_18] : memref<128x128xf32, #tpu.memory_space<vmem>>, vector<128x128xf32>
    %dot_general3A = arith.constant dense<0.000000e+00> : vector<128x128xf32>
    %dot_general3A_20 = tpu.matmul %mul3A_16, %get3A_19, %dot_general3A {dimension_numbers = #tpu.dot_dimension_numbers<[1], [0], [0], [1], [0, 0, 1, 1], [], []>, transpose_lhs_hint = false} : vector<128x128xf32>, vector<128x128xf32>, vector<128x128xf32> -> vector<128x128xf32>
    %get3A_21 = arith.constant 0 : index
    %get3A_22 = arith.constant 0 : index
    %get3A_23 = vector.load %arg6[%get3A_21, %get3A_22] : memref<1x128xf32, #tpu.memory_space<vmem>>, vector<1x128xf32>
    %add3A_24 = vector.broadcast %get3A_23 : vector<1x128xf32> to vector<128x128xf32>
    %add3A_25 = arith.addf %dot_general3A_20, %add3A_24 : vector<128x128xf32>
    %max3A = arith.constant 0.000000e+00 : f32
    %max3A_26 = vector.broadcast %max3A : f32 to vector<128x128xf32>
    %max3A_27 = arith.maximumf %add3A_25, %max3A_26 : vector<128x128xf32>
    %mul3A_28 = vector.broadcast %slice3A : vector<128x1xf32> to vector<128x128xf32>
    %mul3A_29 = arith.mulf %mul3A_28, %max3A_27 : vector<128x128xf32>
    %swap3A = arith.constant 0 : index
    %swap3A_30 = arith.constant 0 : index
    %swap3A_31 = vector.load %arg7[%swap3A, %swap3A_30] : memref<128x128xf32, #tpu.memory_space<vmem>>, vector<128x128xf32>
    tpu.vector_store %arg7[%swap3A, %swap3A_30], %mul3A_29 {strides = array<i32>} : memref<128x128xf32, #tpu.memory_space<vmem>>, vector<128x128xf32>,
    %get3A_32 = arith.constant 0 : index
    %get3A_33 = arith.constant 0 : index
    %get3A_34 = vector.load %arg4[%get3A_32, %get3A_33] : memref<32x128xf32, #tpu.memory_space<vmem>>, vector<32x128xf32>
    %reduce_sum3A = arith.constant dense<0.000000e+00> : vector<128xf32>
    %reduce_sum3A_35 = vector.multi_reduction <add>, %get3A_34, %reduce_sum3A [0] : vector<32x128xf32> to vector<128xf32>
    %broadcast_in_dim3A = vector.shape_cast %reduce_sum3A_35 : vector<128xf32> to vector<128x1xf32>
    %broadcast_in_dim3A_36 = vector.shape_cast %broadcast_in_dim3A : vector<128x1xf32> to vector<128x1xf32>
    %broadcast_in_dim3A_37 = vector.broadcast %broadcast_in_dim3A_36 : vector<128x1xf32> to vector<128x16xf32>
    %add3A_38 = arith.addf %broadcast_in_dim3A_37, %get3A_1 : vector<128x16xf32>
    %mul3A_39 = arith.mulf %get3A_1, %add3A_38 : vector<128x16xf32>
    %swap3A_40 = arith.constant 0 : index
    %swap3A_41 = arith.constant 0 : index
    %swap3A_42 = vector.load %arg8[%swap3A_40, %swap3A_41] : memref<128x16xf32, #tpu.memory_space<vmem>>, vector<128x16xf32>
    tpu.vector_store %arg8[%swap3A_40, %swap3A_41], %mul3A_39 {strides = array<i32>} : memref<128x16xf32, #tpu.memory_space<vmem>>, vector<128x16xf32>,
    return
  }
  func.func @transform_0(%arg0: i32) -> (i32, i32, i32) {
    %c0_i32 = arith.constant 0 : i32
    %c0_i32_0 = arith.constant 0 : i32
    %c0_i32_1 = arith.constant 0 : i32
    return %c0_i32, %arg0, %c0_i32_0 : i32, i32, i32
  }
  func.func @transform_1(%arg0: i32) -> (i32, i32) {
    %c0_i32 = arith.constant 0 : i32
    %c0_i32_0 = arith.constant 0 : i32
    return %arg0, %c0_i32 : i32, i32
  }
  func.func @transform_2(%arg0: i32) -> (i32, i32) {
    %c0_i32 = arith.constant 0 : i32
    %c0_i32_0 = arith.constant 0 : i32
    return %arg0, %c0_i32 : i32, i32
  }
  func.func @transform_3(%arg0: i32) -> (i32, i32) {
    %c0_i32 = arith.constant 0 : i32
    %c0_i32_0 = arith.constant 0 : i32
    return %c0_i32, %arg0 : i32, i32
  }
  func.func @transform_4(%arg0: i32) -> (i32, i32) {
    %c0_i32 = arith.constant 0 : i32
    %c0_i32_0 = arith.constant 0 : i32
    %c0_i32_1 = arith.constant 0 : i32
    return %c0_i32, %c0_i32_0 : i32, i32
  }
  func.func @transform_5(%arg0: i32) -> (i32, i32) {
    %c0_i32 = arith.constant 0 : i32
    %c0_i32_0 = arith.constant 0 : i32
    %c0_i32_1 = arith.constant 0 : i32
    return %c0_i32, %c0_i32_0 : i32, i32
  }
  func.func @transform_6(%arg0: i32) -> (i32, i32) {
    %c0_i32 = arith.constant 0 : i32
    %c0_i32_0 = arith.constant 0 : i32
    return %arg0, %c0_i32 : i32, i32
  }
  func.func @transform_7(%arg0: i32) -> (i32, i32) {
    %c0_i32 = arith.constant 0 : i32
    %c0_i32_0 = arith.constant 0 : i32
    return %arg0, %c0_i32 : i32, i32
  }
}

</mosaic_0001>

<sc_bundles>
// kernel: kernel.11.cloned.1.call-start
scs
__scs_entry_jumppad:
0x0: {  	(pc) =	sbr.rel $0x88, $3  }
0x1: {  	(tag) =	ssettag $0x0;
	lr =	simm.s32 $0x1  }
0x2: {  	[smem:$0x3F97] =	sst lr;
	_ =	strace $0xD0000000  }
0x3: {  	_ = 	snop  }
0x4: {  	_ = 	snop  }
0x5: {  	_ = 	snop  }
0x6: {  	_ = 	snop  }
0x7: {  	_ = 	snop  }
__scs_overlays_trampoline_lowered:
0x8: {  	[smem:$0x3FA6] =	sst s0  }
0x9: {  	[smem:$0x3FA7] =	sst s1  }
0xa: {  	[smem:$0x3FA8] =	sst s2  }
0xb: {  	[smem:$0x3FA9] =	sst s3  }
0xc: {  	[smem:$0x3FAA] =	sst s4  }
0xd: {  	[smem:$0x3FAB] =	sst s5  }
0xe: {  	[smem:$0x3FAC] =	sst s6  }
0xf: {  	[smem:$0x3FAD] =	sst s7  }
0x10: {  	[smem:$0x3FAE] =	sst s8  }
0x11: {  	[smem:$0x3FAF] =	sst s9;
	s0 =	simm.s32 @!p0 $0x0  }
0x12: {  	s1 =	sld [smem:$0x3F95];
	s0 =	simm.s32 @p0 $0x1  }
0x13: {  	[smem:$0x3FB0] =	sst s0;
	s0 =	simm.s32 @!p1 $0x0  }
0x14: {  	s2 =	sld [smem:$0x3F94];
	s0 =	simm.s32 @p1 $0x1  }
0x15: {  	[smem:$0x3FB1] =	sst s0;
	s0 =	simm.s32 @!p2 $0x0  }
0x16: {  	s3 =	sld [smem:$0x3FDB];
	s0 =	simm.s32 @p2 $0x1  }
0x17: {  	s4 =	simm.s32 $0x1BF5;
	[smem:$0x3FB3] =	sst s0  }
0x18: {  	s0 =	sld [smem:$0x3F96];
	_ =	swait.ge [sflag:s4], $0x0  }
0x19: {  	s7 =	sld [smem:$0x3F97]  }
0x1a: {  	s8 =	sadd.s32 $0xFFFFE003, lr  }
0x1b: {  	s9 =	sadd.s32 $0xFFFFFEF7, lr;
	s5 =	simm.s32 $0xFFFFFFFF;
	p2 =	slt.u32 s8, $0xFFFFF086  }
0x1c: {  	p1 =	slt.u32 s9, $0xF7A;
	s5 =	simm.s32 @!p2 $0x0  }
0x1d: {  	s5 =	simm.s32 @p1 $0x1;
	p0 =	seq.s32 s7, s2  }
0x1e: {  	s7 =	smul.u32 @!p0 $0xF7A, s2;
	p2 =	seq.s32 @!p0 s5, $0x0  }
0x1f: {  	s9 =	smul.u32 $0xF7A, s1;
	s8 =	simm.s32 @!p0 $0x1BF5;
	p2 =	por !p2, p0  }
0x20: {  	[sflag:s8] =	ssyncset.s32 @!p0 $0xFFFFF086;
	s6 =	sadd.s32 @!p0 s3, s7;
	s7 =	simm.s32 @!p0 $0x108  }
0x21: {  	s3 =	sadd.s32 s3, s9;
	s6 =	sadd.s32 @!p0 $0x88, s6;
	s7 =	simm.s32 @p2 $0x1082  }
0x22: {  	[simem:s7], [sflag:s8] =	dma.local @!p0 [hbm:s6], $0xF7A  }
0x23: {  	s9 =	sor.u32 $0xD0000000, s2;
	s6 =	simm.s32 $0x108;
	_ =	swait.ge @!p0 [sflag:s8], $0x0  }
0x24: {  	s3 =	sadd.s32 $0x88, s3;
	s6 =	simm.s32 @!p1 $0x1082;
	[sflag:s4] =	ssyncset.s32 $0xFFFFF086  }
0x25: {  	[simem:s6], [sflag:s4] =	dma.local [hbm:s3], $0xF7A  }
0x26: {  	[smem:$0x3F97] =	sst s1;
	(tag) =	ssettag s2;
	_ =	strace s9  }
0x27: {  	s1 =	sld [smem:$0x3FA7]  }
0x28: {  	s2 =	sld [smem:$0x3FA8]  }
0x29: {  	s4 =	sld [smem:$0x3FAA]  }
0x2a: {  	p0 =	seq.s32 s5, $0x0;
	s5 =	sld [smem:$0x3FAB]  }
0x2b: {  	s6 =	sld [smem:$0x3FAC]  }
0x2c: {  	s7 =	sld [smem:$0x3FAD]  }
0x2d: {  	s3 =	simm.s32 $0x108;
	s8 =	sld [smem:$0x3FAE]  }
0x2e: {  	s3 =	simm.s32 @!p0 $0x1082;
	s9 =	sld [smem:$0x3FAF]  }
0x2f: {  	lr =	sadd.s32 s0, s3;
	s0 =	sld [smem:$0x3FA6]  }
0x30: {  	s3 =	sld [smem:$0x3FA9]  }
0x31: {  	[smem:$0x3FB2] =	sst s10  }
0x32: {  	s10 =	sld [smem:$0x3FB0];
	_ =	sdelay $0x3  }
0x33: {  	p0 =	seq.s32 s10, $0x1;
	s10 =	sld [smem:$0x3FB2];
	_ =	sdelay $0x3  }
0x34: {  	[smem:$0x3FB2] =	sst s10  }
0x35: {  	s10 =	sld [smem:$0x3FB1];
	_ =	sdelay $0x3  }
0x36: {  	p1 =	seq.s32 s10, $0x1;
	s10 =	sld [smem:$0x3FB2];
	_ =	sdelay $0x3  }
0x37: {  	[smem:$0x3FB2] =	sst s10  }
0x38: {  	s10 =	sld [smem:$0x3FB3]  }
0x39: {  	_ = 	snop;
	(pc) =	sbr.ind lr, $3  }
0x3a: {  	_ = 	snop  }
0x3b: {  	_ = 	snop  }
0x3c: {  	p2 =	seq.s32 s10, $0x1;
	s10 =	sld [smem:$0x3FB2]  }
0x3d: {  	_ =	shalt  }
0x3e: {  	_ =	shalt  }
0x3f: {  	_ =	shalt  }
0x40: {  	_ =	shalt  }
0x41: {  	_ =	shalt  }
0x42: {  	_ =	shalt  }
0x43: {  	_ =	shalt  }
0x44: {  	_ =	shalt  }
0x45: {  	_ =	shalt  }
0x46: {  	_ =	shalt  }
0x47: {  	_ =	shalt  }
0x48: {  	_ =	shalt  }
0x49: {  	_ =	shalt  }
0x4a: {  	_ =	shalt  }
0x4b: {  	_ =	shalt  }
0x4c: {  	_ =	shalt  }
0x4d: {  	_ =	shalt  }
0x4e: {  	_ =	shalt  }
0x4f: {  	_ =	shalt  }
0x50: {  	_ =	shalt  }
0x51: {  	_ =	shalt  }
0x52: {  	_ =	shalt  }
0x53: {  	_ =	shalt  }
0x54: {  	_ =	shalt  }
0x55: {  	_ =	shalt  }
0x56: {  	_ =	shalt  }
0x57: {  	_ =	shalt  }
0x58: {  	_ =	shalt  }
0x59: {  	_ =	shalt  }
0x5a: {  	_ =	shalt  }
0x5b: {  	_ =	shalt  }
0x5c: {  	_ =	shalt  }
0x5d: {  	_ =	shalt  }
0x5e: {  	_ =	shalt  }
0x5f: {  	_ =	shalt  }
0x60: {  	_ =	shalt  }
0x61: {  	_ =	shalt  }
0x62: {  	_ =	shalt  }
0x63: {  	_ =	shalt  }
0x64: {  	_ =	shalt  }
0x65: {  	_ =	shalt  }
0x66: {  	_ =	shalt  }
0x67: {  	_ =	shalt  }
0x68: {  	_ =	shalt  }
0x69: {  	_ =	shalt  }
0x6a: {  	_ =	shalt  }
0x6b: {  	_ =	shalt  }
0x6c: {  	_ =	shalt  }
0x6d: {  	_ =	shalt  }
0x6e: {  	_ =	shalt  }
0x6f: {  	_ =	shalt  }
0x70: {  	_ =	shalt  }
0x71: {  	_ =	shalt  }
0x72: {  	_ =	shalt  }
0x73: {  	_ =	shalt  }
0x74: {  	_ =	shalt  }
0x75: {  	_ =	shalt  }
0x76: {  	_ =	shalt  }
0x77: {  	_ =	shalt  }
0x78: {  	_ =	shalt  }
0x79: {  	_ =	shalt  }
0x7a: {  	_ =	shalt  }
0x7b: {  	_ =	shalt  }
0x7c: {  	_ =	shalt  }
0x7d: {  	_ =	shalt  }
0x7e: {  	_ =	shalt  }
0x7f: {  	_ =	shalt  }
0x80: {  	_ =	shalt  }
0x81: {  	_ =	shalt  }
0x82: {  	_ =	shalt  }
0x83: {  	_ =	shalt  }
0x84: {  	_ =	shalt  }
0x85: {  	_ =	shalt  }
0x86: {  	_ =	shalt  }
0x87: {  	_ =	shalt  }
.Lfunc_end0:
.L_simem_size_0:
called_computation.1_lowered:
.L_overlay_start_0:
0x88: {  	s2 =	sld [smem:$0x3FD9]  }
0x89: {  	s3 =	sld [smem:$0x3FFE];
	_ =	sdelay $0x1  }
0x8a: {  	s1 =	srdreg.scid  }
0x8b: {  	s0 =	sand.u32 $0x1, s1  }
0x8c: {  	s16 =	sshll.u32 s0, $0xA;
	s2 =	sadd.s32 s3, s2  }
0x8d: {  	s2 =	sadd.s32 s2, s16  }
0x8e: {  	[smem:$0x3FBE] =	sst s2  }
0x8f: {  	_ = 	snop  }
0x90: {  	(tm) =	ssettm $0x1  }
0x91: {  	s17 =	sld [smem:$0x3FFB];
	_ =	sdelay $0x3  }
0x92: {  	_ =	strace s17  }
0x93: {  	s2 =	sld [smem:$0x3FFC];
	_ =	sdelay $0x3  }
0x94: {  	_ =	strace s2  }
0x95: {  	s2 =	sld [smem:$0x3FFD];
	_ =	sdelay $0x3  }
0x96: {  	_ =	strace s2  }
0x97: {  	_ =	strace $0x8FFFFFFF  }
0x98: {  	s18 =	sld [smem:$0x3FDB];
	_ =	sdelay $0x1  }
0x99: {  	s19 =	simm.s32 $_scs_section_size  }
0x9a: {  	s4 =	simm.s32 $_size__tile_overlayer_lowered;
	s5 =	simm.s32 $_tile_overlayer_lowered  }
0x9b: {  	s22 =	simm.s32 $0x1BFF;
	s21 =	sshll.u32 s5, $0x1;
	s2 =	sadd.s32 s19, s18  }
0x9c: {  	s6 =	simm.s32 $0x0;
	s20 =	sshll.u32 s4, $0x1;
	s4 =	sadd.s32 s21, s2  }
0x9d: {  	[timem:s6], [sflag:s22] =	dma.local [hbm:s4], s20  }
0x9e: {  	_ =	swait.ge [sflag:s22], s20  }
0x9f: {  	s3 =	ssub.s32 $0x0, s20;
	[sflag:s22] =	ssyncset.done $0x0  }
0xa0: {  	[sflag:s22] =	ssyncadd.s32 s3;
	_ =	sdelay $0x1  }
0xa1: {  	s23 =	simm.s32 $0x1B8B  }
0xa2: {  	_ =	swait.ge [sflag:s23], $0x1  }
0xa3: {  	[sflag:s23] =	ssyncset.done $0x0  }
0xa4: {  	s25 =	simm.s32 $0x1B8E;
	s24 =	sld [smem:$0x3FFE];
	[sflag:s23] =	ssyncadd.s32 $0xFFFFFFFF  }
0xa5: {  	s26 =	simm.s32 $execute0_lowered;
	[smem:$0x3FD2] =	sst s25  }
0xa6: {  	s4 =	sshll.u32 s26, $0x1;
	_ =	strace $0x80000049;
	[dreg:$0x1] =	wrdreg $0xFFFFFFFF  }
0xa7: {  	s28 =	simm.s32 $_size_execute0_lowered;
	s2 =	sadd.s32 s2, s4;
	[dreg:$0x0] =	wrdreg $0x0  }
0xa8: {  	s4 =	sshll.u32 s28, $0x1;
	[dreg:$0x2] =	wrdreg s2  }
0xa9: {  	[dreg:$0x3] =	wrdreg s4  }
0xaa: {  	[dreg:$0x4] =	wrdreg $0xC0  }
0xab: {  	_ =	task [dreg:s6], $0x5FFFF  }
0xac: {  	[dreg:$0x1] =	wrdreg $0xFFFFFFFF  }
0xad: {  	[dreg:$0x0] =	wrdreg $0x60  }
0xae: {  	[dreg:$0x2] =	wrdreg s24  }
0xaf: {  	[dreg:$0x3] =	wrdreg $0x64000  }
0xb0: {  	[dreg:$0x4] =	wrdreg $0x9  }
0xb1: {  	_ =	task.clear_ibuf [dreg:s6], $0x5FFFF;
	_ =	strace $0x90000049  }
0xb2: {  	s29 =	simm.s32 $0x9;
	_ =	strace $0x8000004B  }
0xb3: {  	_ =	swait.ge [sflag:s29], $0x1  }
0xb4: {  	[sflag:s29] =	ssyncadd.s32 $0xFFFFFFFF  }
0xb5: {  	_ =	strace $0x9000004B  }
0xb6: {  	_ =	sfence  }
0xb7: {  	s30 =	sld [smem:$0x0];
	_ =	sdelay $0x2  }
0xb8: {  	s31 =	sshll.u32 s1, $0xD;
	s1 =	sshrl.u32 s1, $0x2  }
0xb9: {  	s3 =	sand.u32 $0x4000, s31;
	s1 =	sadd.s32 s1, s30  }
0xba: {  	s0 =	sor.u32 s3, s0;
	s1 =	sshll.u32 s1, $0x11  }
0xbb: {  	s0 =	sor.u32 s1, s0  }
0xbc: {  	s0 =	sadd.s32 $0x8F2B, s0  }
0xbd: {  	[sflag:s0] =	ssyncadd.remote.s32 $0x1  }
0xbe: {  	_ =	sfence.sel $0xFFFF  }
0xbf: {  	[dreg:$0x0] =	wrdreg $0xFFFFFFFF;
	(pc) =	sbr.abs _section_cstart, $3  }
0xc0: {  	[dreg:$0x1] =	wrdreg $0xFFFFFFFF  }
0xc1: {  	_ =	task.clear_ibuf [dreg:s6], $0x2FFFF;
	_ =	strace $0x9FFFFFFF  }
0xc2: {  	(tm) =	ssettm $0x7FFFFFFF  }
0xc3: {  	_ =	shalt  }
tec
execute0_lowered:
.L_overlay_start_1:
0x0: {  	(tag) =	ssettag $0x1  }
0x1: {  	s0 =	rddreg [dreg:$0x0]  }
0x2: {  	s1 =	rddreg [dreg:$0x1];
	s2 =	srdreg.scid;
	s3 =	simm.s32 $0x0  }
0x3: {  	s10 =	stileid.u32;
	s28 =	simm.s32 $0x100;
	s29 =	simm.s32 $0x200  }
0x4: {  	s30 =	simm.s32 $0x300;
	s31 =	simm.s32 $0x1;
	s7 =	smul.u32 $0x14000, s10  }
0x5: {  	s2 =	sand.u32 $0x1, s2;
	[smem:$0x7FF] =	sst s3;
	s20 =	smul.u32 $0x50000, s10  }
0x6: {  	s8 =	sadd.s32 $0x45600, s0;
	s9 =	sshll.u32 s10, $0x7;
	s23 =	smul.u32 $0xD4, s10  }
0x7: {  	s4 =	sshll.u32 s2, $0x4;
	_ =	strace $0x8000004A;
	s5 =	smul.u32 $0x140000, s2  }
0x8: {  	[dreg:$0x6] =	wrdreg s8;
	s19 =	sand.u32 $0x380, s9;
	s6 =	sor.u32 s10, s4  }
0x9: {  	s21 =	ssub.s32 $0x2, s2;
	s26 =	smul.u32 $0xA8, s2;
	s6 =	sshrl.u32 s6, $0x3  }
0xa: {  	p0 =	seq.s32 s2, $0x0;
	s2 =	simm.s32 $0xA8;
	s18 =	smul.u32 $0x13C00, s6  }
0xb: {  	s4 =	sadd.s32 $0x1DE00, s0;
	s22 =	sshrl.u32 s21, $0x1;
	s8 =	sshrl.u32 s20, $0x2  }
0xc: {  	s2 =	simm.s32 @!p0 $0x2C;
	s5 =	sadd.s32 s7, s5;
	s7 =	sor.u32 s19, s18  }
0xd: {  	s9 =	ssub.s32 s21, s22;
	s5 =	sshrl.u32 s5, $0x3;
	s7 =	sshrl.u32 s7, $0x3  }
0xe: {  	s6 =	sadd.s32 $0x3600, s0;
	s5 =	sadd.s32 s5, s0;
	s0 =	sadd.s32 s7, s0  }
0xf: {  	s7 =	sadd.s32 s8, s1;
	s8 =	sadd.s32 s26, s23;
	s23 =	sadd.s32 $0x4FA00, s5  }
0x10: {  	s26 =	simm.s32 $0x380;
	s5 =	simm.s32 $0x3400;
	s24 =	sadd.s32 $0x3000, s7  }
0x11: {  	s25 =	sadd.s32 $0x6000, s7;
	s11 =	sadd.s32 $0x9000, s7;
	[dreg:$0x12] =	wrdreg s23  }
0x12: {  	s12 =	sadd.s32 $0xC000, s7;
	s13 =	sadd.s32 $0xF000, s7;
	[dreg:$0x5] =	wrdreg s26  }
0x13: {  	s14 =	sadd.s32 s8, s2;
	s15 =	sshll.u32 s8, $0x5;
	[dreg:$0x7] =	wrdreg s24  }
0x14: {  	s17 =	sor.u32 $0x1, s8;
	s18 =	sor.u32 $0x2, s8;
	[dreg:$0x8] =	wrdreg s25  }
0x15: {  	s19 =	sor.u32 $0x3, s8;
	s2 =	sshrl.u32 s2, $0x2;
	[dreg:$0x9] =	wrdreg s11  }
0x16: {  	s0 =	sadd.s32 $0x45C00, s0;
	s26 =	simm.s32 $0x1A400;
	[dreg:$0xa] =	wrdreg s12  }
0x17: {  	[dreg:$0xb] =	wrdreg s13;
	s12 =	sadd.s32 $0x12000, s7;
	s20 =	sadd.s32 $0xFFFFFFFF, s14  }
0x18: {  	s16 =	sadd.s32 s6, s15;
	[dreg:$0x11] =	wrdreg s2;
	s24 =	simm.s32 $0x180  }
0x19: {  	[dreg:$0x13] =	wrdreg s0;
	s25 =	simm.s32 $0x280;
	s0 =	simm.s32 $0x60  }
0x1a: {  	s2 =	simm.s32 $0x2;
	s13 =	simm.s32 $0x3;
	[dreg:$0xc] =	wrdreg s12  }
0x1b: {  	s15 =	simm.s32 $0x8;
	[dreg:$0xd] =	wrdreg s16;
	s10 =	smin.u32 s17, s20  }
0x1c: {  	s11 =	smin.u32 s18, s20;
	s12 =	smin.u32 s19, s20;
	[dreg:$0x3] =	wrdreg s24  }
0x1d: {  	[dreg:$0x4] =	wrdreg s25;
	s18 =	sadd.s32 $0x7, s8;
	s24 =	simm.s32 $0x400  }
0x1e: {  	s25 =	simm.s32 $0x9;
	s8 =	simm.s32 $0x5;
	s10 =	sshll.u32 s10, $0x5  }
0x1f: {  	s16 =	simm.s32 $0x4;
	s11 =	sshll.u32 s11, $0x5;
	s10 =	sadd.s32 s6, s10  }
0x20: {  	s12 =	sshll.u32 s12, $0x5;
	s21 =	sadd.s32 s6, s11;
	[dreg:$0xe] =	wrdreg s10  }
0x21: {  	s17 =	simm.s32 $0x0;
	s22 =	sadd.s32 s6, s12;
	[dreg:$0xf] =	wrdreg s21  }
0x22: {  	s11 =	simm.s32 $0x6;
	s12 =	simm.s32 $0x7;
	[dreg:$0x10] =	wrdreg s22  }
0x23: {  	v0 =	vimm.f32 $0.0e+00;
	s22 =	smax.u32 s9, $0x1;
	s9 =	simm.s32 $0x80;
	s10 =	simm.s32 $0x1CB80  }
.LBB2_1:
0x24: {  	s19 =	simm.s32 $0x0;
	s23 =	simm.s32 $0x200  }
.LBB2_2:
0x25: {  	p0 =	sne.s32 s23, $0xBE00;
	[tilespmem:s19+$0x470] =	vst v0  }
0x26: {  	[tilespmem:s19+$0x400] =	vst v0  }
0x27: {  	[tilespmem:s19+$0x410] =	vst v0  }
.Ltmp0:
0x28: {  	[tilespmem:s19+$0x420] =	vst v0;
	(pc) =	sbr.rel @p0 .LBB2_2-.Ltmp0, $4  }
0x29: {  	[tilespmem:s19+$0x430] =	vst v0  }
0x2a: {  	[tilespmem:s19+$0x440] =	vst v0  }
0x2b: {  	[tilespmem:s19+$0x450] =	vst v0  }
0x2c: {  	[tilespmem:s19+$0x460] =	vst v0;
	s19 =	sshra.s32 s23, $0x2;
	s23 =	sadd.s32 $0x200, s23  }
0x2d: {  	[tilespmem:s19+$0x470] =	vst v0  }
0x2e: {  	[tilespmem:s19+$0x400] =	vst v0  }
0x2f: {  	[tilespmem:s19+$0x410] =	vst v0  }
0x30: {  	[tilespmem:s19+$0x420] =	vst v0  }
0x31: {  	[tilespmem:s19+$0x430] =	vst v0  }
0x32: {  	[tilespmem:s19+$0x440] =	vst v0  }
0x33: {  	[tilespmem:s19+$0x450] =	vst v0  }
0x34: {  	[tilespmem:s19+$0x460] =	vst v0  }
0x35: {  	[spmem:s7] =	stream.linear.scatter [tilespmem:s24], [sflag:$0x9], $0x3000, $0x38;
	[tilespmem:$0x1F300] =	vst v63  }
0x36: {  	_ =	swait.ge [sflag:s25], $0x3000  }
0x37: {  	[sflag:s25] =	ssyncset.done $0x0  }
0x38: {  	s14 =	rddreg [dreg:$0x7];
	[sflag:s25] =	ssyncadd.s32 $0xFFFFD000  }
0x39: {  	[spmem:s14] =	stream.linear.scatter [tilespmem:s24], [sflag:$0x9], $0x3000, $0x38;
	[tilespmem:$0x1F300] =	vst v63  }
0x3a: {  	_ =	swait.ge [sflag:s25], $0x3000  }
0x3b: {  	[sflag:s25] =	ssyncset.done $0x0  }
0x3c: {  	s21 =	rddreg [dreg:$0x8];
	[sflag:s25] =	ssyncadd.s32 $0xFFFFD000  }
0x3d: {  	[spmem:s21] =	stream.linear.scatter [tilespmem:s24], [sflag:$0x9], $0x3000, $0x38;
	[tilespmem:$0x1F300] =	vst v63  }
0x3e: {  	_ =	swait.ge [sflag:s25], $0x3000  }
0x3f: {  	[sflag:s25] =	ssyncset.done $0x0  }
0x40: {  	s23 =	rddreg [dreg:$0x9];
	[sflag:s25] =	ssyncadd.s32 $0xFFFFD000  }
0x41: {  	[spmem:s23] =	stream.linear.scatter [tilespmem:s24], [sflag:$0x9], $0x3000, $0x38;
	[tilespmem:$0x1F300] =	vst v63  }
0x42: {  	_ =	swait.ge [sflag:s25], $0x3000  }
0x43: {  	[sflag:s25] =	ssyncset.done $0x0  }
0x44: {  	s19 =	rddreg [dreg:$0xa];
	[sflag:s25] =	ssyncadd.s32 $0xFFFFD000  }
0x45: {  	[spmem:s19] =	stream.linear.scatter [tilespmem:s24], [sflag:$0x9], $0x3000, $0x38;
	[tilespmem:$0x1F300] =	vst v63  }
0x46: {  	_ =	swait.ge [sflag:s25], $0x3000  }
0x47: {  	[sflag:s25] =	ssyncset.done $0x0  }
0x48: {  	s21 =	rddreg [dreg:$0xb];
	[sflag:s25] =	ssyncadd.s32 $0xFFFFD000  }
0x49: {  	[spmem:s21] =	stream.linear.scatter [tilespmem:s24], [sflag:$0x9], $0x3000, $0x38;
	[tilespmem:$0x1F300] =	vst v63  }
0x4a: {  	_ =	swait.ge [sflag:s25], $0x3000  }
0x4b: {  	[sflag:s25] =	ssyncset.done $0x0  }
0x4c: {  	s23 =	rddreg [dreg:$0xc];
	[sflag:s25] =	ssyncadd.s32 $0xFFFFD000  }
0x4d: {  	[spmem:s23] =	stream.linear.scatter [tilespmem:s24], [sflag:$0x9], $0x2000, $0x38;
	[tilespmem:$0x1F300] =	vst v63  }
0x4e: {  	_ =	swait.ge [sflag:s25], $0x2000  }
0x4f: {  	[sflag:s25] =	ssyncset.done $0x0  }
0x50: {  	s19 =	simm.s32 $0x40;
	s23 =	simm.s32 $0x0;
	[sflag:s25] =	ssyncadd.s32 $0xFFFFE000  }
.LBB2_4:
0x51: {  	p0 =	sne.s32 s19, $0x9DC0;
	[tilespmem:s23+$0x1CB80] =	vst v0;
	s23 =	smov.u32 s19;
	s19 =	sadd.s32 $0x40, s19  }
.Ltmp1:
0x52: {  	(pc) =	sbr.rel @p0 .LBB2_4-.Ltmp1, $2  }
0x53: {  	_ =	sdelay $0x2  }
0x54: {  	s23 =	sshra.s32 s23, $0x2  }
0x55: {  	[tilespmem:s23+$0x1CB80] =	vst v0;
	s14 =	rddreg [dreg:$0x6]  }
0x56: {  	[tilespmem:s26], [sflag:$0x9] =	stream.linear.gather [hbm4b:s14+s3], $0x2780, $0x38;
	[tilespmem:$0x1F300] =	vst v63  }
0x57: {  	_ =	swait.ge [sflag:s25], $0x2780  }
0x58: {  	[sflag:s25] =	ssyncset.done $0x0  }
0x59: {  	[sflag:s25] =	ssyncadd.s32 $0xFFFFD880  }
0x5a: {  	[bflag:$0x0] =	sbarrier.arrive $0xFFFF  }
0x5b: {  	s23 =	rddreg [dreg:$0xd]  }
0x5c: {  	[tilespmem:s3], [sflag:$0x1] =	stream.linear.gather [hbm4b:s23+s3], $0x100, $0x38;
	[tilespmem:$0x1F300] =	vst v63  }
0x5d: {  	s19 =	rddreg [dreg:$0xe]  }
0x5e: {  	[tilespmem:s28], [sflag:$0x2] =	stream.linear.gather [hbm4b:s19+s3], $0x100, $0x38;
	[tilespmem:$0x1F300] =	vst v63  }
0x5f: {  	s21 =	rddreg [dreg:$0xf]  }
0x60: {  	[tilespmem:s29], [sflag:$0x3] =	stream.linear.gather [hbm4b:s21+s3], $0x100, $0x38;
	[tilespmem:$0x1F300] =	vst v63  }
0x61: {  	s23 =	rddreg [dreg:$0x10]  }
0x62: {  	[tilespmem:s30], [sflag:$0x4] =	stream.linear.gather [hbm4b:s23+s3], $0x100, $0x38;
	[tilespmem:$0x1F300] =	vst v63  }
0x63: {  	_ =	swait.ge [sflag:s31], $0x100  }
0x64: {  	[sflag:s31] =	ssyncset.done $0x0  }
0x65: {  	[sflag:s31] =	ssyncadd.s32 $0xFFFFFF00  }
0x66: {  	[tilespmem:s24], [sflag:$0x5] =	stream.indirect.gather [hbm4b:s4+s0], $0x80, s3, s0, $0xb8;
	[tilespmem:$0x1F300] =	vst v63  }
0x67: {  	_ =	swait.ge [sflag:s2], $0x100  }
0x68: {  	[sflag:s2] =	ssyncset.done $0x0  }
0x69: {  	s23 =	smov.u32 s18;
	s19 =	rddreg [dreg:$0x11];
	[sflag:s2] =	ssyncadd.s32 $0xFFFFFF00  }
0x6a: {  	[tilespmem:s5], [sflag:$0x6] =	stream.indirect.gather [hbm4b:s4+s0], $0x80, s28, s0, $0xb8;
	[tilespmem:$0x1F300] =	vst v63  }
.LBB2_6:
0x6b: {  	_ =	swait.ge [sflag:s8], $0x3000  }
0x6c: {  	[sflag:s8] =	ssyncset.done $0x0  }
0x6d: {  	[sflag:s8] =	ssyncadd.s32 $0xFFFFD000  }
0x6e: {  	[spmem:s1] =	stream.indirect.scatter.add.f32 [tilespmem:s24], [sflag:$0x7], $0x80, s9, s0, $0xb8;
	[tilespmem:$0x1F300] =	vst v63  }
0x6f: {  	v1 =	vld [tilespmem:$0x80];
	_ =	sdelay $0x4  }
0x70: {  	v2 =	vld [tilespmem:$0x0];
	_ =	sdelay $0x2  }
0x71: {  	v1 =	vld.idx.msk [tilespmem:v1+s26+$0x0], $0xffff;
	_ =	sdelay $0x4  }
0x72: {  	[tilespmem:v2+s10+$0x0] =	vst.idx.add.f32.msk $0xffff, v1  }
0x73: {  	v1 =	vld [tilespmem:$0x90];
	_ =	sdelay $0x4  }
0x74: {  	v2 =	vld [tilespmem:$0x10];
	_ =	sdelay $0x2  }
0x75: {  	v1 =	vld.idx.msk [tilespmem:v1+s26+$0x0], $0xffff;
	_ =	sdelay $0x4  }
0x76: {  	[tilespmem:v2+s10+$0x0] =	vst.idx.add.f32.msk $0xffff, v1  }
0x77: {  	v1 =	vld [tilespmem:$0xA0];
	_ =	sdelay $0x4  }
0x78: {  	v2 =	vld [tilespmem:$0x20];
	_ =	sdelay $0x2  }
0x79: {  	v1 =	vld.idx.msk [tilespmem:v1+s26+$0x0], $0xffff;
	_ =	sdelay $0x4  }
0x7a: {  	[tilespmem:v2+s10+$0x0] =	vst.idx.add.f32.msk $0xffff, v1  }
0x7b: {  	v1 =	vld [tilespmem:$0xB0];
	_ =	sdelay $0x4  }
0x7c: {  	v2 =	vld [tilespmem:$0x30];
	_ =	sdelay $0x2  }
0x7d: {  	v1 =	vld.idx.msk [tilespmem:v1+s26+$0x0], $0xffff;
	_ =	sdelay $0x4  }
0x7e: {  	[tilespmem:v2+s10+$0x0] =	vst.idx.add.f32.msk $0xffff, v1  }
0x7f: {  	v1 =	vld [tilespmem:$0xC0];
	_ =	sdelay $0x4  }
0x80: {  	v2 =	vld [tilespmem:$0x40];
	_ =	sdelay $0x2  }
0x81: {  	v1 =	vld.idx.msk [tilespmem:v1+s26+$0x0], $0xffff;
	_ =	sdelay $0x4  }
0x82: {  	[tilespmem:v2+s10+$0x0] =	vst.idx.add.f32.msk $0xffff, v1  }
0x83: {  	v1 =	vld [tilespmem:$0xD0];
	_ =	sdelay $0x4  }
0x84: {  	v2 =	vld [tilespmem:$0x50];
	_ =	sdelay $0x2  }
0x85: {  	v1 =	vld.idx.msk [tilespmem:v1+s26+$0x0], $0xffff;
	_ =	sdelay $0x4  }
0x86: {  	[tilespmem:v2+s10+$0x0] =	vst.idx.add.f32.msk $0xffff, v1  }
0x87: {  	_ =	swait.ge [sflag:s11], $0x3000  }
0x88: {  	[sflag:s11] =	ssyncset.done $0x0  }
0x89: {  	s21 =	rddreg [dreg:$0x3];
	[sflag:s11] =	ssyncadd.s32 $0xFFFFD000  }
0x8a: {  	[spmem:s1] =	stream.indirect.scatter.add.f32 [tilespmem:s5], [sflag:$0x8], $0x80, s21, s0, $0xb8;
	[tilespmem:$0x1F300] =	vst v63  }
0x8b: {  	v1 =	vld [tilespmem:$0x180];
	_ =	sdelay $0x4  }
0x8c: {  	v2 =	vld [tilespmem:$0x100];
	_ =	sdelay $0x2  }
0x8d: {  	v1 =	vld.idx.msk [tilespmem:v1+s26+$0x0], $0xffff;
	_ =	sdelay $0x4  }
0x8e: {  	[tilespmem:v2+s10+$0x0] =	vst.idx.add.f32.msk $0xffff, v1  }
0x8f: {  	v1 =	vld [tilespmem:$0x190];
	_ =	sdelay $0x4  }
0x90: {  	v2 =	vld [tilespmem:$0x110];
	_ =	sdelay $0x2  }
0x91: {  	v1 =	vld.idx.msk [tilespmem:v1+s26+$0x0], $0xffff;
	_ =	sdelay $0x4  }
0x92: {  	[tilespmem:v2+s10+$0x0] =	vst.idx.add.f32.msk $0xffff, v1  }
0x93: {  	v1 =	vld [tilespmem:$0x1A0];
	_ =	sdelay $0x4  }
0x94: {  	v2 =	vld [tilespmem:$0x120];
	_ =	sdelay $0x2  }
0x95: {  	v1 =	vld.idx.msk [tilespmem:v1+s26+$0x0], $0xffff;
	_ =	sdelay $0x4  }
0x96: {  	[tilespmem:v2+s10+$0x0] =	vst.idx.add.f32.msk $0xffff, v1  }
0x97: {  	v1 =	vld [tilespmem:$0x1B0];
	_ =	sdelay $0x4  }
0x98: {  	v2 =	vld [tilespmem:$0x130];
	_ =	sdelay $0x2  }
0x99: {  	v1 =	vld.idx.msk [tilespmem:v1+s26+$0x0], $0xffff;
	_ =	sdelay $0x4  }
0x9a: {  	[tilespmem:v2+s10+$0x0] =	vst.idx.add.f32.msk $0xffff, v1  }
0x9b: {  	v1 =	vld [tilespmem:$0x1C0];
	_ =	sdelay $0x4  }
0x9c: {  	v2 =	vld [tilespmem:$0x140];
	_ =	sdelay $0x2  }
0x9d: {  	v1 =	vld.idx.msk [tilespmem:v1+s26+$0x0], $0xffff;
	_ =	sdelay $0x4  }
0x9e: {  	[tilespmem:v2+s10+$0x0] =	vst.idx.add.f32.msk $0xffff, v1  }
0x9f: {  	v1 =	vld [tilespmem:$0x1D0];
	_ =	sdelay $0x4  }
0xa0: {  	v2 =	vld [tilespmem:$0x150];
	_ =	sdelay $0x2  }
0xa1: {  	v1 =	vld.idx.msk [tilespmem:v1+s26+$0x0], $0xffff;
	_ =	sdelay $0x4  }
0xa2: {  	[tilespmem:v2+s10+$0x0] =	vst.idx.add.f32.msk $0xffff, v1  }
0xa3: {  	_ =	swait.ge [sflag:s12], $0x3000  }
0xa4: {  	s21 =	sadd.s32 $0xFFFFFFFD, s23;
	[sflag:s12] =	ssyncset.done $0x0  }
0xa5: {  	s14 =	smov.u32 s20;
	p0 =	slt.s32 s21, s20;
	[sflag:s12] =	ssyncadd.s32 $0xFFFFD000  }
0xa6: {  	s14 =	smov.u32 @p0 s21;
	_ =	swait.ge [sflag:s13], $0x100  }
0xa7: {  	s14 =	sshll.u32 s14, $0x5;
	[sflag:s13] =	ssyncset.done $0x0  }
0xa8: {  	s14 =	sand.u32 $0x1FFFFFE0, s14;
	[sflag:s13] =	ssyncadd.s32 $0xFFFFFF00  }
0xa9: {  	[tilespmem:s24], [sflag:$0x5] =	stream.indirect.gather [hbm4b:s4+s0], $0x80, s29, s0, $0xb8;
	[tilespmem:$0x1F300] =	vst v63  }
0xaa: {  	s14 =	sadd.s32 s6, s14  }
0xab: {  	[tilespmem:s3], [sflag:$0x1] =	stream.linear.gather [hbm4b:s14+s3], $0x100, $0x38;
	[tilespmem:$0x1F300] =	vst v63  }
0xac: {  	_ =	swait.ge [sflag:s15], $0x3000  }
0xad: {  	s14 =	sadd.s32 $0xFFFFFFFE, s23;
	[sflag:s15] =	ssyncset.done $0x0  }
0xae: {  	s21 =	smov.u32 s20;
	p0 =	slt.s32 s14, s20;
	[sflag:s15] =	ssyncadd.s32 $0xFFFFD000  }
0xaf: {  	s21 =	smov.u32 @p0 s14;
	_ =	swait.ge [sflag:s16], $0x100  }
0xb0: {  	s14 =	sshll.u32 s21, $0x5;
	[sflag:s16] =	ssyncset.done $0x0  }
0xb1: {  	s14 =	sand.u32 $0x1FFFFFE0, s14;
	[sflag:s16] =	ssyncadd.s32 $0xFFFFFF00  }
0xb2: {  	[tilespmem:s5], [sflag:$0x6] =	stream.indirect.gather [hbm4b:s4+s0], $0x80, s30, s0, $0xb8;
	[tilespmem:$0x1F300] =	vst v63  }
0xb3: {  	s14 =	sadd.s32 s6, s14  }
0xb4: {  	[tilespmem:s28], [sflag:$0x2] =	stream.linear.gather [hbm4b:s14+s3], $0x100, $0x38;
	[tilespmem:$0x1F300] =	vst v63  }
0xb5: {  	_ =	swait.ge [sflag:s8], $0x3000  }
0xb6: {  	[sflag:s8] =	ssyncset.done $0x0  }
0xb7: {  	s21 =	rddreg [dreg:$0x4];
	[sflag:s8] =	ssyncadd.s32 $0xFFFFD000  }
0xb8: {  	[spmem:s1] =	stream.indirect.scatter.add.f32 [tilespmem:s24], [sflag:$0x7], $0x80, s21, s0, $0xb8;
	[tilespmem:$0x1F300] =	vst v63  }
0xb9: {  	v1 =	vld [tilespmem:$0x280];
	_ =	sdelay $0x4  }
0xba: {  	v2 =	vld [tilespmem:$0x200];
	_ =	sdelay $0x2  }
0xbb: {  	v1 =	vld.idx.msk [tilespmem:v1+s26+$0x0], $0xffff;
	_ =	sdelay $0x4  }
0xbc: {  	[tilespmem:v2+s10+$0x0] =	vst.idx.add.f32.msk $0xffff, v1  }
0xbd: {  	v1 =	vld [tilespmem:$0x290];
	_ =	sdelay $0x4  }
0xbe: {  	v2 =	vld [tilespmem:$0x210];
	_ =	sdelay $0x2  }
0xbf: {  	v1 =	vld.idx.msk [tilespmem:v1+s26+$0x0], $0xffff;
	_ =	sdelay $0x4  }
0xc0: {  	[tilespmem:v2+s10+$0x0] =	vst.idx.add.f32.msk $0xffff, v1  }
0xc1: {  	v1 =	vld [tilespmem:$0x2A0];
	_ =	sdelay $0x4  }
0xc2: {  	v2 =	vld [tilespmem:$0x220];
	_ =	sdelay $0x2  }
0xc3: {  	v1 =	vld.idx.msk [tilespmem:v1+s26+$0x0], $0xffff;
	_ =	sdelay $0x4  }
0xc4: {  	[tilespmem:v2+s10+$0x0] =	vst.idx.add.f32.msk $0xffff, v1  }
0xc5: {  	v1 =	vld [tilespmem:$0x2B0];
	_ =	sdelay $0x4  }
0xc6: {  	v2 =	vld [tilespmem:$0x230];
	_ =	sdelay $0x2  }
0xc7: {  	v1 =	vld.idx.msk [tilespmem:v1+s26+$0x0], $0xffff;
	_ =	sdelay $0x4  }
0xc8: {  	[tilespmem:v2+s10+$0x0] =	vst.idx.add.f32.msk $0xffff, v1  }
0xc9: {  	v1 =	vld [tilespmem:$0x2C0];
	_ =	sdelay $0x4  }
0xca: {  	v2 =	vld [tilespmem:$0x240];
	_ =	sdelay $0x2  }
0xcb: {  	v1 =	vld.idx.msk [tilespmem:v1+s26+$0x0], $0xffff;
	_ =	sdelay $0x4  }
0xcc: {  	[tilespmem:v2+s10+$0x0] =	vst.idx.add.f32.msk $0xffff, v1  }
0xcd: {  	v1 =	vld [tilespmem:$0x2D0];
	_ =	sdelay $0x4  }
0xce: {  	v2 =	vld [tilespmem:$0x250];
	_ =	sdelay $0x2  }
0xcf: {  	v1 =	vld.idx.msk [tilespmem:v1+s26+$0x0], $0xffff;
	_ =	sdelay $0x4  }
0xd0: {  	[tilespmem:v2+s10+$0x0] =	vst.idx.add.f32.msk $0xffff, v1  }
0xd1: {  	_ =	swait.ge [sflag:s11], $0x3000  }
0xd2: {  	[sflag:s11] =	ssyncset.done $0x0  }
0xd3: {  	s21 =	rddreg [dreg:$0x5];
	[sflag:s11] =	ssyncadd.s32 $0xFFFFD000  }
0xd4: {  	[spmem:s1] =	stream.indirect.scatter.add.f32 [tilespmem:s5], [sflag:$0x8], $0x80, s21, s0, $0xb8;
	[tilespmem:$0x1F300] =	vst v63  }
0xd5: {  	v1 =	vld [tilespmem:$0x380];
	_ =	sdelay $0x4  }
0xd6: {  	v2 =	vld [tilespmem:$0x300];
	_ =	sdelay $0x2  }
0xd7: {  	v1 =	vld.idx.msk [tilespmem:v1+s26+$0x0], $0xffff;
	_ =	sdelay $0x4  }
0xd8: {  	[tilespmem:v2+s10+$0x0] =	vst.idx.add.f32.msk $0xffff, v1  }
0xd9: {  	v1 =	vld [tilespmem:$0x390];
	_ =	sdelay $0x4  }
0xda: {  	v2 =	vld [tilespmem:$0x310];
	_ =	sdelay $0x2  }
0xdb: {  	v1 =	vld.idx.msk [tilespmem:v1+s26+$0x0], $0xffff;
	_ =	sdelay $0x4  }
0xdc: {  	[tilespmem:v2+s10+$0x0] =	vst.idx.add.f32.msk $0xffff, v1  }
0xdd: {  	v1 =	vld [tilespmem:$0x3A0];
	_ =	sdelay $0x4  }
0xde: {  	v2 =	vld [tilespmem:$0x320];
	_ =	sdelay $0x2  }
0xdf: {  	v1 =	vld.idx.msk [tilespmem:v1+s26+$0x0], $0xffff;
	_ =	sdelay $0x4  }
0xe0: {  	[tilespmem:v2+s10+$0x0] =	vst.idx.add.f32.msk $0xffff, v1  }
0xe1: {  	v1 =	vld [tilespmem:$0x3B0];
	_ =	sdelay $0x4  }
0xe2: {  	v2 =	vld [tilespmem:$0x330];
	_ =	sdelay $0x2  }
0xe3: {  	v1 =	vld.idx.msk [tilespmem:v1+s26+$0x0], $0xffff;
	_ =	sdelay $0x4  }
0xe4: {  	[tilespmem:v2+s10+$0x0] =	vst.idx.add.f32.msk $0xffff, v1  }
0xe5: {  	v1 =	vld [tilespmem:$0x3C0];
	_ =	sdelay $0x4  }
0xe6: {  	v2 =	vld [tilespmem:$0x340];
	_ =	sdelay $0x2  }
0xe7: {  	v1 =	vld.idx.msk [tilespmem:v1+s26+$0x0], $0xffff;
	_ =	sdelay $0x4  }
0xe8: {  	[tilespmem:v2+s10+$0x0] =	vst.idx.add.f32.msk $0xffff, v1  }
0xe9: {  	v1 =	vld [tilespmem:$0x3D0];
	_ =	sdelay $0x4  }
0xea: {  	v2 =	vld [tilespmem:$0x350];
	_ =	sdelay $0x2  }
0xeb: {  	v1 =	vld.idx.msk [tilespmem:v1+s26+$0x0], $0xffff;
	_ =	sdelay $0x4  }
0xec: {  	[tilespmem:v2+s10+$0x0] =	vst.idx.add.f32.msk $0xffff, v1  }
0xed: {  	_ =	swait.ge [sflag:s12], $0x3000  }
0xee: {  	s14 =	sadd.s32 $0xFFFFFFFF, s23;
	[sflag:s12] =	ssyncset.done $0x0  }
0xef: {  	p0 =	slt.s32 s14, s20;
	s21 =	smov.u32 s20;
	[sflag:s12] =	ssyncadd.s32 $0xFFFFD000  }
0xf0: {  	s21 =	smov.u32 @p0 s14;
	_ =	swait.ge [sflag:s31], $0x100  }
0xf1: {  	s14 =	sshll.u32 s21, $0x5;
	[sflag:s31] =	ssyncset.done $0x0  }
0xf2: {  	s14 =	sand.u32 $0x1FFFFFE0, s14;
	[sflag:s31] =	ssyncadd.s32 $0xFFFFFF00  }
0xf3: {  	[tilespmem:s24], [sflag:$0x5] =	stream.indirect.gather [hbm4b:s4+s0], $0x80, s3, s0, $0xb8;
	[tilespmem:$0x1F300] =	vst v63  }
0xf4: {  	s14 =	sadd.s32 s6, s14  }
0xf5: {  	[tilespmem:s29], [sflag:$0x3] =	stream.linear.gather [hbm4b:s14+s3], $0x100, $0x38;
	[tilespmem:$0x1F300] =	vst v63  }
0xf6: {  	_ =	swait.ge [sflag:s15], $0x3000  }
0xf7: {  	[sflag:s15] =	ssyncset.done $0x0  }
0xf8: {  	p0 =	slt.s32 s23, s20;
	s14 =	smov.u32 s20;
	[sflag:s15] =	ssyncadd.s32 $0xFFFFD000  }
0xf9: {  	s14 =	smov.u32 @p0 s23;
	p0 =	sne.s32 s19, $0x1;
	_ =	swait.ge [sflag:s2], $0x100  }
.Ltmp2:
0xfa: {  	s14 =	sshll.u32 s14, $0x5;
	[sflag:s2] =	ssyncset.done $0x0;
	(pc) =	sbr.rel @p0 .LBB2_6-.Ltmp2, $4  }
0xfb: {  	s14 =	sand.u32 $0x1FFFFFE0, s14;
	[sflag:s2] =	ssyncadd.s32 $0xFFFFFF00  }
0xfc: {  	[tilespmem:s5], [sflag:$0x6] =	stream.indirect.gather [hbm4b:s4+s0], $0x80, s28, s0, $0xb8;
	[tilespmem:$0x1F300] =	vst v63  }
0xfd: {  	s23 =	sadd.s32 $0x4, s23;
	s19 =	sadd.s32 $0xFFFFFFFF, s19;
	s14 =	sadd.s32 s6, s14  }
0xfe: {  	[tilespmem:s30], [sflag:$0x4] =	stream.linear.gather [hbm4b:s14+s3], $0x100, $0x38;
	[tilespmem:$0x1F300] =	vst v63  }
0xff: {  	_ =	swait.ge [sflag:s8], $0x3000  }
0x100: {  	[sflag:s8] =	ssyncset.done $0x0  }
0x101: {  	[sflag:s8] =	ssyncadd.s32 $0xFFFFD000  }
0x102: {  	_ =	swait.ge [sflag:s11], $0x3000  }
0x103: {  	[sflag:s11] =	ssyncset.done $0x0  }
0x104: {  	[sflag:s11] =	ssyncadd.s32 $0xFFFFD000  }
0x105: {  	_ =	swait.ge [sflag:s13], $0x100  }
0x106: {  	[sflag:s13] =	ssyncset.done $0x0  }
0x107: {  	[sflag:s13] =	ssyncadd.s32 $0xFFFFFF00  }
0x108: {  	_ =	swait.ge [sflag:s16], $0x100  }
0x109: {  	[sflag:s16] =	ssyncset.done $0x0  }
0x10a: {  	s14 =	stileid.u32;
	[sflag:s16] =	ssyncadd.s32 $0xFFFFFF00  }
0x10b: {  	s14 =	sshll.u32 s14, $0x6;
	[bflag:$0x0] =	sbarrier.arrive $0xFFFF  }
0x10c: {  	s19 =	sshrl.u32 s7, $0x3;
	s14 =	sor.u32 $0x1C09, s14;
	s21 =	rddreg [dreg:$0x12]  }
0x10d: {  	[hbm:s21], [sflag:s14] =	dma.local [spmem:s19], $0x2800  }
0x10e: {  	s17 =	sadd.s32 $0x1, s17;
	_ =	swait.ge [sflag:s25], $0x2800  }
0x10f: {  	p0 =	sne.s32 s17, s22;
	[sflag:s25] =	ssyncset.done $0x0  }
.Ltmp3:
0x110: {  	s23 =	rddreg [dreg:$0x13];
	[sflag:s25] =	ssyncadd.s32 $0xFFFFD800;
	(pc) =	sbr.rel @p0 .LBB2_1-.Ltmp3, $4  }
0x111: {  	[hbm4b:s23+s9] =	stream.strided.scatter [tilespmem:s10], [sflag:$0x9], $0x2780, s24, s9, $0x38;
	[tilespmem:$0x1F300] =	vst v63  }
0x112: {  	_ =	swait.ge [sflag:s25], $0x2780  }
0x113: {  	[sflag:s25] =	ssyncset.done $0x0  }
0x114: {  	[sflag:s25] =	ssyncadd.s32 $0xFFFFD880  }
0x115: {  	_ =	sfence.sel $0x180000  }
0x116: {  	[bflag:$0x0] =	sbarrier.arrive $0xFFFF  }
0x117: {  	_ =	strace $0x9000004A  }
0x118: {  	s0 =	stileid.u32;
	[bflag:$0x2] =	sbarrier.arrive $0xFFFF  }
0x119: {  	p0 =	sne.s32 s0, $0x0;
	s0 =	rddreg [dreg:$0x2]  }
0x11a: {  	s0 =	sadd.s32 @!p0 $0x100000, s0  }
0x11b: {  	[sflag:s0] =	ssyncadd.tile.s32 @!p0 $0x1;
	_ =	shalt  }
.Lfunc_end2:
_tile_overlayer_lowered:
.L_overlay_start_2:
0x11c: {  	(tag) =	ssettag $0x2  }
0x11d: {  	s0 =	rddreg [dreg:$0x0];
	s2 =	stileid.u32  }
0x11e: {  	s1 =	rddreg [dreg:$0x1];
	p0 =	sne.s32 s2, $0x0  }
0x11f: {  	s3 =	rddreg [dreg:$0x2];
	[bflag:$0x3] =	sbarrier.arrive $0xFFFF;
	s2 =	simm.s32 @!p0 $0x1C09  }
0x120: {  	[timem:s3], [sflag:s2] =	dma.local @!p0 [hbm:s0], s1  }
0x121: {  	s0 =	simm.s32 @!p0 $0x9  }
0x122: {  	_ =	swait.ge @!p0 [sflag:s0], s1  }
0x123: {  	s1 =	ssub.s32 @!p0 $0x0, s1;
	[sflag:s0] =	ssyncset.done @!p0 $0x0  }
0x124: {  	[sflag:s0] =	ssyncadd.s32 @!p0 s1  }
0x125: {  	[bflag:$0x3] =	sbarrier.arrive $0xFFFF  }
0x126: {  	_ =	shalt  }

// kernel: kernel.14.cloned.1.call-start
scs
__scs_entry_jumppad:
0x0: {  	(pc) =	sbr.rel $0x88, $3  }
0x1: {  	(tag) =	ssettag $0x0;
	lr =	simm.s32 $0x1  }
0x2: {  	[smem:$0x3F97] =	sst lr;
	_ =	strace $0xD0000000  }
0x3: {  	_ = 	snop  }
0x4: {  	_ = 	snop  }
0x5: {  	_ = 	snop  }
0x6: {  	_ = 	snop  }
0x7: {  	_ = 	snop  }
__scs_overlays_trampoline_lowered:
0x8: {  	[smem:$0x3FA6] =	sst s0  }
0x9: {  	[smem:$0x3FA7] =	sst s1  }
0xa: {  	[smem:$0x3FA8] =	sst s2  }
0xb: {  	[smem:$0x3FA9] =	sst s3  }
0xc: {  	[smem:$0x3FAA] =	sst s4  }
0xd: {  	[smem:$0x3FAB] =	sst s5  }
0xe: {  	[smem:$0x3FAC] =	sst s6  }
0xf: {  	[smem:$0x3FAD] =	sst s7  }
0x10: {  	[smem:$0x3FAE] =	sst s8  }
0x11: {  	[smem:$0x3FAF] =	sst s9;
	s0 =	simm.s32 @!p0 $0x0  }
0x12: {  	s1 =	sld [smem:$0x3F95];
	s0 =	simm.s32 @p0 $0x1  }
0x13: {  	[smem:$0x3FB0] =	sst s0;
	s0 =	simm.s32 @!p1 $0x0  }
0x14: {  	s2 =	sld [smem:$0x3F94];
	s0 =	simm.s32 @p1 $0x1  }
0x15: {  	[smem:$0x3FB1] =	sst s0;
	s0 =	simm.s32 @!p2 $0x0  }
0x16: {  	s3 =	sld [smem:$0x3FDB];
	s0 =	simm.s32 @p2 $0x1  }
0x17: {  	s4 =	simm.s32 $0x1BF5;
	[smem:$0x3FB3] =	sst s0  }
0x18: {  	s0 =	sld [smem:$0x3F96];
	_ =	swait.ge [sflag:s4], $0x0  }
0x19: {  	s7 =	sld [smem:$0x3F97]  }
0x1a: {  	s8 =	sadd.s32 $0xFFFFE003, lr  }
0x1b: {  	s9 =	sadd.s32 $0xFFFFFEF7, lr;
	s5 =	simm.s32 $0xFFFFFFFF;
	p2 =	slt.u32 s8, $0xFFFFF086  }
0x1c: {  	p1 =	slt.u32 s9, $0xF7A;
	s5 =	simm.s32 @!p2 $0x0  }
0x1d: {  	s5 =	simm.s32 @p1 $0x1;
	p0 =	seq.s32 s7, s2  }
0x1e: {  	s7 =	smul.u32 @!p0 $0xF7A, s2;
	p2 =	seq.s32 @!p0 s5, $0x0  }
0x1f: {  	s9 =	smul.u32 $0xF7A, s1;
	s8 =	simm.s32 @!p0 $0x1BF5;
	p2 =	por !p2, p0  }
0x20: {  	[sflag:s8] =	ssyncset.s32 @!p0 $0xFFFFF086;
	s6 =	sadd.s32 @!p0 s3, s7;
	s7 =	simm.s32 @!p0 $0x108  }
0x21: {  	s3 =	sadd.s32 s3, s9;
	s6 =	sadd.s32 @!p0 $0x88, s6;
	s7 =	simm.s32 @p2 $0x1082  }
0x22: {  	[simem:s7], [sflag:s8] =	dma.local @!p0 [hbm:s6], $0xF7A  }
0x23: {  	s9 =	sor.u32 $0xD0000000, s2;
	s6 =	simm.s32 $0x108;
	_ =	swait.ge @!p0 [sflag:s8], $0x0  }
0x24: {  	s3 =	sadd.s32 $0x88, s3;
	s6 =	simm.s32 @!p1 $0x1082;
	[sflag:s4] =	ssyncset.s32 $0xFFFFF086  }
0x25: {  	[simem:s6], [sflag:s4] =	dma.local [hbm:s3], $0xF7A  }
0x26: {  	[smem:$0x3F97] =	sst s1;
	(tag) =	ssettag s2;
	_ =	strace s9  }
0x27: {  	s1 =	sld [smem:$0x3FA7]  }
0x28: {  	s2 =	sld [smem:$0x3FA8]  }
0x29: {  	s4 =	sld [smem:$0x3FAA]  }
0x2a: {  	p0 =	seq.s32 s5, $0x0;
	s5 =	sld [smem:$0x3FAB]  }
0x2b: {  	s6 =	sld [smem:$0x3FAC]  }
0x2c: {  	s7 =	sld [smem:$0x3FAD]  }
0x2d: {  	s3 =	simm.s32 $0x108;
	s8 =	sld [smem:$0x3FAE]  }
0x2e: {  	s3 =	simm.s32 @!p0 $0x1082;
	s9 =	sld [smem:$0x3FAF]  }
0x2f: {  	lr =	sadd.s32 s0, s3;
	s0 =	sld [smem:$0x3FA6]  }
0x30: {  	s3 =	sld [smem:$0x3FA9]  }
0x31: {  	[smem:$0x3FB2] =	sst s10  }
0x32: {  	s10 =	sld [smem:$0x3FB0];
	_ =	sdelay $0x3  }
0x33: {  	p0 =	seq.s32 s10, $0x1;
	s10 =	sld [smem:$0x3FB2];
	_ =	sdelay $0x3  }
0x34: {  	[smem:$0x3FB2] =	sst s10  }
0x35: {  	s10 =	sld [smem:$0x3FB1];
	_ =	sdelay $0x3  }
0x36: {  	p1 =	seq.s32 s10, $0x1;
	s10 =	sld [smem:$0x3FB2];
	_ =	sdelay $0x3  }
0x37: {  	[smem:$0x3FB2] =	sst s10  }
0x38: {  	s10 =	sld [smem:$0x3FB3]  }
0x39: {  	_ = 	snop;
	(pc) =	sbr.ind lr, $3  }
0x3a: {  	_ = 	snop  }
0x3b: {  	_ = 	snop  }
0x3c: {  	p2 =	seq.s32 s10, $0x1;
	s10 =	sld [smem:$0x3FB2]  }
0x3d: {  	_ =	shalt  }
0x3e: {  	_ =	shalt  }
0x3f: {  	_ =	shalt  }
0x40: {  	_ =	shalt  }
0x41: {  	_ =	shalt  }
0x42: {  	_ =	shalt  }
0x43: {  	_ =	shalt  }
0x44: {  	_ =	shalt  }
0x45: {  	_ =	shalt  }
0x46: {  	_ =	shalt  }
0x47: {  	_ =	shalt  }
0x48: {  	_ =	shalt  }
0x49: {  	_ =	shalt  }
0x4a: {  	_ =	shalt  }
0x4b: {  	_ =	shalt  }
0x4c: {  	_ =	shalt  }
0x4d: {  	_ =	shalt  }
0x4e: {  	_ =	shalt  }
0x4f: {  	_ =	shalt  }
0x50: {  	_ =	shalt  }
0x51: {  	_ =	shalt  }
0x52: {  	_ =	shalt  }
0x53: {  	_ =	shalt  }
0x54: {  	_ =	shalt  }
0x55: {  	_ =	shalt  }
0x56: {  	_ =	shalt  }
0x57: {  	_ =	shalt  }
0x58: {  	_ =	shalt  }
0x59: {  	_ =	shalt  }
0x5a: {  	_ =	shalt  }
0x5b: {  	_ =	shalt  }
0x5c: {  	_ =	shalt  }
0x5d: {  	_ =	shalt  }
0x5e: {  	_ =	shalt  }
0x5f: {  	_ =	shalt  }
0x60: {  	_ =	shalt  }
0x61: {  	_ =	shalt  }
0x62: {  	_ =	shalt  }
0x63: {  	_ =	shalt  }
0x64: {  	_ =	shalt  }
0x65: {  	_ =	shalt  }
0x66: {  	_ =	shalt  }
0x67: {  	_ =	shalt  }
0x68: {  	_ =	shalt  }
0x69: {  	_ =	shalt  }
0x6a: {  	_ =	shalt  }
0x6b: {  	_ =	shalt  }
0x6c: {  	_ =	shalt  }
0x6d: {  	_ =	shalt  }
0x6e: {  	_ =	shalt  }
0x6f: {  	_ =	shalt  }
0x70: {  	_ =	shalt  }
0x71: {  	_ =	shalt  }
0x72: {  	_ =	shalt  }
0x73: {  	_ =	shalt  }
0x74: {  	_ =	shalt  }
0x75: {  	_ =	shalt  }
0x76: {  	_ =	shalt  }
0x77: {  	_ =	shalt  }
0x78: {  	_ =	shalt  }
0x79: {  	_ =	shalt  }
0x7a: {  	_ =	shalt  }
0x7b: {  	_ =	shalt  }
0x7c: {  	_ =	shalt  }
0x7d: {  	_ =	shalt  }
0x7e: {  	_ =	shalt  }
0x7f: {  	_ =	shalt  }
0x80: {  	_ =	shalt  }
0x81: {  	_ =	shalt  }
0x82: {  	_ =	shalt  }
0x83: {  	_ =	shalt  }
0x84: {  	_ =	shalt  }
0x85: {  	_ =	shalt  }
0x86: {  	_ =	shalt  }
0x87: {  	_ =	shalt  }
.Lfunc_end0:
.L_simem_size_0:
called_computation.2_lowered:
.L_overlay_start_0:
0x88: {  	s2 =	sld [smem:$0x3FD9]  }
0x89: {  	s3 =	sld [smem:$0x3FFE];
	_ =	sdelay $0x1  }
0x8a: {  	s1 =	srdreg.scid  }
0x8b: {  	s0 =	sand.u32 $0x1, s1  }
0x8c: {  	s16 =	sshll.u32 s0, $0xA;
	s2 =	sadd.s32 s3, s2  }
0x8d: {  	s2 =	sadd.s32 s2, s16  }
0x8e: {  	[smem:$0x3FBE] =	sst s2  }
0x8f: {  	_ = 	snop  }
0x90: {  	(tm) =	ssettm $0x1  }
0x91: {  	s17 =	sld [smem:$0x3FFB];
	_ =	sdelay $0x3  }
0x92: {  	_ =	strace s17  }
0x93: {  	s2 =	sld [smem:$0x3FFC];
	_ =	sdelay $0x3  }
0x94: {  	_ =	strace s2  }
0x95: {  	s2 =	sld [smem:$0x3FFD];
	_ =	sdelay $0x3  }
0x96: {  	_ =	strace s2  }
0x97: {  	_ =	strace $0x8FFFFFFF  }
0x98: {  	s18 =	sld [smem:$0x3FDB];
	_ =	sdelay $0x1  }
0x99: {  	s19 =	simm.s32 $_scs_section_size  }
0x9a: {  	s4 =	simm.s32 $_size__tile_overlayer_lowered;
	s5 =	simm.s32 $_tile_overlayer_lowered  }
0x9b: {  	s22 =	simm.s32 $0x1BFF;
	s21 =	sshll.u32 s5, $0x1;
	s2 =	sadd.s32 s19, s18  }
0x9c: {  	s6 =	simm.s32 $0x0;
	s20 =	sshll.u32 s4, $0x1;
	s4 =	sadd.s32 s21, s2  }
0x9d: {  	[timem:s6], [sflag:s22] =	dma.local [hbm:s4], s20  }
0x9e: {  	_ =	swait.ge [sflag:s22], s20  }
0x9f: {  	s3 =	ssub.s32 $0x0, s20;
	[sflag:s22] =	ssyncset.done $0x0  }
0xa0: {  	[sflag:s22] =	ssyncadd.s32 s3;
	_ =	sdelay $0x1  }
0xa1: {  	s23 =	simm.s32 $0x1B8B  }
0xa2: {  	_ =	swait.ge [sflag:s23], $0x1  }
0xa3: {  	[sflag:s23] =	ssyncset.done $0x0  }
0xa4: {  	s25 =	simm.s32 $0x1B8E;
	s24 =	sld [smem:$0x3FFE];
	[sflag:s23] =	ssyncadd.s32 $0xFFFFFFFF  }
0xa5: {  	s26 =	simm.s32 $execute0_lowered;
	[smem:$0x3FD2] =	sst s25  }
0xa6: {  	s4 =	sshll.u32 s26, $0x1;
	_ =	strace $0x8000004C;
	[dreg:$0x1] =	wrdreg $0xFFFFFFFF  }
0xa7: {  	s28 =	simm.s32 $_size_execute0_lowered;
	s2 =	sadd.s32 s2, s4;
	[dreg:$0x0] =	wrdreg $0x0  }
0xa8: {  	s4 =	sshll.u32 s28, $0x1;
	[dreg:$0x2] =	wrdreg s2  }
0xa9: {  	[dreg:$0x3] =	wrdreg s4  }
0xaa: {  	[dreg:$0x4] =	wrdreg $0xC0  }
0xab: {  	_ =	task [dreg:s6], $0x5FFFF  }
0xac: {  	[dreg:$0x1] =	wrdreg $0xFFFFFFFF  }
0xad: {  	[dreg:$0x0] =	wrdreg $0x60  }
0xae: {  	[dreg:$0x2] =	wrdreg s24  }
0xaf: {  	[dreg:$0x3] =	wrdreg $0x64000  }
0xb0: {  	[dreg:$0x4] =	wrdreg $0x9  }
0xb1: {  	_ =	task.clear_ibuf [dreg:s6], $0x5FFFF;
	_ =	strace $0x9000004C  }
0xb2: {  	s29 =	simm.s32 $0x9;
	_ =	strace $0x8000004E  }
0xb3: {  	_ =	swait.ge [sflag:s29], $0x1  }
0xb4: {  	[sflag:s29] =	ssyncadd.s32 $0xFFFFFFFF  }
0xb5: {  	_ =	strace $0x9000004E  }
0xb6: {  	_ =	sfence  }
0xb7: {  	s30 =	sld [smem:$0x0];
	_ =	sdelay $0x2  }
0xb8: {  	s31 =	sshll.u32 s1, $0xD;
	s1 =	sshrl.u32 s1, $0x2  }
0xb9: {  	s3 =	sand.u32 $0x4000, s31;
	s1 =	sadd.s32 s1, s30  }
0xba: {  	s0 =	sor.u32 s3, s0;
	s1 =	sshll.u32 s1, $0x11  }
0xbb: {  	s0 =	sor.u32 s1, s0  }
0xbc: {  	s0 =	sadd.s32 $0x8F2B, s0  }
0xbd: {  	[sflag:s0] =	ssyncadd.remote.s32 $0x1  }
0xbe: {  	_ =	sfence.sel $0xFFFF  }
0xbf: {  	[dreg:$0x0] =	wrdreg $0xFFFFFFFF;
	(pc) =	sbr.abs _section_cstart, $3  }
0xc0: {  	[dreg:$0x1] =	wrdreg $0xFFFFFFFF  }
0xc1: {  	_ =	task.clear_ibuf [dreg:s6], $0x2FFFF;
	_ =	strace $0x9FFFFFFF  }
0xc2: {  	(tm) =	ssettm $0x7FFFFFFF  }
0xc3: {  	_ =	shalt  }
tec
execute0_lowered:
.L_overlay_start_1:
0x0: {  	(tag) =	ssettag $0x1  }
0x1: {  	s0 =	rddreg [dreg:$0x0]  }
0x2: {  	s1 =	rddreg [dreg:$0x1]  }
0x3: {  	s2 =	srdreg.scid;
	s3 =	simm.s32 $0x0;
	s10 =	stileid.u32  }
0x4: {  	s23 =	simm.s32 $0x80;
	s24 =	simm.s32 $0x180;
	s28 =	simm.s32 $0x1  }
0x5: {  	s29 =	simm.s32 $0x60;
	s30 =	simm.s32 $0x2;
	s7 =	smul.u32 $0x14000, s10  }
0x6: {  	s31 =	simm.s32 $0x3400;
	s2 =	sand.u32 $0x1, s2;
	s8 =	smul.u32 $0x50000, s10  }
0x7: {  	[smem:$0x7FF] =	sst s3;
	s4 =	sadd.s32 $0x1DE00, s0;
	s26 =	smul.u32 $0xD4, s10  }
0x8: {  	s5 =	sadd.s32 $0x3600, s0;
	s6 =	smul.u32 $0x140000, s2;
	_ =	strace $0x8000004D  }
0x9: {  	s25 =	ssub.s32 $0x2, s2;
	s12 =	smul.u32 $0xA4, s2;
	[dreg:$0x3] =	wrdreg s23  }
0xa: {  	[dreg:$0x4] =	wrdreg s24;
	s9 =	sshrl.u32 s25, $0x1;
	s6 =	sadd.s32 s7, s6  }
0xb: {  	s8 =	sshrl.u32 s8, $0x2;
	s7 =	ssub.s32 s25, s9;
	s6 =	sshrl.u32 s6, $0x3  }
0xc: {  	s25 =	simm.s32 $0x280;
	s0 =	sadd.s32 s6, s0;
	s6 =	sadd.s32 s8, s1  }
0xd: {  	p0 =	seq.s32 s2, $0x0;
	[dreg:$0x5] =	wrdreg s25;
	s8 =	sadd.s32 $0x3000, s6  }
0xe: {  	s2 =	simm.s32 $0xA4;
	s10 =	sadd.s32 $0x6000, s6;
	[dreg:$0x7] =	wrdreg s8  }
0xf: {  	s23 =	simm.s32 $0x9;
	s11 =	sadd.s32 $0x9000, s6;
	[dreg:$0x8] =	wrdreg s10  }
0x10: {  	s24 =	simm.s32 $0x100;
	s13 =	sadd.s32 $0xC000, s6;
	[dreg:$0x9] =	wrdreg s11  }
0x11: {  	s2 =	simm.s32 @!p0 $0x30;
	s14 =	sadd.s32 $0xF000, s6;
	[dreg:$0xa] =	wrdreg s13  }
0x12: {  	s25 =	simm.s32 $0x200;
	s15 =	sadd.s32 $0x12000, s6;
	[dreg:$0xb] =	wrdreg s14  }
0x13: {  	s8 =	sadd.s32 s12, s26;
	[dreg:$0xc] =	wrdreg s15;
	s26 =	simm.s32 $0x380  }
0x14: {  	s16 =	sadd.s32 s8, s2;
	s17 =	sshll.u32 s8, $0x5;
	s19 =	sor.u32 $0x1, s8  }
0x15: {  	s20 =	sor.u32 $0x2, s8;
	s11 =	sor.u32 $0x3, s8;
	s14 =	sadd.s32 $0x7, s8  }
0x16: {  	[dreg:$0x6] =	wrdreg s26;
	s26 =	simm.s32 $0x300;
	s18 =	sadd.s32 s5, s17  }
0x17: {  	s8 =	simm.s32 $0x3;
	s16 =	sadd.s32 $0xFFFFFFFF, s16;
	[dreg:$0xd] =	wrdreg s18  }
0x18: {  	s9 =	smin.u32 s19, s16;
	s10 =	smin.u32 s20, s16;
	s11 =	smin.u32 s11, s16  }
0x19: {  	s18 =	sshrl.u32 s2, $0x2;
	s19 =	sadd.s32 $0x45600, s0;
	s20 =	smax.u32 s7, $0x1  }
0x1a: {  	s0 =	simm.s32 $0x5;
	s2 =	simm.s32 $0x6;
	s7 =	simm.s32 $0x7  }
0x1b: {  	s9 =	sshll.u32 s9, $0x5;
	s21 =	sshll.u32 s10, $0x5;
	s22 =	sshll.u32 s11, $0x5  }
0x1c: {  	s10 =	simm.s32 $0x4;
	s11 =	simm.s32 $0x0;
	s9 =	sadd.s32 s5, s9  }
0x1d: {  	s17 =	sadd.s32 s5, s22;
	[dreg:$0xe] =	wrdreg s9;
	s9 =	sadd.s32 s5, s21  }
0x1e: {  	v0 =	vimm.f32 $0.0e+00;
	s22 =	simm.s32 $0x400;
	[dreg:$0xf] =	wrdreg s9;
	s9 =	simm.s32 $0x8  }
.LBB2_1:
0x1f: {  	s12 =	simm.s32 $0x0;
	s21 =	simm.s32 $0x200  }
.LBB2_2:
0x20: {  	p0 =	sne.s32 s21, $0xBE00;
	[tilespmem:s12+$0x470] =	vst v0  }
0x21: {  	[tilespmem:s12+$0x400] =	vst v0  }
0x22: {  	[tilespmem:s12+$0x410] =	vst v0  }
.Ltmp0:
0x23: {  	[tilespmem:s12+$0x420] =	vst v0;
	(pc) =	sbr.rel @p0 .LBB2_2-.Ltmp0, $4  }
0x24: {  	[tilespmem:s12+$0x430] =	vst v0  }
0x25: {  	[tilespmem:s12+$0x440] =	vst v0  }
0x26: {  	[tilespmem:s12+$0x450] =	vst v0  }
0x27: {  	[tilespmem:s12+$0x460] =	vst v0;
	s12 =	sshra.s32 s21, $0x2;
	s21 =	sadd.s32 $0x200, s21  }
0x28: {  	[tilespmem:s12+$0x470] =	vst v0  }
0x29: {  	[tilespmem:s12+$0x400] =	vst v0  }
0x2a: {  	[tilespmem:s12+$0x410] =	vst v0  }
0x2b: {  	[tilespmem:s12+$0x420] =	vst v0  }
0x2c: {  	[tilespmem:s12+$0x430] =	vst v0  }
0x2d: {  	[tilespmem:s12+$0x440] =	vst v0  }
0x2e: {  	[tilespmem:s12+$0x450] =	vst v0  }
0x2f: {  	[tilespmem:s12+$0x460] =	vst v0  }
0x30: {  	[spmem:s6] =	stream.linear.scatter [tilespmem:s22], [sflag:$0x9], $0x3000, $0x38;
	[tilespmem:$0x1A400] =	vst v63  }
0x31: {  	_ =	swait.ge [sflag:s23], $0x3000  }
0x32: {  	[sflag:s23] =	ssyncset.done $0x0  }
0x33: {  	s15 =	rddreg [dreg:$0x7];
	[sflag:s23] =	ssyncadd.s32 $0xFFFFD000  }
0x34: {  	[spmem:s15] =	stream.linear.scatter [tilespmem:s22], [sflag:$0x9], $0x3000, $0x38;
	[tilespmem:$0x1A400] =	vst v63  }
0x35: {  	_ =	swait.ge [sflag:s23], $0x3000  }
0x36: {  	[sflag:s23] =	ssyncset.done $0x0  }
0x37: {  	s21 =	rddreg [dreg:$0x8];
	[sflag:s23] =	ssyncadd.s32 $0xFFFFD000  }
0x38: {  	[spmem:s21] =	stream.linear.scatter [tilespmem:s22], [sflag:$0x9], $0x3000, $0x38;
	[tilespmem:$0x1A400] =	vst v63  }
0x39: {  	_ =	swait.ge [sflag:s23], $0x3000  }
0x3a: {  	[sflag:s23] =	ssyncset.done $0x0  }
0x3b: {  	s13 =	rddreg [dreg:$0x9];
	[sflag:s23] =	ssyncadd.s32 $0xFFFFD000  }
0x3c: {  	[spmem:s13] =	stream.linear.scatter [tilespmem:s22], [sflag:$0x9], $0x3000, $0x38;
	[tilespmem:$0x1A400] =	vst v63  }
0x3d: {  	_ =	swait.ge [sflag:s23], $0x3000  }
0x3e: {  	[sflag:s23] =	ssyncset.done $0x0  }
0x3f: {  	s15 =	rddreg [dreg:$0xa];
	[sflag:s23] =	ssyncadd.s32 $0xFFFFD000  }
0x40: {  	[spmem:s15] =	stream.linear.scatter [tilespmem:s22], [sflag:$0x9], $0x3000, $0x38;
	[tilespmem:$0x1A400] =	vst v63  }
0x41: {  	_ =	swait.ge [sflag:s23], $0x3000  }
0x42: {  	[sflag:s23] =	ssyncset.done $0x0  }
0x43: {  	s21 =	rddreg [dreg:$0xb];
	[sflag:s23] =	ssyncadd.s32 $0xFFFFD000  }
0x44: {  	[spmem:s21] =	stream.linear.scatter [tilespmem:s22], [sflag:$0x9], $0x3000, $0x38;
	[tilespmem:$0x1A400] =	vst v63  }
0x45: {  	_ =	swait.ge [sflag:s23], $0x3000  }
0x46: {  	[sflag:s23] =	ssyncset.done $0x0  }
0x47: {  	s13 =	rddreg [dreg:$0xc];
	[sflag:s23] =	ssyncadd.s32 $0xFFFFD000  }
0x48: {  	[spmem:s13] =	stream.linear.scatter [tilespmem:s22], [sflag:$0x9], $0x2000, $0x38;
	[tilespmem:$0x1A400] =	vst v63  }
0x49: {  	_ =	swait.ge [sflag:s23], $0x2000  }
0x4a: {  	[sflag:s23] =	ssyncset.done $0x0  }
0x4b: {  	[sflag:s23] =	ssyncadd.s32 $0xFFFFE000  }
0x4c: {  	[bflag:$0x0] =	sbarrier.arrive $0xFFFF  }
0x4d: {  	s15 =	rddreg [dreg:$0xd]  }
0x4e: {  	[tilespmem:s3], [sflag:$0x1] =	stream.linear.gather [hbm4b:s15+s3], $0x100, $0x38;
	[tilespmem:$0x1A400] =	vst v63  }
0x4f: {  	s21 =	rddreg [dreg:$0xe]  }
0x50: {  	[tilespmem:s24], [sflag:$0x2] =	stream.linear.gather [hbm4b:s21+s3], $0x100, $0x38;
	[tilespmem:$0x1A400] =	vst v63  }
0x51: {  	s13 =	rddreg [dreg:$0xf]  }
0x52: {  	[tilespmem:s25], [sflag:$0x3] =	stream.linear.gather [hbm4b:s13+s3], $0x100, $0x38;
	[tilespmem:$0x1A400] =	vst v63  }
0x53: {  	_ = 	snop  }
0x54: {  	[tilespmem:s26], [sflag:$0x4] =	stream.linear.gather [hbm4b:s17+s3], $0x100, $0x38;
	[tilespmem:$0x1A400] =	vst v63  }
0x55: {  	_ =	swait.ge [sflag:s28], $0x100  }
0x56: {  	[sflag:s28] =	ssyncset.done $0x0  }
0x57: {  	[sflag:s28] =	ssyncadd.s32 $0xFFFFFF00  }
0x58: {  	[tilespmem:s22], [sflag:$0x5] =	stream.indirect.gather [hbm4b:s4+s29], $0x80, s3, s29, $0xb8;
	[tilespmem:$0x1A400] =	vst v63  }
0x59: {  	_ =	swait.ge [sflag:s30], $0x100  }
0x5a: {  	[sflag:s30] =	ssyncset.done $0x0  }
0x5b: {  	[sflag:s30] =	ssyncadd.s32 $0xFFFFFF00  }
0x5c: {  	[tilespmem:s31], [sflag:$0x6] =	stream.indirect.gather [hbm4b:s4+s29], $0x80, s24, s29, $0xb8;
	[tilespmem:$0x1A400] =	vst v63  }
0x5d: {  	_ =	swait.ge [sflag:s0], $0x3000  }
0x5e: {  	[sflag:s0] =	ssyncset.done $0x0  }
0x5f: {  	s15 =	rddreg [dreg:$0x3];
	[sflag:s0] =	ssyncadd.s32 $0xFFFFD000  }
0x60: {  	[spmem:s1] =	stream.indirect.scatter.add.f32 [tilespmem:s22], [sflag:$0x7], $0x80, s15, s29, $0xb8;
	[tilespmem:$0x1A400] =	vst v63  }
0x61: {  	_ =	swait.ge [sflag:s2], $0x3000  }
0x62: {  	[sflag:s2] =	ssyncset.done $0x0  }
0x63: {  	s21 =	rddreg [dreg:$0x4];
	[sflag:s2] =	ssyncadd.s32 $0xFFFFD000  }
0x64: {  	[spmem:s1] =	stream.indirect.scatter.add.f32 [tilespmem:s31], [sflag:$0x8], $0x80, s21, s29, $0xb8;
	[tilespmem:$0x1A400] =	vst v63  }
0x65: {  	_ =	swait.ge [sflag:s7], $0x3000  }
0x66: {  	s12 =	sadd.s32 $0xFFFFFFFD, s14;
	[sflag:s7] =	ssyncset.done $0x0  }
0x67: {  	p0 =	slt.s32 s12, s16;
	s15 =	smov.u32 s16;
	[sflag:s7] =	ssyncadd.s32 $0xFFFFD000  }
0x68: {  	s15 =	smov.u32 @p0 s12;
	_ =	swait.ge [sflag:s8], $0x100  }
0x69: {  	s12 =	sshll.u32 s15, $0x5;
	[sflag:s8] =	ssyncset.done $0x0  }
0x6a: {  	s12 =	sand.u32 $0x1FFFFFE0, s12;
	[sflag:s8] =	ssyncadd.s32 $0xFFFFFF00  }
0x6b: {  	[tilespmem:s22], [sflag:$0x5] =	stream.indirect.gather [hbm4b:s4+s29], $0x80, s25, s29, $0xb8;
	[tilespmem:$0x1A400] =	vst v63  }
0x6c: {  	s12 =	sadd.s32 s5, s12  }
0x6d: {  	[tilespmem:s3], [sflag:$0x1] =	stream.linear.gather [hbm4b:s12+s3], $0x100, $0x38;
	[tilespmem:$0x1A400] =	vst v63  }
0x6e: {  	_ =	swait.ge [sflag:s9], $0x3000  }
0x6f: {  	s12 =	sadd.s32 $0xFFFFFFFE, s14;
	[sflag:s9] =	ssyncset.done $0x0  }
0x70: {  	s15 =	smov.u32 s16;
	p0 =	slt.s32 s12, s16;
	[sflag:s9] =	ssyncadd.s32 $0xFFFFD000  }
0x71: {  	s15 =	smov.u32 @p0 s12;
	_ =	swait.ge [sflag:s10], $0x100  }
0x72: {  	s12 =	sshll.u32 s15, $0x5;
	[sflag:s10] =	ssyncset.done $0x0  }
0x73: {  	s12 =	sand.u32 $0x1FFFFFE0, s12;
	[sflag:s10] =	ssyncadd.s32 $0xFFFFFF00  }
0x74: {  	[tilespmem:s31], [sflag:$0x6] =	stream.indirect.gather [hbm4b:s4+s29], $0x80, s26, s29, $0xb8;
	[tilespmem:$0x1A400] =	vst v63  }
0x75: {  	s12 =	sadd.s32 s5, s12  }
0x76: {  	[tilespmem:s24], [sflag:$0x2] =	stream.linear.gather [hbm4b:s12+s3], $0x100, $0x38;
	[tilespmem:$0x1A400] =	vst v63  }
0x77: {  	_ =	swait.ge [sflag:s0], $0x3000  }
0x78: {  	[sflag:s0] =	ssyncset.done $0x0  }
0x79: {  	s13 =	rddreg [dreg:$0x5];
	[sflag:s0] =	ssyncadd.s32 $0xFFFFD000  }
0x7a: {  	[spmem:s1] =	stream.indirect.scatter.add.f32 [tilespmem:s22], [sflag:$0x7], $0x80, s13, s29, $0xb8;
	[tilespmem:$0x1A400] =	vst v63  }
0x7b: {  	_ =	swait.ge [sflag:s2], $0x3000  }
0x7c: {  	[sflag:s2] =	ssyncset.done $0x0  }
0x7d: {  	s15 =	rddreg [dreg:$0x6];
	[sflag:s2] =	ssyncadd.s32 $0xFFFFD000  }
0x7e: {  	[spmem:s1] =	stream.indirect.scatter.add.f32 [tilespmem:s31], [sflag:$0x8], $0x80, s15, s29, $0xb8;
	[tilespmem:$0x1A400] =	vst v63  }
0x7f: {  	_ =	swait.ge [sflag:s7], $0x3000  }
0x80: {  	s12 =	sadd.s32 $0xFFFFFFFF, s14;
	[sflag:s7] =	ssyncset.done $0x0  }
0x81: {  	p0 =	slt.s32 s12, s16;
	s15 =	smov.u32 s16;
	[sflag:s7] =	ssyncadd.s32 $0xFFFFD000  }
0x82: {  	s15 =	smov.u32 @p0 s12;
	_ =	swait.ge [sflag:s28], $0x100  }
0x83: {  	s12 =	sshll.u32 s15, $0x5;
	[sflag:s28] =	ssyncset.done $0x0  }
0x84: {  	s12 =	sand.u32 $0x1FFFFFE0, s12;
	[sflag:s28] =	ssyncadd.s32 $0xFFFFFF00  }
0x85: {  	[tilespmem:s22], [sflag:$0x5] =	stream.indirect.gather [hbm4b:s4+s29], $0x80, s3, s29, $0xb8;
	[tilespmem:$0x1A400] =	vst v63  }
0x86: {  	s12 =	sadd.s32 s5, s12  }
0x87: {  	[tilespmem:s25], [sflag:$0x3] =	stream.linear.gather [hbm4b:s12+s3], $0x100, $0x38;
	[tilespmem:$0x1A400] =	vst v63  }
0x88: {  	p0 =	slt.s32 s14, s16;
	s12 =	smov.u32 s16;
	_ =	swait.ge [sflag:s9], $0x3000  }
0x89: {  	s12 =	smov.u32 @p0 s14;
	p0 =	sne.s32 s18, $0x1;
	[sflag:s9] =	ssyncset.done $0x0  }
.Ltmp1:
0x8a: {  	[sflag:s9] =	ssyncadd.s32 $0xFFFFD000;
	(pc) =	sbr.rel @!p0 .LBB2_5-.Ltmp1, $4  }
0x8b: {  	_ =	swait.ge [sflag:s30], $0x100  }
0x8c: {  	s21 =	sshll.u32 s12, $0x5;
	s12 =	sadd.s32 $0xFFFFFFFF, s18;
	[sflag:s30] =	ssyncset.done $0x0  }
0x8d: {  	s15 =	sand.u32 $0x1FFFFFE0, s21;
	s21 =	smov.u32 s14;
	[sflag:s30] =	ssyncadd.s32 $0xFFFFFF00  }
0x8e: {  	[tilespmem:s31], [sflag:$0x6] =	stream.indirect.gather [hbm4b:s4+s29], $0x80, s24, s29, $0xb8;
	[tilespmem:$0x1A400] =	vst v63  }
.LBB2_4:
0x8f: {  	s15 =	sadd.s32 s5, s15  }
0x90: {  	[tilespmem:s26], [sflag:$0x4] =	stream.linear.gather [hbm4b:s15+s3], $0x100, $0x38;
	[tilespmem:$0x1A400] =	vst v63  }
0x91: {  	_ =	swait.ge [sflag:s0], $0x3000  }
0x92: {  	[sflag:s0] =	ssyncset.done $0x0  }
0x93: {  	s13 =	rddreg [dreg:$0x3];
	[sflag:s0] =	ssyncadd.s32 $0xFFFFD000  }
0x94: {  	[spmem:s1] =	stream.indirect.scatter.add.f32 [tilespmem:s22], [sflag:$0x7], $0x80, s13, s29, $0xb8;
	[tilespmem:$0x1A400] =	vst v63  }
0x95: {  	_ =	swait.ge [sflag:s2], $0x3000  }
0x96: {  	[sflag:s2] =	ssyncset.done $0x0  }
0x97: {  	s13 =	rddreg [dreg:$0x4];
	[sflag:s2] =	ssyncadd.s32 $0xFFFFD000  }
0x98: {  	[spmem:s1] =	stream.indirect.scatter.add.f32 [tilespmem:s31], [sflag:$0x8], $0x80, s13, s29, $0xb8;
	[tilespmem:$0x1A400] =	vst v63  }
0x99: {  	s21 =	sadd.s32 $0x4, s21;
	_ =	swait.ge [sflag:s7], $0x3000  }
0x9a: {  	s15 =	sadd.s32 $0xFFFFFFFD, s21;
	[sflag:s7] =	ssyncset.done $0x0  }
0x9b: {  	p1 =	slt.s32 s15, s16;
	s13 =	smov.u32 s16;
	[sflag:s7] =	ssyncadd.s32 $0xFFFFD000  }
0x9c: {  	s13 =	smov.u32 @p1 s15;
	_ =	swait.ge [sflag:s8], $0x100  }
0x9d: {  	s13 =	sshll.u32 s13, $0x5;
	[sflag:s8] =	ssyncset.done $0x0  }
0x9e: {  	s13 =	sand.u32 $0x1FFFFFE0, s13;
	[sflag:s8] =	ssyncadd.s32 $0xFFFFFF00  }
0x9f: {  	[tilespmem:s22], [sflag:$0x5] =	stream.indirect.gather [hbm4b:s4+s29], $0x80, s25, s29, $0xb8;
	[tilespmem:$0x1A400] =	vst v63  }
0xa0: {  	s13 =	sadd.s32 s5, s13  }
0xa1: {  	[tilespmem:s3], [sflag:$0x1] =	stream.linear.gather [hbm4b:s13+s3], $0x100, $0x38;
	[tilespmem:$0x1A400] =	vst v63  }
0xa2: {  	_ =	swait.ge [sflag:s9], $0x3000  }
0xa3: {  	s13 =	sadd.s32 $0xFFFFFFFE, s21;
	[sflag:s9] =	ssyncset.done $0x0  }
0xa4: {  	s15 =	smov.u32 s16;
	p1 =	slt.s32 s13, s16;
	[sflag:s9] =	ssyncadd.s32 $0xFFFFD000  }
0xa5: {  	s15 =	smov.u32 @p1 s13;
	_ =	swait.ge [sflag:s10], $0x100  }
0xa6: {  	s13 =	sshll.u32 s15, $0x5;
	[sflag:s10] =	ssyncset.done $0x0  }
0xa7: {  	s13 =	sand.u32 $0x1FFFFFE0, s13;
	[sflag:s10] =	ssyncadd.s32 $0xFFFFFF00  }
0xa8: {  	[tilespmem:s31], [sflag:$0x6] =	stream.indirect.gather [hbm4b:s4+s29], $0x80, s26, s29, $0xb8;
	[tilespmem:$0x1A400] =	vst v63  }
0xa9: {  	s13 =	sadd.s32 s5, s13  }
0xaa: {  	[tilespmem:s24], [sflag:$0x2] =	stream.linear.gather [hbm4b:s13+s3], $0x100, $0x38;
	[tilespmem:$0x1A400] =	vst v63  }
0xab: {  	_ =	swait.ge [sflag:s0], $0x3000  }
0xac: {  	[sflag:s0] =	ssyncset.done $0x0  }
0xad: {  	s15 =	rddreg [dreg:$0x5];
	[sflag:s0] =	ssyncadd.s32 $0xFFFFD000  }
0xae: {  	[spmem:s1] =	stream.indirect.scatter.add.f32 [tilespmem:s22], [sflag:$0x7], $0x80, s15, s29, $0xb8;
	[tilespmem:$0x1A400] =	vst v63  }
0xaf: {  	_ =	swait.ge [sflag:s2], $0x3000  }
0xb0: {  	[sflag:s2] =	ssyncset.done $0x0  }
0xb1: {  	s15 =	rddreg [dreg:$0x6];
	[sflag:s2] =	ssyncadd.s32 $0xFFFFD000  }
0xb2: {  	[spmem:s1] =	stream.indirect.scatter.add.f32 [tilespmem:s31], [sflag:$0x8], $0x80, s15, s29, $0xb8;
	[tilespmem:$0x1A400] =	vst v63  }
0xb3: {  	_ =	swait.ge [sflag:s7], $0x3000  }
0xb4: {  	s13 =	sadd.s32 $0xFFFFFFFF, s21;
	[sflag:s7] =	ssyncset.done $0x0  }
0xb5: {  	p1 =	slt.s32 s13, s16;
	s15 =	smov.u32 s16;
	[sflag:s7] =	ssyncadd.s32 $0xFFFFD000  }
0xb6: {  	s15 =	smov.u32 @p1 s13;
	_ =	swait.ge [sflag:s28], $0x100  }
0xb7: {  	s13 =	sshll.u32 s15, $0x5;
	[sflag:s28] =	ssyncset.done $0x0  }
0xb8: {  	s13 =	sand.u32 $0x1FFFFFE0, s13;
	[sflag:s28] =	ssyncadd.s32 $0xFFFFFF00  }
0xb9: {  	[tilespmem:s22], [sflag:$0x5] =	stream.indirect.gather [hbm4b:s4+s29], $0x80, s3, s29, $0xb8;
	[tilespmem:$0x1A400] =	vst v63  }
0xba: {  	s13 =	sadd.s32 s5, s13  }
0xbb: {  	[tilespmem:s25], [sflag:$0x3] =	stream.linear.gather [hbm4b:s13+s3], $0x100, $0x38;
	[tilespmem:$0x1A400] =	vst v63  }
0xbc: {  	_ =	swait.ge [sflag:s9], $0x3000  }
0xbd: {  	p0 =	sne.s32 s12, $0x1;
	p1 =	slt.s32 s21, s16;
	[sflag:s9] =	ssyncset.done $0x0  }
.Ltmp2:
0xbe: {  	s13 =	smov.u32 s16;
	[sflag:s9] =	ssyncadd.s32 $0xFFFFD000;
	(pc) =	sbr.rel @p0 .LBB2_4-.Ltmp2, $4  }
0xbf: {  	s13 =	smov.u32 @p1 s21;
	_ =	swait.ge [sflag:s30], $0x100  }
0xc0: {  	s13 =	sshll.u32 s13, $0x5;
	[sflag:s30] =	ssyncset.done $0x0  }
0xc1: {  	s12 =	sadd.s32 $0xFFFFFFFF, s12;
	s15 =	sand.u32 $0x1FFFFFE0, s13;
	[sflag:s30] =	ssyncadd.s32 $0xFFFFFF00  }
0xc2: {  	[tilespmem:s31], [sflag:$0x6] =	stream.indirect.gather [hbm4b:s4+s29], $0x80, s24, s29, $0xb8;
	[tilespmem:$0x1A400] =	vst v63  }
.LBB2_5:
0xc3: {  	s12 =	sadd.s32 s5, s15  }
0xc4: {  	[tilespmem:s26], [sflag:$0x4] =	stream.linear.gather [hbm4b:s12+s3], $0x100, $0x38;
	[tilespmem:$0x1A400] =	vst v63  }
0xc5: {  	_ =	swait.ge [sflag:s0], $0x3000  }
0xc6: {  	[sflag:s0] =	ssyncset.done $0x0  }
0xc7: {  	[sflag:s0] =	ssyncadd.s32 $0xFFFFD000  }
0xc8: {  	_ =	swait.ge [sflag:s2], $0x3000  }
0xc9: {  	[sflag:s2] =	ssyncset.done $0x0  }
0xca: {  	[sflag:s2] =	ssyncadd.s32 $0xFFFFD000  }
0xcb: {  	_ =	swait.ge [sflag:s8], $0x100  }
0xcc: {  	[sflag:s8] =	ssyncset.done $0x0  }
0xcd: {  	[sflag:s8] =	ssyncadd.s32 $0xFFFFFF00  }
0xce: {  	s21 =	stileid.u32;
	_ =	swait.ge [sflag:s10], $0x100  }
0xcf: {  	s13 =	sshrl.u32 s6, $0x3;
	s11 =	sadd.s32 $0x1, s11;
	[sflag:s10] =	ssyncset.done $0x0  }
0xd0: {  	s12 =	sshll.u32 s21, $0x6;
	p0 =	sne.s32 s11, s20;
	[sflag:s10] =	ssyncadd.s32 $0xFFFFFF00  }
.Ltmp3:
0xd1: {  	s12 =	sor.u32 $0x1C09, s12;
	[bflag:$0x0] =	sbarrier.arrive $0xFFFF;
	(pc) =	sbr.rel @p0 .LBB2_1-.Ltmp3, $4  }
0xd2: {  	[hbm:s19], [sflag:s12] =	dma.local [spmem:s13], $0x2800  }
0xd3: {  	_ =	swait.ge [sflag:s23], $0x2800  }
0xd4: {  	[sflag:s23] =	ssyncset.done $0x0  }
0xd5: {  	[sflag:s23] =	ssyncadd.s32 $0xFFFFD800  }
0xd6: {  	_ =	sfence.sel $0x180000  }
0xd7: {  	[bflag:$0x0] =	sbarrier.arrive $0xFFFF  }
0xd8: {  	_ =	strace $0x9000004D  }
0xd9: {  	s0 =	stileid.u32;
	[bflag:$0x2] =	sbarrier.arrive $0xFFFF  }
0xda: {  	p0 =	sne.s32 s0, $0x0;
	s0 =	rddreg [dreg:$0x2]  }
0xdb: {  	s0 =	sadd.s32 @!p0 $0x100000, s0  }
0xdc: {  	[sflag:s0] =	ssyncadd.tile.s32 @!p0 $0x1;
	_ =	shalt  }
.Lfunc_end2:
_tile_overlayer_lowered:
.L_overlay_start_2:
0xdd: {  	(tag) =	ssettag $0x2  }
0xde: {  	s0 =	rddreg [dreg:$0x0];
	s2 =	stileid.u32  }
0xdf: {  	s1 =	rddreg [dreg:$0x1];
	p0 =	sne.s32 s2, $0x0  }
0xe0: {  	s3 =	rddreg [dreg:$0x2];
	[bflag:$0x3] =	sbarrier.arrive $0xFFFF;
	s2 =	simm.s32 @!p0 $0x1C09  }
0xe1: {  	[timem:s3], [sflag:s2] =	dma.local @!p0 [hbm:s0], s1  }
0xe2: {  	s0 =	simm.s32 @!p0 $0x9  }
0xe3: {  	_ =	swait.ge @!p0 [sflag:s0], s1  }
0xe4: {  	s1 =	ssub.s32 @!p0 $0x0, s1;
	[sflag:s0] =	ssyncset.done @!p0 $0x0  }
0xe5: {  	[sflag:s0] =	ssyncadd.s32 @!p0 s1  }
0xe6: {  	[bflag:$0x3] =	sbarrier.arrive $0xFFFF  }
0xe7: {  	_ =	shalt  }

// kernel: kernel.8.cloned.1.call-start
scs
__scs_entry_jumppad:
0x0: {  	(pc) =	sbr.rel $0x88, $3  }
0x1: {  	(tag) =	ssettag $0x0;
	lr =	simm.s32 $0x1  }
0x2: {  	[smem:$0x3F97] =	sst lr;
	_ =	strace $0xD0000000  }
0x3: {  	_ = 	snop  }
0x4: {  	_ = 	snop  }
0x5: {  	_ = 	snop  }
0x6: {  	_ = 	snop  }
0x7: {  	_ = 	snop  }
__scs_overlays_trampoline_lowered:
0x8: {  	[smem:$0x3FA6] =	sst s0  }
0x9: {  	[smem:$0x3FA7] =	sst s1  }
0xa: {  	[smem:$0x3FA8] =	sst s2  }
0xb: {  	[smem:$0x3FA9] =	sst s3  }
0xc: {  	[smem:$0x3FAA] =	sst s4  }
0xd: {  	[smem:$0x3FAB] =	sst s5  }
0xe: {  	[smem:$0x3FAC] =	sst s6  }
0xf: {  	[smem:$0x3FAD] =	sst s7  }
0x10: {  	[smem:$0x3FAE] =	sst s8  }
0x11: {  	[smem:$0x3FAF] =	sst s9;
	s0 =	simm.s32 @!p0 $0x0  }
0x12: {  	s1 =	sld [smem:$0x3F95];
	s0 =	simm.s32 @p0 $0x1  }
0x13: {  	[smem:$0x3FB0] =	sst s0;
	s0 =	simm.s32 @!p1 $0x0  }
0x14: {  	s2 =	sld [smem:$0x3F94];
	s0 =	simm.s32 @p1 $0x1  }
0x15: {  	[smem:$0x3FB1] =	sst s0;
	s0 =	simm.s32 @!p2 $0x0  }
0x16: {  	s3 =	sld [smem:$0x3FDB];
	s0 =	simm.s32 @p2 $0x1  }
0x17: {  	s4 =	simm.s32 $0x1BF5;
	[smem:$0x3FB3] =	sst s0  }
0x18: {  	s0 =	sld [smem:$0x3F96];
	_ =	swait.ge [sflag:s4], $0x0  }
0x19: {  	s7 =	sld [smem:$0x3F97]  }
0x1a: {  	s8 =	sadd.s32 $0xFFFFE003, lr  }
0x1b: {  	s9 =	sadd.s32 $0xFFFFFEF7, lr;
	s5 =	simm.s32 $0xFFFFFFFF;
	p2 =	slt.u32 s8, $0xFFFFF086  }
0x1c: {  	p1 =	slt.u32 s9, $0xF7A;
	s5 =	simm.s32 @!p2 $0x0  }
0x1d: {  	s5 =	simm.s32 @p1 $0x1;
	p0 =	seq.s32 s7, s2  }
0x1e: {  	s7 =	smul.u32 @!p0 $0xF7A, s2;
	p2 =	seq.s32 @!p0 s5, $0x0  }
0x1f: {  	s9 =	smul.u32 $0xF7A, s1;
	s8 =	simm.s32 @!p0 $0x1BF5;
	p2 =	por !p2, p0  }
0x20: {  	[sflag:s8] =	ssyncset.s32 @!p0 $0xFFFFF086;
	s6 =	sadd.s32 @!p0 s3, s7;
	s7 =	simm.s32 @!p0 $0x108  }
0x21: {  	s3 =	sadd.s32 s3, s9;
	s6 =	sadd.s32 @!p0 $0x88, s6;
	s7 =	simm.s32 @p2 $0x1082  }
0x22: {  	[simem:s7], [sflag:s8] =	dma.local @!p0 [hbm:s6], $0xF7A  }
0x23: {  	s9 =	sor.u32 $0xD0000000, s2;
	s6 =	simm.s32 $0x108;
	_ =	swait.ge @!p0 [sflag:s8], $0x0  }
0x24: {  	s3 =	sadd.s32 $0x88, s3;
	s6 =	simm.s32 @!p1 $0x1082;
	[sflag:s4] =	ssyncset.s32 $0xFFFFF086  }
0x25: {  	[simem:s6], [sflag:s4] =	dma.local [hbm:s3], $0xF7A  }
0x26: {  	[smem:$0x3F97] =	sst s1;
	(tag) =	ssettag s2;
	_ =	strace s9  }
0x27: {  	s1 =	sld [smem:$0x3FA7]  }
0x28: {  	s2 =	sld [smem:$0x3FA8]  }
0x29: {  	s4 =	sld [smem:$0x3FAA]  }
0x2a: {  	p0 =	seq.s32 s5, $0x0;
	s5 =	sld [smem:$0x3FAB]  }
0x2b: {  	s6 =	sld [smem:$0x3FAC]  }
0x2c: {  	s7 =	sld [smem:$0x3FAD]  }
0x2d: {  	s3 =	simm.s32 $0x108;
	s8 =	sld [smem:$0x3FAE]  }
0x2e: {  	s3 =	simm.s32 @!p0 $0x1082;
	s9 =	sld [smem:$0x3FAF]  }
0x2f: {  	lr =	sadd.s32 s0, s3;
	s0 =	sld [smem:$0x3FA6]  }
0x30: {  	s3 =	sld [smem:$0x3FA9]  }
0x31: {  	[smem:$0x3FB2] =	sst s10  }
0x32: {  	s10 =	sld [smem:$0x3FB0];
	_ =	sdelay $0x3  }
0x33: {  	p0 =	seq.s32 s10, $0x1;
	s10 =	sld [smem:$0x3FB2];
	_ =	sdelay $0x3  }
0x34: {  	[smem:$0x3FB2] =	sst s10  }
0x35: {  	s10 =	sld [smem:$0x3FB1];
	_ =	sdelay $0x3  }
0x36: {  	p1 =	seq.s32 s10, $0x1;
	s10 =	sld [smem:$0x3FB2];
	_ =	sdelay $0x3  }
0x37: {  	[smem:$0x3FB2] =	sst s10  }
0x38: {  	s10 =	sld [smem:$0x3FB3]  }
0x39: {  	_ = 	snop;
	(pc) =	sbr.ind lr, $3  }
0x3a: {  	_ = 	snop  }
0x3b: {  	_ = 	snop  }
0x3c: {  	p2 =	seq.s32 s10, $0x1;
	s10 =	sld [smem:$0x3FB2]  }
0x3d: {  	_ =	shalt  }
0x3e: {  	_ =	shalt  }
0x3f: {  	_ =	shalt  }
0x40: {  	_ =	shalt  }
0x41: {  	_ =	shalt  }
0x42: {  	_ =	shalt  }
0x43: {  	_ =	shalt  }
0x44: {  	_ =	shalt  }
0x45: {  	_ =	shalt  }
0x46: {  	_ =	shalt  }
0x47: {  	_ =	shalt  }
0x48: {  	_ =	shalt  }
0x49: {  	_ =	shalt  }
0x4a: {  	_ =	shalt  }
0x4b: {  	_ =	shalt  }
0x4c: {  	_ =	shalt  }
0x4d: {  	_ =	shalt  }
0x4e: {  	_ =	shalt  }
0x4f: {  	_ =	shalt  }
0x50: {  	_ =	shalt  }
0x51: {  	_ =	shalt  }
0x52: {  	_ =	shalt  }
0x53: {  	_ =	shalt  }
0x54: {  	_ =	shalt  }
0x55: {  	_ =	shalt  }
0x56: {  	_ =	shalt  }
0x57: {  	_ =	shalt  }
0x58: {  	_ =	shalt  }
0x59: {  	_ =	shalt  }
0x5a: {  	_ =	shalt  }
0x5b: {  	_ =	shalt  }
0x5c: {  	_ =	shalt  }
0x5d: {  	_ =	shalt  }
0x5e: {  	_ =	shalt  }
0x5f: {  	_ =	shalt  }
0x60: {  	_ =	shalt  }
0x61: {  	_ =	shalt  }
0x62: {  	_ =	shalt  }
0x63: {  	_ =	shalt  }
0x64: {  	_ =	shalt  }
0x65: {  	_ =	shalt  }
0x66: {  	_ =	shalt  }
0x67: {  	_ =	shalt  }
0x68: {  	_ =	shalt  }
0x69: {  	_ =	shalt  }
0x6a: {  	_ =	shalt  }
0x6b: {  	_ =	shalt  }
0x6c: {  	_ =	shalt  }
0x6d: {  	_ =	shalt  }
0x6e: {  	_ =	shalt  }
0x6f: {  	_ =	shalt  }
0x70: {  	_ =	shalt  }
0x71: {  	_ =	shalt  }
0x72: {  	_ =	shalt  }
0x73: {  	_ =	shalt  }
0x74: {  	_ =	shalt  }
0x75: {  	_ =	shalt  }
0x76: {  	_ =	shalt  }
0x77: {  	_ =	shalt  }
0x78: {  	_ =	shalt  }
0x79: {  	_ =	shalt  }
0x7a: {  	_ =	shalt  }
0x7b: {  	_ =	shalt  }
0x7c: {  	_ =	shalt  }
0x7d: {  	_ =	shalt  }
0x7e: {  	_ =	shalt  }
0x7f: {  	_ =	shalt  }
0x80: {  	_ =	shalt  }
0x81: {  	_ =	shalt  }
0x82: {  	_ =	shalt  }
0x83: {  	_ =	shalt  }
0x84: {  	_ =	shalt  }
0x85: {  	_ =	shalt  }
0x86: {  	_ =	shalt  }
0x87: {  	_ =	shalt  }
.Lfunc_end0:
.L_simem_size_0:
called_computation_lowered:
.L_overlay_start_0:
0x88: {  	s2 =	sld [smem:$0x3FD9]  }
0x89: {  	s3 =	sld [smem:$0x3FFE];
	_ =	sdelay $0x1  }
0x8a: {  	s1 =	srdreg.scid  }
0x8b: {  	s0 =	sand.u32 $0x1, s1  }
0x8c: {  	s16 =	sshll.u32 s0, $0xA;
	s2 =	sadd.s32 s3, s2  }
0x8d: {  	s2 =	sadd.s32 s2, s16  }
0x8e: {  	[smem:$0x3FBE] =	sst s2  }
0x8f: {  	_ = 	snop  }
0x90: {  	(tm) =	ssettm $0x1  }
0x91: {  	s17 =	sld [smem:$0x3FFB];
	_ =	sdelay $0x3  }
0x92: {  	_ =	strace s17  }
0x93: {  	s2 =	sld [smem:$0x3FFC];
	_ =	sdelay $0x3  }
0x94: {  	_ =	strace s2  }
0x95: {  	s2 =	sld [smem:$0x3FFD];
	_ =	sdelay $0x3  }
0x96: {  	_ =	strace s2  }
0x97: {  	_ =	strace $0x8FFFFFFF  }
0x98: {  	s18 =	sld [smem:$0x3FDB];
	_ =	sdelay $0x1  }
0x99: {  	s19 =	simm.s32 $_scs_section_size  }
0x9a: {  	s4 =	simm.s32 $_size__tile_overlayer_lowered;
	s5 =	simm.s32 $_tile_overlayer_lowered  }
0x9b: {  	s22 =	simm.s32 $0x1BFF;
	s21 =	sshll.u32 s5, $0x1;
	s2 =	sadd.s32 s19, s18  }
0x9c: {  	s6 =	simm.s32 $0x0;
	s20 =	sshll.u32 s4, $0x1;
	s4 =	sadd.s32 s21, s2  }
0x9d: {  	[timem:s6], [sflag:s22] =	dma.local [hbm:s4], s20  }
0x9e: {  	_ =	swait.ge [sflag:s22], s20  }
0x9f: {  	s3 =	ssub.s32 $0x0, s20;
	[sflag:s22] =	ssyncset.done $0x0  }
0xa0: {  	[sflag:s22] =	ssyncadd.s32 s3;
	_ =	sdelay $0x1  }
0xa1: {  	s23 =	simm.s32 $0x1B8B  }
0xa2: {  	_ =	swait.ge [sflag:s23], $0x1  }
0xa3: {  	[sflag:s23] =	ssyncset.done $0x0  }
0xa4: {  	s25 =	simm.s32 $0x1B8E;
	s24 =	sld [smem:$0x3FFE];
	[sflag:s23] =	ssyncadd.s32 $0xFFFFFFFF  }
0xa5: {  	s26 =	simm.s32 $execute0_lowered;
	[smem:$0x3FD2] =	sst s25  }
0xa6: {  	s4 =	sshll.u32 s26, $0x1;
	_ =	strace $0x80000046;
	[dreg:$0x1] =	wrdreg $0xFFFFFFFF  }
0xa7: {  	s28 =	simm.s32 $_size_execute0_lowered;
	s2 =	sadd.s32 s2, s4;
	[dreg:$0x0] =	wrdreg $0x0  }
0xa8: {  	s4 =	sshll.u32 s28, $0x1;
	[dreg:$0x2] =	wrdreg s2  }
0xa9: {  	[dreg:$0x3] =	wrdreg s4  }
0xaa: {  	[dreg:$0x4] =	wrdreg $0xC0  }
0xab: {  	_ =	task [dreg:s6], $0x5FFFF  }
0xac: {  	[dreg:$0x1] =	wrdreg $0xFFFFFFFF  }
0xad: {  	[dreg:$0x0] =	wrdreg $0x60  }
0xae: {  	[dreg:$0x2] =	wrdreg s24  }
0xaf: {  	[dreg:$0x3] =	wrdreg $0x9  }
0xb0: {  	_ =	task.clear_ibuf [dreg:s6], $0x4FFFF;
	_ =	strace $0x90000046  }
0xb1: {  	s29 =	simm.s32 $0x9;
	_ =	strace $0x80000048  }
0xb2: {  	_ =	swait.ge [sflag:s29], $0x1  }
0xb3: {  	[sflag:s29] =	ssyncadd.s32 $0xFFFFFFFF  }
0xb4: {  	_ =	strace $0x90000048  }
0xb5: {  	_ =	sfence  }
0xb6: {  	s30 =	sld [smem:$0x0];
	_ =	sdelay $0x2  }
0xb7: {  	s31 =	sshll.u32 s1, $0xD;
	s1 =	sshrl.u32 s1, $0x2  }
0xb8: {  	s3 =	sand.u32 $0x4000, s31;
	s1 =	sadd.s32 s1, s30  }
0xb9: {  	s0 =	sor.u32 s3, s0;
	s1 =	sshll.u32 s1, $0x11  }
0xba: {  	s0 =	sor.u32 s1, s0  }
0xbb: {  	s0 =	sadd.s32 $0x8F2B, s0  }
0xbc: {  	[sflag:s0] =	ssyncadd.remote.s32 $0x1  }
0xbd: {  	_ =	sfence.sel $0xFFFF  }
0xbe: {  	[dreg:$0x0] =	wrdreg $0xFFFFFFFF;
	(pc) =	sbr.abs _section_cstart, $3  }
0xbf: {  	[dreg:$0x1] =	wrdreg $0xFFFFFFFF  }
0xc0: {  	_ =	task.clear_ibuf [dreg:s6], $0x2FFFF;
	_ =	strace $0x9FFFFFFF  }
0xc1: {  	(tm) =	ssettm $0x7FFFFFFF  }
tec
execute0_lowered:
.L_overlay_start_1:
0x0: {  	(tag) =	ssettag $0x1  }
0x1: {  	s0 =	srdreg.scid;
	s4 =	rddreg [dreg:$0x0];
	s2 =	simm.s32 $0x0  }
0x2: {  	s12 =	simm.s32 $0x2;
	s13 =	simm.s32 $0x400;
	s14 =	simm.s32 $0x3  }
0x3: {  	s15 =	simm.s32 $0x0;
	s3 =	sand.u32 $0x1, s0;
	s0 =	stileid.u32  }
0x4: {  	[smem:$0x7FF] =	sst s2;
	s30 =	sadd.s32 $0x3610, s4;
	s11 =	sadd.s32 $0x3630, s4  }
0x5: {  	s1 =	sshll.u32 s3, $0x4;
	s7 =	sshll.u32 s0, $0x7;
	s8 =	smul.u32 $0x6A0, s3  }
0x6: {  	s26 =	ssub.s32 $0x2, s3;
	s9 =	smul.u32 $0x6A, s0;
	s5 =	sor.u32 s0, s1  }
0x7: {  	s1 =	rddreg [dreg:$0x1];
	_ =	strace $0x80000047;
	s7 =	sand.u32 $0x380, s7  }
0x8: {  	s6 =	sshrl.u32 s5, $0x3;
	s5 =	smul.u32 $0xD40, s5;
	s8 =	sadd.s32 s9, s8  }
0x9: {  	s29 =	sshrl.u32 s26, $0x1;
	s6 =	smul.u32 $0x13C00, s6;
	s8 =	sshll.u32 s8, $0x5  }
0xa: {  	s9 =	simm.s32 $0x80;
	s3 =	sadd.s32 s5, s30;
	s31 =	sadd.s32 s11, s8  }
0xb: {  	s8 =	sadd.s32 s30, s8;
	s6 =	sor.u32 s7, s6;
	s7 =	sadd.s32 $0x40, s31  }
0xc: {  	s8 =	sadd.s32 $0x40, s8;
	s28 =	sshrl.u32 s6, $0x3;
	s6 =	ssub.s32 s26, s29  }
0xd: {  	s10 =	sadd.s32 s28, s4;
	s4 =	sadd.s32 s5, s11;
	s6 =	smax.u32 s6, $0x1  }
0xe: {  	v0 =	vimm.f32 $0.0e+00;
	v1 =	vimm.f32 $1.000000000e+00;
	s11 =	simm.s32 $0x100;
	s5 =	sadd.s32 $0x1DE00, s10;
	s10 =	simm.s32 $0x1  }
.LBB2_1:
0xf: {  	s16 =	simm.s32 $0x40;
	s17 =	simm.s32 $0x0  }
.LBB2_2:
0x10: {  	p0 =	sne.s32 s16, $0x9DC0;
	[tilespmem:s17+$0x100] =	vst v0;
	s17 =	smov.u32 s16;
	s16 =	sadd.s32 $0x40, s16  }
.Ltmp0:
0x11: {  	(pc) =	sbr.rel @p0 .LBB2_2-.Ltmp0, $2  }
0x12: {  	_ =	sdelay $0x2  }
0x13: {  	s17 =	sshra.s32 s17, $0x2  }
0x14: {  	[tilespmem:s17+$0x100] =	vst v0;
	s16 =	simm.s32 $0x0  }
0x15: {  	[tilespmem:s16], [sflag:$0x1] =	stream.linear.gather [hbm4b:s3+s16], $0x80, $0x38;
	[tilespmem:$0x2880] =	vst v63  }
0x16: {  	_ = 	snop  }
0x17: {  	[tilespmem:s9], [sflag:$0x2] =	stream.linear.gather [hbm4b:s4+s16], $0x80, $0x38;
	[tilespmem:$0x2880] =	vst v63  }
.LBB2_4:
0x18: {  	_ =	swait.ge [sflag:s10], $0x80  }
0x19: {  	[sflag:s10] =	ssyncset.done $0x0  }
0x1a: {  	[sflag:s10] =	ssyncadd.s32 $0xFFFFFF80  }
0x1b: {  	v2 =	vld [tilespmem:$0x0];
	_ =	sdelay $0x7  }
0x1c: {  	[tilespmem:v2+s11+$0x0] =	vst.idx.add.f32.msk $0xffff, v1  }
0x1d: {  	v2 =	vld [tilespmem:$0x10];
	_ =	sdelay $0x7  }
0x1e: {  	[tilespmem:v2+s11+$0x0] =	vst.idx.add.f32.msk $0xffff, v1  }
0x1f: {  	v2 =	vld [tilespmem:$0x20];
	_ =	sdelay $0x7  }
0x20: {  	[tilespmem:v2+s11+$0x0] =	vst.idx.add.f32.msk $0xffff, v1  }
0x21: {  	v2 =	vld [tilespmem:$0x30];
	_ =	sdelay $0x7  }
0x22: {  	[tilespmem:v2+s11+$0x0] =	vst.idx.add.f32.msk $0xffff, v1  }
0x23: {  	v2 =	vld [tilespmem:$0x40];
	_ =	sdelay $0x7  }
0x24: {  	[tilespmem:v2+s11+$0x0] =	vst.idx.add.f32.msk $0xffff, v1  }
0x25: {  	v2 =	vld [tilespmem:$0x50];
	_ =	sdelay $0x7  }
0x26: {  	s17 =	sadd.s32 s16, s8;
	[tilespmem:v2+s11+$0x0] =	vst.idx.add.f32.msk $0xffff, v1  }
0x27: {  	[tilespmem:s2], [sflag:$0x1] =	stream.linear.gather [hbm4b:s17+s2], $0x80, $0x38;
	[tilespmem:$0x2880] =	vst v63  }
0x28: {  	_ =	swait.ge [sflag:s12], $0x80  }
0x29: {  	[sflag:s12] =	ssyncset.done $0x0  }
0x2a: {  	[sflag:s12] =	ssyncadd.s32 $0xFFFFFF80  }
0x2b: {  	v2 =	vld [tilespmem:$0x80];
	_ =	sdelay $0x7  }
0x2c: {  	[tilespmem:v2+s11+$0x0] =	vst.idx.add.f32.msk $0xffff, v1  }
0x2d: {  	v2 =	vld [tilespmem:$0x90];
	_ =	sdelay $0x7  }
0x2e: {  	[tilespmem:v2+s11+$0x0] =	vst.idx.add.f32.msk $0xffff, v1  }
0x2f: {  	v2 =	vld [tilespmem:$0xA0];
	_ =	sdelay $0x7  }
0x30: {  	[tilespmem:v2+s11+$0x0] =	vst.idx.add.f32.msk $0xffff, v1  }
0x31: {  	v2 =	vld [tilespmem:$0xB0];
	_ =	sdelay $0x7  }
0x32: {  	[tilespmem:v2+s11+$0x0] =	vst.idx.add.f32.msk $0xffff, v1  }
0x33: {  	v2 =	vld [tilespmem:$0xC0];
	_ =	sdelay $0x7  }
0x34: {  	[tilespmem:v2+s11+$0x0] =	vst.idx.add.f32.msk $0xffff, v1  }
0x35: {  	v2 =	vld [tilespmem:$0xD0];
	_ =	sdelay $0x3  }
0x36: {  	p0 =	sne.s32 s16, $0xCC0  }
.Ltmp1:
0x37: {  	_ = 	snop;
	(pc) =	sbr.rel @p0 .LBB2_4-.Ltmp1, $3  }
0x38: {  	_ =	sdelay $0x1  }
0x39: {  	s31 =	sadd.s32 s16, s7;
	s16 =	sadd.s32 $0x40, s16;
	[tilespmem:v2+s11+$0x0] =	vst.idx.add.f32.msk $0xffff, v1  }
0x3a: {  	[tilespmem:s9], [sflag:$0x2] =	stream.linear.gather [hbm4b:s31+s2], $0x80, $0x38;
	[tilespmem:$0x2880] =	vst v63  }
0x3b: {  	_ =	swait.ge [sflag:s10], $0x80  }
0x3c: {  	[sflag:s10] =	ssyncset.done $0x0  }
0x3d: {  	[sflag:s10] =	ssyncadd.s32 $0xFFFFFF80  }
0x3e: {  	v2 =	vld [tilespmem:$0x0];
	_ =	sdelay $0x7  }
0x3f: {  	[tilespmem:v2+s11+$0x0] =	vst.idx.add.f32.msk $0xffff, v1  }
0x40: {  	v2 =	vld [tilespmem:$0x10];
	_ =	sdelay $0x7  }
0x41: {  	[tilespmem:v2+s11+$0x0] =	vst.idx.add.f32.msk $0xffff, v1  }
0x42: {  	v2 =	vld [tilespmem:$0x20];
	_ =	sdelay $0x7  }
0x43: {  	[tilespmem:v2+s11+$0x0] =	vst.idx.add.f32.msk $0xffff, v1  }
0x44: {  	v2 =	vld [tilespmem:$0x30];
	_ =	sdelay $0x7  }
0x45: {  	[tilespmem:v2+s11+$0x0] =	vst.idx.add.f32.msk $0xffff, v1  }
0x46: {  	v2 =	vld [tilespmem:$0x40];
	_ =	sdelay $0x7  }
0x47: {  	[tilespmem:v2+s11+$0x0] =	vst.idx.add.f32.msk $0xffff, v1  }
0x48: {  	v2 =	vld [tilespmem:$0x50];
	_ =	sdelay $0x7  }
0x49: {  	[tilespmem:v2+s11+$0x0] =	vst.idx.add.f32.msk $0xffff, v1  }
0x4a: {  	_ =	swait.ge [sflag:s12], $0x80  }
0x4b: {  	[sflag:s12] =	ssyncset.done $0x0  }
0x4c: {  	[sflag:s12] =	ssyncadd.s32 $0xFFFFFF80  }
0x4d: {  	v2 =	vld [tilespmem:$0x80];
	_ =	sdelay $0x7  }
0x4e: {  	[tilespmem:v2+s11+$0x0] =	vst.idx.add.f32.msk $0xffff, v1  }
0x4f: {  	v2 =	vld [tilespmem:$0x90];
	_ =	sdelay $0x7  }
0x50: {  	[tilespmem:v2+s11+$0x0] =	vst.idx.add.f32.msk $0xffff, v1  }
0x51: {  	v2 =	vld [tilespmem:$0xA0];
	_ =	sdelay $0x7  }
0x52: {  	[tilespmem:v2+s11+$0x0] =	vst.idx.add.f32.msk $0xffff, v1  }
0x53: {  	v2 =	vld [tilespmem:$0xB0];
	_ =	sdelay $0x7  }
0x54: {  	[tilespmem:v2+s11+$0x0] =	vst.idx.add.f32.msk $0xffff, v1  }
0x55: {  	v2 =	vld [tilespmem:$0xC0];
	_ =	sdelay $0x7  }
0x56: {  	[tilespmem:v2+s11+$0x0] =	vst.idx.add.f32.msk $0xffff, v1  }
0x57: {  	v2 =	vld [tilespmem:$0xD0];
	_ =	sdelay $0x5  }
0x58: {  	s15 =	sadd.s32 $0x1, s15  }
0x59: {  	p0 =	sne.s32 s15, s6  }
.Ltmp2:
0x5a: {  	[tilespmem:v2+s11+$0x0] =	vst.idx.add.f32.msk $0xffff, v1;
	(pc) =	sbr.rel @p0 .LBB2_1-.Ltmp2, $4  }
0x5b: {  	[hbm4b:s5+s9] =	stream.strided.scatter [tilespmem:s11], [sflag:$0x3], $0x2780, s13, s9, $0x38;
	[tilespmem:$0x2880] =	vst v63  }
0x5c: {  	_ =	swait.ge [sflag:s14], $0x2780  }
0x5d: {  	[sflag:s14] =	ssyncset.done $0x0  }
0x5e: {  	[sflag:s14] =	ssyncadd.s32 $0xFFFFD880  }
0x5f: {  	_ =	sfence.sel $0x180000  }
0x60: {  	[bflag:$0x0] =	sbarrier.arrive $0xFFFF  }
0x61: {  	p0 =	sne.s32 s0, $0x0;
	_ =	strace $0x90000047  }
0x62: {  	s0 =	sadd.s32 @!p0 $0x100000, s1;
	[bflag:$0x2] =	sbarrier.arrive $0xFFFF  }
0x63: {  	[sflag:s0] =	ssyncadd.tile.s32 @!p0 $0x1;
	_ =	shalt  }
.Lfunc_end2:
_tile_overlayer_lowered:
.L_overlay_start_2:
0x64: {  	(tag) =	ssettag $0x2  }
0x65: {  	s0 =	rddreg [dreg:$0x0];
	s2 =	stileid.u32  }
0x66: {  	s1 =	rddreg [dreg:$0x1];
	p0 =	sne.s32 s2, $0x0  }
0x67: {  	s3 =	rddreg [dreg:$0x2];
	[bflag:$0x3] =	sbarrier.arrive $0xFFFF;
	s2 =	simm.s32 @!p0 $0x1C03  }
0x68: {  	[timem:s3], [sflag:s2] =	dma.local @!p0 [hbm:s0], s1  }
0x69: {  	s0 =	simm.s32 @!p0 $0x3  }
0x6a: {  	_ =	swait.ge @!p0 [sflag:s0], s1  }
0x6b: {  	s1 =	ssub.s32 @!p0 $0x0, s1;
	[sflag:s0] =	ssyncset.done @!p0 $0x0  }
0x6c: {  	[sflag:s0] =	ssyncadd.s32 @!p0 s1  }
0x6d: {  	[bflag:$0x3] =	sbarrier.arrive $0xFFFF  }
0x6e: {  	_ =	shalt  }

</sc_bundles>
